<compile_context>
chip_gen: v7x
topology: tpu7x:2x2x1
jax: 0.10.2.dev20260603
libtpu: 0.0.44.dev20260713+nightly
codegen_flags: <defaults>
</compile_context>

<pallas_src>
import jax
import jax.numpy as jnp
from jax import lax
from jax.experimental import pallas as pl
from jax.experimental.pallas import tpu as pltpu
from jax.experimental.pallas import tpu_sc as plsc

NN = 100000
NE = 1600000
BT = 32
HB = 16
K = 6
NT = 4

NPAD = 100352
RPT = NPAD // 16
SCH = 112
NCKP = 12544
SPT = NCKP // 16 // 8

_mesh = plsc.VectorSubcoreMesh(core_axis_name="c", subcore_axis_name="s")


def _deg_body(eidx, deg, dacc, ibuf, obuf, zbuf, isem, dsem):
  c = lax.axis_index("c")
  s = lax.axis_index("s")

  @pl.loop(0, SCH // 16)
  def _(i):
    zbuf[pl.ds(i * 16, 16)] = jnp.zeros((16,), jnp.float32)

  @pl.loop(0, 8)
  def _(i):
    obuf[pl.ds(i * 16, 16)] = jnp.ones((16,), jnp.float32)

  @pl.loop(0, RPT // SCH)
  def _(i):
    pltpu.sync_copy(zbuf, dacc.at[pl.ds(s * RPT + i * SCH, SCH)])

  plsc.subcore_barrier()

  lo = s * SPT * 8
  pltpu.sync_copy(eidx.at[c, pl.ds(lo, 8)], ibuf.at[0])

  @pl.loop(0, SPT)
  def _(g):
    p = lax.rem(g, 2)

    @pl.when(g > 0)
    def _():
      pltpu.make_async_copy(
          eidx.at[c, pl.ds(lo + g * 8, 8)], ibuf.at[p], isem).wait()

    @pl.when(g + 1 < SPT)
    def _():
      pltpu.async_copy(
          eidx.at[c, pl.ds(lo + (g + 1) * 8, 8)], ibuf.at[1 - p], isem)

    for q in range(8):
      @pl.when(g > 0)
      def _():
        pltpu.make_async_copy(obuf, dacc.at[ibuf.at[1 - p, q]], dsem).wait()
      pltpu.async_copy(obuf, dacc.at[ibuf.at[p, q]], dsem, add=True)

  @pl.loop(0, 8)
  def _(q):
    pltpu.make_async_copy(obuf, dacc.at[ibuf.at[1, q]], dsem).wait()

  plsc.subcore_barrier()

  @pl.loop(0, RPT // SCH)
  def _(i):
    r0 = s * RPT + i * SCH
    pltpu.sync_copy(dacc.at[pl.ds(r0, SCH)], deg.at[c, pl.ds(r0, SCH)])


_deg_call = pl.kernel(
    _deg_body,
    out_type=jax.ShapeDtypeStruct((2, NPAD), jnp.float32),
    mesh=_mesh,
    compiler_params=pltpu.CompilerParams(use_tc_tiling_on_sc=False),
    scratch_types=[
        pltpu.VMEM_SHARED((NPAD,), jnp.float32),
        pltpu.VMEM((2, 8, 128), jnp.int32),
        pltpu.VMEM((128,), jnp.float32),
        pltpu.VMEM((SCH,), jnp.float32),
        pltpu.SemaphoreType.DMA,
        pltpu.SemaphoreType.DMA,
    ],
)


_NBB = 1024


def _prep_body(deg_ref, bi_ref, ab_ref, bb_ref, a_ref, m0_ref):
  i = pl.program_id(0)
  dsr = deg_ref[0, :]
  ddt = deg_ref[1, :]
  a = jnp.where(dsr > 0, lax.rsqrt(dsr), 0.0)
  b = jnp.where(ddt > 0, lax.rsqrt(ddt), 0.0)
  ab_ref[...] = a * b
  bb_ref[...] = b
  a_ref[...] = a
  ids = i * _NBB + lax.broadcasted_iota(jnp.int32, (_NBB,), 0)
  oh = ids[:, None] == bi_ref[...][None, :]
  m0_ref[...] = oh.astype(jnp.float32)


def _prep_call(deg, bi):
  return pl.pallas_call(
      _prep_body,
      grid=(NPAD // _NBB,),
      in_specs=[
          pl.BlockSpec((2, _NBB), lambda i: (0, i)),
          pl.BlockSpec((BT,), lambda i: (0,)),
      ],
      out_specs=[
          pl.BlockSpec((_NBB,), lambda i: (i,)),
          pl.BlockSpec((_NBB,), lambda i: (i,)),
          pl.BlockSpec((_NBB,), lambda i: (i,)),
          pl.BlockSpec((_NBB, BT), lambda i: (i, 0)),
      ],
      out_shape=[
          jax.ShapeDtypeStruct((NPAD,), jnp.float32),
          jax.ShapeDtypeStruct((NPAD,), jnp.float32),
          jax.ShapeDtypeStruct((NPAD,), jnp.float32),
          jax.ShapeDtypeStruct((NPAD, BT), jnp.float32),
      ],
  )(deg, bi)


def _prop_body(eidx, ab, bb, av, bi, mon, gw,
               acc, sib, dib, rbuf, tbuf, gbuf, mbuf, abuf, bbuf, zbuf,
               bibuf, afb, hbuf, isem, gsem, ssem, rsemt, rsema, rsemb):
  c = lax.axis_index("c")
  s = lax.axis_index("s")
  goff = c * NPAD

  @pl.loop(0, SCH)
  def _(n):
    zbuf[n] = jnp.zeros((16,), jnp.float32)

  @pl.loop(0, RPT // SCH)
  def _(i):
    pltpu.sync_copy(zbuf, acc.at[pl.ds(s * RPT + i * SCH, SCH)])

  plsc.subcore_barrier()

  @pl.when(s == 0)
  def _():
    pltpu.sync_copy(bi.at[pl.ds(c * HB, HB)], bibuf)
    pltpu.sync_copy(av.at[bibuf], afb)
    afv = afb[...]
    lane = lax.iota(jnp.int32, 16)
    for j in range(HB):
      hbuf[j] = jnp.where(lane == j, afv[j], 0.0)
    pltpu.sync_copy(hbuf, acc.at[bibuf], add=True)

  plsc.subcore_barrier()

  @pl.loop(0, RPT // SCH)
  def _(i):
    r0 = s * RPT + i * SCH
    pltpu.sync_copy(acc.at[pl.ds(r0, SCH)], gw.at[pl.ds(goff + r0, SCH)])
    pltpu.sync_copy(zbuf, acc.at[pl.ds(r0, SCH)])

  plsc.subcore_barrier()

  lo = s * SPT * 8
  nsc = RPT // SCH

  @pl.loop(0, K)
  def _(it):
    pltpu.sync_copy(eidx.at[0, pl.ds(lo, 8)], sib.at[0])
    pltpu.sync_copy(eidx.at[1, pl.ds(lo, 8)], dib.at[0])

    @pl.loop(0, SPT)
    def _(g):
      p = lax.rem(g, 2)

      @pl.when(g > 0)
      def _():
        pltpu.make_async_copy(
            eidx.at[0, pl.ds(lo + g * 8, 8)], sib.at[p], isem).wait()
        pltpu.make_async_copy(
            eidx.at[1, pl.ds(lo + g * 8, 8)], dib.at[p], isem).wait()

      @pl.loop(0, 8)
      def _(q):
        for pp in range(8):
          sib[p, q, pl.ds(pp * 16, 16)] = sib[p, q, pl.ds(pp * 16, 16)] + goff

      for q in range(8):
        @pl.when(g > 0)
        def _():
          pltpu.make_async_copy(
              rbuf.at[q], acc.at[dib.at[1 - p, q]], ssem).wait()
        pltpu.async_copy(gw.at[sib.at[p, q]], rbuf.at[q], gsem)

      @pl.when(g + 1 < SPT)
      def _():
        pltpu.async_copy(
            eidx.at[0, pl.ds(lo + (g + 1) * 8, 8)], sib.at[1 - p], isem)
        pltpu.async_copy(
            eidx.at[1, pl.ds(lo + (g + 1) * 8, 8)], dib.at[1 - p], isem)

      for q in range(8):
        pltpu.make_async_copy(gw.at[sib.at[p, q]], rbuf.at[q], gsem).wait()
        pltpu.async_copy(rbuf.at[q], acc.at[dib.at[p, q]], ssem, add=True)

    @pl.loop(0, 8)
    def _(q):
      pltpu.make_async_copy(rbuf.at[q], acc.at[dib.at[1, q]], ssem).wait()

    plsc.subcore_barrier()

    r00 = s * RPT
    pltpu.async_copy(acc.at[pl.ds(r00, SCH)], tbuf.at[0], rsemt)
    pltpu.async_copy(ab.at[pl.ds(r00, SCH)], abuf.at[0], rsema)
    pltpu.async_copy(bb.at[pl.ds(r00, SCH)], bbuf.at[0], rsemb)

    @pl.loop(0, nsc)
    def _(i):
      p = lax.rem(i, 2)
      r0 = s * RPT + i * SCH
      pltpu.make_async_copy(acc.at[pl.ds(r0, SCH)], tbuf.at[p], rsemt).wait()
      pltpu.make_async_copy(ab.at[pl.ds(r0, SCH)], abuf.at[p], rsema).wait()
      pltpu.make_async_copy(bb.at[pl.ds(r0, SCH)], bbuf.at[p], rsemb).wait()
      pltpu.sync_copy(zbuf, acc.at[pl.ds(r0, SCH)])

      @pl.when(i + 1 < nsc)
      def _():
        r1 = r0 + SCH
        pltpu.async_copy(acc.at[pl.ds(r1, SCH)], tbuf.at[1 - p], rsemt)
        pltpu.async_copy(ab.at[pl.ds(r1, SCH)], abuf.at[1 - p], rsema)
        pltpu.async_copy(bb.at[pl.ds(r1, SCH)], bbuf.at[1 - p], rsemb)

      @pl.loop(0, SCH // 16)
      def _(g):
        avv = abuf[p, pl.ds(g * 16, 16)]
        bvv = bbuf[p, pl.ds(g * 16, 16)]
        for r in range(16):
          n = g * 16 + r
          t = tbuf[p, n]
          gbuf[n] = avv[r] * t
          mbuf[n] = bvv[r] * t

      pltpu.sync_copy(gbuf, gw.at[pl.ds(goff + r0, SCH)])
      pltpu.sync_copy(mbuf, mon.at[it, c, pl.ds(r0, SCH)])

    plsc.subcore_barrier()


_prop_call = pl.kernel(
    _prop_body,
    out_type=[
        jax.ShapeDtypeStruct((K, 2, NPAD, HB), jnp.float32),
        jax.ShapeDtypeStruct((2 * NPAD, HB), jnp.float32),
    ],
    mesh=_mesh,
    compiler_params=pltpu.CompilerParams(use_tc_tiling_on_sc=False),
    scratch_types=[
        pltpu.VMEM_SHARED((NPAD, HB), jnp.float32),
        pltpu.VMEM((2, 8, 128), jnp.int32),
        pltpu.VMEM((2, 8, 128), jnp.int32),
        pltpu.VMEM((8, 128, HB), jnp.float32),
        pltpu.VMEM((2, SCH, HB), jnp.float32),
        pltpu.VMEM((SCH, HB), jnp.float32),
        pltpu.VMEM((SCH, HB), jnp.float32),
        pltpu.VMEM((2, SCH), jnp.float32),
        pltpu.VMEM((2, SCH), jnp.float32),
        pltpu.VMEM((SCH, HB), jnp.float32),
        pltpu.VMEM((HB,), jnp.int32),
        pltpu.VMEM((HB,), jnp.float32),
        pltpu.VMEM((HB, HB), jnp.float32),
        pltpu.SemaphoreType.DMA,
        pltpu.SemaphoreType.DMA,
        pltpu.SemaphoreType.DMA,
        pltpu.SemaphoreType.DMA,
        pltpu.SemaphoreType.DMA,
        pltpu.SemaphoreType.DMA,
    ],
)


_NR = 800


def _tay_body(mon_ref, m0_ref, co_ref, out_ref):
  co = co_ref[...]
  m0 = m0_ref[...]
  monh = mon_ref[...]
  for t in range(NT):
    accl = jnp.zeros((_NR, HB), jnp.float32)
    accr = jnp.zeros((_NR, HB), jnp.float32)
    for k in range(K):
      accl = accl + co[t, k + 1] * monh[k, 0]
      accr = accr + co[t, k + 1] * monh[k, 1]
    out_ref[t] = co[t, 0] * m0 + jnp.concatenate([accl, accr], axis=-1)


def _tay_call(mon, m0, coeffs):
  return pl.pallas_call(
      _tay_body,
      grid=(NN // _NR,),
      in_specs=[
          pl.BlockSpec((K, 2, _NR, HB), lambda i: (0, 0, i, 0)),
          pl.BlockSpec((_NR, BT), lambda i: (i, 0)),
          pl.BlockSpec((NT, K + 1), lambda i: (0, 0)),
      ],
      out_specs=pl.BlockSpec((NT, _NR, BT), lambda i: (0, i, 0)),
      out_shape=jax.ShapeDtypeStruct((NT, NN, BT), jnp.float32),
  )(mon, m0, coeffs)


def kernel(edge_index, batch_indices, coeffs):
  npad_e = NCKP * 128 - NE
  dead = NN + (jnp.arange(npad_e, dtype=jnp.int32) % (NPAD - NN))
  pad = jnp.stack([dead, dead])
  eidx = jnp.concatenate([edge_index, pad], axis=1).reshape(2, NCKP, 128)
  deg = _deg_call(eidx)
  ab, bb, av, m0 = _prep_call(deg, batch_indices)
  mon, _ = _prop_call(eidx, ab, bb, av, batch_indices)
  return _tay_call(mon, m0, coeffs)

# --- scband reference (transcript-rebuilt; emitter-appended) ---
"""Pipeline reference for scband-reachability-model-83408264888623 (READ-ONLY COPY).

The authoritative reference and input builder live on the scoring server;
editing this copy changes nothing except your own understanding.
"""

import jax, jax.numpy as jnp
import numpy as np

N_NODES = 100000
N_EDGES = 1600000
BATCH = 32
NUM_TAU = 4
ORDER = 6


def setup_inputs(seed: int = 0) -> dict:
    key = jax.random.key(seed)
    k1, k2, k3 = jax.random.split(key, 3)
    edge_index = jax.random.randint(k1, (2, N_EDGES), 0, N_NODES, dtype=jnp.int32)
    batch_indices = jax.random.randint(k2, (BATCH,), 0, N_NODES, dtype=jnp.int32)
    # learned Taylor coefficients produced by coeffs_obj(); scaled small for stability
    coeffs = jax.random.normal(k3, (NUM_TAU, ORDER + 1), dtype=jnp.float32) * 0.3
    return {"edge_index": edge_index, "batch_indices": batch_indices, "coeffs": coeffs}


def reference(edge_index, batch_indices, coeffs):
    # adj_obj with symmetric normalization DAD = D^-1/2 A D^-1/2 (orientation 'X' at every step)
    src = edge_index[0]
    dst = edge_index[1]
    ones = jnp.ones((src.shape[0],), dtype=jnp.float32)
    deg_src = jax.ops.segment_sum(ones, src, num_segments=N_NODES)
    deg_dst = jax.ops.segment_sum(ones, dst, num_segments=N_NODES)
    w = jax.lax.rsqrt(deg_dst[dst]) * jax.lax.rsqrt(deg_src[src])  # per-edge normalized weight

    B = batch_indices.shape[0]
    # _create_batch: one-hot indicator columns for the requested node indices
    monome = jnp.zeros((N_NODES, B), dtype=jnp.float32).at[batch_indices, jnp.arange(B)].set(1.0)

    order = coeffs.shape[1] - 1
    out = coeffs[:, 0][:, None, None] * monome[None, :, :]
    for k in range(order):
        # adj_matmul: sparse normalized adjacency @ monome via gather + scatter-add
        gathered = monome[src] * w[:, None]
        monome = jax.ops.segment_sum(gathered, dst, num_segments=N_NODES)
        out = out + coeffs[:, k + 1][:, None, None] * monome[None, :, :]
    return out

if __name__ == "__main__":
    import jax
    _d = setup_inputs()
    print(jax.jit(kernel)(*tuple(_d.values())))

</pallas_src>

<mosaic_0001>
#map = affine_map<(d0, d1) -> (0, 0, 0)>
#map1 = affine_map<(d0, d1) -> (0, 0)>
module attributes {stable_mosaic.version = 14 : i64} {
  func.func @_deg_body(%arg0: i32, %arg1: i32, %arg2: memref<2x12544x128xi32, #tpu.memory_space<hbm>>, %arg3: memref<2x100352xf32, #tpu.memory_space<hbm>>, %arg4: memref<100352xf32, #tpu.memory_space<vmem_shared>>, %arg5: memref<2x8x128xi32, #tpu.memory_space<vmem>>, %arg6: memref<128xf32, #tpu.memory_space<vmem>>, %arg7: memref<112xf32, #tpu.memory_space<vmem>>, %arg8: memref<!tpu.dma_semaphore, #tpu.memory_space<semaphore_mem>>, %arg9: memref<!tpu.dma_semaphore, #tpu.memory_space<semaphore_mem>>) attributes {dimension_semantics = [#tpu.dimension_semantics<core_parallel>, #tpu.dimension_semantics<subcore_parallel>], iteration_bounds = array<i64: 2, 16>, scalar_prefetch = 0 : i64, scratch_operands = 6 : i64, tpu.core_type = #tpu.core_type<sc_vector_subcore>, window_params = [{transform_indices = #map}, {transform_indices = #map1}]} {
    %scan3A = arith.constant 0 : i32
    %scan3A_0 = arith.constant 7 : i32
    %scan3A_1 = arith.addi %scan3A, %scan3A_0 : i32
    %scan3A_2 = arith.constant 1 : i32
    scf.for %scan3A_33 = %scan3A to %scan3A_1 step %scan3A_2  : i32 {
      %mul3A_34 = arith.constant 1 : i32
      %mul3A_35 = arith.muli %scan3A_33, %mul3A_34 : i32
      %add3A = arith.constant 0 : i32
      %add3A_36 = arith.addi %add3A, %mul3A_35 : i32
      %broadcast_in_dim3A = arith.constant 0.000000e+00 : f32
      %broadcast_in_dim3A_37 = vector.broadcast %broadcast_in_dim3A : f32 to vector<16xf32>
      %mul3A_38 = arith.constant 16 : i32
      %mul3A_39 = arith.muli %add3A_36, %mul3A_38 : i32
      %swap3A = arith.index_cast %mul3A_39 : i32 to index
      %swap3A_40 = tpu.vector_load %arg7[%swap3A] {strides = array<i32>} : memref<112xf32, #tpu.memory_space<vmem>>, vector<16xf32>,
      %swap3A_41 = vector.shape_cast %swap3A_40 : vector<16xf32> to vector<16xf32>
      %swap3A_42 = vector.shape_cast %broadcast_in_dim3A_37 : vector<16xf32> to vector<16xf32>
      tpu.vector_store %arg7[%swap3A], %swap3A_42 {strides = array<i32>} : memref<112xf32, #tpu.memory_space<vmem>>, vector<16xf32>,
    }
    %scan3A_3 = arith.constant 7 : i32
    %scan3A_4 = arith.constant 0 : i32
    %scan3A_5 = arith.constant 8 : i32
    %scan3A_6 = arith.addi %scan3A_4, %scan3A_5 : i32
    %scan3A_7 = arith.constant 1 : i32
    scf.for %scan3A_33 = %scan3A_4 to %scan3A_6 step %scan3A_7  : i32 {
      %mul3A_34 = arith.constant 1 : i32
      %mul3A_35 = arith.muli %scan3A_33, %mul3A_34 : i32
      %add3A = arith.constant 0 : i32
      %add3A_36 = arith.addi %add3A, %mul3A_35 : i32
      %broadcast_in_dim3A = arith.constant 1.000000e+00 : f32
      %broadcast_in_dim3A_37 = vector.broadcast %broadcast_in_dim3A : f32 to vector<16xf32>
      %mul3A_38 = arith.constant 16 : i32
      %mul3A_39 = arith.muli %add3A_36, %mul3A_38 : i32
      %swap3A = arith.index_cast %mul3A_39 : i32 to index
      %swap3A_40 = tpu.vector_load %arg6[%swap3A] {strides = array<i32>} : memref<128xf32, #tpu.memory_space<vmem>>, vector<16xf32>,
      %swap3A_41 = vector.shape_cast %swap3A_40 : vector<16xf32> to vector<16xf32>
      %swap3A_42 = vector.shape_cast %broadcast_in_dim3A_37 : vector<16xf32> to vector<16xf32>
      tpu.vector_store %arg6[%swap3A], %swap3A_42 {strides = array<i32>} : memref<128xf32, #tpu.memory_space<vmem>>, vector<16xf32>,
    }
    %scan3A_8 = arith.constant 8 : i32
    %scan3A_9 = arith.constant 0 : i32
    %scan3A_10 = arith.constant 56 : i32
    %scan3A_11 = arith.addi %scan3A_9, %scan3A_10 : i32
    %scan3A_12 = arith.constant 1 : i32
    scf.for %scan3A_33 = %scan3A_9 to %scan3A_11 step %scan3A_12  : i32 {
      %mul3A_34 = arith.constant 1 : i32
      %mul3A_35 = arith.muli %scan3A_33, %mul3A_34 : i32
      %add3A = arith.constant 0 : i32
      %add3A_36 = arith.addi %add3A, %mul3A_35 : i32
      %mul3A_37 = arith.constant 6272 : i32
      %mul3A_38 = arith.muli %arg1, %mul3A_37 : i32
      %mul3A_39 = arith.constant 112 : i32
      %mul3A_40 = arith.muli %add3A_36, %mul3A_39 : i32
      %add3A_41 = arith.addi %mul3A_38, %mul3A_40 : i32
      "tpu.region"() ({
        %run_scoped3A_42 = tpu.sem_alloc : memref<!tpu.dma_semaphore, #tpu.memory_space<semaphore_mem>>
        %dma_start3A = tpu.memref_slice %arg4[%add3A_41] : memref<100352xf32, #tpu.memory_space<vmem_shared>> -> memref<112xf32, #tpu.memory_space<vmem_shared>>
        %dma_start3A_43 = tpu.memref_slice %arg4[%add3A_41] : memref<100352xf32, #tpu.memory_space<vmem_shared>> -> memref<112xf32, #tpu.memory_space<vmem_shared>>
        tpu.enqueue_dma source(%arg7 : memref<112xf32, #tpu.memory_space<vmem>>) target(%dma_start3A_43 : memref<112xf32, #tpu.memory_space<vmem_shared>>) target_semaphore(%run_scoped3A_42 : memref<!tpu.dma_semaphore, #tpu.memory_space<semaphore_mem>>)
        %dma_wait3A = tpu.memref_slice %arg4[%add3A_41] : memref<100352xf32, #tpu.memory_space<vmem_shared>> -> memref<112xf32, #tpu.memory_space<vmem_shared>>
        %dma_wait3A_44 = tpu.memref_slice %arg4[%add3A_41] : memref<100352xf32, #tpu.memory_space<vmem_shared>> -> memref<112xf32, #tpu.memory_space<vmem_shared>>
        tpu.wait_dma2 semaphore(%run_scoped3A_42 : memref<!tpu.dma_semaphore, #tpu.memory_space<semaphore_mem>>) src(%arg7 : memref<112xf32, #tpu.memory_space<vmem>>) dst(%dma_wait3A_44 : memref<112xf32, #tpu.memory_space<vmem_shared>>)
        tpu.yield
      }) : () -> ()
    }
    %scan3A_13 = arith.constant 56 : i32
    %barrier3A = arith.constant 0 : index
    tpu.barrier barrier_id(%barrier3A)
    %mul3A = arith.constant 98 : i32
    %mul3A_14 = arith.muli %arg1, %mul3A : i32
    %mul3A_15 = arith.constant 8 : i32
    %mul3A_16 = arith.muli %mul3A_14, %mul3A_15 : i32
    %run_scoped3A = arith.constant 0 : i32
    "tpu.region"() ({
      %run_scoped3A_33 = tpu.sem_alloc : memref<!tpu.dma_semaphore, #tpu.memory_space<semaphore_mem>>
      %dma_start3A = arith.constant 0 : i32
      %dma_start3A_34 = arith.constant 0 : i32
      %dma_start3A_35 = tpu.memref_slice %arg5[%run_scoped3A, %dma_start3A, %dma_start3A_34] : memref<2x8x128xi32, #tpu.memory_space<vmem>> -> memref<1x8x128xi32, #tpu.memory_space<vmem>>
      %dma_start3A_36 = tpu.memref_squeeze %dma_start3A_35 : memref<1x8x128xi32, #tpu.memory_space<vmem>> -> memref<8x128xi32, #tpu.memory_space<vmem>>
      %dma_start3A_37 = arith.constant 0 : i32
      %dma_start3A_38 = tpu.memref_slice %arg2[%arg0, %mul3A_16, %dma_start3A_37] : memref<2x12544x128xi32, #tpu.memory_space<hbm>> -> memref<1x8x128xi32, #tpu.memory_space<hbm>>
      %dma_start3A_39 = tpu.memref_squeeze %dma_start3A_38 : memref<1x8x128xi32, #tpu.memory_space<hbm>> -> memref<8x128xi32, #tpu.memory_space<hbm>>
      %dma_start3A_40 = arith.constant 0 : i32
      %dma_start3A_41 = arith.constant 0 : i32
      %dma_start3A_42 = tpu.memref_slice %arg5[%run_scoped3A, %dma_start3A_40, %dma_start3A_41] : memref<2x8x128xi32, #tpu.memory_space<vmem>> -> memref<1x8x128xi32, #tpu.memory_space<vmem>>
      %dma_start3A_43 = tpu.memref_squeeze %dma_start3A_42 : memref<1x8x128xi32, #tpu.memory_space<vmem>> -> memref<8x128xi32, #tpu.memory_space<vmem>>
      %dma_start3A_44 = arith.constant 0 : i32
      %dma_start3A_45 = tpu.memref_slice %arg2[%arg0, %mul3A_16, %dma_start3A_44] : memref<2x12544x128xi32, #tpu.memory_space<hbm>> -> memref<1x8x128xi32, #tpu.memory_space<hbm>>
      %dma_start3A_46 = tpu.memref_squeeze %dma_start3A_45 : memref<1x8x128xi32, #tpu.memory_space<hbm>> -> memref<8x128xi32, #tpu.memory_space<hbm>>
      tpu.enqueue_dma source(%dma_start3A_46 : memref<8x128xi32, #tpu.memory_space<hbm>>) target(%dma_start3A_43 : memref<8x128xi32, #tpu.memory_space<vmem>>) target_semaphore(%run_scoped3A_33 : memref<!tpu.dma_semaphore, #tpu.memory_space<semaphore_mem>>)
      %dma_wait3A = arith.constant 0 : i32
      %dma_wait3A_47 = arith.constant 0 : i32
      %dma_wait3A_48 = tpu.memref_slice %arg5[%run_scoped3A, %dma_wait3A, %dma_wait3A_47] : memref<2x8x128xi32, #tpu.memory_space<vmem>> -> memref<1x8x128xi32, #tpu.memory_space<vmem>>
      %dma_wait3A_49 = tpu.memref_squeeze %dma_wait3A_48 : memref<1x8x128xi32, #tpu.memory_space<vmem>> -> memref<8x128xi32, #tpu.memory_space<vmem>>
      %dma_wait3A_50 = arith.constant 0 : i32
      %dma_wait3A_51 = tpu.memref_slice %arg2[%arg0, %mul3A_16, %dma_wait3A_50] : memref<2x12544x128xi32, #tpu.memory_space<hbm>> -> memref<1x8x128xi32, #tpu.memory_space<hbm>>
      %dma_wait3A_52 = tpu.memref_squeeze %dma_wait3A_51 : memref<1x8x128xi32, #tpu.memory_space<hbm>> -> memref<8x128xi32, #tpu.memory_space<hbm>>
      %dma_wait3A_53 = arith.constant 0 : i32
      %dma_wait3A_54 = arith.constant 0 : i32
      %dma_wait3A_55 = tpu.memref_slice %arg5[%run_scoped3A, %dma_wait3A_53, %dma_wait3A_54] : memref<2x8x128xi32, #tpu.memory_space<vmem>> -> memref<1x8x128xi32, #tpu.memory_space<vmem>>
      %dma_wait3A_56 = tpu.memref_squeeze %dma_wait3A_55 : memref<1x8x128xi32, #tpu.memory_space<vmem>> -> memref<8x128xi32, #tpu.memory_space<vmem>>
      %dma_wait3A_57 = arith.constant 0 : i32
      %dma_wait3A_58 = tpu.memref_slice %arg2[%arg0, %mul3A_16, %dma_wait3A_57] : memref<2x12544x128xi32, #tpu.memory_space<hbm>> -> memref<1x8x128xi32, #tpu.memory_space<hbm>>
      %dma_wait3A_59 = tpu.memref_squeeze %dma_wait3A_58 : memref<1x8x128xi32, #tpu.memory_space<hbm>> -> memref<8x128xi32, #tpu.memory_space<hbm>>
      tpu.wait_dma2 semaphore(%run_scoped3A_33 : memref<!tpu.dma_semaphore, #tpu.memory_space<semaphore_mem>>) src(%dma_wait3A_59 : memref<8x128xi32, #tpu.memory_space<hbm>>) dst(%dma_wait3A_56 : memref<8x128xi32, #tpu.memory_space<vmem>>)
      tpu.yield
    }) : () -> ()
    %scan3A_17 = arith.constant 0 : i32
    %scan3A_18 = arith.constant 98 : i32
    %scan3A_19 = arith.addi %scan3A_17, %scan3A_18 : i32
    %scan3A_20 = arith.constant 1 : i32
    scf.for %scan3A_33 = %scan3A_17 to %scan3A_19 step %scan3A_20  : i32 {
      %mul3A_34 = arith.constant 1 : i32
      %mul3A_35 = arith.muli %scan3A_33, %mul3A_34 : i32
      %add3A = arith.constant 0 : i32
      %add3A_36 = arith.addi %add3A, %mul3A_35 : i32
      %rem3A = arith.constant 2 : i32
      %rem3A_37 = arith.remsi %add3A_36, %rem3A : i32
      %gt3A = arith.constant 0 : i32
      %gt3A_38 = arith.cmpi sgt, %add3A_36, %gt3A : i32
      %convert_element_type3A = arith.extui %gt3A_38 : i1 to i32
      %cond3A = arith.constant 0 : i32
      %cond3A_39 = arith.cmpi ne, %convert_element_type3A, %cond3A : i32
      scf.if %cond3A_39 {
        %mul3A_133 = arith.constant 8 : i32
        %mul3A_134 = arith.muli %add3A_36, %mul3A_133 : i32
        %add3A_135 = arith.addi %mul3A_16, %mul3A_134 : i32
        %dma_wait3A = arith.constant 0 : i32
        %dma_wait3A_136 = arith.constant 0 : i32
        %dma_wait3A_137 = tpu.memref_slice %arg5[%rem3A_37, %dma_wait3A, %dma_wait3A_136] : memref<2x8x128xi32, #tpu.memory_space<vmem>> -> memref<1x8x128xi32, #tpu.memory_space<vmem>>
        %dma_wait3A_138 = tpu.memref_squeeze %dma_wait3A_137 : memref<1x8x128xi32, #tpu.memory_space<vmem>> -> memref<8x128xi32, #tpu.memory_space<vmem>>
        %dma_wait3A_139 = arith.constant 0 : i32
        %dma_wait3A_140 = tpu.memref_slice %arg2[%arg0, %add3A_135, %dma_wait3A_139] : memref<2x12544x128xi32, #tpu.memory_space<hbm>> -> memref<1x8x128xi32, #tpu.memory_space<hbm>>
        %dma_wait3A_141 = tpu.memref_squeeze %dma_wait3A_140 : memref<1x8x128xi32, #tpu.memory_space<hbm>> -> memref<8x128xi32, #tpu.memory_space<hbm>>
        %dma_wait3A_142 = arith.constant 0 : i32
        %dma_wait3A_143 = arith.constant 0 : i32
        %dma_wait3A_144 = tpu.memref_slice %arg5[%rem3A_37, %dma_wait3A_142, %dma_wait3A_143] : memref<2x8x128xi32, #tpu.memory_space<vmem>> -> memref<1x8x128xi32, #tpu.memory_space<vmem>>
        %dma_wait3A_145 = tpu.memref_squeeze %dma_wait3A_144 : memref<1x8x128xi32, #tpu.memory_space<vmem>> -> memref<8x128xi32, #tpu.memory_space<vmem>>
        %dma_wait3A_146 = arith.constant 0 : i32
        %dma_wait3A_147 = tpu.memref_slice %arg2[%arg0, %add3A_135, %dma_wait3A_146] : memref<2x12544x128xi32, #tpu.memory_space<hbm>> -> memref<1x8x128xi32, #tpu.memory_space<hbm>>
        %dma_wait3A_148 = tpu.memref_squeeze %dma_wait3A_147 : memref<1x8x128xi32, #tpu.memory_space<hbm>> -> memref<8x128xi32, #tpu.memory_space<hbm>>
        tpu.wait_dma2 semaphore(%arg8 : memref<!tpu.dma_semaphore, #tpu.memory_space<semaphore_mem>>) src(%dma_wait3A_148 : memref<8x128xi32, #tpu.memory_space<hbm>>) dst(%dma_wait3A_145 : memref<8x128xi32, #tpu.memory_space<vmem>>)
      } else {
      }
      %add3A_40 = arith.constant 1 : i32
      %add3A_41 = arith.addi %add3A_36, %add3A_40 : i32
      %lt3A = arith.constant 98 : i32
      %lt3A_42 = arith.cmpi slt, %add3A_41, %lt3A : i32
      %convert_element_type3A_43 = arith.extui %lt3A_42 : i1 to i32
      %cond3A_44 = arith.constant 0 : i32
      %cond3A_45 = arith.cmpi ne, %convert_element_type3A_43, %cond3A_44 : i32
      scf.if %cond3A_45 {
        %add3A_133 = arith.constant 1 : i32
        %add3A_134 = arith.addi %add3A_36, %add3A_133 : i32
        %mul3A_135 = arith.constant 8 : i32
        %mul3A_136 = arith.muli %add3A_134, %mul3A_135 : i32
        %add3A_137 = arith.addi %mul3A_16, %mul3A_136 : i32
        %sub3A = arith.constant 1 : i32
        %sub3A_138 = arith.subi %sub3A, %rem3A_37 : i32
        %dma_start3A_139 = arith.constant 0 : i32
        %dma_start3A_140 = arith.constant 0 : i32
        %dma_start3A_141 = tpu.memref_slice %arg5[%sub3A_138, %dma_start3A_139, %dma_start3A_140] : memref<2x8x128xi32, #tpu.memory_space<vmem>> -> memref<1x8x128xi32, #tpu.memory_space<vmem>>
        %dma_start3A_142 = tpu.memref_squeeze %dma_start3A_141 : memref<1x8x128xi32, #tpu.memory_space<vmem>> -> memref<8x128xi32, #tpu.memory_space<vmem>>
        %dma_start3A_143 = arith.constant 0 : i32
        %dma_start3A_144 = tpu.memref_slice %arg2[%arg0, %add3A_137, %dma_start3A_143] : memref<2x12544x128xi32, #tpu.memory_space<hbm>> -> memref<1x8x128xi32, #tpu.memory_space<hbm>>
        %dma_start3A_145 = tpu.memref_squeeze %dma_start3A_144 : memref<1x8x128xi32, #tpu.memory_space<hbm>> -> memref<8x128xi32, #tpu.memory_space<hbm>>
        %dma_start3A_146 = arith.constant 0 : i32
        %dma_start3A_147 = arith.constant 0 : i32
        %dma_start3A_148 = tpu.memref_slice %arg5[%sub3A_138, %dma_start3A_146, %dma_start3A_147] : memref<2x8x128xi32, #tpu.memory_space<vmem>> -> memref<1x8x128xi32, #tpu.memory_space<vmem>>
        %dma_start3A_149 = tpu.memref_squeeze %dma_start3A_148 : memref<1x8x128xi32, #tpu.memory_space<vmem>> -> memref<8x128xi32, #tpu.memory_space<vmem>>
        %dma_start3A_150 = arith.constant 0 : i32
        %dma_start3A_151 = tpu.memref_slice %arg2[%arg0, %add3A_137, %dma_start3A_150] : memref<2x12544x128xi32, #tpu.memory_space<hbm>> -> memref<1x8x128xi32, #tpu.memory_space<hbm>>
        %dma_start3A_152 = tpu.memref_squeeze %dma_start3A_151 : memref<1x8x128xi32, #tpu.memory_space<hbm>> -> memref<8x128xi32, #tpu.memory_space<hbm>>
        tpu.enqueue_dma source(%dma_start3A_152 : memref<8x128xi32, #tpu.memory_space<hbm>>) target(%dma_start3A_149 : memref<8x128xi32, #tpu.memory_space<vmem>>) target_semaphore(%arg8 : memref<!tpu.dma_semaphore, #tpu.memory_space<semaphore_mem>>)
      } else {
      }
      %gt3A_46 = arith.constant 0 : i32
      %gt3A_47 = arith.cmpi sgt, %add3A_36, %gt3A_46 : i32
      %convert_element_type3A_48 = arith.extui %gt3A_47 : i1 to i32
      %cond3A_49 = arith.constant 0 : i32
      %cond3A_50 = arith.cmpi ne, %convert_element_type3A_48, %cond3A_49 : i32
      scf.if %cond3A_50 {
        %sub3A = arith.constant 1 : i32
        %sub3A_133 = arith.subi %sub3A, %rem3A_37 : i32
        %dma_wait3A = arith.constant 0 : i32
        %dma_wait3A_134 = arith.constant 0 : i32
        %dma_wait3A_135 = tpu.memref_slice %arg5[%sub3A_133, %dma_wait3A, %dma_wait3A_134] : memref<2x8x128xi32, #tpu.memory_space<vmem>> -> memref<1x1x128xi32, #tpu.memory_space<vmem>>
        %dma_wait3A_136 = tpu.memref_squeeze %dma_wait3A_135 : memref<1x1x128xi32, #tpu.memory_space<vmem>> -> memref<128xi32, #tpu.memory_space<vmem>>
        %dma_wait3A_137 = arith.constant 0 : i32
        %dma_wait3A_138 = tpu.memref_slice %arg4[%dma_wait3A_137] : memref<100352xf32, #tpu.memory_space<vmem_shared>> -> memref<100352xf32, #tpu.memory_space<vmem_shared>>
        tpu.wait_indirect_dma semaphore(%arg9 : memref<!tpu.dma_semaphore, #tpu.memory_space<semaphore_mem>>) src(%arg6 : memref<128xf32, #tpu.memory_space<vmem>>) dst(%dma_wait3A_138 : memref<100352xf32, #tpu.memory_space<vmem_shared>>)
      } else {
      }
      %dma_start3A = arith.constant 0 : i32
      %dma_start3A_51 = arith.constant 0 : i32
      %dma_start3A_52 = tpu.memref_slice %arg5[%rem3A_37, %dma_start3A, %dma_start3A_51] : memref<2x8x128xi32, #tpu.memory_space<vmem>> -> memref<1x1x128xi32, #tpu.memory_space<vmem>>
      %dma_start3A_53 = tpu.memref_squeeze %dma_start3A_52 : memref<1x1x128xi32, #tpu.memory_space<vmem>> -> memref<128xi32, #tpu.memory_space<vmem>>
      %dma_start3A_54 = arith.constant 0 : i32
      %dma_start3A_55 = tpu.memref_slice %arg4[%dma_start3A_54] : memref<100352xf32, #tpu.memory_space<vmem_shared>> -> memref<100352xf32, #tpu.memory_space<vmem_shared>>
      tpu.enqueue_indirect_dma source(%arg6 : memref<128xf32, #tpu.memory_space<vmem>>) target(%dma_start3A_55 : memref<100352xf32, #tpu.memory_space<vmem_shared>>) offsets(%dma_start3A_53 : memref<128xi32, #tpu.memory_space<vmem>>) semaphore(%arg9 : memref<!tpu.dma_semaphore, #tpu.memory_space<semaphore_mem>>) {add = true}
      %gt3A_56 = arith.constant 0 : i32
      %gt3A_57 = arith.cmpi sgt, %add3A_36, %gt3A_56 : i32
      %convert_element_type3A_58 = arith.extui %gt3A_57 : i1 to i32
      %cond3A_59 = arith.constant 0 : i32
      %cond3A_60 = arith.cmpi ne, %convert_element_type3A_58, %cond3A_59 : i32
      scf.if %cond3A_60 {
        %sub3A = arith.constant 1 : i32
        %sub3A_133 = arith.subi %sub3A, %rem3A_37 : i32
        %dma_wait3A = arith.constant 1 : i32
        %dma_wait3A_134 = arith.constant 0 : i32
        %dma_wait3A_135 = tpu.memref_slice %arg5[%sub3A_133, %dma_wait3A, %dma_wait3A_134] : memref<2x8x128xi32, #tpu.memory_space<vmem>> -> memref<1x1x128xi32, #tpu.memory_space<vmem>>
        %dma_wait3A_136 = tpu.memref_squeeze %dma_wait3A_135 : memref<1x1x128xi32, #tpu.memory_space<vmem>> -> memref<128xi32, #tpu.memory_space<vmem>>
        %dma_wait3A_137 = arith.constant 0 : i32
        %dma_wait3A_138 = tpu.memref_slice %arg4[%dma_wait3A_137] : memref<100352xf32, #tpu.memory_space<vmem_shared>> -> memref<100352xf32, #tpu.memory_space<vmem_shared>>
        tpu.wait_indirect_dma semaphore(%arg9 : memref<!tpu.dma_semaphore, #tpu.memory_space<semaphore_mem>>) src(%arg6 : memref<128xf32, #tpu.memory_space<vmem>>) dst(%dma_wait3A_138 : memref<100352xf32, #tpu.memory_space<vmem_shared>>)
      } else {
      }
      %dma_start3A_61 = arith.constant 1 : i32
      %dma_start3A_62 = arith.constant 0 : i32
      %dma_start3A_63 = tpu.memref_slice %arg5[%rem3A_37, %dma_start3A_61, %dma_start3A_62] : memref<2x8x128xi32, #tpu.memory_space<vmem>> -> memref<1x1x128xi32, #tpu.memory_space<vmem>>
      %dma_start3A_64 = tpu.memref_squeeze %dma_start3A_63 : memref<1x1x128xi32, #tpu.memory_space<vmem>> -> memref<128xi32, #tpu.memory_space<vmem>>
      %dma_start3A_65 = arith.constant 0 : i32
      %dma_start3A_66 = tpu.memref_slice %arg4[%dma_start3A_65] : memref<100352xf32, #tpu.memory_space<vmem_shared>> -> memref<100352xf32, #tpu.memory_space<vmem_shared>>
      tpu.enqueue_indirect_dma source(%arg6 : memref<128xf32, #tpu.memory_space<vmem>>) target(%dma_start3A_66 : memref<100352xf32, #tpu.memory_space<vmem_shared>>) offsets(%dma_start3A_64 : memref<128xi32, #tpu.memory_space<vmem>>) semaphore(%arg9 : memref<!tpu.dma_semaphore, #tpu.memory_space<semaphore_mem>>) {add = true}
      %gt3A_67 = arith.constant 0 : i32
      %gt3A_68 = arith.cmpi sgt, %add3A_36, %gt3A_67 : i32
      %convert_element_type3A_69 = arith.extui %gt3A_68 : i1 to i32
      %cond3A_70 = arith.constant 0 : i32
      %cond3A_71 = arith.cmpi ne, %convert_element_type3A_69, %cond3A_70 : i32
      scf.if %cond3A_71 {
        %sub3A = arith.constant 1 : i32
        %sub3A_133 = arith.subi %sub3A, %rem3A_37 : i32
        %dma_wait3A = arith.constant 2 : i32
        %dma_wait3A_134 = arith.constant 0 : i32
        %dma_wait3A_135 = tpu.memref_slice %arg5[%sub3A_133, %dma_wait3A, %dma_wait3A_134] : memref<2x8x128xi32, #tpu.memory_space<vmem>> -> memref<1x1x128xi32, #tpu.memory_space<vmem>>
        %dma_wait3A_136 = tpu.memref_squeeze %dma_wait3A_135 : memref<1x1x128xi32, #tpu.memory_space<vmem>> -> memref<128xi32, #tpu.memory_space<vmem>>
        %dma_wait3A_137 = arith.constant 0 : i32
        %dma_wait3A_138 = tpu.memref_slice %arg4[%dma_wait3A_137] : memref<100352xf32, #tpu.memory_space<vmem_shared>> -> memref<100352xf32, #tpu.memory_space<vmem_shared>>
        tpu.wait_indirect_dma semaphore(%arg9 : memref<!tpu.dma_semaphore, #tpu.memory_space<semaphore_mem>>) src(%arg6 : memref<128xf32, #tpu.memory_space<vmem>>) dst(%dma_wait3A_138 : memref<100352xf32, #tpu.memory_space<vmem_shared>>)
      } else {
      }
      %dma_start3A_72 = arith.constant 2 : i32
      %dma_start3A_73 = arith.constant 0 : i32
      %dma_start3A_74 = tpu.memref_slice %arg5[%rem3A_37, %dma_start3A_72, %dma_start3A_73] : memref<2x8x128xi32, #tpu.memory_space<vmem>> -> memref<1x1x128xi32, #tpu.memory_space<vmem>>
      %dma_start3A_75 = tpu.memref_squeeze %dma_start3A_74 : memref<1x1x128xi32, #tpu.memory_space<vmem>> -> memref<128xi32, #tpu.memory_space<vmem>>
      %dma_start3A_76 = arith.constant 0 : i32
      %dma_start3A_77 = tpu.memref_slice %arg4[%dma_start3A_76] : memref<100352xf32, #tpu.memory_space<vmem_shared>> -> memref<100352xf32, #tpu.memory_space<vmem_shared>>
      tpu.enqueue_indirect_dma source(%arg6 : memref<128xf32, #tpu.memory_space<vmem>>) target(%dma_start3A_77 : memref<100352xf32, #tpu.memory_space<vmem_shared>>) offsets(%dma_start3A_75 : memref<128xi32, #tpu.memory_space<vmem>>) semaphore(%arg9 : memref<!tpu.dma_semaphore, #tpu.memory_space<semaphore_mem>>) {add = true}
      %gt3A_78 = arith.constant 0 : i32
      %gt3A_79 = arith.cmpi sgt, %add3A_36, %gt3A_78 : i32
      %convert_element_type3A_80 = arith.extui %gt3A_79 : i1 to i32
      %cond3A_81 = arith.constant 0 : i32
      %cond3A_82 = arith.cmpi ne, %convert_element_type3A_80, %cond3A_81 : i32
      scf.if %cond3A_82 {
        %sub3A = arith.constant 1 : i32
        %sub3A_133 = arith.subi %sub3A, %rem3A_37 : i32
        %dma_wait3A = arith.constant 3 : i32
        %dma_wait3A_134 = arith.constant 0 : i32
        %dma_wait3A_135 = tpu.memref_slice %arg5[%sub3A_133, %dma_wait3A, %dma_wait3A_134] : memref<2x8x128xi32, #tpu.memory_space<vmem>> -> memref<1x1x128xi32, #tpu.memory_space<vmem>>
        %dma_wait3A_136 = tpu.memref_squeeze %dma_wait3A_135 : memref<1x1x128xi32, #tpu.memory_space<vmem>> -> memref<128xi32, #tpu.memory_space<vmem>>
        %dma_wait3A_137 = arith.constant 0 : i32
        %dma_wait3A_138 = tpu.memref_slice %arg4[%dma_wait3A_137] : memref<100352xf32, #tpu.memory_space<vmem_shared>> -> memref<100352xf32, #tpu.memory_space<vmem_shared>>
        tpu.wait_indirect_dma semaphore(%arg9 : memref<!tpu.dma_semaphore, #tpu.memory_space<semaphore_mem>>) src(%arg6 : memref<128xf32, #tpu.memory_space<vmem>>) dst(%dma_wait3A_138 : memref<100352xf32, #tpu.memory_space<vmem_shared>>)
      } else {
      }
      %dma_start3A_83 = arith.constant 3 : i32
      %dma_start3A_84 = arith.constant 0 : i32
      %dma_start3A_85 = tpu.memref_slice %arg5[%rem3A_37, %dma_start3A_83, %dma_start3A_84] : memref<2x8x128xi32, #tpu.memory_space<vmem>> -> memref<1x1x128xi32, #tpu.memory_space<vmem>>
      %dma_start3A_86 = tpu.memref_squeeze %dma_start3A_85 : memref<1x1x128xi32, #tpu.memory_space<vmem>> -> memref<128xi32, #tpu.memory_space<vmem>>
      %dma_start3A_87 = arith.constant 0 : i32
      %dma_start3A_88 = tpu.memref_slice %arg4[%dma_start3A_87] : memref<100352xf32, #tpu.memory_space<vmem_shared>> -> memref<100352xf32, #tpu.memory_space<vmem_shared>>
      tpu.enqueue_indirect_dma source(%arg6 : memref<128xf32, #tpu.memory_space<vmem>>) target(%dma_start3A_88 : memref<100352xf32, #tpu.memory_space<vmem_shared>>) offsets(%dma_start3A_86 : memref<128xi32, #tpu.memory_space<vmem>>) semaphore(%arg9 : memref<!tpu.dma_semaphore, #tpu.memory_space<semaphore_mem>>) {add = true}
      %gt3A_89 = arith.constant 0 : i32
      %gt3A_90 = arith.cmpi sgt, %add3A_36, %gt3A_89 : i32
      %convert_element_type3A_91 = arith.extui %gt3A_90 : i1 to i32
      %cond3A_92 = arith.constant 0 : i32
      %cond3A_93 = arith.cmpi ne, %convert_element_type3A_91, %cond3A_92 : i32
      scf.if %cond3A_93 {
        %sub3A = arith.constant 1 : i32
        %sub3A_133 = arith.subi %sub3A, %rem3A_37 : i32
        %dma_wait3A = arith.constant 4 : i32
        %dma_wait3A_134 = arith.constant 0 : i32
        %dma_wait3A_135 = tpu.memref_slice %arg5[%sub3A_133, %dma_wait3A, %dma_wait3A_134] : memref<2x8x128xi32, #tpu.memory_space<vmem>> -> memref<1x1x128xi32, #tpu.memory_space<vmem>>
        %dma_wait3A_136 = tpu.memref_squeeze %dma_wait3A_135 : memref<1x1x128xi32, #tpu.memory_space<vmem>> -> memref<128xi32, #tpu.memory_space<vmem>>
        %dma_wait3A_137 = arith.constant 0 : i32
        %dma_wait3A_138 = tpu.memref_slice %arg4[%dma_wait3A_137] : memref<100352xf32, #tpu.memory_space<vmem_shared>> -> memref<100352xf32, #tpu.memory_space<vmem_shared>>
        tpu.wait_indirect_dma semaphore(%arg9 : memref<!tpu.dma_semaphore, #tpu.memory_space<semaphore_mem>>) src(%arg6 : memref<128xf32, #tpu.memory_space<vmem>>) dst(%dma_wait3A_138 : memref<100352xf32, #tpu.memory_space<vmem_shared>>)
      } else {
      }
      %dma_start3A_94 = arith.constant 4 : i32
      %dma_start3A_95 = arith.constant 0 : i32
      %dma_start3A_96 = tpu.memref_slice %arg5[%rem3A_37, %dma_start3A_94, %dma_start3A_95] : memref<2x8x128xi32, #tpu.memory_space<vmem>> -> memref<1x1x128xi32, #tpu.memory_space<vmem>>
      %dma_start3A_97 = tpu.memref_squeeze %dma_start3A_96 : memref<1x1x128xi32, #tpu.memory_space<vmem>> -> memref<128xi32, #tpu.memory_space<vmem>>
      %dma_start3A_98 = arith.constant 0 : i32
      %dma_start3A_99 = tpu.memref_slice %arg4[%dma_start3A_98] : memref<100352xf32, #tpu.memory_space<vmem_shared>> -> memref<100352xf32, #tpu.memory_space<vmem_shared>>
      tpu.enqueue_indirect_dma source(%arg6 : memref<128xf32, #tpu.memory_space<vmem>>) target(%dma_start3A_99 : memref<100352xf32, #tpu.memory_space<vmem_shared>>) offsets(%dma_start3A_97 : memref<128xi32, #tpu.memory_space<vmem>>) semaphore(%arg9 : memref<!tpu.dma_semaphore, #tpu.memory_space<semaphore_mem>>) {add = true}
      %gt3A_100 = arith.constant 0 : i32
      %gt3A_101 = arith.cmpi sgt, %add3A_36, %gt3A_100 : i32
      %convert_element_type3A_102 = arith.extui %gt3A_101 : i1 to i32
      %cond3A_103 = arith.constant 0 : i32
      %cond3A_104 = arith.cmpi ne, %convert_element_type3A_102, %cond3A_103 : i32
      scf.if %cond3A_104 {
        %sub3A = arith.constant 1 : i32
        %sub3A_133 = arith.subi %sub3A, %rem3A_37 : i32
        %dma_wait3A = arith.constant 5 : i32
        %dma_wait3A_134 = arith.constant 0 : i32
        %dma_wait3A_135 = tpu.memref_slice %arg5[%sub3A_133, %dma_wait3A, %dma_wait3A_134] : memref<2x8x128xi32, #tpu.memory_space<vmem>> -> memref<1x1x128xi32, #tpu.memory_space<vmem>>
        %dma_wait3A_136 = tpu.memref_squeeze %dma_wait3A_135 : memref<1x1x128xi32, #tpu.memory_space<vmem>> -> memref<128xi32, #tpu.memory_space<vmem>>
        %dma_wait3A_137 = arith.constant 0 : i32
        %dma_wait3A_138 = tpu.memref_slice %arg4[%dma_wait3A_137] : memref<100352xf32, #tpu.memory_space<vmem_shared>> -> memref<100352xf32, #tpu.memory_space<vmem_shared>>
        tpu.wait_indirect_dma semaphore(%arg9 : memref<!tpu.dma_semaphore, #tpu.memory_space<semaphore_mem>>) src(%arg6 : memref<128xf32, #tpu.memory_space<vmem>>) dst(%dma_wait3A_138 : memref<100352xf32, #tpu.memory_space<vmem_shared>>)
      } else {
      }
      %dma_start3A_105 = arith.constant 5 : i32
      %dma_start3A_106 = arith.constant 0 : i32
      %dma_start3A_107 = tpu.memref_slice %arg5[%rem3A_37, %dma_start3A_105, %dma_start3A_106] : memref<2x8x128xi32, #tpu.memory_space<vmem>> -> memref<1x1x128xi32, #tpu.memory_space<vmem>>
      %dma_start3A_108 = tpu.memref_squeeze %dma_start3A_107 : memref<1x1x128xi32, #tpu.memory_space<vmem>> -> memref<128xi32, #tpu.memory_space<vmem>>
      %dma_start3A_109 = arith.constant 0 : i32
      %dma_start3A_110 = tpu.memref_slice %arg4[%dma_start3A_109] : memref<100352xf32, #tpu.memory_space<vmem_shared>> -> memref<100352xf32, #tpu.memory_space<vmem_shared>>
      tpu.enqueue_indirect_dma source(%arg6 : memref<128xf32, #tpu.memory_space<vmem>>) target(%dma_start3A_110 : memref<100352xf32, #tpu.memory_space<vmem_shared>>) offsets(%dma_start3A_108 : memref<128xi32, #tpu.memory_space<vmem>>) semaphore(%arg9 : memref<!tpu.dma_semaphore, #tpu.memory_space<semaphore_mem>>) {add = true}
      %gt3A_111 = arith.constant 0 : i32
      %gt3A_112 = arith.cmpi sgt, %add3A_36, %gt3A_111 : i32
      %convert_element_type3A_113 = arith.extui %gt3A_112 : i1 to i32
      %cond3A_114 = arith.constant 0 : i32
      %cond3A_115 = arith.cmpi ne, %convert_element_type3A_113, %cond3A_114 : i32
      scf.if %cond3A_115 {
        %sub3A = arith.constant 1 : i32
        %sub3A_133 = arith.subi %sub3A, %rem3A_37 : i32
        %dma_wait3A = arith.constant 6 : i32
        %dma_wait3A_134 = arith.constant 0 : i32
        %dma_wait3A_135 = tpu.memref_slice %arg5[%sub3A_133, %dma_wait3A, %dma_wait3A_134] : memref<2x8x128xi32, #tpu.memory_space<vmem>> -> memref<1x1x128xi32, #tpu.memory_space<vmem>>
        %dma_wait3A_136 = tpu.memref_squeeze %dma_wait3A_135 : memref<1x1x128xi32, #tpu.memory_space<vmem>> -> memref<128xi32, #tpu.memory_space<vmem>>
        %dma_wait3A_137 = arith.constant 0 : i32
        %dma_wait3A_138 = tpu.memref_slice %arg4[%dma_wait3A_137] : memref<100352xf32, #tpu.memory_space<vmem_shared>> -> memref<100352xf32, #tpu.memory_space<vmem_shared>>
        tpu.wait_indirect_dma semaphore(%arg9 : memref<!tpu.dma_semaphore, #tpu.memory_space<semaphore_mem>>) src(%arg6 : memref<128xf32, #tpu.memory_space<vmem>>) dst(%dma_wait3A_138 : memref<100352xf32, #tpu.memory_space<vmem_shared>>)
      } else {
      }
      %dma_start3A_116 = arith.constant 6 : i32
      %dma_start3A_117 = arith.constant 0 : i32
      %dma_start3A_118 = tpu.memref_slice %arg5[%rem3A_37, %dma_start3A_116, %dma_start3A_117] : memref<2x8x128xi32, #tpu.memory_space<vmem>> -> memref<1x1x128xi32, #tpu.memory_space<vmem>>
      %dma_start3A_119 = tpu.memref_squeeze %dma_start3A_118 : memref<1x1x128xi32, #tpu.memory_space<vmem>> -> memref<128xi32, #tpu.memory_space<vmem>>
      %dma_start3A_120 = arith.constant 0 : i32
      %dma_start3A_121 = tpu.memref_slice %arg4[%dma_start3A_120] : memref<100352xf32, #tpu.memory_space<vmem_shared>> -> memref<100352xf32, #tpu.memory_space<vmem_shared>>
      tpu.enqueue_indirect_dma source(%arg6 : memref<128xf32, #tpu.memory_space<vmem>>) target(%dma_start3A_121 : memref<100352xf32, #tpu.memory_space<vmem_shared>>) offsets(%dma_start3A_119 : memref<128xi32, #tpu.memory_space<vmem>>) semaphore(%arg9 : memref<!tpu.dma_semaphore, #tpu.memory_space<semaphore_mem>>) {add = true}
      %gt3A_122 = arith.constant 0 : i32
      %gt3A_123 = arith.cmpi sgt, %add3A_36, %gt3A_122 : i32
      %convert_element_type3A_124 = arith.extui %gt3A_123 : i1 to i32
      %cond3A_125 = arith.constant 0 : i32
      %cond3A_126 = arith.cmpi ne, %convert_element_type3A_124, %cond3A_125 : i32
      scf.if %cond3A_126 {
        %sub3A = arith.constant 1 : i32
        %sub3A_133 = arith.subi %sub3A, %rem3A_37 : i32
        %dma_wait3A = arith.constant 7 : i32
        %dma_wait3A_134 = arith.constant 0 : i32
        %dma_wait3A_135 = tpu.memref_slice %arg5[%sub3A_133, %dma_wait3A, %dma_wait3A_134] : memref<2x8x128xi32, #tpu.memory_space<vmem>> -> memref<1x1x128xi32, #tpu.memory_space<vmem>>
        %dma_wait3A_136 = tpu.memref_squeeze %dma_wait3A_135 : memref<1x1x128xi32, #tpu.memory_space<vmem>> -> memref<128xi32, #tpu.memory_space<vmem>>
        %dma_wait3A_137 = arith.constant 0 : i32
        %dma_wait3A_138 = tpu.memref_slice %arg4[%dma_wait3A_137] : memref<100352xf32, #tpu.memory_space<vmem_shared>> -> memref<100352xf32, #tpu.memory_space<vmem_shared>>
        tpu.wait_indirect_dma semaphore(%arg9 : memref<!tpu.dma_semaphore, #tpu.memory_space<semaphore_mem>>) src(%arg6 : memref<128xf32, #tpu.memory_space<vmem>>) dst(%dma_wait3A_138 : memref<100352xf32, #tpu.memory_space<vmem_shared>>)
      } else {
      }
      %dma_start3A_127 = arith.constant 7 : i32
      %dma_start3A_128 = arith.constant 0 : i32
      %dma_start3A_129 = tpu.memref_slice %arg5[%rem3A_37, %dma_start3A_127, %dma_start3A_128] : memref<2x8x128xi32, #tpu.memory_space<vmem>> -> memref<1x1x128xi32, #tpu.memory_space<vmem>>
      %dma_start3A_130 = tpu.memref_squeeze %dma_start3A_129 : memref<1x1x128xi32, #tpu.memory_space<vmem>> -> memref<128xi32, #tpu.memory_space<vmem>>
      %dma_start3A_131 = arith.constant 0 : i32
      %dma_start3A_132 = tpu.memref_slice %arg4[%dma_start3A_131] : memref<100352xf32, #tpu.memory_space<vmem_shared>> -> memref<100352xf32, #tpu.memory_space<vmem_shared>>
      tpu.enqueue_indirect_dma source(%arg6 : memref<128xf32, #tpu.memory_space<vmem>>) target(%dma_start3A_132 : memref<100352xf32, #tpu.memory_space<vmem_shared>>) offsets(%dma_start3A_130 : memref<128xi32, #tpu.memory_space<vmem>>) semaphore(%arg9 : memref<!tpu.dma_semaphore, #tpu.memory_space<semaphore_mem>>) {add = true}
    }
    %scan3A_21 = arith.constant 98 : i32
    %scan3A_22 = arith.constant 0 : i32
    %scan3A_23 = arith.constant 8 : i32
    %scan3A_24 = arith.addi %scan3A_22, %scan3A_23 : i32
    %scan3A_25 = arith.constant 1 : i32
    scf.for %scan3A_33 = %scan3A_22 to %scan3A_24 step %scan3A_25  : i32 {
      %mul3A_34 = arith.constant 1 : i32
      %mul3A_35 = arith.muli %scan3A_33, %mul3A_34 : i32
      %add3A = arith.constant 0 : i32
      %add3A_36 = arith.addi %add3A, %mul3A_35 : i32
      %dma_wait3A = arith.constant 1 : i32
      %dma_wait3A_37 = arith.constant 0 : i32
      %dma_wait3A_38 = tpu.memref_slice %arg5[%dma_wait3A, %add3A_36, %dma_wait3A_37] : memref<2x8x128xi32, #tpu.memory_space<vmem>> -> memref<1x1x128xi32, #tpu.memory_space<vmem>>
      %dma_wait3A_39 = tpu.memref_squeeze %dma_wait3A_38 : memref<1x1x128xi32, #tpu.memory_space<vmem>> -> memref<128xi32, #tpu.memory_space<vmem>>
      %dma_wait3A_40 = arith.constant 0 : i32
      %dma_wait3A_41 = tpu.memref_slice %arg4[%dma_wait3A_40] : memref<100352xf32, #tpu.memory_space<vmem_shared>> -> memref<100352xf32, #tpu.memory_space<vmem_shared>>
      tpu.wait_indirect_dma semaphore(%arg9 : memref<!tpu.dma_semaphore, #tpu.memory_space<semaphore_mem>>) src(%arg6 : memref<128xf32, #tpu.memory_space<vmem>>) dst(%dma_wait3A_41 : memref<100352xf32, #tpu.memory_space<vmem_shared>>)
    }
    %scan3A_26 = arith.constant 8 : i32
    %barrier3A_27 = arith.constant 0 : index
    tpu.barrier barrier_id(%barrier3A_27)
    %scan3A_28 = arith.constant 0 : i32
    %scan3A_29 = arith.constant 56 : i32
    %scan3A_30 = arith.addi %scan3A_28, %scan3A_29 : i32
    %scan3A_31 = arith.constant 1 : i32
    scf.for %scan3A_33 = %scan3A_28 to %scan3A_30 step %scan3A_31  : i32 {
      %mul3A_34 = arith.constant 1 : i32
      %mul3A_35 = arith.muli %scan3A_33, %mul3A_34 : i32
      %add3A = arith.constant 0 : i32
      %add3A_36 = arith.addi %add3A, %mul3A_35 : i32
      %mul3A_37 = arith.constant 6272 : i32
      %mul3A_38 = arith.muli %arg1, %mul3A_37 : i32
      %mul3A_39 = arith.constant 112 : i32
      %mul3A_40 = arith.muli %add3A_36, %mul3A_39 : i32
      %add3A_41 = arith.addi %mul3A_38, %mul3A_40 : i32
      "tpu.region"() ({
        %run_scoped3A_42 = tpu.sem_alloc : memref<!tpu.dma_semaphore, #tpu.memory_space<semaphore_mem>>
        %dma_start3A = tpu.memref_slice %arg3[%arg0, %add3A_41] : memref<2x100352xf32, #tpu.memory_space<hbm>> -> memref<1x112xf32, #tpu.memory_space<hbm>>
        %dma_start3A_43 = tpu.memref_squeeze %dma_start3A : memref<1x112xf32, #tpu.memory_space<hbm>> -> memref<112xf32, #tpu.memory_space<hbm>>
        %dma_start3A_44 = tpu.memref_slice %arg4[%add3A_41] : memref<100352xf32, #tpu.memory_space<vmem_shared>> -> memref<112xf32, #tpu.memory_space<vmem_shared>>
        tpu.enqueue_dma source(%dma_start3A_44 : memref<112xf32, #tpu.memory_space<vmem_shared>>) target(%dma_start3A_43 : memref<112xf32, #tpu.memory_space<hbm>>) target_semaphore(%run_scoped3A_42 : memref<!tpu.dma_semaphore, #tpu.memory_space<semaphore_mem>>)
        %dma_wait3A = tpu.memref_slice %arg3[%arg0, %add3A_41] : memref<2x100352xf32, #tpu.memory_space<hbm>> -> memref<1x112xf32, #tpu.memory_space<hbm>>
        %dma_wait3A_45 = tpu.memref_squeeze %dma_wait3A : memref<1x112xf32, #tpu.memory_space<hbm>> -> memref<112xf32, #tpu.memory_space<hbm>>
        %dma_wait3A_46 = tpu.memref_slice %arg4[%add3A_41] : memref<100352xf32, #tpu.memory_space<vmem_shared>> -> memref<112xf32, #tpu.memory_space<vmem_shared>>
        tpu.wait_dma2 semaphore(%run_scoped3A_42 : memref<!tpu.dma_semaphore, #tpu.memory_space<semaphore_mem>>) src(%dma_wait3A_46 : memref<112xf32, #tpu.memory_space<vmem_shared>>) dst(%dma_wait3A_45 : memref<112xf32, #tpu.memory_space<hbm>>)
        tpu.yield
      }) : () -> ()
    }
    %scan3A_32 = arith.constant 56 : i32
    return
  }
}

#map = affine_map<(d0, d1) -> (0, 0, 0)>
#map1 = affine_map<(d0, d1) -> (0)>
#map2 = affine_map<(d0, d1) -> (0, 0, 0, 0)>
#map3 = affine_map<(d0, d1) -> (0, 0)>
module attributes {stable_mosaic.version = 14 : i64} {
  func.func @_prop_body(%arg0: i32, %arg1: i32, %arg2: memref<2x12544x128xi32, #tpu.memory_space<hbm>>, %arg3: memref<100352xf32, #tpu.memory_space<hbm>>, %arg4: memref<100352xf32, #tpu.memory_space<hbm>>, %arg5: memref<100352xf32, #tpu.memory_space<hbm>>, %arg6: memref<32xi32, #tpu.memory_space<hbm>>, %arg7: memref<6x2x100352x16xf32, #tpu.memory_space<hbm>>, %arg8: memref<200704x16xf32, #tpu.memory_space<hbm>>, %arg9: memref<100352x16xf32, #tpu.memory_space<vmem_shared>>, %arg10: memref<2x8x128xi32, #tpu.memory_space<vmem>>, %arg11: memref<2x8x128xi32, #tpu.memory_space<vmem>>, %arg12: memref<8x128x16xf32, #tpu.memory_space<vmem>>, %arg13: memref<2x112x16xf32, #tpu.memory_space<vmem>>, %arg14: memref<112x16xf32, #tpu.memory_space<vmem>>, %arg15: memref<112x16xf32, #tpu.memory_space<vmem>>, %arg16: memref<2x112xf32, #tpu.memory_space<vmem>>, %arg17: memref<2x112xf32, #tpu.memory_space<vmem>>, %arg18: memref<112x16xf32, #tpu.memory_space<vmem>>, %arg19: memref<16xi32, #tpu.memory_space<vmem>>, %arg20: memref<16xf32, #tpu.memory_space<vmem>>, %arg21: memref<16x16xf32, #tpu.memory_space<vmem>>, %arg22: memref<!tpu.dma_semaphore, #tpu.memory_space<semaphore_mem>>, %arg23: memref<!tpu.dma_semaphore, #tpu.memory_space<semaphore_mem>>, %arg24: memref<!tpu.dma_semaphore, #tpu.memory_space<semaphore_mem>>, %arg25: memref<!tpu.dma_semaphore, #tpu.memory_space<semaphore_mem>>, %arg26: memref<!tpu.dma_semaphore, #tpu.memory_space<semaphore_mem>>, %arg27: memref<!tpu.dma_semaphore, #tpu.memory_space<semaphore_mem>>) attributes {dimension_semantics = [#tpu.dimension_semantics<core_parallel>, #tpu.dimension_semantics<subcore_parallel>], iteration_bounds = array<i64: 2, 16>, scalar_prefetch = 0 : i64, scratch_operands = 19 : i64, tpu.core_type = #tpu.core_type<sc_vector_subcore>, window_params = [{transform_indices = #map}, {transform_indices = #map1}, {transform_indices = #map1}, {transform_indices = #map1}, {transform_indices = #map1}, {transform_indices = #map2}, {transform_indices = #map3}]} {
    %mul3A = arith.constant 100352 : i32
    %mul3A_0 = arith.muli %arg0, %mul3A : i32
    %scan3A = arith.constant 0 : i32
    %scan3A_1 = arith.constant 112 : i32
    %scan3A_2 = arith.addi %scan3A, %scan3A_1 : i32
    %scan3A_3 = arith.constant 1 : i32
    scf.for %scan3A_28 = %scan3A to %scan3A_2 step %scan3A_3  : i32 {
      %mul3A_29 = arith.constant 1 : i32
      %mul3A_30 = arith.muli %scan3A_28, %mul3A_29 : i32
      %add3A = arith.constant 0 : i32
      %add3A_31 = arith.addi %add3A, %mul3A_30 : i32
      %broadcast_in_dim3A = arith.constant 0.000000e+00 : f32
      %broadcast_in_dim3A_32 = vector.broadcast %broadcast_in_dim3A : f32 to vector<16xf32>
      %swap3A = arith.index_cast %add3A_31 : i32 to index
      %swap3A_33 = arith.constant 0 : index
      %swap3A_34 = tpu.vector_load %arg18[%swap3A, %swap3A_33] {strides = array<i32>} : memref<112x16xf32, #tpu.memory_space<vmem>>, vector<1x16xf32>,
      %swap3A_35 = vector.shape_cast %swap3A_34 : vector<1x16xf32> to vector<16xf32>
      %swap3A_36 = vector.shape_cast %broadcast_in_dim3A_32 : vector<16xf32> to vector<1x16xf32>
      tpu.vector_store %arg18[%swap3A, %swap3A_33], %swap3A_36 {strides = array<i32>} : memref<112x16xf32, #tpu.memory_space<vmem>>, vector<1x16xf32>,
    }
    %scan3A_4 = arith.constant 112 : i32
    %scan3A_5 = arith.constant 0 : i32
    %scan3A_6 = arith.constant 56 : i32
    %scan3A_7 = arith.addi %scan3A_5, %scan3A_6 : i32
    %scan3A_8 = arith.constant 1 : i32
    scf.for %scan3A_28 = %scan3A_5 to %scan3A_7 step %scan3A_8  : i32 {
      %mul3A_29 = arith.constant 1 : i32
      %mul3A_30 = arith.muli %scan3A_28, %mul3A_29 : i32
      %add3A = arith.constant 0 : i32
      %add3A_31 = arith.addi %add3A, %mul3A_30 : i32
      %mul3A_32 = arith.constant 6272 : i32
      %mul3A_33 = arith.muli %arg1, %mul3A_32 : i32
      %mul3A_34 = arith.constant 112 : i32
      %mul3A_35 = arith.muli %add3A_31, %mul3A_34 : i32
      %add3A_36 = arith.addi %mul3A_33, %mul3A_35 : i32
      "tpu.region"() ({
        %run_scoped3A = tpu.sem_alloc : memref<!tpu.dma_semaphore, #tpu.memory_space<semaphore_mem>>
        %dma_start3A = arith.constant 0 : i32
        %dma_start3A_37 = tpu.memref_slice %arg9[%add3A_36, %dma_start3A] : memref<100352x16xf32, #tpu.memory_space<vmem_shared>> -> memref<112x16xf32, #tpu.memory_space<vmem_shared>>
        %dma_start3A_38 = arith.constant 0 : i32
        %dma_start3A_39 = tpu.memref_slice %arg9[%add3A_36, %dma_start3A_38] : memref<100352x16xf32, #tpu.memory_space<vmem_shared>> -> memref<112x16xf32, #tpu.memory_space<vmem_shared>>
        tpu.enqueue_dma source(%arg18 : memref<112x16xf32, #tpu.memory_space<vmem>>) target(%dma_start3A_39 : memref<112x16xf32, #tpu.memory_space<vmem_shared>>) target_semaphore(%run_scoped3A : memref<!tpu.dma_semaphore, #tpu.memory_space<semaphore_mem>>)
        %dma_wait3A = arith.constant 0 : i32
        %dma_wait3A_40 = tpu.memref_slice %arg9[%add3A_36, %dma_wait3A] : memref<100352x16xf32, #tpu.memory_space<vmem_shared>> -> memref<112x16xf32, #tpu.memory_space<vmem_shared>>
        %dma_wait3A_41 = arith.constant 0 : i32
        %dma_wait3A_42 = tpu.memref_slice %arg9[%add3A_36, %dma_wait3A_41] : memref<100352x16xf32, #tpu.memory_space<vmem_shared>> -> memref<112x16xf32, #tpu.memory_space<vmem_shared>>
        tpu.wait_dma2 semaphore(%run_scoped3A : memref<!tpu.dma_semaphore, #tpu.memory_space<semaphore_mem>>) src(%arg18 : memref<112x16xf32, #tpu.memory_space<vmem>>) dst(%dma_wait3A_42 : memref<112x16xf32, #tpu.memory_space<vmem_shared>>)
        tpu.yield
      }) : () -> ()
    }
    %scan3A_9 = arith.constant 56 : i32
    %barrier3A = arith.constant 0 : index
    tpu.barrier barrier_id(%barrier3A)
    %eq3A = arith.constant 0 : i32
    %eq3A_10 = arith.cmpi eq, %arg1, %eq3A : i32
    %convert_element_type3A = arith.extui %eq3A_10 : i1 to i32
    %cond3A = arith.constant 0 : i32
    %cond3A_11 = arith.cmpi ne, %convert_element_type3A, %cond3A : i32
    scf.if %cond3A_11 {
      %mul3A_28 = arith.constant 16 : i32
      %mul3A_29 = arith.muli %arg0, %mul3A_28 : i32
      "tpu.region"() ({
        %run_scoped3A = tpu.sem_alloc : memref<!tpu.dma_semaphore, #tpu.memory_space<semaphore_mem>>
        %dma_start3A = tpu.memref_slice %arg6[%mul3A_29] : memref<32xi32, #tpu.memory_space<hbm>> -> memref<16xi32, #tpu.memory_space<hbm>>
        %dma_start3A_266 = tpu.memref_slice %arg6[%mul3A_29] : memref<32xi32, #tpu.memory_space<hbm>> -> memref<16xi32, #tpu.memory_space<hbm>>
        tpu.enqueue_dma source(%dma_start3A_266 : memref<16xi32, #tpu.memory_space<hbm>>) target(%arg19 : memref<16xi32, #tpu.memory_space<vmem>>) target_semaphore(%run_scoped3A : memref<!tpu.dma_semaphore, #tpu.memory_space<semaphore_mem>>)
        %dma_wait3A = tpu.memref_slice %arg6[%mul3A_29] : memref<32xi32, #tpu.memory_space<hbm>> -> memref<16xi32, #tpu.memory_space<hbm>>
        %dma_wait3A_267 = tpu.memref_slice %arg6[%mul3A_29] : memref<32xi32, #tpu.memory_space<hbm>> -> memref<16xi32, #tpu.memory_space<hbm>>
        tpu.wait_dma2 semaphore(%run_scoped3A : memref<!tpu.dma_semaphore, #tpu.memory_space<semaphore_mem>>) src(%dma_wait3A_267 : memref<16xi32, #tpu.memory_space<hbm>>) dst(%arg19 : memref<16xi32, #tpu.memory_space<vmem>>)
        tpu.yield
      }) : () -> ()
      "tpu.region"() ({
        %run_scoped3A = tpu.sem_alloc : memref<!tpu.dma_semaphore, #tpu.memory_space<semaphore_mem>>
        %dma_start3A = arith.constant 0 : i32
        %dma_start3A_266 = tpu.memref_slice %arg5[%dma_start3A] : memref<100352xf32, #tpu.memory_space<hbm>> -> memref<100352xf32, #tpu.memory_space<hbm>>
        tpu.enqueue_indirect_dma source(%dma_start3A_266 : memref<100352xf32, #tpu.memory_space<hbm>>) target(%arg20 : memref<16xf32, #tpu.memory_space<vmem>>) offsets(%arg19 : memref<16xi32, #tpu.memory_space<vmem>>) semaphore(%run_scoped3A : memref<!tpu.dma_semaphore, #tpu.memory_space<semaphore_mem>>)
        %dma_wait3A = arith.constant 0 : i32
        %dma_wait3A_267 = tpu.memref_slice %arg5[%dma_wait3A] : memref<100352xf32, #tpu.memory_space<hbm>> -> memref<100352xf32, #tpu.memory_space<hbm>>
        tpu.wait_indirect_dma semaphore(%run_scoped3A : memref<!tpu.dma_semaphore, #tpu.memory_space<semaphore_mem>>) src(%dma_wait3A_267 : memref<100352xf32, #tpu.memory_space<hbm>>) dst(%arg20 : memref<16xf32, #tpu.memory_space<vmem>>)
        tpu.yield
      }) : () -> ()
      %get3A = arith.constant 0 : index
      %get3A_30 = tpu.vector_load %arg20[%get3A] {strides = array<i32>} : memref<16xf32, #tpu.memory_space<vmem>>, vector<16xf32>,
      %get3A_31 = vector.shape_cast %get3A_30 : vector<16xf32> to vector<16xf32>
      %iota3A = tpu.iota {dimensions = array<i32: 0>} : vector<16xi32>
      %eq3A_32 = arith.constant 0 : i32
      %eq3A_33 = vector.broadcast %eq3A_32 : i32 to vector<16xi32>
      %eq3A_34 = arith.cmpi eq, %iota3A, %eq3A_33 : vector<16xi32>
      %slice3A = vector.extract_strided_slice %get3A_31 {offsets = [0], sizes = [1], strides = [1]} : vector<16xf32> to vector<1xf32>
      %squeeze3A = vector.extract %slice3A[0] : f32 from vector<1xf32>
      %jit3A = arith.constant 0.000000e+00 : f32
      %broadcast_in_dim3A = vector.broadcast %squeeze3A : f32 to vector<16xf32>
      %broadcast_in_dim3A_35 = vector.broadcast %jit3A : f32 to vector<16xf32>
      %select_n3A = arith.select %eq3A_34, %broadcast_in_dim3A, %broadcast_in_dim3A_35 : vector<16xi1>, vector<16xf32>
      %swap3A = arith.constant 0 : i32
      %swap3A_36 = arith.index_cast %swap3A : i32 to index
      %swap3A_37 = arith.constant 0 : index
      %swap3A_38 = tpu.vector_load %arg21[%swap3A_36, %swap3A_37] {strides = array<i32>} : memref<16x16xf32, #tpu.memory_space<vmem>>, vector<1x16xf32>,
      %swap3A_39 = vector.shape_cast %swap3A_38 : vector<1x16xf32> to vector<16xf32>
      %swap3A_40 = vector.shape_cast %select_n3A : vector<16xf32> to vector<1x16xf32>
      tpu.vector_store %arg21[%swap3A_36, %swap3A_37], %swap3A_40 {strides = array<i32>} : memref<16x16xf32, #tpu.memory_space<vmem>>, vector<1x16xf32>,
      %eq3A_41 = arith.constant 1 : i32
      %eq3A_42 = vector.broadcast %eq3A_41 : i32 to vector<16xi32>
      %eq3A_43 = arith.cmpi eq, %iota3A, %eq3A_42 : vector<16xi32>
      %slice3A_44 = vector.extract_strided_slice %get3A_31 {offsets = [1], sizes = [1], strides = [1]} : vector<16xf32> to vector<1xf32>
      %squeeze3A_45 = vector.extract %slice3A_44[0] : f32 from vector<1xf32>
      %jit3A_46 = arith.constant 0.000000e+00 : f32
      %broadcast_in_dim3A_47 = vector.broadcast %squeeze3A_45 : f32 to vector<16xf32>
      %broadcast_in_dim3A_48 = vector.broadcast %jit3A_46 : f32 to vector<16xf32>
      %select_n3A_49 = arith.select %eq3A_43, %broadcast_in_dim3A_47, %broadcast_in_dim3A_48 : vector<16xi1>, vector<16xf32>
      %swap3A_50 = arith.constant 1 : i32
      %swap3A_51 = arith.index_cast %swap3A_50 : i32 to index
      %swap3A_52 = arith.constant 0 : index
      %swap3A_53 = tpu.vector_load %arg21[%swap3A_51, %swap3A_52] {strides = array<i32>} : memref<16x16xf32, #tpu.memory_space<vmem>>, vector<1x16xf32>,
      %swap3A_54 = vector.shape_cast %swap3A_53 : vector<1x16xf32> to vector<16xf32>
      %swap3A_55 = vector.shape_cast %select_n3A_49 : vector<16xf32> to vector<1x16xf32>
      tpu.vector_store %arg21[%swap3A_51, %swap3A_52], %swap3A_55 {strides = array<i32>} : memref<16x16xf32, #tpu.memory_space<vmem>>, vector<1x16xf32>,
      %eq3A_56 = arith.constant 2 : i32
      %eq3A_57 = vector.broadcast %eq3A_56 : i32 to vector<16xi32>
      %eq3A_58 = arith.cmpi eq, %iota3A, %eq3A_57 : vector<16xi32>
      %slice3A_59 = vector.extract_strided_slice %get3A_31 {offsets = [2], sizes = [1], strides = [1]} : vector<16xf32> to vector<1xf32>
      %squeeze3A_60 = vector.extract %slice3A_59[0] : f32 from vector<1xf32>
      %jit3A_61 = arith.constant 0.000000e+00 : f32
      %broadcast_in_dim3A_62 = vector.broadcast %squeeze3A_60 : f32 to vector<16xf32>
      %broadcast_in_dim3A_63 = vector.broadcast %jit3A_61 : f32 to vector<16xf32>
      %select_n3A_64 = arith.select %eq3A_58, %broadcast_in_dim3A_62, %broadcast_in_dim3A_63 : vector<16xi1>, vector<16xf32>
      %swap3A_65 = arith.constant 2 : i32
      %swap3A_66 = arith.index_cast %swap3A_65 : i32 to index
      %swap3A_67 = arith.constant 0 : index
      %swap3A_68 = tpu.vector_load %arg21[%swap3A_66, %swap3A_67] {strides = array<i32>} : memref<16x16xf32, #tpu.memory_space<vmem>>, vector<1x16xf32>,
      %swap3A_69 = vector.shape_cast %swap3A_68 : vector<1x16xf32> to vector<16xf32>
      %swap3A_70 = vector.shape_cast %select_n3A_64 : vector<16xf32> to vector<1x16xf32>
      tpu.vector_store %arg21[%swap3A_66, %swap3A_67], %swap3A_70 {strides = array<i32>} : memref<16x16xf32, #tpu.memory_space<vmem>>, vector<1x16xf32>,
      %eq3A_71 = arith.constant 3 : i32
      %eq3A_72 = vector.broadcast %eq3A_71 : i32 to vector<16xi32>
      %eq3A_73 = arith.cmpi eq, %iota3A, %eq3A_72 : vector<16xi32>
      %slice3A_74 = vector.extract_strided_slice %get3A_31 {offsets = [3], sizes = [1], strides = [1]} : vector<16xf32> to vector<1xf32>
      %squeeze3A_75 = vector.extract %slice3A_74[0] : f32 from vector<1xf32>
      %jit3A_76 = arith.constant 0.000000e+00 : f32
      %broadcast_in_dim3A_77 = vector.broadcast %squeeze3A_75 : f32 to vector<16xf32>
      %broadcast_in_dim3A_78 = vector.broadcast %jit3A_76 : f32 to vector<16xf32>
      %select_n3A_79 = arith.select %eq3A_73, %broadcast_in_dim3A_77, %broadcast_in_dim3A_78 : vector<16xi1>, vector<16xf32>
      %swap3A_80 = arith.constant 3 : i32
      %swap3A_81 = arith.index_cast %swap3A_80 : i32 to index
      %swap3A_82 = arith.constant 0 : index
      %swap3A_83 = tpu.vector_load %arg21[%swap3A_81, %swap3A_82] {strides = array<i32>} : memref<16x16xf32, #tpu.memory_space<vmem>>, vector<1x16xf32>,
      %swap3A_84 = vector.shape_cast %swap3A_83 : vector<1x16xf32> to vector<16xf32>
      %swap3A_85 = vector.shape_cast %select_n3A_79 : vector<16xf32> to vector<1x16xf32>
      tpu.vector_store %arg21[%swap3A_81, %swap3A_82], %swap3A_85 {strides = array<i32>} : memref<16x16xf32, #tpu.memory_space<vmem>>, vector<1x16xf32>,
      %eq3A_86 = arith.constant 4 : i32
      %eq3A_87 = vector.broadcast %eq3A_86 : i32 to vector<16xi32>
      %eq3A_88 = arith.cmpi eq, %iota3A, %eq3A_87 : vector<16xi32>
      %slice3A_89 = vector.extract_strided_slice %get3A_31 {offsets = [4], sizes = [1], strides = [1]} : vector<16xf32> to vector<1xf32>
      %squeeze3A_90 = vector.extract %slice3A_89[0] : f32 from vector<1xf32>
      %jit3A_91 = arith.constant 0.000000e+00 : f32
      %broadcast_in_dim3A_92 = vector.broadcast %squeeze3A_90 : f32 to vector<16xf32>
      %broadcast_in_dim3A_93 = vector.broadcast %jit3A_91 : f32 to vector<16xf32>
      %select_n3A_94 = arith.select %eq3A_88, %broadcast_in_dim3A_92, %broadcast_in_dim3A_93 : vector<16xi1>, vector<16xf32>
      %swap3A_95 = arith.constant 4 : i32
      %swap3A_96 = arith.index_cast %swap3A_95 : i32 to index
      %swap3A_97 = arith.constant 0 : index
      %swap3A_98 = tpu.vector_load %arg21[%swap3A_96, %swap3A_97] {strides = array<i32>} : memref<16x16xf32, #tpu.memory_space<vmem>>, vector<1x16xf32>,
      %swap3A_99 = vector.shape_cast %swap3A_98 : vector<1x16xf32> to vector<16xf32>
      %swap3A_100 = vector.shape_cast %select_n3A_94 : vector<16xf32> to vector<1x16xf32>
      tpu.vector_store %arg21[%swap3A_96, %swap3A_97], %swap3A_100 {strides = array<i32>} : memref<16x16xf32, #tpu.memory_space<vmem>>, vector<1x16xf32>,
      %eq3A_101 = arith.constant 5 : i32
      %eq3A_102 = vector.broadcast %eq3A_101 : i32 to vector<16xi32>
      %eq3A_103 = arith.cmpi eq, %iota3A, %eq3A_102 : vector<16xi32>
      %slice3A_104 = vector.extract_strided_slice %get3A_31 {offsets = [5], sizes = [1], strides = [1]} : vector<16xf32> to vector<1xf32>
      %squeeze3A_105 = vector.extract %slice3A_104[0] : f32 from vector<1xf32>
      %jit3A_106 = arith.constant 0.000000e+00 : f32
      %broadcast_in_dim3A_107 = vector.broadcast %squeeze3A_105 : f32 to vector<16xf32>
      %broadcast_in_dim3A_108 = vector.broadcast %jit3A_106 : f32 to vector<16xf32>
      %select_n3A_109 = arith.select %eq3A_103, %broadcast_in_dim3A_107, %broadcast_in_dim3A_108 : vector<16xi1>, vector<16xf32>
      %swap3A_110 = arith.constant 5 : i32
      %swap3A_111 = arith.index_cast %swap3A_110 : i32 to index
      %swap3A_112 = arith.constant 0 : index
      %swap3A_113 = tpu.vector_load %arg21[%swap3A_111, %swap3A_112] {strides = array<i32>} : memref<16x16xf32, #tpu.memory_space<vmem>>, vector<1x16xf32>,
      %swap3A_114 = vector.shape_cast %swap3A_113 : vector<1x16xf32> to vector<16xf32>
      %swap3A_115 = vector.shape_cast %select_n3A_109 : vector<16xf32> to vector<1x16xf32>
      tpu.vector_store %arg21[%swap3A_111, %swap3A_112], %swap3A_115 {strides = array<i32>} : memref<16x16xf32, #tpu.memory_space<vmem>>, vector<1x16xf32>,
      %eq3A_116 = arith.constant 6 : i32
      %eq3A_117 = vector.broadcast %eq3A_116 : i32 to vector<16xi32>
      %eq3A_118 = arith.cmpi eq, %iota3A, %eq3A_117 : vector<16xi32>
      %slice3A_119 = vector.extract_strided_slice %get3A_31 {offsets = [6], sizes = [1], strides = [1]} : vector<16xf32> to vector<1xf32>
      %squeeze3A_120 = vector.extract %slice3A_119[0] : f32 from vector<1xf32>
      %jit3A_121 = arith.constant 0.000000e+00 : f32
      %broadcast_in_dim3A_122 = vector.broadcast %squeeze3A_120 : f32 to vector<16xf32>
      %broadcast_in_dim3A_123 = vector.broadcast %jit3A_121 : f32 to vector<16xf32>
      %select_n3A_124 = arith.select %eq3A_118, %broadcast_in_dim3A_122, %broadcast_in_dim3A_123 : vector<16xi1>, vector<16xf32>
      %swap3A_125 = arith.constant 6 : i32
      %swap3A_126 = arith.index_cast %swap3A_125 : i32 to index
      %swap3A_127 = arith.constant 0 : index
      %swap3A_128 = tpu.vector_load %arg21[%swap3A_126, %swap3A_127] {strides = array<i32>} : memref<16x16xf32, #tpu.memory_space<vmem>>, vector<1x16xf32>,
      %swap3A_129 = vector.shape_cast %swap3A_128 : vector<1x16xf32> to vector<16xf32>
      %swap3A_130 = vector.shape_cast %select_n3A_124 : vector<16xf32> to vector<1x16xf32>
      tpu.vector_store %arg21[%swap3A_126, %swap3A_127], %swap3A_130 {strides = array<i32>} : memref<16x16xf32, #tpu.memory_space<vmem>>, vector<1x16xf32>,
      %eq3A_131 = arith.constant 7 : i32
      %eq3A_132 = vector.broadcast %eq3A_131 : i32 to vector<16xi32>
      %eq3A_133 = arith.cmpi eq, %iota3A, %eq3A_132 : vector<16xi32>
      %slice3A_134 = vector.extract_strided_slice %get3A_31 {offsets = [7], sizes = [1], strides = [1]} : vector<16xf32> to vector<1xf32>
      %squeeze3A_135 = vector.extract %slice3A_134[0] : f32 from vector<1xf32>
      %jit3A_136 = arith.constant 0.000000e+00 : f32
      %broadcast_in_dim3A_137 = vector.broadcast %squeeze3A_135 : f32 to vector<16xf32>
      %broadcast_in_dim3A_138 = vector.broadcast %jit3A_136 : f32 to vector<16xf32>
      %select_n3A_139 = arith.select %eq3A_133, %broadcast_in_dim3A_137, %broadcast_in_dim3A_138 : vector<16xi1>, vector<16xf32>
      %swap3A_140 = arith.constant 7 : i32
      %swap3A_141 = arith.index_cast %swap3A_140 : i32 to index
      %swap3A_142 = arith.constant 0 : index
      %swap3A_143 = tpu.vector_load %arg21[%swap3A_141, %swap3A_142] {strides = array<i32>} : memref<16x16xf32, #tpu.memory_space<vmem>>, vector<1x16xf32>,
      %swap3A_144 = vector.shape_cast %swap3A_143 : vector<1x16xf32> to vector<16xf32>
      %swap3A_145 = vector.shape_cast %select_n3A_139 : vector<16xf32> to vector<1x16xf32>
      tpu.vector_store %arg21[%swap3A_141, %swap3A_142], %swap3A_145 {strides = array<i32>} : memref<16x16xf32, #tpu.memory_space<vmem>>, vector<1x16xf32>,
      %eq3A_146 = arith.constant 8 : i32
      %eq3A_147 = vector.broadcast %eq3A_146 : i32 to vector<16xi32>
      %eq3A_148 = arith.cmpi eq, %iota3A, %eq3A_147 : vector<16xi32>
      %slice3A_149 = vector.extract_strided_slice %get3A_31 {offsets = [8], sizes = [1], strides = [1]} : vector<16xf32> to vector<1xf32>
      %squeeze3A_150 = vector.extract %slice3A_149[0] : f32 from vector<1xf32>
      %jit3A_151 = arith.constant 0.000000e+00 : f32
      %broadcast_in_dim3A_152 = vector.broadcast %squeeze3A_150 : f32 to vector<16xf32>
      %broadcast_in_dim3A_153 = vector.broadcast %jit3A_151 : f32 to vector<16xf32>
      %select_n3A_154 = arith.select %eq3A_148, %broadcast_in_dim3A_152, %broadcast_in_dim3A_153 : vector<16xi1>, vector<16xf32>
      %swap3A_155 = arith.constant 8 : i32
      %swap3A_156 = arith.index_cast %swap3A_155 : i32 to index
      %swap3A_157 = arith.constant 0 : index
      %swap3A_158 = tpu.vector_load %arg21[%swap3A_156, %swap3A_157] {strides = array<i32>} : memref<16x16xf32, #tpu.memory_space<vmem>>, vector<1x16xf32>,
      %swap3A_159 = vector.shape_cast %swap3A_158 : vector<1x16xf32> to vector<16xf32>
      %swap3A_160 = vector.shape_cast %select_n3A_154 : vector<16xf32> to vector<1x16xf32>
      tpu.vector_store %arg21[%swap3A_156, %swap3A_157], %swap3A_160 {strides = array<i32>} : memref<16x16xf32, #tpu.memory_space<vmem>>, vector<1x16xf32>,
      %eq3A_161 = arith.constant 9 : i32
      %eq3A_162 = vector.broadcast %eq3A_161 : i32 to vector<16xi32>
      %eq3A_163 = arith.cmpi eq, %iota3A, %eq3A_162 : vector<16xi32>
      %slice3A_164 = vector.extract_strided_slice %get3A_31 {offsets = [9], sizes = [1], strides = [1]} : vector<16xf32> to vector<1xf32>
      %squeeze3A_165 = vector.extract %slice3A_164[0] : f32 from vector<1xf32>
      %jit3A_166 = arith.constant 0.000000e+00 : f32
      %broadcast_in_dim3A_167 = vector.broadcast %squeeze3A_165 : f32 to vector<16xf32>
      %broadcast_in_dim3A_168 = vector.broadcast %jit3A_166 : f32 to vector<16xf32>
      %select_n3A_169 = arith.select %eq3A_163, %broadcast_in_dim3A_167, %broadcast_in_dim3A_168 : vector<16xi1>, vector<16xf32>
      %swap3A_170 = arith.constant 9 : i32
      %swap3A_171 = arith.index_cast %swap3A_170 : i32 to index
      %swap3A_172 = arith.constant 0 : index
      %swap3A_173 = tpu.vector_load %arg21[%swap3A_171, %swap3A_172] {strides = array<i32>} : memref<16x16xf32, #tpu.memory_space<vmem>>, vector<1x16xf32>,
      %swap3A_174 = vector.shape_cast %swap3A_173 : vector<1x16xf32> to vector<16xf32>
      %swap3A_175 = vector.shape_cast %select_n3A_169 : vector<16xf32> to vector<1x16xf32>
      tpu.vector_store %arg21[%swap3A_171, %swap3A_172], %swap3A_175 {strides = array<i32>} : memref<16x16xf32, #tpu.memory_space<vmem>>, vector<1x16xf32>,
      %eq3A_176 = arith.constant 10 : i32
      %eq3A_177 = vector.broadcast %eq3A_176 : i32 to vector<16xi32>
      %eq3A_178 = arith.cmpi eq, %iota3A, %eq3A_177 : vector<16xi32>
      %slice3A_179 = vector.extract_strided_slice %get3A_31 {offsets = [10], sizes = [1], strides = [1]} : vector<16xf32> to vector<1xf32>
      %squeeze3A_180 = vector.extract %slice3A_179[0] : f32 from vector<1xf32>
      %jit3A_181 = arith.constant 0.000000e+00 : f32
      %broadcast_in_dim3A_182 = vector.broadcast %squeeze3A_180 : f32 to vector<16xf32>
      %broadcast_in_dim3A_183 = vector.broadcast %jit3A_181 : f32 to vector<16xf32>
      %select_n3A_184 = arith.select %eq3A_178, %broadcast_in_dim3A_182, %broadcast_in_dim3A_183 : vector<16xi1>, vector<16xf32>
      %swap3A_185 = arith.constant 10 : i32
      %swap3A_186 = arith.index_cast %swap3A_185 : i32 to index
      %swap3A_187 = arith.constant 0 : index
      %swap3A_188 = tpu.vector_load %arg21[%swap3A_186, %swap3A_187] {strides = array<i32>} : memref<16x16xf32, #tpu.memory_space<vmem>>, vector<1x16xf32>,
      %swap3A_189 = vector.shape_cast %swap3A_188 : vector<1x16xf32> to vector<16xf32>
      %swap3A_190 = vector.shape_cast %select_n3A_184 : vector<16xf32> to vector<1x16xf32>
      tpu.vector_store %arg21[%swap3A_186, %swap3A_187], %swap3A_190 {strides = array<i32>} : memref<16x16xf32, #tpu.memory_space<vmem>>, vector<1x16xf32>,
      %eq3A_191 = arith.constant 11 : i32
      %eq3A_192 = vector.broadcast %eq3A_191 : i32 to vector<16xi32>
      %eq3A_193 = arith.cmpi eq, %iota3A, %eq3A_192 : vector<16xi32>
      %slice3A_194 = vector.extract_strided_slice %get3A_31 {offsets = [11], sizes = [1], strides = [1]} : vector<16xf32> to vector<1xf32>
      %squeeze3A_195 = vector.extract %slice3A_194[0] : f32 from vector<1xf32>
      %jit3A_196 = arith.constant 0.000000e+00 : f32
      %broadcast_in_dim3A_197 = vector.broadcast %squeeze3A_195 : f32 to vector<16xf32>
      %broadcast_in_dim3A_198 = vector.broadcast %jit3A_196 : f32 to vector<16xf32>
      %select_n3A_199 = arith.select %eq3A_193, %broadcast_in_dim3A_197, %broadcast_in_dim3A_198 : vector<16xi1>, vector<16xf32>
      %swap3A_200 = arith.constant 11 : i32
      %swap3A_201 = arith.index_cast %swap3A_200 : i32 to index
      %swap3A_202 = arith.constant 0 : index
      %swap3A_203 = tpu.vector_load %arg21[%swap3A_201, %swap3A_202] {strides = array<i32>} : memref<16x16xf32, #tpu.memory_space<vmem>>, vector<1x16xf32>,
      %swap3A_204 = vector.shape_cast %swap3A_203 : vector<1x16xf32> to vector<16xf32>
      %swap3A_205 = vector.shape_cast %select_n3A_199 : vector<16xf32> to vector<1x16xf32>
      tpu.vector_store %arg21[%swap3A_201, %swap3A_202], %swap3A_205 {strides = array<i32>} : memref<16x16xf32, #tpu.memory_space<vmem>>, vector<1x16xf32>,
      %eq3A_206 = arith.constant 12 : i32
      %eq3A_207 = vector.broadcast %eq3A_206 : i32 to vector<16xi32>
      %eq3A_208 = arith.cmpi eq, %iota3A, %eq3A_207 : vector<16xi32>
      %slice3A_209 = vector.extract_strided_slice %get3A_31 {offsets = [12], sizes = [1], strides = [1]} : vector<16xf32> to vector<1xf32>
      %squeeze3A_210 = vector.extract %slice3A_209[0] : f32 from vector<1xf32>
      %jit3A_211 = arith.constant 0.000000e+00 : f32
      %broadcast_in_dim3A_212 = vector.broadcast %squeeze3A_210 : f32 to vector<16xf32>
      %broadcast_in_dim3A_213 = vector.broadcast %jit3A_211 : f32 to vector<16xf32>
      %select_n3A_214 = arith.select %eq3A_208, %broadcast_in_dim3A_212, %broadcast_in_dim3A_213 : vector<16xi1>, vector<16xf32>
      %swap3A_215 = arith.constant 12 : i32
      %swap3A_216 = arith.index_cast %swap3A_215 : i32 to index
      %swap3A_217 = arith.constant 0 : index
      %swap3A_218 = tpu.vector_load %arg21[%swap3A_216, %swap3A_217] {strides = array<i32>} : memref<16x16xf32, #tpu.memory_space<vmem>>, vector<1x16xf32>,
      %swap3A_219 = vector.shape_cast %swap3A_218 : vector<1x16xf32> to vector<16xf32>
      %swap3A_220 = vector.shape_cast %select_n3A_214 : vector<16xf32> to vector<1x16xf32>
      tpu.vector_store %arg21[%swap3A_216, %swap3A_217], %swap3A_220 {strides = array<i32>} : memref<16x16xf32, #tpu.memory_space<vmem>>, vector<1x16xf32>,
      %eq3A_221 = arith.constant 13 : i32
      %eq3A_222 = vector.broadcast %eq3A_221 : i32 to vector<16xi32>
      %eq3A_223 = arith.cmpi eq, %iota3A, %eq3A_222 : vector<16xi32>
      %slice3A_224 = vector.extract_strided_slice %get3A_31 {offsets = [13], sizes = [1], strides = [1]} : vector<16xf32> to vector<1xf32>
      %squeeze3A_225 = vector.extract %slice3A_224[0] : f32 from vector<1xf32>
      %jit3A_226 = arith.constant 0.000000e+00 : f32
      %broadcast_in_dim3A_227 = vector.broadcast %squeeze3A_225 : f32 to vector<16xf32>
      %broadcast_in_dim3A_228 = vector.broadcast %jit3A_226 : f32 to vector<16xf32>
      %select_n3A_229 = arith.select %eq3A_223, %broadcast_in_dim3A_227, %broadcast_in_dim3A_228 : vector<16xi1>, vector<16xf32>
      %swap3A_230 = arith.constant 13 : i32
      %swap3A_231 = arith.index_cast %swap3A_230 : i32 to index
      %swap3A_232 = arith.constant 0 : index
      %swap3A_233 = tpu.vector_load %arg21[%swap3A_231, %swap3A_232] {strides = array<i32>} : memref<16x16xf32, #tpu.memory_space<vmem>>, vector<1x16xf32>,
      %swap3A_234 = vector.shape_cast %swap3A_233 : vector<1x16xf32> to vector<16xf32>
      %swap3A_235 = vector.shape_cast %select_n3A_229 : vector<16xf32> to vector<1x16xf32>
      tpu.vector_store %arg21[%swap3A_231, %swap3A_232], %swap3A_235 {strides = array<i32>} : memref<16x16xf32, #tpu.memory_space<vmem>>, vector<1x16xf32>,
      %eq3A_236 = arith.constant 14 : i32
      %eq3A_237 = vector.broadcast %eq3A_236 : i32 to vector<16xi32>
      %eq3A_238 = arith.cmpi eq, %iota3A, %eq3A_237 : vector<16xi32>
      %slice3A_239 = vector.extract_strided_slice %get3A_31 {offsets = [14], sizes = [1], strides = [1]} : vector<16xf32> to vector<1xf32>
      %squeeze3A_240 = vector.extract %slice3A_239[0] : f32 from vector<1xf32>
      %jit3A_241 = arith.constant 0.000000e+00 : f32
      %broadcast_in_dim3A_242 = vector.broadcast %squeeze3A_240 : f32 to vector<16xf32>
      %broadcast_in_dim3A_243 = vector.broadcast %jit3A_241 : f32 to vector<16xf32>
      %select_n3A_244 = arith.select %eq3A_238, %broadcast_in_dim3A_242, %broadcast_in_dim3A_243 : vector<16xi1>, vector<16xf32>
      %swap3A_245 = arith.constant 14 : i32
      %swap3A_246 = arith.index_cast %swap3A_245 : i32 to index
      %swap3A_247 = arith.constant 0 : index
      %swap3A_248 = tpu.vector_load %arg21[%swap3A_246, %swap3A_247] {strides = array<i32>} : memref<16x16xf32, #tpu.memory_space<vmem>>, vector<1x16xf32>,
      %swap3A_249 = vector.shape_cast %swap3A_248 : vector<1x16xf32> to vector<16xf32>
      %swap3A_250 = vector.shape_cast %select_n3A_244 : vector<16xf32> to vector<1x16xf32>
      tpu.vector_store %arg21[%swap3A_246, %swap3A_247], %swap3A_250 {strides = array<i32>} : memref<16x16xf32, #tpu.memory_space<vmem>>, vector<1x16xf32>,
      %eq3A_251 = arith.constant 15 : i32
      %eq3A_252 = vector.broadcast %eq3A_251 : i32 to vector<16xi32>
      %eq3A_253 = arith.cmpi eq, %iota3A, %eq3A_252 : vector<16xi32>
      %slice3A_254 = vector.extract_strided_slice %get3A_31 {offsets = [15], sizes = [1], strides = [1]} : vector<16xf32> to vector<1xf32>
      %squeeze3A_255 = vector.extract %slice3A_254[0] : f32 from vector<1xf32>
      %jit3A_256 = arith.constant 0.000000e+00 : f32
      %broadcast_in_dim3A_257 = vector.broadcast %squeeze3A_255 : f32 to vector<16xf32>
      %broadcast_in_dim3A_258 = vector.broadcast %jit3A_256 : f32 to vector<16xf32>
      %select_n3A_259 = arith.select %eq3A_253, %broadcast_in_dim3A_257, %broadcast_in_dim3A_258 : vector<16xi1>, vector<16xf32>
      %swap3A_260 = arith.constant 15 : i32
      %swap3A_261 = arith.index_cast %swap3A_260 : i32 to index
      %swap3A_262 = arith.constant 0 : index
      %swap3A_263 = tpu.vector_load %arg21[%swap3A_261, %swap3A_262] {strides = array<i32>} : memref<16x16xf32, #tpu.memory_space<vmem>>, vector<1x16xf32>,
      %swap3A_264 = vector.shape_cast %swap3A_263 : vector<1x16xf32> to vector<16xf32>
      %swap3A_265 = vector.shape_cast %select_n3A_259 : vector<16xf32> to vector<1x16xf32>
      tpu.vector_store %arg21[%swap3A_261, %swap3A_262], %swap3A_265 {strides = array<i32>} : memref<16x16xf32, #tpu.memory_space<vmem>>, vector<1x16xf32>,
      "tpu.region"() ({
        %run_scoped3A = tpu.sem_alloc : memref<!tpu.dma_semaphore, #tpu.memory_space<semaphore_mem>>
        %dma_start3A = arith.constant 0 : i32
        %dma_start3A_266 = arith.constant 0 : i32
        %dma_start3A_267 = tpu.memref_slice %arg9[%dma_start3A, %dma_start3A_266] : memref<100352x16xf32, #tpu.memory_space<vmem_shared>> -> memref<100352x16xf32, #tpu.memory_space<vmem_shared>>
        tpu.enqueue_indirect_dma source(%arg21 : memref<16x16xf32, #tpu.memory_space<vmem>>) target(%dma_start3A_267 : memref<100352x16xf32, #tpu.memory_space<vmem_shared>>) offsets(%arg19 : memref<16xi32, #tpu.memory_space<vmem>>) semaphore(%run_scoped3A : memref<!tpu.dma_semaphore, #tpu.memory_space<semaphore_mem>>) {add = true}
        %dma_wait3A = arith.constant 0 : i32
        %dma_wait3A_268 = arith.constant 0 : i32
        %dma_wait3A_269 = tpu.memref_slice %arg9[%dma_wait3A, %dma_wait3A_268] : memref<100352x16xf32, #tpu.memory_space<vmem_shared>> -> memref<100352x16xf32, #tpu.memory_space<vmem_shared>>
        tpu.wait_indirect_dma semaphore(%run_scoped3A : memref<!tpu.dma_semaphore, #tpu.memory_space<semaphore_mem>>) src(%arg21 : memref<16x16xf32, #tpu.memory_space<vmem>>) dst(%dma_wait3A_269 : memref<100352x16xf32, #tpu.memory_space<vmem_shared>>)
        tpu.yield
      }) : () -> ()
    } else {
    }
    %barrier3A_12 = arith.constant 0 : index
    tpu.barrier barrier_id(%barrier3A_12)
    %scan3A_13 = arith.constant 0 : i32
    %scan3A_14 = arith.constant 56 : i32
    %scan3A_15 = arith.addi %scan3A_13, %scan3A_14 : i32
    %scan3A_16 = arith.constant 1 : i32
    scf.for %scan3A_28 = %scan3A_13 to %scan3A_15 step %scan3A_16  : i32 {
      %mul3A_29 = arith.constant 1 : i32
      %mul3A_30 = arith.muli %scan3A_28, %mul3A_29 : i32
      %add3A = arith.constant 0 : i32
      %add3A_31 = arith.addi %add3A, %mul3A_30 : i32
      %mul3A_32 = arith.constant 6272 : i32
      %mul3A_33 = arith.muli %arg1, %mul3A_32 : i32
      %mul3A_34 = arith.constant 112 : i32
      %mul3A_35 = arith.muli %add3A_31, %mul3A_34 : i32
      %add3A_36 = arith.addi %mul3A_33, %mul3A_35 : i32
      %add3A_37 = arith.addi %mul3A_0, %add3A_36 : i32
      "tpu.region"() ({
        %run_scoped3A = tpu.sem_alloc : memref<!tpu.dma_semaphore, #tpu.memory_space<semaphore_mem>>
        %dma_start3A = arith.constant 0 : i32
        %dma_start3A_38 = tpu.memref_slice %arg8[%add3A_37, %dma_start3A] : memref<200704x16xf32, #tpu.memory_space<hbm>> -> memref<112x16xf32, #tpu.memory_space<hbm>>
        %dma_start3A_39 = arith.constant 0 : i32
        %dma_start3A_40 = tpu.memref_slice %arg9[%add3A_36, %dma_start3A_39] : memref<100352x16xf32, #tpu.memory_space<vmem_shared>> -> memref<112x16xf32, #tpu.memory_space<vmem_shared>>
        tpu.enqueue_dma source(%dma_start3A_40 : memref<112x16xf32, #tpu.memory_space<vmem_shared>>) target(%dma_start3A_38 : memref<112x16xf32, #tpu.memory_space<hbm>>) target_semaphore(%run_scoped3A : memref<!tpu.dma_semaphore, #tpu.memory_space<semaphore_mem>>)
        %dma_wait3A = arith.constant 0 : i32
        %dma_wait3A_41 = tpu.memref_slice %arg8[%add3A_37, %dma_wait3A] : memref<200704x16xf32, #tpu.memory_space<hbm>> -> memref<112x16xf32, #tpu.memory_space<hbm>>
        %dma_wait3A_42 = arith.constant 0 : i32
        %dma_wait3A_43 = tpu.memref_slice %arg9[%add3A_36, %dma_wait3A_42] : memref<100352x16xf32, #tpu.memory_space<vmem_shared>> -> memref<112x16xf32, #tpu.memory_space<vmem_shared>>
        tpu.wait_dma2 semaphore(%run_scoped3A : memref<!tpu.dma_semaphore, #tpu.memory_space<semaphore_mem>>) src(%dma_wait3A_43 : memref<112x16xf32, #tpu.memory_space<vmem_shared>>) dst(%dma_wait3A_41 : memref<112x16xf32, #tpu.memory_space<hbm>>)
        tpu.yield
      }) : () -> ()
      "tpu.region"() ({
        %run_scoped3A = tpu.sem_alloc : memref<!tpu.dma_semaphore, #tpu.memory_space<semaphore_mem>>
        %dma_start3A = arith.constant 0 : i32
        %dma_start3A_38 = tpu.memref_slice %arg9[%add3A_36, %dma_start3A] : memref<100352x16xf32, #tpu.memory_space<vmem_shared>> -> memref<112x16xf32, #tpu.memory_space<vmem_shared>>
        %dma_start3A_39 = arith.constant 0 : i32
        %dma_start3A_40 = tpu.memref_slice %arg9[%add3A_36, %dma_start3A_39] : memref<100352x16xf32, #tpu.memory_space<vmem_shared>> -> memref<112x16xf32, #tpu.memory_space<vmem_shared>>
        tpu.enqueue_dma source(%arg18 : memref<112x16xf32, #tpu.memory_space<vmem>>) target(%dma_start3A_40 : memref<112x16xf32, #tpu.memory_space<vmem_shared>>) target_semaphore(%run_scoped3A : memref<!tpu.dma_semaphore, #tpu.memory_space<semaphore_mem>>)
        %dma_wait3A = arith.constant 0 : i32
        %dma_wait3A_41 = tpu.memref_slice %arg9[%add3A_36, %dma_wait3A] : memref<100352x16xf32, #tpu.memory_space<vmem_shared>> -> memref<112x16xf32, #tpu.memory_space<vmem_shared>>
        %dma_wait3A_42 = arith.constant 0 : i32
        %dma_wait3A_43 = tpu.memref_slice %arg9[%add3A_36, %dma_wait3A_42] : memref<100352x16xf32, #tpu.memory_space<vmem_shared>> -> memref<112x16xf32, #tpu.memory_space<vmem_shared>>
        tpu.wait_dma2 semaphore(%run_scoped3A : memref<!tpu.dma_semaphore, #tpu.memory_space<semaphore_mem>>) src(%arg18 : memref<112x16xf32, #tpu.memory_space<vmem>>) dst(%dma_wait3A_43 : memref<112x16xf32, #tpu.memory_space<vmem_shared>>)
        tpu.yield
      }) : () -> ()
    }
    %scan3A_17 = arith.constant 56 : i32
    %barrier3A_18 = arith.constant 0 : index
    tpu.barrier barrier_id(%barrier3A_18)
    %mul3A_19 = arith.constant 98 : i32
    %mul3A_20 = arith.muli %arg1, %mul3A_19 : i32
    %mul3A_21 = arith.constant 8 : i32
    %mul3A_22 = arith.muli %mul3A_20, %mul3A_21 : i32
    %scan3A_23 = arith.constant 0 : i32
    %scan3A_24 = arith.constant 6 : i32
    %scan3A_25 = arith.addi %scan3A_23, %scan3A_24 : i32
    %scan3A_26 = arith.constant 1 : i32
    scf.for %scan3A_28 = %scan3A_23 to %scan3A_25 step %scan3A_26  : i32 {
      %mul3A_29 = arith.constant 1 : i32
      %mul3A_30 = arith.muli %scan3A_28, %mul3A_29 : i32
      %add3A = arith.constant 0 : i32
      %add3A_31 = arith.addi %add3A, %mul3A_30 : i32
      %run_scoped3A = arith.constant 0 : i32
      %run_scoped3A_32 = arith.constant 0 : i32
      "tpu.region"() ({
        %run_scoped3A_84 = tpu.sem_alloc : memref<!tpu.dma_semaphore, #tpu.memory_space<semaphore_mem>>
        %dma_start3A_85 = arith.constant 0 : i32
        %dma_start3A_86 = arith.constant 0 : i32
        %dma_start3A_87 = tpu.memref_slice %arg10[%run_scoped3A_32, %dma_start3A_85, %dma_start3A_86] : memref<2x8x128xi32, #tpu.memory_space<vmem>> -> memref<1x8x128xi32, #tpu.memory_space<vmem>>
        %dma_start3A_88 = tpu.memref_squeeze %dma_start3A_87 : memref<1x8x128xi32, #tpu.memory_space<vmem>> -> memref<8x128xi32, #tpu.memory_space<vmem>>
        %dma_start3A_89 = arith.constant 0 : i32
        %dma_start3A_90 = tpu.memref_slice %arg2[%run_scoped3A, %mul3A_22, %dma_start3A_89] : memref<2x12544x128xi32, #tpu.memory_space<hbm>> -> memref<1x8x128xi32, #tpu.memory_space<hbm>>
        %dma_start3A_91 = tpu.memref_squeeze %dma_start3A_90 : memref<1x8x128xi32, #tpu.memory_space<hbm>> -> memref<8x128xi32, #tpu.memory_space<hbm>>
        %dma_start3A_92 = arith.constant 0 : i32
        %dma_start3A_93 = arith.constant 0 : i32
        %dma_start3A_94 = tpu.memref_slice %arg10[%run_scoped3A_32, %dma_start3A_92, %dma_start3A_93] : memref<2x8x128xi32, #tpu.memory_space<vmem>> -> memref<1x8x128xi32, #tpu.memory_space<vmem>>
        %dma_start3A_95 = tpu.memref_squeeze %dma_start3A_94 : memref<1x8x128xi32, #tpu.memory_space<vmem>> -> memref<8x128xi32, #tpu.memory_space<vmem>>
        %dma_start3A_96 = arith.constant 0 : i32
        %dma_start3A_97 = tpu.memref_slice %arg2[%run_scoped3A, %mul3A_22, %dma_start3A_96] : memref<2x12544x128xi32, #tpu.memory_space<hbm>> -> memref<1x8x128xi32, #tpu.memory_space<hbm>>
        %dma_start3A_98 = tpu.memref_squeeze %dma_start3A_97 : memref<1x8x128xi32, #tpu.memory_space<hbm>> -> memref<8x128xi32, #tpu.memory_space<hbm>>
        tpu.enqueue_dma source(%dma_start3A_98 : memref<8x128xi32, #tpu.memory_space<hbm>>) target(%dma_start3A_95 : memref<8x128xi32, #tpu.memory_space<vmem>>) target_semaphore(%run_scoped3A_84 : memref<!tpu.dma_semaphore, #tpu.memory_space<semaphore_mem>>)
        %dma_wait3A = arith.constant 0 : i32
        %dma_wait3A_99 = arith.constant 0 : i32
        %dma_wait3A_100 = tpu.memref_slice %arg10[%run_scoped3A_32, %dma_wait3A, %dma_wait3A_99] : memref<2x8x128xi32, #tpu.memory_space<vmem>> -> memref<1x8x128xi32, #tpu.memory_space<vmem>>
        %dma_wait3A_101 = tpu.memref_squeeze %dma_wait3A_100 : memref<1x8x128xi32, #tpu.memory_space<vmem>> -> memref<8x128xi32, #tpu.memory_space<vmem>>
        %dma_wait3A_102 = arith.constant 0 : i32
        %dma_wait3A_103 = tpu.memref_slice %arg2[%run_scoped3A, %mul3A_22, %dma_wait3A_102] : memref<2x12544x128xi32, #tpu.memory_space<hbm>> -> memref<1x8x128xi32, #tpu.memory_space<hbm>>
        %dma_wait3A_104 = tpu.memref_squeeze %dma_wait3A_103 : memref<1x8x128xi32, #tpu.memory_space<hbm>> -> memref<8x128xi32, #tpu.memory_space<hbm>>
        %dma_wait3A_105 = arith.constant 0 : i32
        %dma_wait3A_106 = arith.constant 0 : i32
        %dma_wait3A_107 = tpu.memref_slice %arg10[%run_scoped3A_32, %dma_wait3A_105, %dma_wait3A_106] : memref<2x8x128xi32, #tpu.memory_space<vmem>> -> memref<1x8x128xi32, #tpu.memory_space<vmem>>
        %dma_wait3A_108 = tpu.memref_squeeze %dma_wait3A_107 : memref<1x8x128xi32, #tpu.memory_space<vmem>> -> memref<8x128xi32, #tpu.memory_space<vmem>>
        %dma_wait3A_109 = arith.constant 0 : i32
        %dma_wait3A_110 = tpu.memref_slice %arg2[%run_scoped3A, %mul3A_22, %dma_wait3A_109] : memref<2x12544x128xi32, #tpu.memory_space<hbm>> -> memref<1x8x128xi32, #tpu.memory_space<hbm>>
        %dma_wait3A_111 = tpu.memref_squeeze %dma_wait3A_110 : memref<1x8x128xi32, #tpu.memory_space<hbm>> -> memref<8x128xi32, #tpu.memory_space<hbm>>
        tpu.wait_dma2 semaphore(%run_scoped3A_84 : memref<!tpu.dma_semaphore, #tpu.memory_space<semaphore_mem>>) src(%dma_wait3A_111 : memref<8x128xi32, #tpu.memory_space<hbm>>) dst(%dma_wait3A_108 : memref<8x128xi32, #tpu.memory_space<vmem>>)
        tpu.yield
      }) : () -> ()
      %run_scoped3A_33 = arith.constant 1 : i32
      %run_scoped3A_34 = arith.constant 0 : i32
      "tpu.region"() ({
        %run_scoped3A_84 = tpu.sem_alloc : memref<!tpu.dma_semaphore, #tpu.memory_space<semaphore_mem>>
        %dma_start3A_85 = arith.constant 0 : i32
        %dma_start3A_86 = arith.constant 0 : i32
        %dma_start3A_87 = tpu.memref_slice %arg11[%run_scoped3A_34, %dma_start3A_85, %dma_start3A_86] : memref<2x8x128xi32, #tpu.memory_space<vmem>> -> memref<1x8x128xi32, #tpu.memory_space<vmem>>
        %dma_start3A_88 = tpu.memref_squeeze %dma_start3A_87 : memref<1x8x128xi32, #tpu.memory_space<vmem>> -> memref<8x128xi32, #tpu.memory_space<vmem>>
        %dma_start3A_89 = arith.constant 0 : i32
        %dma_start3A_90 = tpu.memref_slice %arg2[%run_scoped3A_33, %mul3A_22, %dma_start3A_89] : memref<2x12544x128xi32, #tpu.memory_space<hbm>> -> memref<1x8x128xi32, #tpu.memory_space<hbm>>
        %dma_start3A_91 = tpu.memref_squeeze %dma_start3A_90 : memref<1x8x128xi32, #tpu.memory_space<hbm>> -> memref<8x128xi32, #tpu.memory_space<hbm>>
        %dma_start3A_92 = arith.constant 0 : i32
        %dma_start3A_93 = arith.constant 0 : i32
        %dma_start3A_94 = tpu.memref_slice %arg11[%run_scoped3A_34, %dma_start3A_92, %dma_start3A_93] : memref<2x8x128xi32, #tpu.memory_space<vmem>> -> memref<1x8x128xi32, #tpu.memory_space<vmem>>
        %dma_start3A_95 = tpu.memref_squeeze %dma_start3A_94 : memref<1x8x128xi32, #tpu.memory_space<vmem>> -> memref<8x128xi32, #tpu.memory_space<vmem>>
        %dma_start3A_96 = arith.constant 0 : i32
        %dma_start3A_97 = tpu.memref_slice %arg2[%run_scoped3A_33, %mul3A_22, %dma_start3A_96] : memref<2x12544x128xi32, #tpu.memory_space<hbm>> -> memref<1x8x128xi32, #tpu.memory_space<hbm>>
        %dma_start3A_98 = tpu.memref_squeeze %dma_start3A_97 : memref<1x8x128xi32, #tpu.memory_space<hbm>> -> memref<8x128xi32, #tpu.memory_space<hbm>>
        tpu.enqueue_dma source(%dma_start3A_98 : memref<8x128xi32, #tpu.memory_space<hbm>>) target(%dma_start3A_95 : memref<8x128xi32, #tpu.memory_space<vmem>>) target_semaphore(%run_scoped3A_84 : memref<!tpu.dma_semaphore, #tpu.memory_space<semaphore_mem>>)
        %dma_wait3A = arith.constant 0 : i32
        %dma_wait3A_99 = arith.constant 0 : i32
        %dma_wait3A_100 = tpu.memref_slice %arg11[%run_scoped3A_34, %dma_wait3A, %dma_wait3A_99] : memref<2x8x128xi32, #tpu.memory_space<vmem>> -> memref<1x8x128xi32, #tpu.memory_space<vmem>>
        %dma_wait3A_101 = tpu.memref_squeeze %dma_wait3A_100 : memref<1x8x128xi32, #tpu.memory_space<vmem>> -> memref<8x128xi32, #tpu.memory_space<vmem>>
        %dma_wait3A_102 = arith.constant 0 : i32
        %dma_wait3A_103 = tpu.memref_slice %arg2[%run_scoped3A_33, %mul3A_22, %dma_wait3A_102] : memref<2x12544x128xi32, #tpu.memory_space<hbm>> -> memref<1x8x128xi32, #tpu.memory_space<hbm>>
        %dma_wait3A_104 = tpu.memref_squeeze %dma_wait3A_103 : memref<1x8x128xi32, #tpu.memory_space<hbm>> -> memref<8x128xi32, #tpu.memory_space<hbm>>
        %dma_wait3A_105 = arith.constant 0 : i32
        %dma_wait3A_106 = arith.constant 0 : i32
        %dma_wait3A_107 = tpu.memref_slice %arg11[%run_scoped3A_34, %dma_wait3A_105, %dma_wait3A_106] : memref<2x8x128xi32, #tpu.memory_space<vmem>> -> memref<1x8x128xi32, #tpu.memory_space<vmem>>
        %dma_wait3A_108 = tpu.memref_squeeze %dma_wait3A_107 : memref<1x8x128xi32, #tpu.memory_space<vmem>> -> memref<8x128xi32, #tpu.memory_space<vmem>>
        %dma_wait3A_109 = arith.constant 0 : i32
        %dma_wait3A_110 = tpu.memref_slice %arg2[%run_scoped3A_33, %mul3A_22, %dma_wait3A_109] : memref<2x12544x128xi32, #tpu.memory_space<hbm>> -> memref<1x8x128xi32, #tpu.memory_space<hbm>>
        %dma_wait3A_111 = tpu.memref_squeeze %dma_wait3A_110 : memref<1x8x128xi32, #tpu.memory_space<hbm>> -> memref<8x128xi32, #tpu.memory_space<hbm>>
        tpu.wait_dma2 semaphore(%run_scoped3A_84 : memref<!tpu.dma_semaphore, #tpu.memory_space<semaphore_mem>>) src(%dma_wait3A_111 : memref<8x128xi32, #tpu.memory_space<hbm>>) dst(%dma_wait3A_108 : memref<8x128xi32, #tpu.memory_space<vmem>>)
        tpu.yield
      }) : () -> ()
      %scan3A_35 = arith.constant 0 : i32
      %scan3A_36 = arith.constant 98 : i32
      %scan3A_37 = arith.addi %scan3A_35, %scan3A_36 : i32
      %scan3A_38 = arith.constant 1 : i32
      scf.for %scan3A_84 = %scan3A_35 to %scan3A_37 step %scan3A_38  : i32 {
        %mul3A_85 = arith.constant 1 : i32
        %mul3A_86 = arith.muli %scan3A_84, %mul3A_85 : i32
        %add3A_87 = arith.constant 0 : i32
        %add3A_88 = arith.addi %add3A_87, %mul3A_86 : i32
        %rem3A = arith.constant 2 : i32
        %rem3A_89 = arith.remsi %add3A_88, %rem3A : i32
        %gt3A = arith.constant 0 : i32
        %gt3A_90 = arith.cmpi sgt, %add3A_88, %gt3A : i32
        %convert_element_type3A_91 = arith.extui %gt3A_90 : i1 to i32
        %cond3A_92 = arith.constant 0 : i32
        %cond3A_93 = arith.cmpi ne, %convert_element_type3A_91, %cond3A_92 : i32
        scf.if %cond3A_93 {
          %mul3A_432 = arith.constant 8 : i32
          %mul3A_433 = arith.muli %add3A_88, %mul3A_432 : i32
          %add3A_434 = arith.addi %mul3A_22, %mul3A_433 : i32
          %dma_wait3A_435 = arith.constant 0 : i32
          %dma_wait3A_436 = arith.constant 0 : i32
          %dma_wait3A_437 = arith.constant 0 : i32
          %dma_wait3A_438 = tpu.memref_slice %arg10[%rem3A_89, %dma_wait3A_436, %dma_wait3A_437] : memref<2x8x128xi32, #tpu.memory_space<vmem>> -> memref<1x8x128xi32, #tpu.memory_space<vmem>>
          %dma_wait3A_439 = tpu.memref_squeeze %dma_wait3A_438 : memref<1x8x128xi32, #tpu.memory_space<vmem>> -> memref<8x128xi32, #tpu.memory_space<vmem>>
          %dma_wait3A_440 = arith.constant 0 : i32
          %dma_wait3A_441 = tpu.memref_slice %arg2[%dma_wait3A_435, %add3A_434, %dma_wait3A_440] : memref<2x12544x128xi32, #tpu.memory_space<hbm>> -> memref<1x8x128xi32, #tpu.memory_space<hbm>>
          %dma_wait3A_442 = tpu.memref_squeeze %dma_wait3A_441 : memref<1x8x128xi32, #tpu.memory_space<hbm>> -> memref<8x128xi32, #tpu.memory_space<hbm>>
          %dma_wait3A_443 = arith.constant 0 : i32
          %dma_wait3A_444 = arith.constant 0 : i32
          %dma_wait3A_445 = tpu.memref_slice %arg10[%rem3A_89, %dma_wait3A_443, %dma_wait3A_444] : memref<2x8x128xi32, #tpu.memory_space<vmem>> -> memref<1x8x128xi32, #tpu.memory_space<vmem>>
          %dma_wait3A_446 = tpu.memref_squeeze %dma_wait3A_445 : memref<1x8x128xi32, #tpu.memory_space<vmem>> -> memref<8x128xi32, #tpu.memory_space<vmem>>
          %dma_wait3A_447 = arith.constant 0 : i32
          %dma_wait3A_448 = tpu.memref_slice %arg2[%dma_wait3A_435, %add3A_434, %dma_wait3A_447] : memref<2x12544x128xi32, #tpu.memory_space<hbm>> -> memref<1x8x128xi32, #tpu.memory_space<hbm>>
          %dma_wait3A_449 = tpu.memref_squeeze %dma_wait3A_448 : memref<1x8x128xi32, #tpu.memory_space<hbm>> -> memref<8x128xi32, #tpu.memory_space<hbm>>
          tpu.wait_dma2 semaphore(%arg22 : memref<!tpu.dma_semaphore, #tpu.memory_space<semaphore_mem>>) src(%dma_wait3A_449 : memref<8x128xi32, #tpu.memory_space<hbm>>) dst(%dma_wait3A_446 : memref<8x128xi32, #tpu.memory_space<vmem>>)
          %mul3A_450 = arith.constant 8 : i32
          %mul3A_451 = arith.muli %add3A_88, %mul3A_450 : i32
          %add3A_452 = arith.addi %mul3A_22, %mul3A_451 : i32
          %dma_wait3A_453 = arith.constant 1 : i32
          %dma_wait3A_454 = arith.constant 0 : i32
          %dma_wait3A_455 = arith.constant 0 : i32
          %dma_wait3A_456 = tpu.memref_slice %arg11[%rem3A_89, %dma_wait3A_454, %dma_wait3A_455] : memref<2x8x128xi32, #tpu.memory_space<vmem>> -> memref<1x8x128xi32, #tpu.memory_space<vmem>>
          %dma_wait3A_457 = tpu.memref_squeeze %dma_wait3A_456 : memref<1x8x128xi32, #tpu.memory_space<vmem>> -> memref<8x128xi32, #tpu.memory_space<vmem>>
          %dma_wait3A_458 = arith.constant 0 : i32
          %dma_wait3A_459 = tpu.memref_slice %arg2[%dma_wait3A_453, %add3A_452, %dma_wait3A_458] : memref<2x12544x128xi32, #tpu.memory_space<hbm>> -> memref<1x8x128xi32, #tpu.memory_space<hbm>>
          %dma_wait3A_460 = tpu.memref_squeeze %dma_wait3A_459 : memref<1x8x128xi32, #tpu.memory_space<hbm>> -> memref<8x128xi32, #tpu.memory_space<hbm>>
          %dma_wait3A_461 = arith.constant 0 : i32
          %dma_wait3A_462 = arith.constant 0 : i32
          %dma_wait3A_463 = tpu.memref_slice %arg11[%rem3A_89, %dma_wait3A_461, %dma_wait3A_462] : memref<2x8x128xi32, #tpu.memory_space<vmem>> -> memref<1x8x128xi32, #tpu.memory_space<vmem>>
          %dma_wait3A_464 = tpu.memref_squeeze %dma_wait3A_463 : memref<1x8x128xi32, #tpu.memory_space<vmem>> -> memref<8x128xi32, #tpu.memory_space<vmem>>
          %dma_wait3A_465 = arith.constant 0 : i32
          %dma_wait3A_466 = tpu.memref_slice %arg2[%dma_wait3A_453, %add3A_452, %dma_wait3A_465] : memref<2x12544x128xi32, #tpu.memory_space<hbm>> -> memref<1x8x128xi32, #tpu.memory_space<hbm>>
          %dma_wait3A_467 = tpu.memref_squeeze %dma_wait3A_466 : memref<1x8x128xi32, #tpu.memory_space<hbm>> -> memref<8x128xi32, #tpu.memory_space<hbm>>
          tpu.wait_dma2 semaphore(%arg22 : memref<!tpu.dma_semaphore, #tpu.memory_space<semaphore_mem>>) src(%dma_wait3A_467 : memref<8x128xi32, #tpu.memory_space<hbm>>) dst(%dma_wait3A_464 : memref<8x128xi32, #tpu.memory_space<vmem>>)
        } else {
        }
        %scan3A_94 = arith.constant 0 : i32
        %scan3A_95 = arith.constant 8 : i32
        %scan3A_96 = arith.addi %scan3A_94, %scan3A_95 : i32
        %scan3A_97 = arith.constant 1 : i32
        scf.for %scan3A_432 = %scan3A_94 to %scan3A_96 step %scan3A_97  : i32 {
          %mul3A_433 = arith.constant 1 : i32
          %mul3A_434 = arith.muli %scan3A_432, %mul3A_433 : i32
          %add3A_435 = arith.constant 0 : i32
          %add3A_436 = arith.addi %add3A_435, %mul3A_434 : i32
          %get3A = arith.index_cast %rem3A_89 : i32 to index
          %get3A_437 = arith.index_cast %add3A_436 : i32 to index
          %get3A_438 = arith.constant 0 : index
          %get3A_439 = tpu.vector_load %arg10[%get3A, %get3A_437, %get3A_438] {strides = array<i32>} : memref<2x8x128xi32, #tpu.memory_space<vmem>>, vector<1x1x16xi32>,
          %get3A_440 = vector.shape_cast %get3A_439 : vector<1x1x16xi32> to vector<16xi32>
          %add3A_441 = vector.broadcast %mul3A_0 : i32 to vector<16xi32>
          %add3A_442 = arith.addi %get3A_440, %add3A_441 : vector<16xi32>
          %swap3A = arith.index_cast %rem3A_89 : i32 to index
          %swap3A_443 = arith.index_cast %add3A_436 : i32 to index
          %swap3A_444 = arith.constant 0 : index
          %swap3A_445 = tpu.vector_load %arg10[%swap3A, %swap3A_443, %swap3A_444] {strides = array<i32>} : memref<2x8x128xi32, #tpu.memory_space<vmem>>, vector<1x1x16xi32>,
          %swap3A_446 = vector.shape_cast %swap3A_445 : vector<1x1x16xi32> to vector<16xi32>
          %swap3A_447 = vector.shape_cast %add3A_442 : vector<16xi32> to vector<1x1x16xi32>
          tpu.vector_store %arg10[%swap3A, %swap3A_443, %swap3A_444], %swap3A_447 {strides = array<i32>} : memref<2x8x128xi32, #tpu.memory_space<vmem>>, vector<1x1x16xi32>,
          %get3A_448 = arith.index_cast %rem3A_89 : i32 to index
          %get3A_449 = arith.index_cast %add3A_436 : i32 to index
          %get3A_450 = arith.constant 16 : index
          %get3A_451 = tpu.vector_load %arg10[%get3A_448, %get3A_449, %get3A_450] {strides = array<i32>} : memref<2x8x128xi32, #tpu.memory_space<vmem>>, vector<1x1x16xi32>,
          %get3A_452 = vector.shape_cast %get3A_451 : vector<1x1x16xi32> to vector<16xi32>
          %add3A_453 = vector.broadcast %mul3A_0 : i32 to vector<16xi32>
          %add3A_454 = arith.addi %get3A_452, %add3A_453 : vector<16xi32>
          %swap3A_455 = arith.index_cast %rem3A_89 : i32 to index
          %swap3A_456 = arith.index_cast %add3A_436 : i32 to index
          %swap3A_457 = arith.constant 16 : index
          %swap3A_458 = tpu.vector_load %arg10[%swap3A_455, %swap3A_456, %swap3A_457] {strides = array<i32>} : memref<2x8x128xi32, #tpu.memory_space<vmem>>, vector<1x1x16xi32>,
          %swap3A_459 = vector.shape_cast %swap3A_458 : vector<1x1x16xi32> to vector<16xi32>
          %swap3A_460 = vector.shape_cast %add3A_454 : vector<16xi32> to vector<1x1x16xi32>
          tpu.vector_store %arg10[%swap3A_455, %swap3A_456, %swap3A_457], %swap3A_460 {strides = array<i32>} : memref<2x8x128xi32, #tpu.memory_space<vmem>>, vector<1x1x16xi32>,
          %get3A_461 = arith.index_cast %rem3A_89 : i32 to index
          %get3A_462 = arith.index_cast %add3A_436 : i32 to index
          %get3A_463 = arith.constant 32 : index
          %get3A_464 = tpu.vector_load %arg10[%get3A_461, %get3A_462, %get3A_463] {strides = array<i32>} : memref<2x8x128xi32, #tpu.memory_space<vmem>>, vector<1x1x16xi32>,
          %get3A_465 = vector.shape_cast %get3A_464 : vector<1x1x16xi32> to vector<16xi32>
          %add3A_466 = vector.broadcast %mul3A_0 : i32 to vector<16xi32>
          %add3A_467 = arith.addi %get3A_465, %add3A_466 : vector<16xi32>
          %swap3A_468 = arith.index_cast %rem3A_89 : i32 to index
          %swap3A_469 = arith.index_cast %add3A_436 : i32 to index
          %swap3A_470 = arith.constant 32 : index
          %swap3A_471 = tpu.vector_load %arg10[%swap3A_468, %swap3A_469, %swap3A_470] {strides = array<i32>} : memref<2x8x128xi32, #tpu.memory_space<vmem>>, vector<1x1x16xi32>,
          %swap3A_472 = vector.shape_cast %swap3A_471 : vector<1x1x16xi32> to vector<16xi32>
          %swap3A_473 = vector.shape_cast %add3A_467 : vector<16xi32> to vector<1x1x16xi32>
          tpu.vector_store %arg10[%swap3A_468, %swap3A_469, %swap3A_470], %swap3A_473 {strides = array<i32>} : memref<2x8x128xi32, #tpu.memory_space<vmem>>, vector<1x1x16xi32>,
          %get3A_474 = arith.index_cast %rem3A_89 : i32 to index
          %get3A_475 = arith.index_cast %add3A_436 : i32 to index
          %get3A_476 = arith.constant 48 : index
          %get3A_477 = tpu.vector_load %arg10[%get3A_474, %get3A_475, %get3A_476] {strides = array<i32>} : memref<2x8x128xi32, #tpu.memory_space<vmem>>, vector<1x1x16xi32>,
          %get3A_478 = vector.shape_cast %get3A_477 : vector<1x1x16xi32> to vector<16xi32>
          %add3A_479 = vector.broadcast %mul3A_0 : i32 to vector<16xi32>
          %add3A_480 = arith.addi %get3A_478, %add3A_479 : vector<16xi32>
          %swap3A_481 = arith.index_cast %rem3A_89 : i32 to index
          %swap3A_482 = arith.index_cast %add3A_436 : i32 to index
          %swap3A_483 = arith.constant 48 : index
          %swap3A_484 = tpu.vector_load %arg10[%swap3A_481, %swap3A_482, %swap3A_483] {strides = array<i32>} : memref<2x8x128xi32, #tpu.memory_space<vmem>>, vector<1x1x16xi32>,
          %swap3A_485 = vector.shape_cast %swap3A_484 : vector<1x1x16xi32> to vector<16xi32>
          %swap3A_486 = vector.shape_cast %add3A_480 : vector<16xi32> to vector<1x1x16xi32>
          tpu.vector_store %arg10[%swap3A_481, %swap3A_482, %swap3A_483], %swap3A_486 {strides = array<i32>} : memref<2x8x128xi32, #tpu.memory_space<vmem>>, vector<1x1x16xi32>,
          %get3A_487 = arith.index_cast %rem3A_89 : i32 to index
          %get3A_488 = arith.index_cast %add3A_436 : i32 to index
          %get3A_489 = arith.constant 64 : index
          %get3A_490 = tpu.vector_load %arg10[%get3A_487, %get3A_488, %get3A_489] {strides = array<i32>} : memref<2x8x128xi32, #tpu.memory_space<vmem>>, vector<1x1x16xi32>,
          %get3A_491 = vector.shape_cast %get3A_490 : vector<1x1x16xi32> to vector<16xi32>
          %add3A_492 = vector.broadcast %mul3A_0 : i32 to vector<16xi32>
          %add3A_493 = arith.addi %get3A_491, %add3A_492 : vector<16xi32>
          %swap3A_494 = arith.index_cast %rem3A_89 : i32 to index
          %swap3A_495 = arith.index_cast %add3A_436 : i32 to index
          %swap3A_496 = arith.constant 64 : index
          %swap3A_497 = tpu.vector_load %arg10[%swap3A_494, %swap3A_495, %swap3A_496] {strides = array<i32>} : memref<2x8x128xi32, #tpu.memory_space<vmem>>, vector<1x1x16xi32>,
          %swap3A_498 = vector.shape_cast %swap3A_497 : vector<1x1x16xi32> to vector<16xi32>
          %swap3A_499 = vector.shape_cast %add3A_493 : vector<16xi32> to vector<1x1x16xi32>
          tpu.vector_store %arg10[%swap3A_494, %swap3A_495, %swap3A_496], %swap3A_499 {strides = array<i32>} : memref<2x8x128xi32, #tpu.memory_space<vmem>>, vector<1x1x16xi32>,
          %get3A_500 = arith.index_cast %rem3A_89 : i32 to index
          %get3A_501 = arith.index_cast %add3A_436 : i32 to index
          %get3A_502 = arith.constant 80 : index
          %get3A_503 = tpu.vector_load %arg10[%get3A_500, %get3A_501, %get3A_502] {strides = array<i32>} : memref<2x8x128xi32, #tpu.memory_space<vmem>>, vector<1x1x16xi32>,
          %get3A_504 = vector.shape_cast %get3A_503 : vector<1x1x16xi32> to vector<16xi32>
          %add3A_505 = vector.broadcast %mul3A_0 : i32 to vector<16xi32>
          %add3A_506 = arith.addi %get3A_504, %add3A_505 : vector<16xi32>
          %swap3A_507 = arith.index_cast %rem3A_89 : i32 to index
          %swap3A_508 = arith.index_cast %add3A_436 : i32 to index
          %swap3A_509 = arith.constant 80 : index
          %swap3A_510 = tpu.vector_load %arg10[%swap3A_507, %swap3A_508, %swap3A_509] {strides = array<i32>} : memref<2x8x128xi32, #tpu.memory_space<vmem>>, vector<1x1x16xi32>,
          %swap3A_511 = vector.shape_cast %swap3A_510 : vector<1x1x16xi32> to vector<16xi32>
          %swap3A_512 = vector.shape_cast %add3A_506 : vector<16xi32> to vector<1x1x16xi32>
          tpu.vector_store %arg10[%swap3A_507, %swap3A_508, %swap3A_509], %swap3A_512 {strides = array<i32>} : memref<2x8x128xi32, #tpu.memory_space<vmem>>, vector<1x1x16xi32>,
          %get3A_513 = arith.index_cast %rem3A_89 : i32 to index
          %get3A_514 = arith.index_cast %add3A_436 : i32 to index
          %get3A_515 = arith.constant 96 : index
          %get3A_516 = tpu.vector_load %arg10[%get3A_513, %get3A_514, %get3A_515] {strides = array<i32>} : memref<2x8x128xi32, #tpu.memory_space<vmem>>, vector<1x1x16xi32>,
          %get3A_517 = vector.shape_cast %get3A_516 : vector<1x1x16xi32> to vector<16xi32>
          %add3A_518 = vector.broadcast %mul3A_0 : i32 to vector<16xi32>
          %add3A_519 = arith.addi %get3A_517, %add3A_518 : vector<16xi32>
          %swap3A_520 = arith.index_cast %rem3A_89 : i32 to index
          %swap3A_521 = arith.index_cast %add3A_436 : i32 to index
          %swap3A_522 = arith.constant 96 : index
          %swap3A_523 = tpu.vector_load %arg10[%swap3A_520, %swap3A_521, %swap3A_522] {strides = array<i32>} : memref<2x8x128xi32, #tpu.memory_space<vmem>>, vector<1x1x16xi32>,
          %swap3A_524 = vector.shape_cast %swap3A_523 : vector<1x1x16xi32> to vector<16xi32>
          %swap3A_525 = vector.shape_cast %add3A_519 : vector<16xi32> to vector<1x1x16xi32>
          tpu.vector_store %arg10[%swap3A_520, %swap3A_521, %swap3A_522], %swap3A_525 {strides = array<i32>} : memref<2x8x128xi32, #tpu.memory_space<vmem>>, vector<1x1x16xi32>,
          %get3A_526 = arith.index_cast %rem3A_89 : i32 to index
          %get3A_527 = arith.index_cast %add3A_436 : i32 to index
          %get3A_528 = arith.constant 112 : index
          %get3A_529 = tpu.vector_load %arg10[%get3A_526, %get3A_527, %get3A_528] {strides = array<i32>} : memref<2x8x128xi32, #tpu.memory_space<vmem>>, vector<1x1x16xi32>,
          %get3A_530 = vector.shape_cast %get3A_529 : vector<1x1x16xi32> to vector<16xi32>
          %add3A_531 = vector.broadcast %mul3A_0 : i32 to vector<16xi32>
          %add3A_532 = arith.addi %get3A_530, %add3A_531 : vector<16xi32>
          %swap3A_533 = arith.index_cast %rem3A_89 : i32 to index
          %swap3A_534 = arith.index_cast %add3A_436 : i32 to index
          %swap3A_535 = arith.constant 112 : index
          %swap3A_536 = tpu.vector_load %arg10[%swap3A_533, %swap3A_534, %swap3A_535] {strides = array<i32>} : memref<2x8x128xi32, #tpu.memory_space<vmem>>, vector<1x1x16xi32>,
          %swap3A_537 = vector.shape_cast %swap3A_536 : vector<1x1x16xi32> to vector<16xi32>
          %swap3A_538 = vector.shape_cast %add3A_532 : vector<16xi32> to vector<1x1x16xi32>
          tpu.vector_store %arg10[%swap3A_533, %swap3A_534, %swap3A_535], %swap3A_538 {strides = array<i32>} : memref<2x8x128xi32, #tpu.memory_space<vmem>>, vector<1x1x16xi32>,
        }
        %scan3A_98 = arith.constant 8 : i32
        %gt3A_99 = arith.constant 0 : i32
        %gt3A_100 = arith.cmpi sgt, %add3A_88, %gt3A_99 : i32
        %convert_element_type3A_101 = arith.extui %gt3A_100 : i1 to i32
        %cond3A_102 = arith.constant 0 : i32
        %cond3A_103 = arith.cmpi ne, %convert_element_type3A_101, %cond3A_102 : i32
        scf.if %cond3A_103 {
          %sub3A = arith.constant 1 : i32
          %sub3A_432 = arith.subi %sub3A, %rem3A_89 : i32
          %dma_wait3A_433 = arith.constant 0 : i32
          %dma_wait3A_434 = arith.constant 0 : i32
          %dma_wait3A_435 = arith.constant 0 : i32
          %dma_wait3A_436 = arith.constant 0 : i32
          %dma_wait3A_437 = tpu.memref_slice %arg12[%dma_wait3A_433, %dma_wait3A_435, %dma_wait3A_436] : memref<8x128x16xf32, #tpu.memory_space<vmem>> -> memref<1x128x16xf32, #tpu.memory_space<vmem>>
          %dma_wait3A_438 = tpu.memref_squeeze %dma_wait3A_437 : memref<1x128x16xf32, #tpu.memory_space<vmem>> -> memref<128x16xf32, #tpu.memory_space<vmem>>
          %dma_wait3A_439 = arith.constant 0 : i32
          %dma_wait3A_440 = tpu.memref_slice %arg11[%sub3A_432, %dma_wait3A_434, %dma_wait3A_439] : memref<2x8x128xi32, #tpu.memory_space<vmem>> -> memref<1x1x128xi32, #tpu.memory_space<vmem>>
          %dma_wait3A_441 = tpu.memref_squeeze %dma_wait3A_440 : memref<1x1x128xi32, #tpu.memory_space<vmem>> -> memref<128xi32, #tpu.memory_space<vmem>>
          %dma_wait3A_442 = arith.constant 0 : i32
          %dma_wait3A_443 = arith.constant 0 : i32
          %dma_wait3A_444 = tpu.memref_slice %arg9[%dma_wait3A_442, %dma_wait3A_443] : memref<100352x16xf32, #tpu.memory_space<vmem_shared>> -> memref<100352x16xf32, #tpu.memory_space<vmem_shared>>
          tpu.wait_indirect_dma semaphore(%arg24 : memref<!tpu.dma_semaphore, #tpu.memory_space<semaphore_mem>>) src(%dma_wait3A_438 : memref<128x16xf32, #tpu.memory_space<vmem>>) dst(%dma_wait3A_444 : memref<100352x16xf32, #tpu.memory_space<vmem_shared>>)
        } else {
        }
        %dma_start3A_104 = arith.constant 0 : i32
        %dma_start3A_105 = arith.constant 0 : i32
        %dma_start3A_106 = arith.constant 0 : i32
        %dma_start3A_107 = arith.constant 0 : i32
        %dma_start3A_108 = tpu.memref_slice %arg12[%dma_start3A_105, %dma_start3A_106, %dma_start3A_107] : memref<8x128x16xf32, #tpu.memory_space<vmem>> -> memref<1x128x16xf32, #tpu.memory_space<vmem>>
        %dma_start3A_109 = tpu.memref_squeeze %dma_start3A_108 : memref<1x128x16xf32, #tpu.memory_space<vmem>> -> memref<128x16xf32, #tpu.memory_space<vmem>>
        %dma_start3A_110 = arith.constant 0 : i32
        %dma_start3A_111 = tpu.memref_slice %arg10[%rem3A_89, %dma_start3A_104, %dma_start3A_110] : memref<2x8x128xi32, #tpu.memory_space<vmem>> -> memref<1x1x128xi32, #tpu.memory_space<vmem>>
        %dma_start3A_112 = tpu.memref_squeeze %dma_start3A_111 : memref<1x1x128xi32, #tpu.memory_space<vmem>> -> memref<128xi32, #tpu.memory_space<vmem>>
        %dma_start3A_113 = arith.constant 0 : i32
        %dma_start3A_114 = arith.constant 0 : i32
        %dma_start3A_115 = tpu.memref_slice %arg8[%dma_start3A_113, %dma_start3A_114] : memref<200704x16xf32, #tpu.memory_space<hbm>> -> memref<200704x16xf32, #tpu.memory_space<hbm>>
        tpu.enqueue_indirect_dma source(%dma_start3A_115 : memref<200704x16xf32, #tpu.memory_space<hbm>>) target(%dma_start3A_109 : memref<128x16xf32, #tpu.memory_space<vmem>>) offsets(%dma_start3A_112 : memref<128xi32, #tpu.memory_space<vmem>>) semaphore(%arg23 : memref<!tpu.dma_semaphore, #tpu.memory_space<semaphore_mem>>)
        %gt3A_116 = arith.constant 0 : i32
        %gt3A_117 = arith.cmpi sgt, %add3A_88, %gt3A_116 : i32
        %convert_element_type3A_118 = arith.extui %gt3A_117 : i1 to i32
        %cond3A_119 = arith.constant 0 : i32
        %cond3A_120 = arith.cmpi ne, %convert_element_type3A_118, %cond3A_119 : i32
        scf.if %cond3A_120 {
          %sub3A = arith.constant 1 : i32
          %sub3A_432 = arith.subi %sub3A, %rem3A_89 : i32
          %dma_wait3A_433 = arith.constant 1 : i32
          %dma_wait3A_434 = arith.constant 1 : i32
          %dma_wait3A_435 = arith.constant 0 : i32
          %dma_wait3A_436 = arith.constant 0 : i32
          %dma_wait3A_437 = tpu.memref_slice %arg12[%dma_wait3A_433, %dma_wait3A_435, %dma_wait3A_436] : memref<8x128x16xf32, #tpu.memory_space<vmem>> -> memref<1x128x16xf32, #tpu.memory_space<vmem>>
          %dma_wait3A_438 = tpu.memref_squeeze %dma_wait3A_437 : memref<1x128x16xf32, #tpu.memory_space<vmem>> -> memref<128x16xf32, #tpu.memory_space<vmem>>
          %dma_wait3A_439 = arith.constant 0 : i32
          %dma_wait3A_440 = tpu.memref_slice %arg11[%sub3A_432, %dma_wait3A_434, %dma_wait3A_439] : memref<2x8x128xi32, #tpu.memory_space<vmem>> -> memref<1x1x128xi32, #tpu.memory_space<vmem>>
          %dma_wait3A_441 = tpu.memref_squeeze %dma_wait3A_440 : memref<1x1x128xi32, #tpu.memory_space<vmem>> -> memref<128xi32, #tpu.memory_space<vmem>>
          %dma_wait3A_442 = arith.constant 0 : i32
          %dma_wait3A_443 = arith.constant 0 : i32
          %dma_wait3A_444 = tpu.memref_slice %arg9[%dma_wait3A_442, %dma_wait3A_443] : memref<100352x16xf32, #tpu.memory_space<vmem_shared>> -> memref<100352x16xf32, #tpu.memory_space<vmem_shared>>
          tpu.wait_indirect_dma semaphore(%arg24 : memref<!tpu.dma_semaphore, #tpu.memory_space<semaphore_mem>>) src(%dma_wait3A_438 : memref<128x16xf32, #tpu.memory_space<vmem>>) dst(%dma_wait3A_444 : memref<100352x16xf32, #tpu.memory_space<vmem_shared>>)
        } else {
        }
        %dma_start3A_121 = arith.constant 1 : i32
        %dma_start3A_122 = arith.constant 1 : i32
        %dma_start3A_123 = arith.constant 0 : i32
        %dma_start3A_124 = arith.constant 0 : i32
        %dma_start3A_125 = tpu.memref_slice %arg12[%dma_start3A_122, %dma_start3A_123, %dma_start3A_124] : memref<8x128x16xf32, #tpu.memory_space<vmem>> -> memref<1x128x16xf32, #tpu.memory_space<vmem>>
        %dma_start3A_126 = tpu.memref_squeeze %dma_start3A_125 : memref<1x128x16xf32, #tpu.memory_space<vmem>> -> memref<128x16xf32, #tpu.memory_space<vmem>>
        %dma_start3A_127 = arith.constant 0 : i32
        %dma_start3A_128 = tpu.memref_slice %arg10[%rem3A_89, %dma_start3A_121, %dma_start3A_127] : memref<2x8x128xi32, #tpu.memory_space<vmem>> -> memref<1x1x128xi32, #tpu.memory_space<vmem>>
        %dma_start3A_129 = tpu.memref_squeeze %dma_start3A_128 : memref<1x1x128xi32, #tpu.memory_space<vmem>> -> memref<128xi32, #tpu.memory_space<vmem>>
        %dma_start3A_130 = arith.constant 0 : i32
        %dma_start3A_131 = arith.constant 0 : i32
        %dma_start3A_132 = tpu.memref_slice %arg8[%dma_start3A_130, %dma_start3A_131] : memref<200704x16xf32, #tpu.memory_space<hbm>> -> memref<200704x16xf32, #tpu.memory_space<hbm>>
        tpu.enqueue_indirect_dma source(%dma_start3A_132 : memref<200704x16xf32, #tpu.memory_space<hbm>>) target(%dma_start3A_126 : memref<128x16xf32, #tpu.memory_space<vmem>>) offsets(%dma_start3A_129 : memref<128xi32, #tpu.memory_space<vmem>>) semaphore(%arg23 : memref<!tpu.dma_semaphore, #tpu.memory_space<semaphore_mem>>)
        %gt3A_133 = arith.constant 0 : i32
        %gt3A_134 = arith.cmpi sgt, %add3A_88, %gt3A_133 : i32
        %convert_element_type3A_135 = arith.extui %gt3A_134 : i1 to i32
        %cond3A_136 = arith.constant 0 : i32
        %cond3A_137 = arith.cmpi ne, %convert_element_type3A_135, %cond3A_136 : i32
        scf.if %cond3A_137 {
          %sub3A = arith.constant 1 : i32
          %sub3A_432 = arith.subi %sub3A, %rem3A_89 : i32
          %dma_wait3A_433 = arith.constant 2 : i32
          %dma_wait3A_434 = arith.constant 2 : i32
          %dma_wait3A_435 = arith.constant 0 : i32
          %dma_wait3A_436 = arith.constant 0 : i32
          %dma_wait3A_437 = tpu.memref_slice %arg12[%dma_wait3A_433, %dma_wait3A_435, %dma_wait3A_436] : memref<8x128x16xf32, #tpu.memory_space<vmem>> -> memref<1x128x16xf32, #tpu.memory_space<vmem>>
          %dma_wait3A_438 = tpu.memref_squeeze %dma_wait3A_437 : memref<1x128x16xf32, #tpu.memory_space<vmem>> -> memref<128x16xf32, #tpu.memory_space<vmem>>
          %dma_wait3A_439 = arith.constant 0 : i32
          %dma_wait3A_440 = tpu.memref_slice %arg11[%sub3A_432, %dma_wait3A_434, %dma_wait3A_439] : memref<2x8x128xi32, #tpu.memory_space<vmem>> -> memref<1x1x128xi32, #tpu.memory_space<vmem>>
          %dma_wait3A_441 = tpu.memref_squeeze %dma_wait3A_440 : memref<1x1x128xi32, #tpu.memory_space<vmem>> -> memref<128xi32, #tpu.memory_space<vmem>>
          %dma_wait3A_442 = arith.constant 0 : i32
          %dma_wait3A_443 = arith.constant 0 : i32
          %dma_wait3A_444 = tpu.memref_slice %arg9[%dma_wait3A_442, %dma_wait3A_443] : memref<100352x16xf32, #tpu.memory_space<vmem_shared>> -> memref<100352x16xf32, #tpu.memory_space<vmem_shared>>
          tpu.wait_indirect_dma semaphore(%arg24 : memref<!tpu.dma_semaphore, #tpu.memory_space<semaphore_mem>>) src(%dma_wait3A_438 : memref<128x16xf32, #tpu.memory_space<vmem>>) dst(%dma_wait3A_444 : memref<100352x16xf32, #tpu.memory_space<vmem_shared>>)
        } else {
        }
        %dma_start3A_138 = arith.constant 2 : i32
        %dma_start3A_139 = arith.constant 2 : i32
        %dma_start3A_140 = arith.constant 0 : i32
        %dma_start3A_141 = arith.constant 0 : i32
        %dma_start3A_142 = tpu.memref_slice %arg12[%dma_start3A_139, %dma_start3A_140, %dma_start3A_141] : memref<8x128x16xf32, #tpu.memory_space<vmem>> -> memref<1x128x16xf32, #tpu.memory_space<vmem>>
        %dma_start3A_143 = tpu.memref_squeeze %dma_start3A_142 : memref<1x128x16xf32, #tpu.memory_space<vmem>> -> memref<128x16xf32, #tpu.memory_space<vmem>>
        %dma_start3A_144 = arith.constant 0 : i32
        %dma_start3A_145 = tpu.memref_slice %arg10[%rem3A_89, %dma_start3A_138, %dma_start3A_144] : memref<2x8x128xi32, #tpu.memory_space<vmem>> -> memref<1x1x128xi32, #tpu.memory_space<vmem>>
        %dma_start3A_146 = tpu.memref_squeeze %dma_start3A_145 : memref<1x1x128xi32, #tpu.memory_space<vmem>> -> memref<128xi32, #tpu.memory_space<vmem>>
        %dma_start3A_147 = arith.constant 0 : i32
        %dma_start3A_148 = arith.constant 0 : i32
        %dma_start3A_149 = tpu.memref_slice %arg8[%dma_start3A_147, %dma_start3A_148] : memref<200704x16xf32, #tpu.memory_space<hbm>> -> memref<200704x16xf32, #tpu.memory_space<hbm>>
        tpu.enqueue_indirect_dma source(%dma_start3A_149 : memref<200704x16xf32, #tpu.memory_space<hbm>>) target(%dma_start3A_143 : memref<128x16xf32, #tpu.memory_space<vmem>>) offsets(%dma_start3A_146 : memref<128xi32, #tpu.memory_space<vmem>>) semaphore(%arg23 : memref<!tpu.dma_semaphore, #tpu.memory_space<semaphore_mem>>)
        %gt3A_150 = arith.constant 0 : i32
        %gt3A_151 = arith.cmpi sgt, %add3A_88, %gt3A_150 : i32
        %convert_element_type3A_152 = arith.extui %gt3A_151 : i1 to i32
        %cond3A_153 = arith.constant 0 : i32
        %cond3A_154 = arith.cmpi ne, %convert_element_type3A_152, %cond3A_153 : i32
        scf.if %cond3A_154 {
          %sub3A = arith.constant 1 : i32
          %sub3A_432 = arith.subi %sub3A, %rem3A_89 : i32
          %dma_wait3A_433 = arith.constant 3 : i32
          %dma_wait3A_434 = arith.constant 3 : i32
          %dma_wait3A_435 = arith.constant 0 : i32
          %dma_wait3A_436 = arith.constant 0 : i32
          %dma_wait3A_437 = tpu.memref_slice %arg12[%dma_wait3A_433, %dma_wait3A_435, %dma_wait3A_436] : memref<8x128x16xf32, #tpu.memory_space<vmem>> -> memref<1x128x16xf32, #tpu.memory_space<vmem>>
          %dma_wait3A_438 = tpu.memref_squeeze %dma_wait3A_437 : memref<1x128x16xf32, #tpu.memory_space<vmem>> -> memref<128x16xf32, #tpu.memory_space<vmem>>
          %dma_wait3A_439 = arith.constant 0 : i32
          %dma_wait3A_440 = tpu.memref_slice %arg11[%sub3A_432, %dma_wait3A_434, %dma_wait3A_439] : memref<2x8x128xi32, #tpu.memory_space<vmem>> -> memref<1x1x128xi32, #tpu.memory_space<vmem>>
          %dma_wait3A_441 = tpu.memref_squeeze %dma_wait3A_440 : memref<1x1x128xi32, #tpu.memory_space<vmem>> -> memref<128xi32, #tpu.memory_space<vmem>>
          %dma_wait3A_442 = arith.constant 0 : i32
          %dma_wait3A_443 = arith.constant 0 : i32
          %dma_wait3A_444 = tpu.memref_slice %arg9[%dma_wait3A_442, %dma_wait3A_443] : memref<100352x16xf32, #tpu.memory_space<vmem_shared>> -> memref<100352x16xf32, #tpu.memory_space<vmem_shared>>
          tpu.wait_indirect_dma semaphore(%arg24 : memref<!tpu.dma_semaphore, #tpu.memory_space<semaphore_mem>>) src(%dma_wait3A_438 : memref<128x16xf32, #tpu.memory_space<vmem>>) dst(%dma_wait3A_444 : memref<100352x16xf32, #tpu.memory_space<vmem_shared>>)
        } else {
        }
        %dma_start3A_155 = arith.constant 3 : i32
        %dma_start3A_156 = arith.constant 3 : i32
        %dma_start3A_157 = arith.constant 0 : i32
        %dma_start3A_158 = arith.constant 0 : i32
        %dma_start3A_159 = tpu.memref_slice %arg12[%dma_start3A_156, %dma_start3A_157, %dma_start3A_158] : memref<8x128x16xf32, #tpu.memory_space<vmem>> -> memref<1x128x16xf32, #tpu.memory_space<vmem>>
        %dma_start3A_160 = tpu.memref_squeeze %dma_start3A_159 : memref<1x128x16xf32, #tpu.memory_space<vmem>> -> memref<128x16xf32, #tpu.memory_space<vmem>>
        %dma_start3A_161 = arith.constant 0 : i32
        %dma_start3A_162 = tpu.memref_slice %arg10[%rem3A_89, %dma_start3A_155, %dma_start3A_161] : memref<2x8x128xi32, #tpu.memory_space<vmem>> -> memref<1x1x128xi32, #tpu.memory_space<vmem>>
        %dma_start3A_163 = tpu.memref_squeeze %dma_start3A_162 : memref<1x1x128xi32, #tpu.memory_space<vmem>> -> memref<128xi32, #tpu.memory_space<vmem>>
        %dma_start3A_164 = arith.constant 0 : i32
        %dma_start3A_165 = arith.constant 0 : i32
        %dma_start3A_166 = tpu.memref_slice %arg8[%dma_start3A_164, %dma_start3A_165] : memref<200704x16xf32, #tpu.memory_space<hbm>> -> memref<200704x16xf32, #tpu.memory_space<hbm>>
        tpu.enqueue_indirect_dma source(%dma_start3A_166 : memref<200704x16xf32, #tpu.memory_space<hbm>>) target(%dma_start3A_160 : memref<128x16xf32, #tpu.memory_space<vmem>>) offsets(%dma_start3A_163 : memref<128xi32, #tpu.memory_space<vmem>>) semaphore(%arg23 : memref<!tpu.dma_semaphore, #tpu.memory_space<semaphore_mem>>)
        %gt3A_167 = arith.constant 0 : i32
        %gt3A_168 = arith.cmpi sgt, %add3A_88, %gt3A_167 : i32
        %convert_element_type3A_169 = arith.extui %gt3A_168 : i1 to i32
        %cond3A_170 = arith.constant 0 : i32
        %cond3A_171 = arith.cmpi ne, %convert_element_type3A_169, %cond3A_170 : i32
        scf.if %cond3A_171 {
          %sub3A = arith.constant 1 : i32
          %sub3A_432 = arith.subi %sub3A, %rem3A_89 : i32
          %dma_wait3A_433 = arith.constant 4 : i32
          %dma_wait3A_434 = arith.constant 4 : i32
          %dma_wait3A_435 = arith.constant 0 : i32
          %dma_wait3A_436 = arith.constant 0 : i32
          %dma_wait3A_437 = tpu.memref_slice %arg12[%dma_wait3A_433, %dma_wait3A_435, %dma_wait3A_436] : memref<8x128x16xf32, #tpu.memory_space<vmem>> -> memref<1x128x16xf32, #tpu.memory_space<vmem>>
          %dma_wait3A_438 = tpu.memref_squeeze %dma_wait3A_437 : memref<1x128x16xf32, #tpu.memory_space<vmem>> -> memref<128x16xf32, #tpu.memory_space<vmem>>
          %dma_wait3A_439 = arith.constant 0 : i32
          %dma_wait3A_440 = tpu.memref_slice %arg11[%sub3A_432, %dma_wait3A_434, %dma_wait3A_439] : memref<2x8x128xi32, #tpu.memory_space<vmem>> -> memref<1x1x128xi32, #tpu.memory_space<vmem>>
          %dma_wait3A_441 = tpu.memref_squeeze %dma_wait3A_440 : memref<1x1x128xi32, #tpu.memory_space<vmem>> -> memref<128xi32, #tpu.memory_space<vmem>>
          %dma_wait3A_442 = arith.constant 0 : i32
          %dma_wait3A_443 = arith.constant 0 : i32
          %dma_wait3A_444 = tpu.memref_slice %arg9[%dma_wait3A_442, %dma_wait3A_443] : memref<100352x16xf32, #tpu.memory_space<vmem_shared>> -> memref<100352x16xf32, #tpu.memory_space<vmem_shared>>
          tpu.wait_indirect_dma semaphore(%arg24 : memref<!tpu.dma_semaphore, #tpu.memory_space<semaphore_mem>>) src(%dma_wait3A_438 : memref<128x16xf32, #tpu.memory_space<vmem>>) dst(%dma_wait3A_444 : memref<100352x16xf32, #tpu.memory_space<vmem_shared>>)
        } else {
        }
        %dma_start3A_172 = arith.constant 4 : i32
        %dma_start3A_173 = arith.constant 4 : i32
        %dma_start3A_174 = arith.constant 0 : i32
        %dma_start3A_175 = arith.constant 0 : i32
        %dma_start3A_176 = tpu.memref_slice %arg12[%dma_start3A_173, %dma_start3A_174, %dma_start3A_175] : memref<8x128x16xf32, #tpu.memory_space<vmem>> -> memref<1x128x16xf32, #tpu.memory_space<vmem>>
        %dma_start3A_177 = tpu.memref_squeeze %dma_start3A_176 : memref<1x128x16xf32, #tpu.memory_space<vmem>> -> memref<128x16xf32, #tpu.memory_space<vmem>>
        %dma_start3A_178 = arith.constant 0 : i32
        %dma_start3A_179 = tpu.memref_slice %arg10[%rem3A_89, %dma_start3A_172, %dma_start3A_178] : memref<2x8x128xi32, #tpu.memory_space<vmem>> -> memref<1x1x128xi32, #tpu.memory_space<vmem>>
        %dma_start3A_180 = tpu.memref_squeeze %dma_start3A_179 : memref<1x1x128xi32, #tpu.memory_space<vmem>> -> memref<128xi32, #tpu.memory_space<vmem>>
        %dma_start3A_181 = arith.constant 0 : i32
        %dma_start3A_182 = arith.constant 0 : i32
        %dma_start3A_183 = tpu.memref_slice %arg8[%dma_start3A_181, %dma_start3A_182] : memref<200704x16xf32, #tpu.memory_space<hbm>> -> memref<200704x16xf32, #tpu.memory_space<hbm>>
        tpu.enqueue_indirect_dma source(%dma_start3A_183 : memref<200704x16xf32, #tpu.memory_space<hbm>>) target(%dma_start3A_177 : memref<128x16xf32, #tpu.memory_space<vmem>>) offsets(%dma_start3A_180 : memref<128xi32, #tpu.memory_space<vmem>>) semaphore(%arg23 : memref<!tpu.dma_semaphore, #tpu.memory_space<semaphore_mem>>)
        %gt3A_184 = arith.constant 0 : i32
        %gt3A_185 = arith.cmpi sgt, %add3A_88, %gt3A_184 : i32
        %convert_element_type3A_186 = arith.extui %gt3A_185 : i1 to i32
        %cond3A_187 = arith.constant 0 : i32
        %cond3A_188 = arith.cmpi ne, %convert_element_type3A_186, %cond3A_187 : i32
        scf.if %cond3A_188 {
          %sub3A = arith.constant 1 : i32
          %sub3A_432 = arith.subi %sub3A, %rem3A_89 : i32
          %dma_wait3A_433 = arith.constant 5 : i32
          %dma_wait3A_434 = arith.constant 5 : i32
          %dma_wait3A_435 = arith.constant 0 : i32
          %dma_wait3A_436 = arith.constant 0 : i32
          %dma_wait3A_437 = tpu.memref_slice %arg12[%dma_wait3A_433, %dma_wait3A_435, %dma_wait3A_436] : memref<8x128x16xf32, #tpu.memory_space<vmem>> -> memref<1x128x16xf32, #tpu.memory_space<vmem>>
          %dma_wait3A_438 = tpu.memref_squeeze %dma_wait3A_437 : memref<1x128x16xf32, #tpu.memory_space<vmem>> -> memref<128x16xf32, #tpu.memory_space<vmem>>
          %dma_wait3A_439 = arith.constant 0 : i32
          %dma_wait3A_440 = tpu.memref_slice %arg11[%sub3A_432, %dma_wait3A_434, %dma_wait3A_439] : memref<2x8x128xi32, #tpu.memory_space<vmem>> -> memref<1x1x128xi32, #tpu.memory_space<vmem>>
          %dma_wait3A_441 = tpu.memref_squeeze %dma_wait3A_440 : memref<1x1x128xi32, #tpu.memory_space<vmem>> -> memref<128xi32, #tpu.memory_space<vmem>>
          %dma_wait3A_442 = arith.constant 0 : i32
          %dma_wait3A_443 = arith.constant 0 : i32
          %dma_wait3A_444 = tpu.memref_slice %arg9[%dma_wait3A_442, %dma_wait3A_443] : memref<100352x16xf32, #tpu.memory_space<vmem_shared>> -> memref<100352x16xf32, #tpu.memory_space<vmem_shared>>
          tpu.wait_indirect_dma semaphore(%arg24 : memref<!tpu.dma_semaphore, #tpu.memory_space<semaphore_mem>>) src(%dma_wait3A_438 : memref<128x16xf32, #tpu.memory_space<vmem>>) dst(%dma_wait3A_444 : memref<100352x16xf32, #tpu.memory_space<vmem_shared>>)
        } else {
        }
        %dma_start3A_189 = arith.constant 5 : i32
        %dma_start3A_190 = arith.constant 5 : i32
        %dma_start3A_191 = arith.constant 0 : i32
        %dma_start3A_192 = arith.constant 0 : i32
        %dma_start3A_193 = tpu.memref_slice %arg12[%dma_start3A_190, %dma_start3A_191, %dma_start3A_192] : memref<8x128x16xf32, #tpu.memory_space<vmem>> -> memref<1x128x16xf32, #tpu.memory_space<vmem>>
        %dma_start3A_194 = tpu.memref_squeeze %dma_start3A_193 : memref<1x128x16xf32, #tpu.memory_space<vmem>> -> memref<128x16xf32, #tpu.memory_space<vmem>>
        %dma_start3A_195 = arith.constant 0 : i32
        %dma_start3A_196 = tpu.memref_slice %arg10[%rem3A_89, %dma_start3A_189, %dma_start3A_195] : memref<2x8x128xi32, #tpu.memory_space<vmem>> -> memref<1x1x128xi32, #tpu.memory_space<vmem>>
        %dma_start3A_197 = tpu.memref_squeeze %dma_start3A_196 : memref<1x1x128xi32, #tpu.memory_space<vmem>> -> memref<128xi32, #tpu.memory_space<vmem>>
        %dma_start3A_198 = arith.constant 0 : i32
        %dma_start3A_199 = arith.constant 0 : i32
        %dma_start3A_200 = tpu.memref_slice %arg8[%dma_start3A_198, %dma_start3A_199] : memref<200704x16xf32, #tpu.memory_space<hbm>> -> memref<200704x16xf32, #tpu.memory_space<hbm>>
        tpu.enqueue_indirect_dma source(%dma_start3A_200 : memref<200704x16xf32, #tpu.memory_space<hbm>>) target(%dma_start3A_194 : memref<128x16xf32, #tpu.memory_space<vmem>>) offsets(%dma_start3A_197 : memref<128xi32, #tpu.memory_space<vmem>>) semaphore(%arg23 : memref<!tpu.dma_semaphore, #tpu.memory_space<semaphore_mem>>)
        %gt3A_201 = arith.constant 0 : i32
        %gt3A_202 = arith.cmpi sgt, %add3A_88, %gt3A_201 : i32
        %convert_element_type3A_203 = arith.extui %gt3A_202 : i1 to i32
        %cond3A_204 = arith.constant 0 : i32
        %cond3A_205 = arith.cmpi ne, %convert_element_type3A_203, %cond3A_204 : i32
        scf.if %cond3A_205 {
          %sub3A = arith.constant 1 : i32
          %sub3A_432 = arith.subi %sub3A, %rem3A_89 : i32
          %dma_wait3A_433 = arith.constant 6 : i32
          %dma_wait3A_434 = arith.constant 6 : i32
          %dma_wait3A_435 = arith.constant 0 : i32
          %dma_wait3A_436 = arith.constant 0 : i32
          %dma_wait3A_437 = tpu.memref_slice %arg12[%dma_wait3A_433, %dma_wait3A_435, %dma_wait3A_436] : memref<8x128x16xf32, #tpu.memory_space<vmem>> -> memref<1x128x16xf32, #tpu.memory_space<vmem>>
          %dma_wait3A_438 = tpu.memref_squeeze %dma_wait3A_437 : memref<1x128x16xf32, #tpu.memory_space<vmem>> -> memref<128x16xf32, #tpu.memory_space<vmem>>
          %dma_wait3A_439 = arith.constant 0 : i32
          %dma_wait3A_440 = tpu.memref_slice %arg11[%sub3A_432, %dma_wait3A_434, %dma_wait3A_439] : memref<2x8x128xi32, #tpu.memory_space<vmem>> -> memref<1x1x128xi32, #tpu.memory_space<vmem>>
          %dma_wait3A_441 = tpu.memref_squeeze %dma_wait3A_440 : memref<1x1x128xi32, #tpu.memory_space<vmem>> -> memref<128xi32, #tpu.memory_space<vmem>>
          %dma_wait3A_442 = arith.constant 0 : i32
          %dma_wait3A_443 = arith.constant 0 : i32
          %dma_wait3A_444 = tpu.memref_slice %arg9[%dma_wait3A_442, %dma_wait3A_443] : memref<100352x16xf32, #tpu.memory_space<vmem_shared>> -> memref<100352x16xf32, #tpu.memory_space<vmem_shared>>
          tpu.wait_indirect_dma semaphore(%arg24 : memref<!tpu.dma_semaphore, #tpu.memory_space<semaphore_mem>>) src(%dma_wait3A_438 : memref<128x16xf32, #tpu.memory_space<vmem>>) dst(%dma_wait3A_444 : memref<100352x16xf32, #tpu.memory_space<vmem_shared>>)
        } else {
        }
        %dma_start3A_206 = arith.constant 6 : i32
        %dma_start3A_207 = arith.constant 6 : i32
        %dma_start3A_208 = arith.constant 0 : i32
        %dma_start3A_209 = arith.constant 0 : i32
        %dma_start3A_210 = tpu.memref_slice %arg12[%dma_start3A_207, %dma_start3A_208, %dma_start3A_209] : memref<8x128x16xf32, #tpu.memory_space<vmem>> -> memref<1x128x16xf32, #tpu.memory_space<vmem>>
        %dma_start3A_211 = tpu.memref_squeeze %dma_start3A_210 : memref<1x128x16xf32, #tpu.memory_space<vmem>> -> memref<128x16xf32, #tpu.memory_space<vmem>>
        %dma_start3A_212 = arith.constant 0 : i32
        %dma_start3A_213 = tpu.memref_slice %arg10[%rem3A_89, %dma_start3A_206, %dma_start3A_212] : memref<2x8x128xi32, #tpu.memory_space<vmem>> -> memref<1x1x128xi32, #tpu.memory_space<vmem>>
        %dma_start3A_214 = tpu.memref_squeeze %dma_start3A_213 : memref<1x1x128xi32, #tpu.memory_space<vmem>> -> memref<128xi32, #tpu.memory_space<vmem>>
        %dma_start3A_215 = arith.constant 0 : i32
        %dma_start3A_216 = arith.constant 0 : i32
        %dma_start3A_217 = tpu.memref_slice %arg8[%dma_start3A_215, %dma_start3A_216] : memref<200704x16xf32, #tpu.memory_space<hbm>> -> memref<200704x16xf32, #tpu.memory_space<hbm>>
        tpu.enqueue_indirect_dma source(%dma_start3A_217 : memref<200704x16xf32, #tpu.memory_space<hbm>>) target(%dma_start3A_211 : memref<128x16xf32, #tpu.memory_space<vmem>>) offsets(%dma_start3A_214 : memref<128xi32, #tpu.memory_space<vmem>>) semaphore(%arg23 : memref<!tpu.dma_semaphore, #tpu.memory_space<semaphore_mem>>)
        %gt3A_218 = arith.constant 0 : i32
        %gt3A_219 = arith.cmpi sgt, %add3A_88, %gt3A_218 : i32
        %convert_element_type3A_220 = arith.extui %gt3A_219 : i1 to i32
        %cond3A_221 = arith.constant 0 : i32
        %cond3A_222 = arith.cmpi ne, %convert_element_type3A_220, %cond3A_221 : i32
        scf.if %cond3A_222 {
          %sub3A = arith.constant 1 : i32
          %sub3A_432 = arith.subi %sub3A, %rem3A_89 : i32
          %dma_wait3A_433 = arith.constant 7 : i32
          %dma_wait3A_434 = arith.constant 7 : i32
          %dma_wait3A_435 = arith.constant 0 : i32
          %dma_wait3A_436 = arith.constant 0 : i32
          %dma_wait3A_437 = tpu.memref_slice %arg12[%dma_wait3A_433, %dma_wait3A_435, %dma_wait3A_436] : memref<8x128x16xf32, #tpu.memory_space<vmem>> -> memref<1x128x16xf32, #tpu.memory_space<vmem>>
          %dma_wait3A_438 = tpu.memref_squeeze %dma_wait3A_437 : memref<1x128x16xf32, #tpu.memory_space<vmem>> -> memref<128x16xf32, #tpu.memory_space<vmem>>
          %dma_wait3A_439 = arith.constant 0 : i32
          %dma_wait3A_440 = tpu.memref_slice %arg11[%sub3A_432, %dma_wait3A_434, %dma_wait3A_439] : memref<2x8x128xi32, #tpu.memory_space<vmem>> -> memref<1x1x128xi32, #tpu.memory_space<vmem>>
          %dma_wait3A_441 = tpu.memref_squeeze %dma_wait3A_440 : memref<1x1x128xi32, #tpu.memory_space<vmem>> -> memref<128xi32, #tpu.memory_space<vmem>>
          %dma_wait3A_442 = arith.constant 0 : i32
          %dma_wait3A_443 = arith.constant 0 : i32
          %dma_wait3A_444 = tpu.memref_slice %arg9[%dma_wait3A_442, %dma_wait3A_443] : memref<100352x16xf32, #tpu.memory_space<vmem_shared>> -> memref<100352x16xf32, #tpu.memory_space<vmem_shared>>
          tpu.wait_indirect_dma semaphore(%arg24 : memref<!tpu.dma_semaphore, #tpu.memory_space<semaphore_mem>>) src(%dma_wait3A_438 : memref<128x16xf32, #tpu.memory_space<vmem>>) dst(%dma_wait3A_444 : memref<100352x16xf32, #tpu.memory_space<vmem_shared>>)
        } else {
        }
        %dma_start3A_223 = arith.constant 7 : i32
        %dma_start3A_224 = arith.constant 7 : i32
        %dma_start3A_225 = arith.constant 0 : i32
        %dma_start3A_226 = arith.constant 0 : i32
        %dma_start3A_227 = tpu.memref_slice %arg12[%dma_start3A_224, %dma_start3A_225, %dma_start3A_226] : memref<8x128x16xf32, #tpu.memory_space<vmem>> -> memref<1x128x16xf32, #tpu.memory_space<vmem>>
        %dma_start3A_228 = tpu.memref_squeeze %dma_start3A_227 : memref<1x128x16xf32, #tpu.memory_space<vmem>> -> memref<128x16xf32, #tpu.memory_space<vmem>>
        %dma_start3A_229 = arith.constant 0 : i32
        %dma_start3A_230 = tpu.memref_slice %arg10[%rem3A_89, %dma_start3A_223, %dma_start3A_229] : memref<2x8x128xi32, #tpu.memory_space<vmem>> -> memref<1x1x128xi32, #tpu.memory_space<vmem>>
        %dma_start3A_231 = tpu.memref_squeeze %dma_start3A_230 : memref<1x1x128xi32, #tpu.memory_space<vmem>> -> memref<128xi32, #tpu.memory_space<vmem>>
        %dma_start3A_232 = arith.constant 0 : i32
        %dma_start3A_233 = arith.constant 0 : i32
        %dma_start3A_234 = tpu.memref_slice %arg8[%dma_start3A_232, %dma_start3A_233] : memref<200704x16xf32, #tpu.memory_space<hbm>> -> memref<200704x16xf32, #tpu.memory_space<hbm>>
        tpu.enqueue_indirect_dma source(%dma_start3A_234 : memref<200704x16xf32, #tpu.memory_space<hbm>>) target(%dma_start3A_228 : memref<128x16xf32, #tpu.memory_space<vmem>>) offsets(%dma_start3A_231 : memref<128xi32, #tpu.memory_space<vmem>>) semaphore(%arg23 : memref<!tpu.dma_semaphore, #tpu.memory_space<semaphore_mem>>)
        %add3A_235 = arith.constant 1 : i32
        %add3A_236 = arith.addi %add3A_88, %add3A_235 : i32
        %lt3A = arith.constant 98 : i32
        %lt3A_237 = arith.cmpi slt, %add3A_236, %lt3A : i32
        %convert_element_type3A_238 = arith.extui %lt3A_237 : i1 to i32
        %cond3A_239 = arith.constant 0 : i32
        %cond3A_240 = arith.cmpi ne, %convert_element_type3A_238, %cond3A_239 : i32
        scf.if %cond3A_240 {
          %add3A_432 = arith.constant 1 : i32
          %add3A_433 = arith.addi %add3A_88, %add3A_432 : i32
          %mul3A_434 = arith.constant 8 : i32
          %mul3A_435 = arith.muli %add3A_433, %mul3A_434 : i32
          %add3A_436 = arith.addi %mul3A_22, %mul3A_435 : i32
          %sub3A = arith.constant 1 : i32
          %sub3A_437 = arith.subi %sub3A, %rem3A_89 : i32
          %dma_start3A_438 = arith.constant 0 : i32
          %dma_start3A_439 = arith.constant 0 : i32
          %dma_start3A_440 = arith.constant 0 : i32
          %dma_start3A_441 = tpu.memref_slice %arg10[%sub3A_437, %dma_start3A_439, %dma_start3A_440] : memref<2x8x128xi32, #tpu.memory_space<vmem>> -> memref<1x8x128xi32, #tpu.memory_space<vmem>>
          %dma_start3A_442 = tpu.memref_squeeze %dma_start3A_441 : memref<1x8x128xi32, #tpu.memory_space<vmem>> -> memref<8x128xi32, #tpu.memory_space<vmem>>
          %dma_start3A_443 = arith.constant 0 : i32
          %dma_start3A_444 = tpu.memref_slice %arg2[%dma_start3A_438, %add3A_436, %dma_start3A_443] : memref<2x12544x128xi32, #tpu.memory_space<hbm>> -> memref<1x8x128xi32, #tpu.memory_space<hbm>>
          %dma_start3A_445 = tpu.memref_squeeze %dma_start3A_444 : memref<1x8x128xi32, #tpu.memory_space<hbm>> -> memref<8x128xi32, #tpu.memory_space<hbm>>
          %dma_start3A_446 = arith.constant 0 : i32
          %dma_start3A_447 = arith.constant 0 : i32
          %dma_start3A_448 = tpu.memref_slice %arg10[%sub3A_437, %dma_start3A_446, %dma_start3A_447] : memref<2x8x128xi32, #tpu.memory_space<vmem>> -> memref<1x8x128xi32, #tpu.memory_space<vmem>>
          %dma_start3A_449 = tpu.memref_squeeze %dma_start3A_448 : memref<1x8x128xi32, #tpu.memory_space<vmem>> -> memref<8x128xi32, #tpu.memory_space<vmem>>
          %dma_start3A_450 = arith.constant 0 : i32
          %dma_start3A_451 = tpu.memref_slice %arg2[%dma_start3A_438, %add3A_436, %dma_start3A_450] : memref<2x12544x128xi32, #tpu.memory_space<hbm>> -> memref<1x8x128xi32, #tpu.memory_space<hbm>>
          %dma_start3A_452 = tpu.memref_squeeze %dma_start3A_451 : memref<1x8x128xi32, #tpu.memory_space<hbm>> -> memref<8x128xi32, #tpu.memory_space<hbm>>
          tpu.enqueue_dma source(%dma_start3A_452 : memref<8x128xi32, #tpu.memory_space<hbm>>) target(%dma_start3A_449 : memref<8x128xi32, #tpu.memory_space<vmem>>) target_semaphore(%arg22 : memref<!tpu.dma_semaphore, #tpu.memory_space<semaphore_mem>>)
          %add3A_453 = arith.constant 1 : i32
          %add3A_454 = arith.addi %add3A_88, %add3A_453 : i32
          %mul3A_455 = arith.constant 8 : i32
          %mul3A_456 = arith.muli %add3A_454, %mul3A_455 : i32
          %add3A_457 = arith.addi %mul3A_22, %mul3A_456 : i32
          %sub3A_458 = arith.constant 1 : i32
          %sub3A_459 = arith.subi %sub3A_458, %rem3A_89 : i32
          %dma_start3A_460 = arith.constant 1 : i32
          %dma_start3A_461 = arith.constant 0 : i32
          %dma_start3A_462 = arith.constant 0 : i32
          %dma_start3A_463 = tpu.memref_slice %arg11[%sub3A_459, %dma_start3A_461, %dma_start3A_462] : memref<2x8x128xi32, #tpu.memory_space<vmem>> -> memref<1x8x128xi32, #tpu.memory_space<vmem>>
          %dma_start3A_464 = tpu.memref_squeeze %dma_start3A_463 : memref<1x8x128xi32, #tpu.memory_space<vmem>> -> memref<8x128xi32, #tpu.memory_space<vmem>>
          %dma_start3A_465 = arith.constant 0 : i32
          %dma_start3A_466 = tpu.memref_slice %arg2[%dma_start3A_460, %add3A_457, %dma_start3A_465] : memref<2x12544x128xi32, #tpu.memory_space<hbm>> -> memref<1x8x128xi32, #tpu.memory_space<hbm>>
          %dma_start3A_467 = tpu.memref_squeeze %dma_start3A_466 : memref<1x8x128xi32, #tpu.memory_space<hbm>> -> memref<8x128xi32, #tpu.memory_space<hbm>>
          %dma_start3A_468 = arith.constant 0 : i32
          %dma_start3A_469 = arith.constant 0 : i32
          %dma_start3A_470 = tpu.memref_slice %arg11[%sub3A_459, %dma_start3A_468, %dma_start3A_469] : memref<2x8x128xi32, #tpu.memory_space<vmem>> -> memref<1x8x128xi32, #tpu.memory_space<vmem>>
          %dma_start3A_471 = tpu.memref_squeeze %dma_start3A_470 : memref<1x8x128xi32, #tpu.memory_space<vmem>> -> memref<8x128xi32, #tpu.memory_space<vmem>>
          %dma_start3A_472 = arith.constant 0 : i32
          %dma_start3A_473 = tpu.memref_slice %arg2[%dma_start3A_460, %add3A_457, %dma_start3A_472] : memref<2x12544x128xi32, #tpu.memory_space<hbm>> -> memref<1x8x128xi32, #tpu.memory_space<hbm>>
          %dma_start3A_474 = tpu.memref_squeeze %dma_start3A_473 : memref<1x8x128xi32, #tpu.memory_space<hbm>> -> memref<8x128xi32, #tpu.memory_space<hbm>>
          tpu.enqueue_dma source(%dma_start3A_474 : memref<8x128xi32, #tpu.memory_space<hbm>>) target(%dma_start3A_471 : memref<8x128xi32, #tpu.memory_space<vmem>>) target_semaphore(%arg22 : memref<!tpu.dma_semaphore, #tpu.memory_space<semaphore_mem>>)
        } else {
        }
        %dma_wait3A = arith.constant 0 : i32
        %dma_wait3A_241 = arith.constant 0 : i32
        %dma_wait3A_242 = arith.constant 0 : i32
        %dma_wait3A_243 = arith.constant 0 : i32
        %dma_wait3A_244 = tpu.memref_slice %arg12[%dma_wait3A_241, %dma_wait3A_242, %dma_wait3A_243] : memref<8x128x16xf32, #tpu.memory_space<vmem>> -> memref<1x128x16xf32, #tpu.memory_space<vmem>>
        %dma_wait3A_245 = tpu.memref_squeeze %dma_wait3A_244 : memref<1x128x16xf32, #tpu.memory_space<vmem>> -> memref<128x16xf32, #tpu.memory_space<vmem>>
        %dma_wait3A_246 = arith.constant 0 : i32
        %dma_wait3A_247 = tpu.memref_slice %arg10[%rem3A_89, %dma_wait3A, %dma_wait3A_246] : memref<2x8x128xi32, #tpu.memory_space<vmem>> -> memref<1x1x128xi32, #tpu.memory_space<vmem>>
        %dma_wait3A_248 = tpu.memref_squeeze %dma_wait3A_247 : memref<1x1x128xi32, #tpu.memory_space<vmem>> -> memref<128xi32, #tpu.memory_space<vmem>>
        %dma_wait3A_249 = arith.constant 0 : i32
        %dma_wait3A_250 = arith.constant 0 : i32
        %dma_wait3A_251 = tpu.memref_slice %arg8[%dma_wait3A_249, %dma_wait3A_250] : memref<200704x16xf32, #tpu.memory_space<hbm>> -> memref<200704x16xf32, #tpu.memory_space<hbm>>
        tpu.wait_indirect_dma semaphore(%arg23 : memref<!tpu.dma_semaphore, #tpu.memory_space<semaphore_mem>>) src(%dma_wait3A_251 : memref<200704x16xf32, #tpu.memory_space<hbm>>) dst(%dma_wait3A_245 : memref<128x16xf32, #tpu.memory_space<vmem>>)
        %dma_start3A_252 = arith.constant 0 : i32
        %dma_start3A_253 = arith.constant 0 : i32
        %dma_start3A_254 = arith.constant 0 : i32
        %dma_start3A_255 = arith.constant 0 : i32
        %dma_start3A_256 = tpu.memref_slice %arg12[%dma_start3A_252, %dma_start3A_254, %dma_start3A_255] : memref<8x128x16xf32, #tpu.memory_space<vmem>> -> memref<1x128x16xf32, #tpu.memory_space<vmem>>
        %dma_start3A_257 = tpu.memref_squeeze %dma_start3A_256 : memref<1x128x16xf32, #tpu.memory_space<vmem>> -> memref<128x16xf32, #tpu.memory_space<vmem>>
        %dma_start3A_258 = arith.constant 0 : i32
        %dma_start3A_259 = tpu.memref_slice %arg11[%rem3A_89, %dma_start3A_253, %dma_start3A_258] : memref<2x8x128xi32, #tpu.memory_space<vmem>> -> memref<1x1x128xi32, #tpu.memory_space<vmem>>
        %dma_start3A_260 = tpu.memref_squeeze %dma_start3A_259 : memref<1x1x128xi32, #tpu.memory_space<vmem>> -> memref<128xi32, #tpu.memory_space<vmem>>
        %dma_start3A_261 = arith.constant 0 : i32
        %dma_start3A_262 = arith.constant 0 : i32
        %dma_start3A_263 = tpu.memref_slice %arg9[%dma_start3A_261, %dma_start3A_262] : memref<100352x16xf32, #tpu.memory_space<vmem_shared>> -> memref<100352x16xf32, #tpu.memory_space<vmem_shared>>
        tpu.enqueue_indirect_dma source(%dma_start3A_257 : memref<128x16xf32, #tpu.memory_space<vmem>>) target(%dma_start3A_263 : memref<100352x16xf32, #tpu.memory_space<vmem_shared>>) offsets(%dma_start3A_260 : memref<128xi32, #tpu.memory_space<vmem>>) semaphore(%arg24 : memref<!tpu.dma_semaphore, #tpu.memory_space<semaphore_mem>>) {add = true}
        %dma_wait3A_264 = arith.constant 1 : i32
        %dma_wait3A_265 = arith.constant 1 : i32
        %dma_wait3A_266 = arith.constant 0 : i32
        %dma_wait3A_267 = arith.constant 0 : i32
        %dma_wait3A_268 = tpu.memref_slice %arg12[%dma_wait3A_265, %dma_wait3A_266, %dma_wait3A_267] : memref<8x128x16xf32, #tpu.memory_space<vmem>> -> memref<1x128x16xf32, #tpu.memory_space<vmem>>
        %dma_wait3A_269 = tpu.memref_squeeze %dma_wait3A_268 : memref<1x128x16xf32, #tpu.memory_space<vmem>> -> memref<128x16xf32, #tpu.memory_space<vmem>>
        %dma_wait3A_270 = arith.constant 0 : i32
        %dma_wait3A_271 = tpu.memref_slice %arg10[%rem3A_89, %dma_wait3A_264, %dma_wait3A_270] : memref<2x8x128xi32, #tpu.memory_space<vmem>> -> memref<1x1x128xi32, #tpu.memory_space<vmem>>
        %dma_wait3A_272 = tpu.memref_squeeze %dma_wait3A_271 : memref<1x1x128xi32, #tpu.memory_space<vmem>> -> memref<128xi32, #tpu.memory_space<vmem>>
        %dma_wait3A_273 = arith.constant 0 : i32
        %dma_wait3A_274 = arith.constant 0 : i32
        %dma_wait3A_275 = tpu.memref_slice %arg8[%dma_wait3A_273, %dma_wait3A_274] : memref<200704x16xf32, #tpu.memory_space<hbm>> -> memref<200704x16xf32, #tpu.memory_space<hbm>>
        tpu.wait_indirect_dma semaphore(%arg23 : memref<!tpu.dma_semaphore, #tpu.memory_space<semaphore_mem>>) src(%dma_wait3A_275 : memref<200704x16xf32, #tpu.memory_space<hbm>>) dst(%dma_wait3A_269 : memref<128x16xf32, #tpu.memory_space<vmem>>)
        %dma_start3A_276 = arith.constant 1 : i32
        %dma_start3A_277 = arith.constant 1 : i32
        %dma_start3A_278 = arith.constant 0 : i32
        %dma_start3A_279 = arith.constant 0 : i32
        %dma_start3A_280 = tpu.memref_slice %arg12[%dma_start3A_276, %dma_start3A_278, %dma_start3A_279] : memref<8x128x16xf32, #tpu.memory_space<vmem>> -> memref<1x128x16xf32, #tpu.memory_space<vmem>>
        %dma_start3A_281 = tpu.memref_squeeze %dma_start3A_280 : memref<1x128x16xf32, #tpu.memory_space<vmem>> -> memref<128x16xf32, #tpu.memory_space<vmem>>
        %dma_start3A_282 = arith.constant 0 : i32
        %dma_start3A_283 = tpu.memref_slice %arg11[%rem3A_89, %dma_start3A_277, %dma_start3A_282] : memref<2x8x128xi32, #tpu.memory_space<vmem>> -> memref<1x1x128xi32, #tpu.memory_space<vmem>>
        %dma_start3A_284 = tpu.memref_squeeze %dma_start3A_283 : memref<1x1x128xi32, #tpu.memory_space<vmem>> -> memref<128xi32, #tpu.memory_space<vmem>>
        %dma_start3A_285 = arith.constant 0 : i32
        %dma_start3A_286 = arith.constant 0 : i32
        %dma_start3A_287 = tpu.memref_slice %arg9[%dma_start3A_285, %dma_start3A_286] : memref<100352x16xf32, #tpu.memory_space<vmem_shared>> -> memref<100352x16xf32, #tpu.memory_space<vmem_shared>>
        tpu.enqueue_indirect_dma source(%dma_start3A_281 : memref<128x16xf32, #tpu.memory_space<vmem>>) target(%dma_start3A_287 : memref<100352x16xf32, #tpu.memory_space<vmem_shared>>) offsets(%dma_start3A_284 : memref<128xi32, #tpu.memory_space<vmem>>) semaphore(%arg24 : memref<!tpu.dma_semaphore, #tpu.memory_space<semaphore_mem>>) {add = true}
        %dma_wait3A_288 = arith.constant 2 : i32
        %dma_wait3A_289 = arith.constant 2 : i32
        %dma_wait3A_290 = arith.constant 0 : i32
        %dma_wait3A_291 = arith.constant 0 : i32
        %dma_wait3A_292 = tpu.memref_slice %arg12[%dma_wait3A_289, %dma_wait3A_290, %dma_wait3A_291] : memref<8x128x16xf32, #tpu.memory_space<vmem>> -> memref<1x128x16xf32, #tpu.memory_space<vmem>>
        %dma_wait3A_293 = tpu.memref_squeeze %dma_wait3A_292 : memref<1x128x16xf32, #tpu.memory_space<vmem>> -> memref<128x16xf32, #tpu.memory_space<vmem>>
        %dma_wait3A_294 = arith.constant 0 : i32
        %dma_wait3A_295 = tpu.memref_slice %arg10[%rem3A_89, %dma_wait3A_288, %dma_wait3A_294] : memref<2x8x128xi32, #tpu.memory_space<vmem>> -> memref<1x1x128xi32, #tpu.memory_space<vmem>>
        %dma_wait3A_296 = tpu.memref_squeeze %dma_wait3A_295 : memref<1x1x128xi32, #tpu.memory_space<vmem>> -> memref<128xi32, #tpu.memory_space<vmem>>
        %dma_wait3A_297 = arith.constant 0 : i32
        %dma_wait3A_298 = arith.constant 0 : i32
        %dma_wait3A_299 = tpu.memref_slice %arg8[%dma_wait3A_297, %dma_wait3A_298] : memref<200704x16xf32, #tpu.memory_space<hbm>> -> memref<200704x16xf32, #tpu.memory_space<hbm>>
        tpu.wait_indirect_dma semaphore(%arg23 : memref<!tpu.dma_semaphore, #tpu.memory_space<semaphore_mem>>) src(%dma_wait3A_299 : memref<200704x16xf32, #tpu.memory_space<hbm>>) dst(%dma_wait3A_293 : memref<128x16xf32, #tpu.memory_space<vmem>>)
        %dma_start3A_300 = arith.constant 2 : i32
        %dma_start3A_301 = arith.constant 2 : i32
        %dma_start3A_302 = arith.constant 0 : i32
        %dma_start3A_303 = arith.constant 0 : i32
        %dma_start3A_304 = tpu.memref_slice %arg12[%dma_start3A_300, %dma_start3A_302, %dma_start3A_303] : memref<8x128x16xf32, #tpu.memory_space<vmem>> -> memref<1x128x16xf32, #tpu.memory_space<vmem>>
        %dma_start3A_305 = tpu.memref_squeeze %dma_start3A_304 : memref<1x128x16xf32, #tpu.memory_space<vmem>> -> memref<128x16xf32, #tpu.memory_space<vmem>>
        %dma_start3A_306 = arith.constant 0 : i32
        %dma_start3A_307 = tpu.memref_slice %arg11[%rem3A_89, %dma_start3A_301, %dma_start3A_306] : memref<2x8x128xi32, #tpu.memory_space<vmem>> -> memref<1x1x128xi32, #tpu.memory_space<vmem>>
        %dma_start3A_308 = tpu.memref_squeeze %dma_start3A_307 : memref<1x1x128xi32, #tpu.memory_space<vmem>> -> memref<128xi32, #tpu.memory_space<vmem>>
        %dma_start3A_309 = arith.constant 0 : i32
        %dma_start3A_310 = arith.constant 0 : i32
        %dma_start3A_311 = tpu.memref_slice %arg9[%dma_start3A_309, %dma_start3A_310] : memref<100352x16xf32, #tpu.memory_space<vmem_shared>> -> memref<100352x16xf32, #tpu.memory_space<vmem_shared>>
        tpu.enqueue_indirect_dma source(%dma_start3A_305 : memref<128x16xf32, #tpu.memory_space<vmem>>) target(%dma_start3A_311 : memref<100352x16xf32, #tpu.memory_space<vmem_shared>>) offsets(%dma_start3A_308 : memref<128xi32, #tpu.memory_space<vmem>>) semaphore(%arg24 : memref<!tpu.dma_semaphore, #tpu.memory_space<semaphore_mem>>) {add = true}
        %dma_wait3A_312 = arith.constant 3 : i32
        %dma_wait3A_313 = arith.constant 3 : i32
        %dma_wait3A_314 = arith.constant 0 : i32
        %dma_wait3A_315 = arith.constant 0 : i32
        %dma_wait3A_316 = tpu.memref_slice %arg12[%dma_wait3A_313, %dma_wait3A_314, %dma_wait3A_315] : memref<8x128x16xf32, #tpu.memory_space<vmem>> -> memref<1x128x16xf32, #tpu.memory_space<vmem>>
        %dma_wait3A_317 = tpu.memref_squeeze %dma_wait3A_316 : memref<1x128x16xf32, #tpu.memory_space<vmem>> -> memref<128x16xf32, #tpu.memory_space<vmem>>
        %dma_wait3A_318 = arith.constant 0 : i32
        %dma_wait3A_319 = tpu.memref_slice %arg10[%rem3A_89, %dma_wait3A_312, %dma_wait3A_318] : memref<2x8x128xi32, #tpu.memory_space<vmem>> -> memref<1x1x128xi32, #tpu.memory_space<vmem>>
        %dma_wait3A_320 = tpu.memref_squeeze %dma_wait3A_319 : memref<1x1x128xi32, #tpu.memory_space<vmem>> -> memref<128xi32, #tpu.memory_space<vmem>>
        %dma_wait3A_321 = arith.constant 0 : i32
        %dma_wait3A_322 = arith.constant 0 : i32
        %dma_wait3A_323 = tpu.memref_slice %arg8[%dma_wait3A_321, %dma_wait3A_322] : memref<200704x16xf32, #tpu.memory_space<hbm>> -> memref<200704x16xf32, #tpu.memory_space<hbm>>
        tpu.wait_indirect_dma semaphore(%arg23 : memref<!tpu.dma_semaphore, #tpu.memory_space<semaphore_mem>>) src(%dma_wait3A_323 : memref<200704x16xf32, #tpu.memory_space<hbm>>) dst(%dma_wait3A_317 : memref<128x16xf32, #tpu.memory_space<vmem>>)
        %dma_start3A_324 = arith.constant 3 : i32
        %dma_start3A_325 = arith.constant 3 : i32
        %dma_start3A_326 = arith.constant 0 : i32
        %dma_start3A_327 = arith.constant 0 : i32
        %dma_start3A_328 = tpu.memref_slice %arg12[%dma_start3A_324, %dma_start3A_326, %dma_start3A_327] : memref<8x128x16xf32, #tpu.memory_space<vmem>> -> memref<1x128x16xf32, #tpu.memory_space<vmem>>
        %dma_start3A_329 = tpu.memref_squeeze %dma_start3A_328 : memref<1x128x16xf32, #tpu.memory_space<vmem>> -> memref<128x16xf32, #tpu.memory_space<vmem>>
        %dma_start3A_330 = arith.constant 0 : i32
        %dma_start3A_331 = tpu.memref_slice %arg11[%rem3A_89, %dma_start3A_325, %dma_start3A_330] : memref<2x8x128xi32, #tpu.memory_space<vmem>> -> memref<1x1x128xi32, #tpu.memory_space<vmem>>
        %dma_start3A_332 = tpu.memref_squeeze %dma_start3A_331 : memref<1x1x128xi32, #tpu.memory_space<vmem>> -> memref<128xi32, #tpu.memory_space<vmem>>
        %dma_start3A_333 = arith.constant 0 : i32
        %dma_start3A_334 = arith.constant 0 : i32
        %dma_start3A_335 = tpu.memref_slice %arg9[%dma_start3A_333, %dma_start3A_334] : memref<100352x16xf32, #tpu.memory_space<vmem_shared>> -> memref<100352x16xf32, #tpu.memory_space<vmem_shared>>
        tpu.enqueue_indirect_dma source(%dma_start3A_329 : memref<128x16xf32, #tpu.memory_space<vmem>>) target(%dma_start3A_335 : memref<100352x16xf32, #tpu.memory_space<vmem_shared>>) offsets(%dma_start3A_332 : memref<128xi32, #tpu.memory_space<vmem>>) semaphore(%arg24 : memref<!tpu.dma_semaphore, #tpu.memory_space<semaphore_mem>>) {add = true}
        %dma_wait3A_336 = arith.constant 4 : i32
        %dma_wait3A_337 = arith.constant 4 : i32
        %dma_wait3A_338 = arith.constant 0 : i32
        %dma_wait3A_339 = arith.constant 0 : i32
        %dma_wait3A_340 = tpu.memref_slice %arg12[%dma_wait3A_337, %dma_wait3A_338, %dma_wait3A_339] : memref<8x128x16xf32, #tpu.memory_space<vmem>> -> memref<1x128x16xf32, #tpu.memory_space<vmem>>
        %dma_wait3A_341 = tpu.memref_squeeze %dma_wait3A_340 : memref<1x128x16xf32, #tpu.memory_space<vmem>> -> memref<128x16xf32, #tpu.memory_space<vmem>>
        %dma_wait3A_342 = arith.constant 0 : i32
        %dma_wait3A_343 = tpu.memref_slice %arg10[%rem3A_89, %dma_wait3A_336, %dma_wait3A_342] : memref<2x8x128xi32, #tpu.memory_space<vmem>> -> memref<1x1x128xi32, #tpu.memory_space<vmem>>
        %dma_wait3A_344 = tpu.memref_squeeze %dma_wait3A_343 : memref<1x1x128xi32, #tpu.memory_space<vmem>> -> memref<128xi32, #tpu.memory_space<vmem>>
        %dma_wait3A_345 = arith.constant 0 : i32
        %dma_wait3A_346 = arith.constant 0 : i32
        %dma_wait3A_347 = tpu.memref_slice %arg8[%dma_wait3A_345, %dma_wait3A_346] : memref<200704x16xf32, #tpu.memory_space<hbm>> -> memref<200704x16xf32, #tpu.memory_space<hbm>>
        tpu.wait_indirect_dma semaphore(%arg23 : memref<!tpu.dma_semaphore, #tpu.memory_space<semaphore_mem>>) src(%dma_wait3A_347 : memref<200704x16xf32, #tpu.memory_space<hbm>>) dst(%dma_wait3A_341 : memref<128x16xf32, #tpu.memory_space<vmem>>)
        %dma_start3A_348 = arith.constant 4 : i32
        %dma_start3A_349 = arith.constant 4 : i32
        %dma_start3A_350 = arith.constant 0 : i32
        %dma_start3A_351 = arith.constant 0 : i32
        %dma_start3A_352 = tpu.memref_slice %arg12[%dma_start3A_348, %dma_start3A_350, %dma_start3A_351] : memref<8x128x16xf32, #tpu.memory_space<vmem>> -> memref<1x128x16xf32, #tpu.memory_space<vmem>>
        %dma_start3A_353 = tpu.memref_squeeze %dma_start3A_352 : memref<1x128x16xf32, #tpu.memory_space<vmem>> -> memref<128x16xf32, #tpu.memory_space<vmem>>
        %dma_start3A_354 = arith.constant 0 : i32
        %dma_start3A_355 = tpu.memref_slice %arg11[%rem3A_89, %dma_start3A_349, %dma_start3A_354] : memref<2x8x128xi32, #tpu.memory_space<vmem>> -> memref<1x1x128xi32, #tpu.memory_space<vmem>>
        %dma_start3A_356 = tpu.memref_squeeze %dma_start3A_355 : memref<1x1x128xi32, #tpu.memory_space<vmem>> -> memref<128xi32, #tpu.memory_space<vmem>>
        %dma_start3A_357 = arith.constant 0 : i32
        %dma_start3A_358 = arith.constant 0 : i32
        %dma_start3A_359 = tpu.memref_slice %arg9[%dma_start3A_357, %dma_start3A_358] : memref<100352x16xf32, #tpu.memory_space<vmem_shared>> -> memref<100352x16xf32, #tpu.memory_space<vmem_shared>>
        tpu.enqueue_indirect_dma source(%dma_start3A_353 : memref<128x16xf32, #tpu.memory_space<vmem>>) target(%dma_start3A_359 : memref<100352x16xf32, #tpu.memory_space<vmem_shared>>) offsets(%dma_start3A_356 : memref<128xi32, #tpu.memory_space<vmem>>) semaphore(%arg24 : memref<!tpu.dma_semaphore, #tpu.memory_space<semaphore_mem>>) {add = true}
        %dma_wait3A_360 = arith.constant 5 : i32
        %dma_wait3A_361 = arith.constant 5 : i32
        %dma_wait3A_362 = arith.constant 0 : i32
        %dma_wait3A_363 = arith.constant 0 : i32
        %dma_wait3A_364 = tpu.memref_slice %arg12[%dma_wait3A_361, %dma_wait3A_362, %dma_wait3A_363] : memref<8x128x16xf32, #tpu.memory_space<vmem>> -> memref<1x128x16xf32, #tpu.memory_space<vmem>>
        %dma_wait3A_365 = tpu.memref_squeeze %dma_wait3A_364 : memref<1x128x16xf32, #tpu.memory_space<vmem>> -> memref<128x16xf32, #tpu.memory_space<vmem>>
        %dma_wait3A_366 = arith.constant 0 : i32
        %dma_wait3A_367 = tpu.memref_slice %arg10[%rem3A_89, %dma_wait3A_360, %dma_wait3A_366] : memref<2x8x128xi32, #tpu.memory_space<vmem>> -> memref<1x1x128xi32, #tpu.memory_space<vmem>>
        %dma_wait3A_368 = tpu.memref_squeeze %dma_wait3A_367 : memref<1x1x128xi32, #tpu.memory_space<vmem>> -> memref<128xi32, #tpu.memory_space<vmem>>
        %dma_wait3A_369 = arith.constant 0 : i32
        %dma_wait3A_370 = arith.constant 0 : i32
        %dma_wait3A_371 = tpu.memref_slice %arg8[%dma_wait3A_369, %dma_wait3A_370] : memref<200704x16xf32, #tpu.memory_space<hbm>> -> memref<200704x16xf32, #tpu.memory_space<hbm>>
        tpu.wait_indirect_dma semaphore(%arg23 : memref<!tpu.dma_semaphore, #tpu.memory_space<semaphore_mem>>) src(%dma_wait3A_371 : memref<200704x16xf32, #tpu.memory_space<hbm>>) dst(%dma_wait3A_365 : memref<128x16xf32, #tpu.memory_space<vmem>>)
        %dma_start3A_372 = arith.constant 5 : i32
        %dma_start3A_373 = arith.constant 5 : i32
        %dma_start3A_374 = arith.constant 0 : i32
        %dma_start3A_375 = arith.constant 0 : i32
        %dma_start3A_376 = tpu.memref_slice %arg12[%dma_start3A_372, %dma_start3A_374, %dma_start3A_375] : memref<8x128x16xf32, #tpu.memory_space<vmem>> -> memref<1x128x16xf32, #tpu.memory_space<vmem>>
        %dma_start3A_377 = tpu.memref_squeeze %dma_start3A_376 : memref<1x128x16xf32, #tpu.memory_space<vmem>> -> memref<128x16xf32, #tpu.memory_space<vmem>>
        %dma_start3A_378 = arith.constant 0 : i32
        %dma_start3A_379 = tpu.memref_slice %arg11[%rem3A_89, %dma_start3A_373, %dma_start3A_378] : memref<2x8x128xi32, #tpu.memory_space<vmem>> -> memref<1x1x128xi32, #tpu.memory_space<vmem>>
        %dma_start3A_380 = tpu.memref_squeeze %dma_start3A_379 : memref<1x1x128xi32, #tpu.memory_space<vmem>> -> memref<128xi32, #tpu.memory_space<vmem>>
        %dma_start3A_381 = arith.constant 0 : i32
        %dma_start3A_382 = arith.constant 0 : i32
        %dma_start3A_383 = tpu.memref_slice %arg9[%dma_start3A_381, %dma_start3A_382] : memref<100352x16xf32, #tpu.memory_space<vmem_shared>> -> memref<100352x16xf32, #tpu.memory_space<vmem_shared>>
        tpu.enqueue_indirect_dma source(%dma_start3A_377 : memref<128x16xf32, #tpu.memory_space<vmem>>) target(%dma_start3A_383 : memref<100352x16xf32, #tpu.memory_space<vmem_shared>>) offsets(%dma_start3A_380 : memref<128xi32, #tpu.memory_space<vmem>>) semaphore(%arg24 : memref<!tpu.dma_semaphore, #tpu.memory_space<semaphore_mem>>) {add = true}
        %dma_wait3A_384 = arith.constant 6 : i32
        %dma_wait3A_385 = arith.constant 6 : i32
        %dma_wait3A_386 = arith.constant 0 : i32
        %dma_wait3A_387 = arith.constant 0 : i32
        %dma_wait3A_388 = tpu.memref_slice %arg12[%dma_wait3A_385, %dma_wait3A_386, %dma_wait3A_387] : memref<8x128x16xf32, #tpu.memory_space<vmem>> -> memref<1x128x16xf32, #tpu.memory_space<vmem>>
        %dma_wait3A_389 = tpu.memref_squeeze %dma_wait3A_388 : memref<1x128x16xf32, #tpu.memory_space<vmem>> -> memref<128x16xf32, #tpu.memory_space<vmem>>
        %dma_wait3A_390 = arith.constant 0 : i32
        %dma_wait3A_391 = tpu.memref_slice %arg10[%rem3A_89, %dma_wait3A_384, %dma_wait3A_390] : memref<2x8x128xi32, #tpu.memory_space<vmem>> -> memref<1x1x128xi32, #tpu.memory_space<vmem>>
        %dma_wait3A_392 = tpu.memref_squeeze %dma_wait3A_391 : memref<1x1x128xi32, #tpu.memory_space<vmem>> -> memref<128xi32, #tpu.memory_space<vmem>>
        %dma_wait3A_393 = arith.constant 0 : i32
        %dma_wait3A_394 = arith.constant 0 : i32
        %dma_wait3A_395 = tpu.memref_slice %arg8[%dma_wait3A_393, %dma_wait3A_394] : memref<200704x16xf32, #tpu.memory_space<hbm>> -> memref<200704x16xf32, #tpu.memory_space<hbm>>
        tpu.wait_indirect_dma semaphore(%arg23 : memref<!tpu.dma_semaphore, #tpu.memory_space<semaphore_mem>>) src(%dma_wait3A_395 : memref<200704x16xf32, #tpu.memory_space<hbm>>) dst(%dma_wait3A_389 : memref<128x16xf32, #tpu.memory_space<vmem>>)
        %dma_start3A_396 = arith.constant 6 : i32
        %dma_start3A_397 = arith.constant 6 : i32
        %dma_start3A_398 = arith.constant 0 : i32
        %dma_start3A_399 = arith.constant 0 : i32
        %dma_start3A_400 = tpu.memref_slice %arg12[%dma_start3A_396, %dma_start3A_398, %dma_start3A_399] : memref<8x128x16xf32, #tpu.memory_space<vmem>> -> memref<1x128x16xf32, #tpu.memory_space<vmem>>
        %dma_start3A_401 = tpu.memref_squeeze %dma_start3A_400 : memref<1x128x16xf32, #tpu.memory_space<vmem>> -> memref<128x16xf32, #tpu.memory_space<vmem>>
        %dma_start3A_402 = arith.constant 0 : i32
        %dma_start3A_403 = tpu.memref_slice %arg11[%rem3A_89, %dma_start3A_397, %dma_start3A_402] : memref<2x8x128xi32, #tpu.memory_space<vmem>> -> memref<1x1x128xi32, #tpu.memory_space<vmem>>
        %dma_start3A_404 = tpu.memref_squeeze %dma_start3A_403 : memref<1x1x128xi32, #tpu.memory_space<vmem>> -> memref<128xi32, #tpu.memory_space<vmem>>
        %dma_start3A_405 = arith.constant 0 : i32
        %dma_start3A_406 = arith.constant 0 : i32
        %dma_start3A_407 = tpu.memref_slice %arg9[%dma_start3A_405, %dma_start3A_406] : memref<100352x16xf32, #tpu.memory_space<vmem_shared>> -> memref<100352x16xf32, #tpu.memory_space<vmem_shared>>
        tpu.enqueue_indirect_dma source(%dma_start3A_401 : memref<128x16xf32, #tpu.memory_space<vmem>>) target(%dma_start3A_407 : memref<100352x16xf32, #tpu.memory_space<vmem_shared>>) offsets(%dma_start3A_404 : memref<128xi32, #tpu.memory_space<vmem>>) semaphore(%arg24 : memref<!tpu.dma_semaphore, #tpu.memory_space<semaphore_mem>>) {add = true}
        %dma_wait3A_408 = arith.constant 7 : i32
        %dma_wait3A_409 = arith.constant 7 : i32
        %dma_wait3A_410 = arith.constant 0 : i32
        %dma_wait3A_411 = arith.constant 0 : i32
        %dma_wait3A_412 = tpu.memref_slice %arg12[%dma_wait3A_409, %dma_wait3A_410, %dma_wait3A_411] : memref<8x128x16xf32, #tpu.memory_space<vmem>> -> memref<1x128x16xf32, #tpu.memory_space<vmem>>
        %dma_wait3A_413 = tpu.memref_squeeze %dma_wait3A_412 : memref<1x128x16xf32, #tpu.memory_space<vmem>> -> memref<128x16xf32, #tpu.memory_space<vmem>>
        %dma_wait3A_414 = arith.constant 0 : i32
        %dma_wait3A_415 = tpu.memref_slice %arg10[%rem3A_89, %dma_wait3A_408, %dma_wait3A_414] : memref<2x8x128xi32, #tpu.memory_space<vmem>> -> memref<1x1x128xi32, #tpu.memory_space<vmem>>
        %dma_wait3A_416 = tpu.memref_squeeze %dma_wait3A_415 : memref<1x1x128xi32, #tpu.memory_space<vmem>> -> memref<128xi32, #tpu.memory_space<vmem>>
        %dma_wait3A_417 = arith.constant 0 : i32
        %dma_wait3A_418 = arith.constant 0 : i32
        %dma_wait3A_419 = tpu.memref_slice %arg8[%dma_wait3A_417, %dma_wait3A_418] : memref<200704x16xf32, #tpu.memory_space<hbm>> -> memref<200704x16xf32, #tpu.memory_space<hbm>>
        tpu.wait_indirect_dma semaphore(%arg23 : memref<!tpu.dma_semaphore, #tpu.memory_space<semaphore_mem>>) src(%dma_wait3A_419 : memref<200704x16xf32, #tpu.memory_space<hbm>>) dst(%dma_wait3A_413 : memref<128x16xf32, #tpu.memory_space<vmem>>)
        %dma_start3A_420 = arith.constant 7 : i32
        %dma_start3A_421 = arith.constant 7 : i32
        %dma_start3A_422 = arith.constant 0 : i32
        %dma_start3A_423 = arith.constant 0 : i32
        %dma_start3A_424 = tpu.memref_slice %arg12[%dma_start3A_420, %dma_start3A_422, %dma_start3A_423] : memref<8x128x16xf32, #tpu.memory_space<vmem>> -> memref<1x128x16xf32, #tpu.memory_space<vmem>>
        %dma_start3A_425 = tpu.memref_squeeze %dma_start3A_424 : memref<1x128x16xf32, #tpu.memory_space<vmem>> -> memref<128x16xf32, #tpu.memory_space<vmem>>
        %dma_start3A_426 = arith.constant 0 : i32
        %dma_start3A_427 = tpu.memref_slice %arg11[%rem3A_89, %dma_start3A_421, %dma_start3A_426] : memref<2x8x128xi32, #tpu.memory_space<vmem>> -> memref<1x1x128xi32, #tpu.memory_space<vmem>>
        %dma_start3A_428 = tpu.memref_squeeze %dma_start3A_427 : memref<1x1x128xi32, #tpu.memory_space<vmem>> -> memref<128xi32, #tpu.memory_space<vmem>>
        %dma_start3A_429 = arith.constant 0 : i32
        %dma_start3A_430 = arith.constant 0 : i32
        %dma_start3A_431 = tpu.memref_slice %arg9[%dma_start3A_429, %dma_start3A_430] : memref<100352x16xf32, #tpu.memory_space<vmem_shared>> -> memref<100352x16xf32, #tpu.memory_space<vmem_shared>>
        tpu.enqueue_indirect_dma source(%dma_start3A_425 : memref<128x16xf32, #tpu.memory_space<vmem>>) target(%dma_start3A_431 : memref<100352x16xf32, #tpu.memory_space<vmem_shared>>) offsets(%dma_start3A_428 : memref<128xi32, #tpu.memory_space<vmem>>) semaphore(%arg24 : memref<!tpu.dma_semaphore, #tpu.memory_space<semaphore_mem>>) {add = true}
      }
      %scan3A_39 = arith.constant 98 : i32
      %scan3A_40 = arith.constant 0 : i32
      %scan3A_41 = arith.constant 8 : i32
      %scan3A_42 = arith.addi %scan3A_40, %scan3A_41 : i32
      %scan3A_43 = arith.constant 1 : i32
      scf.for %scan3A_84 = %scan3A_40 to %scan3A_42 step %scan3A_43  : i32 {
        %mul3A_85 = arith.constant 1 : i32
        %mul3A_86 = arith.muli %scan3A_84, %mul3A_85 : i32
        %add3A_87 = arith.constant 0 : i32
        %add3A_88 = arith.addi %add3A_87, %mul3A_86 : i32
        %dma_wait3A = arith.constant 1 : i32
        %dma_wait3A_89 = arith.constant 0 : i32
        %dma_wait3A_90 = arith.constant 0 : i32
        %dma_wait3A_91 = tpu.memref_slice %arg12[%add3A_88, %dma_wait3A_89, %dma_wait3A_90] : memref<8x128x16xf32, #tpu.memory_space<vmem>> -> memref<1x128x16xf32, #tpu.memory_space<vmem>>
        %dma_wait3A_92 = tpu.memref_squeeze %dma_wait3A_91 : memref<1x128x16xf32, #tpu.memory_space<vmem>> -> memref<128x16xf32, #tpu.memory_space<vmem>>
        %dma_wait3A_93 = arith.constant 0 : i32
        %dma_wait3A_94 = tpu.memref_slice %arg11[%dma_wait3A, %add3A_88, %dma_wait3A_93] : memref<2x8x128xi32, #tpu.memory_space<vmem>> -> memref<1x1x128xi32, #tpu.memory_space<vmem>>
        %dma_wait3A_95 = tpu.memref_squeeze %dma_wait3A_94 : memref<1x1x128xi32, #tpu.memory_space<vmem>> -> memref<128xi32, #tpu.memory_space<vmem>>
        %dma_wait3A_96 = arith.constant 0 : i32
        %dma_wait3A_97 = arith.constant 0 : i32
        %dma_wait3A_98 = tpu.memref_slice %arg9[%dma_wait3A_96, %dma_wait3A_97] : memref<100352x16xf32, #tpu.memory_space<vmem_shared>> -> memref<100352x16xf32, #tpu.memory_space<vmem_shared>>
        tpu.wait_indirect_dma semaphore(%arg24 : memref<!tpu.dma_semaphore, #tpu.memory_space<semaphore_mem>>) src(%dma_wait3A_92 : memref<128x16xf32, #tpu.memory_space<vmem>>) dst(%dma_wait3A_98 : memref<100352x16xf32, #tpu.memory_space<vmem_shared>>)
      }
      %scan3A_44 = arith.constant 8 : i32
      %barrier3A_45 = arith.constant 0 : index
      tpu.barrier barrier_id(%barrier3A_45)
      %mul3A_46 = arith.constant 6272 : i32
      %mul3A_47 = arith.muli %arg1, %mul3A_46 : i32
      %dma_start3A = arith.constant 0 : i32
      %dma_start3A_48 = arith.constant 0 : i32
      %dma_start3A_49 = arith.constant 0 : i32
      %dma_start3A_50 = tpu.memref_slice %arg13[%dma_start3A, %dma_start3A_48, %dma_start3A_49] : memref<2x112x16xf32, #tpu.memory_space<vmem>> -> memref<1x112x16xf32, #tpu.memory_space<vmem>>
      %dma_start3A_51 = tpu.memref_squeeze %dma_start3A_50 : memref<1x112x16xf32, #tpu.memory_space<vmem>> -> memref<112x16xf32, #tpu.memory_space<vmem>>
      %dma_start3A_52 = arith.constant 0 : i32
      %dma_start3A_53 = tpu.memref_slice %arg9[%mul3A_47, %dma_start3A_52] : memref<100352x16xf32, #tpu.memory_space<vmem_shared>> -> memref<112x16xf32, #tpu.memory_space<vmem_shared>>
      %dma_start3A_54 = arith.constant 0 : i32
      %dma_start3A_55 = arith.constant 0 : i32
      %dma_start3A_56 = tpu.memref_slice %arg13[%dma_start3A, %dma_start3A_54, %dma_start3A_55] : memref<2x112x16xf32, #tpu.memory_space<vmem>> -> memref<1x112x16xf32, #tpu.memory_space<vmem>>
      %dma_start3A_57 = tpu.memref_squeeze %dma_start3A_56 : memref<1x112x16xf32, #tpu.memory_space<vmem>> -> memref<112x16xf32, #tpu.memory_space<vmem>>
      %dma_start3A_58 = arith.constant 0 : i32
      %dma_start3A_59 = tpu.memref_slice %arg9[%mul3A_47, %dma_start3A_58] : memref<100352x16xf32, #tpu.memory_space<vmem_shared>> -> memref<112x16xf32, #tpu.memory_space<vmem_shared>>
      tpu.enqueue_dma source(%dma_start3A_59 : memref<112x16xf32, #tpu.memory_space<vmem_shared>>) target(%dma_start3A_57 : memref<112x16xf32, #tpu.memory_space<vmem>>) target_semaphore(%arg25 : memref<!tpu.dma_semaphore, #tpu.memory_space<semaphore_mem>>)
      %dma_start3A_60 = arith.constant 0 : i32
      %dma_start3A_61 = arith.constant 0 : i32
      %dma_start3A_62 = tpu.memref_slice %arg16[%dma_start3A_60, %dma_start3A_61] : memref<2x112xf32, #tpu.memory_space<vmem>> -> memref<1x112xf32, #tpu.memory_space<vmem>>
      %dma_start3A_63 = tpu.memref_squeeze %dma_start3A_62 : memref<1x112xf32, #tpu.memory_space<vmem>> -> memref<112xf32, #tpu.memory_space<vmem>>
      %dma_start3A_64 = tpu.memref_slice %arg3[%mul3A_47] : memref<100352xf32, #tpu.memory_space<hbm>> -> memref<112xf32, #tpu.memory_space<hbm>>
      %dma_start3A_65 = arith.constant 0 : i32
      %dma_start3A_66 = tpu.memref_slice %arg16[%dma_start3A_60, %dma_start3A_65] : memref<2x112xf32, #tpu.memory_space<vmem>> -> memref<1x112xf32, #tpu.memory_space<vmem>>
      %dma_start3A_67 = tpu.memref_squeeze %dma_start3A_66 : memref<1x112xf32, #tpu.memory_space<vmem>> -> memref<112xf32, #tpu.memory_space<vmem>>
      %dma_start3A_68 = tpu.memref_slice %arg3[%mul3A_47] : memref<100352xf32, #tpu.memory_space<hbm>> -> memref<112xf32, #tpu.memory_space<hbm>>
      tpu.enqueue_dma source(%dma_start3A_68 : memref<112xf32, #tpu.memory_space<hbm>>) target(%dma_start3A_67 : memref<112xf32, #tpu.memory_space<vmem>>) target_semaphore(%arg26 : memref<!tpu.dma_semaphore, #tpu.memory_space<semaphore_mem>>)
      %dma_start3A_69 = arith.constant 0 : i32
      %dma_start3A_70 = arith.constant 0 : i32
      %dma_start3A_71 = tpu.memref_slice %arg17[%dma_start3A_69, %dma_start3A_70] : memref<2x112xf32, #tpu.memory_space<vmem>> -> memref<1x112xf32, #tpu.memory_space<vmem>>
      %dma_start3A_72 = tpu.memref_squeeze %dma_start3A_71 : memref<1x112xf32, #tpu.memory_space<vmem>> -> memref<112xf32, #tpu.memory_space<vmem>>
      %dma_start3A_73 = tpu.memref_slice %arg4[%mul3A_47] : memref<100352xf32, #tpu.memory_space<hbm>> -> memref<112xf32, #tpu.memory_space<hbm>>
      %dma_start3A_74 = arith.constant 0 : i32
      %dma_start3A_75 = tpu.memref_slice %arg17[%dma_start3A_69, %dma_start3A_74] : memref<2x112xf32, #tpu.memory_space<vmem>> -> memref<1x112xf32, #tpu.memory_space<vmem>>
      %dma_start3A_76 = tpu.memref_squeeze %dma_start3A_75 : memref<1x112xf32, #tpu.memory_space<vmem>> -> memref<112xf32, #tpu.memory_space<vmem>>
      %dma_start3A_77 = tpu.memref_slice %arg4[%mul3A_47] : memref<100352xf32, #tpu.memory_space<hbm>> -> memref<112xf32, #tpu.memory_space<hbm>>
      tpu.enqueue_dma source(%dma_start3A_77 : memref<112xf32, #tpu.memory_space<hbm>>) target(%dma_start3A_76 : memref<112xf32, #tpu.memory_space<vmem>>) target_semaphore(%arg27 : memref<!tpu.dma_semaphore, #tpu.memory_space<semaphore_mem>>)
      %scan3A_78 = arith.constant 0 : i32
      %scan3A_79 = arith.constant 56 : i32
      %scan3A_80 = arith.addi %scan3A_78, %scan3A_79 : i32
      %scan3A_81 = arith.constant 1 : i32
      scf.for %scan3A_84 = %scan3A_78 to %scan3A_80 step %scan3A_81  : i32 {
        %mul3A_85 = arith.constant 1 : i32
        %mul3A_86 = arith.muli %scan3A_84, %mul3A_85 : i32
        %add3A_87 = arith.constant 0 : i32
        %add3A_88 = arith.addi %add3A_87, %mul3A_86 : i32
        %rem3A = arith.constant 2 : i32
        %rem3A_89 = arith.remsi %add3A_88, %rem3A : i32
        %mul3A_90 = arith.constant 6272 : i32
        %mul3A_91 = arith.muli %arg1, %mul3A_90 : i32
        %mul3A_92 = arith.constant 112 : i32
        %mul3A_93 = arith.muli %add3A_88, %mul3A_92 : i32
        %add3A_94 = arith.addi %mul3A_91, %mul3A_93 : i32
        %dma_wait3A = arith.constant 0 : i32
        %dma_wait3A_95 = arith.constant 0 : i32
        %dma_wait3A_96 = tpu.memref_slice %arg13[%rem3A_89, %dma_wait3A, %dma_wait3A_95] : memref<2x112x16xf32, #tpu.memory_space<vmem>> -> memref<1x112x16xf32, #tpu.memory_space<vmem>>
        %dma_wait3A_97 = tpu.memref_squeeze %dma_wait3A_96 : memref<1x112x16xf32, #tpu.memory_space<vmem>> -> memref<112x16xf32, #tpu.memory_space<vmem>>
        %dma_wait3A_98 = arith.constant 0 : i32
        %dma_wait3A_99 = tpu.memref_slice %arg9[%add3A_94, %dma_wait3A_98] : memref<100352x16xf32, #tpu.memory_space<vmem_shared>> -> memref<112x16xf32, #tpu.memory_space<vmem_shared>>
        %dma_wait3A_100 = arith.constant 0 : i32
        %dma_wait3A_101 = arith.constant 0 : i32
        %dma_wait3A_102 = tpu.memref_slice %arg13[%rem3A_89, %dma_wait3A_100, %dma_wait3A_101] : memref<2x112x16xf32, #tpu.memory_space<vmem>> -> memref<1x112x16xf32, #tpu.memory_space<vmem>>
        %dma_wait3A_103 = tpu.memref_squeeze %dma_wait3A_102 : memref<1x112x16xf32, #tpu.memory_space<vmem>> -> memref<112x16xf32, #tpu.memory_space<vmem>>
        %dma_wait3A_104 = arith.constant 0 : i32
        %dma_wait3A_105 = tpu.memref_slice %arg9[%add3A_94, %dma_wait3A_104] : memref<100352x16xf32, #tpu.memory_space<vmem_shared>> -> memref<112x16xf32, #tpu.memory_space<vmem_shared>>
        tpu.wait_dma2 semaphore(%arg25 : memref<!tpu.dma_semaphore, #tpu.memory_space<semaphore_mem>>) src(%dma_wait3A_105 : memref<112x16xf32, #tpu.memory_space<vmem_shared>>) dst(%dma_wait3A_103 : memref<112x16xf32, #tpu.memory_space<vmem>>)
        %dma_wait3A_106 = arith.constant 0 : i32
        %dma_wait3A_107 = tpu.memref_slice %arg16[%rem3A_89, %dma_wait3A_106] : memref<2x112xf32, #tpu.memory_space<vmem>> -> memref<1x112xf32, #tpu.memory_space<vmem>>
        %dma_wait3A_108 = tpu.memref_squeeze %dma_wait3A_107 : memref<1x112xf32, #tpu.memory_space<vmem>> -> memref<112xf32, #tpu.memory_space<vmem>>
        %dma_wait3A_109 = tpu.memref_slice %arg3[%add3A_94] : memref<100352xf32, #tpu.memory_space<hbm>> -> memref<112xf32, #tpu.memory_space<hbm>>
        %dma_wait3A_110 = arith.constant 0 : i32
        %dma_wait3A_111 = tpu.memref_slice %arg16[%rem3A_89, %dma_wait3A_110] : memref<2x112xf32, #tpu.memory_space<vmem>> -> memref<1x112xf32, #tpu.memory_space<vmem>>
        %dma_wait3A_112 = tpu.memref_squeeze %dma_wait3A_111 : memref<1x112xf32, #tpu.memory_space<vmem>> -> memref<112xf32, #tpu.memory_space<vmem>>
        %dma_wait3A_113 = tpu.memref_slice %arg3[%add3A_94] : memref<100352xf32, #tpu.memory_space<hbm>> -> memref<112xf32, #tpu.memory_space<hbm>>
        tpu.wait_dma2 semaphore(%arg26 : memref<!tpu.dma_semaphore, #tpu.memory_space<semaphore_mem>>) src(%dma_wait3A_113 : memref<112xf32, #tpu.memory_space<hbm>>) dst(%dma_wait3A_112 : memref<112xf32, #tpu.memory_space<vmem>>)
        %dma_wait3A_114 = arith.constant 0 : i32
        %dma_wait3A_115 = tpu.memref_slice %arg17[%rem3A_89, %dma_wait3A_114] : memref<2x112xf32, #tpu.memory_space<vmem>> -> memref<1x112xf32, #tpu.memory_space<vmem>>
        %dma_wait3A_116 = tpu.memref_squeeze %dma_wait3A_115 : memref<1x112xf32, #tpu.memory_space<vmem>> -> memref<112xf32, #tpu.memory_space<vmem>>
        %dma_wait3A_117 = tpu.memref_slice %arg4[%add3A_94] : memref<100352xf32, #tpu.memory_space<hbm>> -> memref<112xf32, #tpu.memory_space<hbm>>
        %dma_wait3A_118 = arith.constant 0 : i32
        %dma_wait3A_119 = tpu.memref_slice %arg17[%rem3A_89, %dma_wait3A_118] : memref<2x112xf32, #tpu.memory_space<vmem>> -> memref<1x112xf32, #tpu.memory_space<vmem>>
        %dma_wait3A_120 = tpu.memref_squeeze %dma_wait3A_119 : memref<1x112xf32, #tpu.memory_space<vmem>> -> memref<112xf32, #tpu.memory_space<vmem>>
        %dma_wait3A_121 = tpu.memref_slice %arg4[%add3A_94] : memref<100352xf32, #tpu.memory_space<hbm>> -> memref<112xf32, #tpu.memory_space<hbm>>
        tpu.wait_dma2 semaphore(%arg27 : memref<!tpu.dma_semaphore, #tpu.memory_space<semaphore_mem>>) src(%dma_wait3A_121 : memref<112xf32, #tpu.memory_space<hbm>>) dst(%dma_wait3A_120 : memref<112xf32, #tpu.memory_space<vmem>>)
        "tpu.region"() ({
          %run_scoped3A_134 = tpu.sem_alloc : memref<!tpu.dma_semaphore, #tpu.memory_space<semaphore_mem>>
          %dma_start3A_135 = arith.constant 0 : i32
          %dma_start3A_136 = tpu.memref_slice %arg9[%add3A_94, %dma_start3A_135] : memref<100352x16xf32, #tpu.memory_space<vmem_shared>> -> memref<112x16xf32, #tpu.memory_space<vmem_shared>>
          %dma_start3A_137 = arith.constant 0 : i32
          %dma_start3A_138 = tpu.memref_slice %arg9[%add3A_94, %dma_start3A_137] : memref<100352x16xf32, #tpu.memory_space<vmem_shared>> -> memref<112x16xf32, #tpu.memory_space<vmem_shared>>
          tpu.enqueue_dma source(%arg18 : memref<112x16xf32, #tpu.memory_space<vmem>>) target(%dma_start3A_138 : memref<112x16xf32, #tpu.memory_space<vmem_shared>>) target_semaphore(%run_scoped3A_134 : memref<!tpu.dma_semaphore, #tpu.memory_space<semaphore_mem>>)
          %dma_wait3A_139 = arith.constant 0 : i32
          %dma_wait3A_140 = tpu.memref_slice %arg9[%add3A_94, %dma_wait3A_139] : memref<100352x16xf32, #tpu.memory_space<vmem_shared>> -> memref<112x16xf32, #tpu.memory_space<vmem_shared>>
          %dma_wait3A_141 = arith.constant 0 : i32
          %dma_wait3A_142 = tpu.memref_slice %arg9[%add3A_94, %dma_wait3A_141] : memref<100352x16xf32, #tpu.memory_space<vmem_shared>> -> memref<112x16xf32, #tpu.memory_space<vmem_shared>>
          tpu.wait_dma2 semaphore(%run_scoped3A_134 : memref<!tpu.dma_semaphore, #tpu.memory_space<semaphore_mem>>) src(%arg18 : memref<112x16xf32, #tpu.memory_space<vmem>>) dst(%dma_wait3A_142 : memref<112x16xf32, #tpu.memory_space<vmem_shared>>)
          tpu.yield
        }) : () -> ()
        %add3A_122 = arith.constant 1 : i32
        %add3A_123 = arith.addi %add3A_88, %add3A_122 : i32
        %lt3A = arith.constant 56 : i32
        %lt3A_124 = arith.cmpi slt, %add3A_123, %lt3A : i32
        %convert_element_type3A_125 = arith.extui %lt3A_124 : i1 to i32
        %cond3A_126 = arith.constant 0 : i32
        %cond3A_127 = arith.cmpi ne, %convert_element_type3A_125, %cond3A_126 : i32
        scf.if %cond3A_127 {
          %add3A_134 = arith.constant 112 : i32
          %add3A_135 = arith.addi %add3A_94, %add3A_134 : i32
          %sub3A = arith.constant 1 : i32
          %sub3A_136 = arith.subi %sub3A, %rem3A_89 : i32
          %dma_start3A_137 = arith.constant 0 : i32
          %dma_start3A_138 = arith.constant 0 : i32
          %dma_start3A_139 = tpu.memref_slice %arg13[%sub3A_136, %dma_start3A_137, %dma_start3A_138] : memref<2x112x16xf32, #tpu.memory_space<vmem>> -> memref<1x112x16xf32, #tpu.memory_space<vmem>>
          %dma_start3A_140 = tpu.memref_squeeze %dma_start3A_139 : memref<1x112x16xf32, #tpu.memory_space<vmem>> -> memref<112x16xf32, #tpu.memory_space<vmem>>
          %dma_start3A_141 = arith.constant 0 : i32
          %dma_start3A_142 = tpu.memref_slice %arg9[%add3A_135, %dma_start3A_141] : memref<100352x16xf32, #tpu.memory_space<vmem_shared>> -> memref<112x16xf32, #tpu.memory_space<vmem_shared>>
          %dma_start3A_143 = arith.constant 0 : i32
          %dma_start3A_144 = arith.constant 0 : i32
          %dma_start3A_145 = tpu.memref_slice %arg13[%sub3A_136, %dma_start3A_143, %dma_start3A_144] : memref<2x112x16xf32, #tpu.memory_space<vmem>> -> memref<1x112x16xf32, #tpu.memory_space<vmem>>
          %dma_start3A_146 = tpu.memref_squeeze %dma_start3A_145 : memref<1x112x16xf32, #tpu.memory_space<vmem>> -> memref<112x16xf32, #tpu.memory_space<vmem>>
          %dma_start3A_147 = arith.constant 0 : i32
          %dma_start3A_148 = tpu.memref_slice %arg9[%add3A_135, %dma_start3A_147] : memref<100352x16xf32, #tpu.memory_space<vmem_shared>> -> memref<112x16xf32, #tpu.memory_space<vmem_shared>>
          tpu.enqueue_dma source(%dma_start3A_148 : memref<112x16xf32, #tpu.memory_space<vmem_shared>>) target(%dma_start3A_146 : memref<112x16xf32, #tpu.memory_space<vmem>>) target_semaphore(%arg25 : memref<!tpu.dma_semaphore, #tpu.memory_space<semaphore_mem>>)
          %sub3A_149 = arith.constant 1 : i32
          %sub3A_150 = arith.subi %sub3A_149, %rem3A_89 : i32
          %dma_start3A_151 = arith.constant 0 : i32
          %dma_start3A_152 = tpu.memref_slice %arg16[%sub3A_150, %dma_start3A_151] : memref<2x112xf32, #tpu.memory_space<vmem>> -> memref<1x112xf32, #tpu.memory_space<vmem>>
          %dma_start3A_153 = tpu.memref_squeeze %dma_start3A_152 : memref<1x112xf32, #tpu.memory_space<vmem>> -> memref<112xf32, #tpu.memory_space<vmem>>
          %dma_start3A_154 = tpu.memref_slice %arg3[%add3A_135] : memref<100352xf32, #tpu.memory_space<hbm>> -> memref<112xf32, #tpu.memory_space<hbm>>
          %dma_start3A_155 = arith.constant 0 : i32
          %dma_start3A_156 = tpu.memref_slice %arg16[%sub3A_150, %dma_start3A_155] : memref<2x112xf32, #tpu.memory_space<vmem>> -> memref<1x112xf32, #tpu.memory_space<vmem>>
          %dma_start3A_157 = tpu.memref_squeeze %dma_start3A_156 : memref<1x112xf32, #tpu.memory_space<vmem>> -> memref<112xf32, #tpu.memory_space<vmem>>
          %dma_start3A_158 = tpu.memref_slice %arg3[%add3A_135] : memref<100352xf32, #tpu.memory_space<hbm>> -> memref<112xf32, #tpu.memory_space<hbm>>
          tpu.enqueue_dma source(%dma_start3A_158 : memref<112xf32, #tpu.memory_space<hbm>>) target(%dma_start3A_157 : memref<112xf32, #tpu.memory_space<vmem>>) target_semaphore(%arg26 : memref<!tpu.dma_semaphore, #tpu.memory_space<semaphore_mem>>)
          %sub3A_159 = arith.constant 1 : i32
          %sub3A_160 = arith.subi %sub3A_159, %rem3A_89 : i32
          %dma_start3A_161 = arith.constant 0 : i32
          %dma_start3A_162 = tpu.memref_slice %arg17[%sub3A_160, %dma_start3A_161] : memref<2x112xf32, #tpu.memory_space<vmem>> -> memref<1x112xf32, #tpu.memory_space<vmem>>
          %dma_start3A_163 = tpu.memref_squeeze %dma_start3A_162 : memref<1x112xf32, #tpu.memory_space<vmem>> -> memref<112xf32, #tpu.memory_space<vmem>>
          %dma_start3A_164 = tpu.memref_slice %arg4[%add3A_135] : memref<100352xf32, #tpu.memory_space<hbm>> -> memref<112xf32, #tpu.memory_space<hbm>>
          %dma_start3A_165 = arith.constant 0 : i32
          %dma_start3A_166 = tpu.memref_slice %arg17[%sub3A_160, %dma_start3A_165] : memref<2x112xf32, #tpu.memory_space<vmem>> -> memref<1x112xf32, #tpu.memory_space<vmem>>
          %dma_start3A_167 = tpu.memref_squeeze %dma_start3A_166 : memref<1x112xf32, #tpu.memory_space<vmem>> -> memref<112xf32, #tpu.memory_space<vmem>>
          %dma_start3A_168 = tpu.memref_slice %arg4[%add3A_135] : memref<100352xf32, #tpu.memory_space<hbm>> -> memref<112xf32, #tpu.memory_space<hbm>>
          tpu.enqueue_dma source(%dma_start3A_168 : memref<112xf32, #tpu.memory_space<hbm>>) target(%dma_start3A_167 : memref<112xf32, #tpu.memory_space<vmem>>) target_semaphore(%arg27 : memref<!tpu.dma_semaphore, #tpu.memory_space<semaphore_mem>>)
        } else {
        }
        %scan3A_128 = arith.constant 0 : i32
        %scan3A_129 = arith.constant 7 : i32
        %scan3A_130 = arith.addi %scan3A_128, %scan3A_129 : i32
        %scan3A_131 = arith.constant 1 : i32
        scf.for %scan3A_134 = %scan3A_128 to %scan3A_130 step %scan3A_131  : i32 {
          %mul3A_135 = arith.constant 1 : i32
          %mul3A_136 = arith.muli %scan3A_134, %mul3A_135 : i32
          %add3A_137 = arith.constant 0 : i32
          %add3A_138 = arith.addi %add3A_137, %mul3A_136 : i32
          %mul3A_139 = arith.constant 16 : i32
          %mul3A_140 = arith.muli %add3A_138, %mul3A_139 : i32
          %get3A = arith.index_cast %rem3A_89 : i32 to index
          %get3A_141 = arith.index_cast %mul3A_140 : i32 to index
          %get3A_142 = tpu.vector_load %arg16[%get3A, %get3A_141] {strides = array<i32>} : memref<2x112xf32, #tpu.memory_space<vmem>>, vector<1x16xf32>,
          %get3A_143 = vector.shape_cast %get3A_142 : vector<1x16xf32> to vector<16xf32>
          %mul3A_144 = arith.constant 16 : i32
          %mul3A_145 = arith.muli %add3A_138, %mul3A_144 : i32
          %get3A_146 = arith.index_cast %rem3A_89 : i32 to index
          %get3A_147 = arith.index_cast %mul3A_145 : i32 to index
          %get3A_148 = tpu.vector_load %arg17[%get3A_146, %get3A_147] {strides = array<i32>} : memref<2x112xf32, #tpu.memory_space<vmem>>, vector<1x16xf32>,
          %get3A_149 = vector.shape_cast %get3A_148 : vector<1x16xf32> to vector<16xf32>
          %mul3A_150 = arith.constant 16 : i32
          %mul3A_151 = arith.muli %add3A_138, %mul3A_150 : i32
          %add3A_152 = arith.constant 0 : i32
          %add3A_153 = arith.addi %mul3A_151, %add3A_152 : i32
          %get3A_154 = arith.index_cast %rem3A_89 : i32 to index
          %get3A_155 = arith.index_cast %add3A_153 : i32 to index
          %get3A_156 = arith.constant 0 : index
          %get3A_157 = tpu.vector_load %arg13[%get3A_154, %get3A_155, %get3A_156] {strides = array<i32>} : memref<2x112x16xf32, #tpu.memory_space<vmem>>, vector<1x1x16xf32>,
          %get3A_158 = vector.shape_cast %get3A_157 : vector<1x1x16xf32> to vector<16xf32>
          %slice3A = vector.extract_strided_slice %get3A_143 {offsets = [0], sizes = [1], strides = [1]} : vector<16xf32> to vector<1xf32>
          %squeeze3A = vector.extract %slice3A[0] : f32 from vector<1xf32>
          %mul3A_159 = vector.broadcast %squeeze3A : f32 to vector<16xf32>
          %mul3A_160 = arith.mulf %mul3A_159, %get3A_158 : vector<16xf32>
          %swap3A = arith.index_cast %add3A_153 : i32 to index
          %swap3A_161 = arith.constant 0 : index
          %swap3A_162 = tpu.vector_load %arg14[%swap3A, %swap3A_161] {strides = array<i32>} : memref<112x16xf32, #tpu.memory_space<vmem>>, vector<1x16xf32>,
          %swap3A_163 = vector.shape_cast %swap3A_162 : vector<1x16xf32> to vector<16xf32>
          %swap3A_164 = vector.shape_cast %mul3A_160 : vector<16xf32> to vector<1x16xf32>
          tpu.vector_store %arg14[%swap3A, %swap3A_161], %swap3A_164 {strides = array<i32>} : memref<112x16xf32, #tpu.memory_space<vmem>>, vector<1x16xf32>,
          %slice3A_165 = vector.extract_strided_slice %get3A_149 {offsets = [0], sizes = [1], strides = [1]} : vector<16xf32> to vector<1xf32>
          %squeeze3A_166 = vector.extract %slice3A_165[0] : f32 from vector<1xf32>
          %mul3A_167 = vector.broadcast %squeeze3A_166 : f32 to vector<16xf32>
          %mul3A_168 = arith.mulf %mul3A_167, %get3A_158 : vector<16xf32>
          %swap3A_169 = arith.index_cast %add3A_153 : i32 to index
          %swap3A_170 = arith.constant 0 : index
          %swap3A_171 = tpu.vector_load %arg15[%swap3A_169, %swap3A_170] {strides = array<i32>} : memref<112x16xf32, #tpu.memory_space<vmem>>, vector<1x16xf32>,
          %swap3A_172 = vector.shape_cast %swap3A_171 : vector<1x16xf32> to vector<16xf32>
          %swap3A_173 = vector.shape_cast %mul3A_168 : vector<16xf32> to vector<1x16xf32>
          tpu.vector_store %arg15[%swap3A_169, %swap3A_170], %swap3A_173 {strides = array<i32>} : memref<112x16xf32, #tpu.memory_space<vmem>>, vector<1x16xf32>,
          %mul3A_174 = arith.constant 16 : i32
          %mul3A_175 = arith.muli %add3A_138, %mul3A_174 : i32
          %add3A_176 = arith.constant 1 : i32
          %add3A_177 = arith.addi %mul3A_175, %add3A_176 : i32
          %get3A_178 = arith.index_cast %rem3A_89 : i32 to index
          %get3A_179 = arith.index_cast %add3A_177 : i32 to index
          %get3A_180 = arith.constant 0 : index
          %get3A_181 = tpu.vector_load %arg13[%get3A_178, %get3A_179, %get3A_180] {strides = array<i32>} : memref<2x112x16xf32, #tpu.memory_space<vmem>>, vector<1x1x16xf32>,
          %get3A_182 = vector.shape_cast %get3A_181 : vector<1x1x16xf32> to vector<16xf32>
          %slice3A_183 = vector.extract_strided_slice %get3A_143 {offsets = [1], sizes = [1], strides = [1]} : vector<16xf32> to vector<1xf32>
          %squeeze3A_184 = vector.extract %slice3A_183[0] : f32 from vector<1xf32>
          %mul3A_185 = vector.broadcast %squeeze3A_184 : f32 to vector<16xf32>
          %mul3A_186 = arith.mulf %mul3A_185, %get3A_182 : vector<16xf32>
          %swap3A_187 = arith.index_cast %add3A_177 : i32 to index
          %swap3A_188 = arith.constant 0 : index
          %swap3A_189 = tpu.vector_load %arg14[%swap3A_187, %swap3A_188] {strides = array<i32>} : memref<112x16xf32, #tpu.memory_space<vmem>>, vector<1x16xf32>,
          %swap3A_190 = vector.shape_cast %swap3A_189 : vector<1x16xf32> to vector<16xf32>
          %swap3A_191 = vector.shape_cast %mul3A_186 : vector<16xf32> to vector<1x16xf32>
          tpu.vector_store %arg14[%swap3A_187, %swap3A_188], %swap3A_191 {strides = array<i32>} : memref<112x16xf32, #tpu.memory_space<vmem>>, vector<1x16xf32>,
          %slice3A_192 = vector.extract_strided_slice %get3A_149 {offsets = [1], sizes = [1], strides = [1]} : vector<16xf32> to vector<1xf32>
          %squeeze3A_193 = vector.extract %slice3A_192[0] : f32 from vector<1xf32>
          %mul3A_194 = vector.broadcast %squeeze3A_193 : f32 to vector<16xf32>
          %mul3A_195 = arith.mulf %mul3A_194, %get3A_182 : vector<16xf32>
          %swap3A_196 = arith.index_cast %add3A_177 : i32 to index
          %swap3A_197 = arith.constant 0 : index
          %swap3A_198 = tpu.vector_load %arg15[%swap3A_196, %swap3A_197] {strides = array<i32>} : memref<112x16xf32, #tpu.memory_space<vmem>>, vector<1x16xf32>,
          %swap3A_199 = vector.shape_cast %swap3A_198 : vector<1x16xf32> to vector<16xf32>
          %swap3A_200 = vector.shape_cast %mul3A_195 : vector<16xf32> to vector<1x16xf32>
          tpu.vector_store %arg15[%swap3A_196, %swap3A_197], %swap3A_200 {strides = array<i32>} : memref<112x16xf32, #tpu.memory_space<vmem>>, vector<1x16xf32>,
          %mul3A_201 = arith.constant 16 : i32
          %mul3A_202 = arith.muli %add3A_138, %mul3A_201 : i32
          %add3A_203 = arith.constant 2 : i32
          %add3A_204 = arith.addi %mul3A_202, %add3A_203 : i32
          %get3A_205 = arith.index_cast %rem3A_89 : i32 to index
          %get3A_206 = arith.index_cast %add3A_204 : i32 to index
          %get3A_207 = arith.constant 0 : index
          %get3A_208 = tpu.vector_load %arg13[%get3A_205, %get3A_206, %get3A_207] {strides = array<i32>} : memref<2x112x16xf32, #tpu.memory_space<vmem>>, vector<1x1x16xf32>,
          %get3A_209 = vector.shape_cast %get3A_208 : vector<1x1x16xf32> to vector<16xf32>
          %slice3A_210 = vector.extract_strided_slice %get3A_143 {offsets = [2], sizes = [1], strides = [1]} : vector<16xf32> to vector<1xf32>
          %squeeze3A_211 = vector.extract %slice3A_210[0] : f32 from vector<1xf32>
          %mul3A_212 = vector.broadcast %squeeze3A_211 : f32 to vector<16xf32>
          %mul3A_213 = arith.mulf %mul3A_212, %get3A_209 : vector<16xf32>
          %swap3A_214 = arith.index_cast %add3A_204 : i32 to index
          %swap3A_215 = arith.constant 0 : index
          %swap3A_216 = tpu.vector_load %arg14[%swap3A_214, %swap3A_215] {strides = array<i32>} : memref<112x16xf32, #tpu.memory_space<vmem>>, vector<1x16xf32>,
          %swap3A_217 = vector.shape_cast %swap3A_216 : vector<1x16xf32> to vector<16xf32>
          %swap3A_218 = vector.shape_cast %mul3A_213 : vector<16xf32> to vector<1x16xf32>
          tpu.vector_store %arg14[%swap3A_214, %swap3A_215], %swap3A_218 {strides = array<i32>} : memref<112x16xf32, #tpu.memory_space<vmem>>, vector<1x16xf32>,
          %slice3A_219 = vector.extract_strided_slice %get3A_149 {offsets = [2], sizes = [1], strides = [1]} : vector<16xf32> to vector<1xf32>
          %squeeze3A_220 = vector.extract %slice3A_219[0] : f32 from vector<1xf32>
          %mul3A_221 = vector.broadcast %squeeze3A_220 : f32 to vector<16xf32>
          %mul3A_222 = arith.mulf %mul3A_221, %get3A_209 : vector<16xf32>
          %swap3A_223 = arith.index_cast %add3A_204 : i32 to index
          %swap3A_224 = arith.constant 0 : index
          %swap3A_225 = tpu.vector_load %arg15[%swap3A_223, %swap3A_224] {strides = array<i32>} : memref<112x16xf32, #tpu.memory_space<vmem>>, vector<1x16xf32>,
          %swap3A_226 = vector.shape_cast %swap3A_225 : vector<1x16xf32> to vector<16xf32>
          %swap3A_227 = vector.shape_cast %mul3A_222 : vector<16xf32> to vector<1x16xf32>
          tpu.vector_store %arg15[%swap3A_223, %swap3A_224], %swap3A_227 {strides = array<i32>} : memref<112x16xf32, #tpu.memory_space<vmem>>, vector<1x16xf32>,
          %mul3A_228 = arith.constant 16 : i32
          %mul3A_229 = arith.muli %add3A_138, %mul3A_228 : i32
          %add3A_230 = arith.constant 3 : i32
          %add3A_231 = arith.addi %mul3A_229, %add3A_230 : i32
          %get3A_232 = arith.index_cast %rem3A_89 : i32 to index
          %get3A_233 = arith.index_cast %add3A_231 : i32 to index
          %get3A_234 = arith.constant 0 : index
          %get3A_235 = tpu.vector_load %arg13[%get3A_232, %get3A_233, %get3A_234] {strides = array<i32>} : memref<2x112x16xf32, #tpu.memory_space<vmem>>, vector<1x1x16xf32>,
          %get3A_236 = vector.shape_cast %get3A_235 : vector<1x1x16xf32> to vector<16xf32>
          %slice3A_237 = vector.extract_strided_slice %get3A_143 {offsets = [3], sizes = [1], strides = [1]} : vector<16xf32> to vector<1xf32>
          %squeeze3A_238 = vector.extract %slice3A_237[0] : f32 from vector<1xf32>
          %mul3A_239 = vector.broadcast %squeeze3A_238 : f32 to vector<16xf32>
          %mul3A_240 = arith.mulf %mul3A_239, %get3A_236 : vector<16xf32>
          %swap3A_241 = arith.index_cast %add3A_231 : i32 to index
          %swap3A_242 = arith.constant 0 : index
          %swap3A_243 = tpu.vector_load %arg14[%swap3A_241, %swap3A_242] {strides = array<i32>} : memref<112x16xf32, #tpu.memory_space<vmem>>, vector<1x16xf32>,
          %swap3A_244 = vector.shape_cast %swap3A_243 : vector<1x16xf32> to vector<16xf32>
          %swap3A_245 = vector.shape_cast %mul3A_240 : vector<16xf32> to vector<1x16xf32>
          tpu.vector_store %arg14[%swap3A_241, %swap3A_242], %swap3A_245 {strides = array<i32>} : memref<112x16xf32, #tpu.memory_space<vmem>>, vector<1x16xf32>,
          %slice3A_246 = vector.extract_strided_slice %get3A_149 {offsets = [3], sizes = [1], strides = [1]} : vector<16xf32> to vector<1xf32>
          %squeeze3A_247 = vector.extract %slice3A_246[0] : f32 from vector<1xf32>
          %mul3A_248 = vector.broadcast %squeeze3A_247 : f32 to vector<16xf32>
          %mul3A_249 = arith.mulf %mul3A_248, %get3A_236 : vector<16xf32>
          %swap3A_250 = arith.index_cast %add3A_231 : i32 to index
          %swap3A_251 = arith.constant 0 : index
          %swap3A_252 = tpu.vector_load %arg15[%swap3A_250, %swap3A_251] {strides = array<i32>} : memref<112x16xf32, #tpu.memory_space<vmem>>, vector<1x16xf32>,
          %swap3A_253 = vector.shape_cast %swap3A_252 : vector<1x16xf32> to vector<16xf32>
          %swap3A_254 = vector.shape_cast %mul3A_249 : vector<16xf32> to vector<1x16xf32>
          tpu.vector_store %arg15[%swap3A_250, %swap3A_251], %swap3A_254 {strides = array<i32>} : memref<112x16xf32, #tpu.memory_space<vmem>>, vector<1x16xf32>,
          %mul3A_255 = arith.constant 16 : i32
          %mul3A_256 = arith.muli %add3A_138, %mul3A_255 : i32
          %add3A_257 = arith.constant 4 : i32
          %add3A_258 = arith.addi %mul3A_256, %add3A_257 : i32
          %get3A_259 = arith.index_cast %rem3A_89 : i32 to index
          %get3A_260 = arith.index_cast %add3A_258 : i32 to index
          %get3A_261 = arith.constant 0 : index
          %get3A_262 = tpu.vector_load %arg13[%get3A_259, %get3A_260, %get3A_261] {strides = array<i32>} : memref<2x112x16xf32, #tpu.memory_space<vmem>>, vector<1x1x16xf32>,
          %get3A_263 = vector.shape_cast %get3A_262 : vector<1x1x16xf32> to vector<16xf32>
          %slice3A_264 = vector.extract_strided_slice %get3A_143 {offsets = [4], sizes = [1], strides = [1]} : vector<16xf32> to vector<1xf32>
          %squeeze3A_265 = vector.extract %slice3A_264[0] : f32 from vector<1xf32>
          %mul3A_266 = vector.broadcast %squeeze3A_265 : f32 to vector<16xf32>
          %mul3A_267 = arith.mulf %mul3A_266, %get3A_263 : vector<16xf32>
          %swap3A_268 = arith.index_cast %add3A_258 : i32 to index
          %swap3A_269 = arith.constant 0 : index
          %swap3A_270 = tpu.vector_load %arg14[%swap3A_268, %swap3A_269] {strides = array<i32>} : memref<112x16xf32, #tpu.memory_space<vmem>>, vector<1x16xf32>,
          %swap3A_271 = vector.shape_cast %swap3A_270 : vector<1x16xf32> to vector<16xf32>
          %swap3A_272 = vector.shape_cast %mul3A_267 : vector<16xf32> to vector<1x16xf32>
          tpu.vector_store %arg14[%swap3A_268, %swap3A_269], %swap3A_272 {strides = array<i32>} : memref<112x16xf32, #tpu.memory_space<vmem>>, vector<1x16xf32>,
          %slice3A_273 = vector.extract_strided_slice %get3A_149 {offsets = [4], sizes = [1], strides = [1]} : vector<16xf32> to vector<1xf32>
          %squeeze3A_274 = vector.extract %slice3A_273[0] : f32 from vector<1xf32>
          %mul3A_275 = vector.broadcast %squeeze3A_274 : f32 to vector<16xf32>
          %mul3A_276 = arith.mulf %mul3A_275, %get3A_263 : vector<16xf32>
          %swap3A_277 = arith.index_cast %add3A_258 : i32 to index
          %swap3A_278 = arith.constant 0 : index
          %swap3A_279 = tpu.vector_load %arg15[%swap3A_277, %swap3A_278] {strides = array<i32>} : memref<112x16xf32, #tpu.memory_space<vmem>>, vector<1x16xf32>,
          %swap3A_280 = vector.shape_cast %swap3A_279 : vector<1x16xf32> to vector<16xf32>
          %swap3A_281 = vector.shape_cast %mul3A_276 : vector<16xf32> to vector<1x16xf32>
          tpu.vector_store %arg15[%swap3A_277, %swap3A_278], %swap3A_281 {strides = array<i32>} : memref<112x16xf32, #tpu.memory_space<vmem>>, vector<1x16xf32>,
          %mul3A_282 = arith.constant 16 : i32
          %mul3A_283 = arith.muli %add3A_138, %mul3A_282 : i32
          %add3A_284 = arith.constant 5 : i32
          %add3A_285 = arith.addi %mul3A_283, %add3A_284 : i32
          %get3A_286 = arith.index_cast %rem3A_89 : i32 to index
          %get3A_287 = arith.index_cast %add3A_285 : i32 to index
          %get3A_288 = arith.constant 0 : index
          %get3A_289 = tpu.vector_load %arg13[%get3A_286, %get3A_287, %get3A_288] {strides = array<i32>} : memref<2x112x16xf32, #tpu.memory_space<vmem>>, vector<1x1x16xf32>,
          %get3A_290 = vector.shape_cast %get3A_289 : vector<1x1x16xf32> to vector<16xf32>
          %slice3A_291 = vector.extract_strided_slice %get3A_143 {offsets = [5], sizes = [1], strides = [1]} : vector<16xf32> to vector<1xf32>
          %squeeze3A_292 = vector.extract %slice3A_291[0] : f32 from vector<1xf32>
          %mul3A_293 = vector.broadcast %squeeze3A_292 : f32 to vector<16xf32>
          %mul3A_294 = arith.mulf %mul3A_293, %get3A_290 : vector<16xf32>
          %swap3A_295 = arith.index_cast %add3A_285 : i32 to index
          %swap3A_296 = arith.constant 0 : index
          %swap3A_297 = tpu.vector_load %arg14[%swap3A_295, %swap3A_296] {strides = array<i32>} : memref<112x16xf32, #tpu.memory_space<vmem>>, vector<1x16xf32>,
          %swap3A_298 = vector.shape_cast %swap3A_297 : vector<1x16xf32> to vector<16xf32>
          %swap3A_299 = vector.shape_cast %mul3A_294 : vector<16xf32> to vector<1x16xf32>
          tpu.vector_store %arg14[%swap3A_295, %swap3A_296], %swap3A_299 {strides = array<i32>} : memref<112x16xf32, #tpu.memory_space<vmem>>, vector<1x16xf32>,
          %slice3A_300 = vector.extract_strided_slice %get3A_149 {offsets = [5], sizes = [1], strides = [1]} : vector<16xf32> to vector<1xf32>
          %squeeze3A_301 = vector.extract %slice3A_300[0] : f32 from vector<1xf32>
          %mul3A_302 = vector.broadcast %squeeze3A_301 : f32 to vector<16xf32>
          %mul3A_303 = arith.mulf %mul3A_302, %get3A_290 : vector<16xf32>
          %swap3A_304 = arith.index_cast %add3A_285 : i32 to index
          %swap3A_305 = arith.constant 0 : index
          %swap3A_306 = tpu.vector_load %arg15[%swap3A_304, %swap3A_305] {strides = array<i32>} : memref<112x16xf32, #tpu.memory_space<vmem>>, vector<1x16xf32>,
          %swap3A_307 = vector.shape_cast %swap3A_306 : vector<1x16xf32> to vector<16xf32>
          %swap3A_308 = vector.shape_cast %mul3A_303 : vector<16xf32> to vector<1x16xf32>
          tpu.vector_store %arg15[%swap3A_304, %swap3A_305], %swap3A_308 {strides = array<i32>} : memref<112x16xf32, #tpu.memory_space<vmem>>, vector<1x16xf32>,
          %mul3A_309 = arith.constant 16 : i32
          %mul3A_310 = arith.muli %add3A_138, %mul3A_309 : i32
          %add3A_311 = arith.constant 6 : i32
          %add3A_312 = arith.addi %mul3A_310, %add3A_311 : i32
          %get3A_313 = arith.index_cast %rem3A_89 : i32 to index
          %get3A_314 = arith.index_cast %add3A_312 : i32 to index
          %get3A_315 = arith.constant 0 : index
          %get3A_316 = tpu.vector_load %arg13[%get3A_313, %get3A_314, %get3A_315] {strides = array<i32>} : memref<2x112x16xf32, #tpu.memory_space<vmem>>, vector<1x1x16xf32>,
          %get3A_317 = vector.shape_cast %get3A_316 : vector<1x1x16xf32> to vector<16xf32>
          %slice3A_318 = vector.extract_strided_slice %get3A_143 {offsets = [6], sizes = [1], strides = [1]} : vector<16xf32> to vector<1xf32>
          %squeeze3A_319 = vector.extract %slice3A_318[0] : f32 from vector<1xf32>
          %mul3A_320 = vector.broadcast %squeeze3A_319 : f32 to vector<16xf32>
          %mul3A_321 = arith.mulf %mul3A_320, %get3A_317 : vector<16xf32>
          %swap3A_322 = arith.index_cast %add3A_312 : i32 to index
          %swap3A_323 = arith.constant 0 : index
          %swap3A_324 = tpu.vector_load %arg14[%swap3A_322, %swap3A_323] {strides = array<i32>} : memref<112x16xf32, #tpu.memory_space<vmem>>, vector<1x16xf32>,
          %swap3A_325 = vector.shape_cast %swap3A_324 : vector<1x16xf32> to vector<16xf32>
          %swap3A_326 = vector.shape_cast %mul3A_321 : vector<16xf32> to vector<1x16xf32>
          tpu.vector_store %arg14[%swap3A_322, %swap3A_323], %swap3A_326 {strides = array<i32>} : memref<112x16xf32, #tpu.memory_space<vmem>>, vector<1x16xf32>,
          %slice3A_327 = vector.extract_strided_slice %get3A_149 {offsets = [6], sizes = [1], strides = [1]} : vector<16xf32> to vector<1xf32>
          %squeeze3A_328 = vector.extract %slice3A_327[0] : f32 from vector<1xf32>
          %mul3A_329 = vector.broadcast %squeeze3A_328 : f32 to vector<16xf32>
          %mul3A_330 = arith.mulf %mul3A_329, %get3A_317 : vector<16xf32>
          %swap3A_331 = arith.index_cast %add3A_312 : i32 to index
          %swap3A_332 = arith.constant 0 : index
          %swap3A_333 = tpu.vector_load %arg15[%swap3A_331, %swap3A_332] {strides = array<i32>} : memref<112x16xf32, #tpu.memory_space<vmem>>, vector<1x16xf32>,
          %swap3A_334 = vector.shape_cast %swap3A_333 : vector<1x16xf32> to vector<16xf32>
          %swap3A_335 = vector.shape_cast %mul3A_330 : vector<16xf32> to vector<1x16xf32>
          tpu.vector_store %arg15[%swap3A_331, %swap3A_332], %swap3A_335 {strides = array<i32>} : memref<112x16xf32, #tpu.memory_space<vmem>>, vector<1x16xf32>,
          %mul3A_336 = arith.constant 16 : i32
          %mul3A_337 = arith.muli %add3A_138, %mul3A_336 : i32
          %add3A_338 = arith.constant 7 : i32
          %add3A_339 = arith.addi %mul3A_337, %add3A_338 : i32
          %get3A_340 = arith.index_cast %rem3A_89 : i32 to index
          %get3A_341 = arith.index_cast %add3A_339 : i32 to index
          %get3A_342 = arith.constant 0 : index
          %get3A_343 = tpu.vector_load %arg13[%get3A_340, %get3A_341, %get3A_342] {strides = array<i32>} : memref<2x112x16xf32, #tpu.memory_space<vmem>>, vector<1x1x16xf32>,
          %get3A_344 = vector.shape_cast %get3A_343 : vector<1x1x16xf32> to vector<16xf32>
          %slice3A_345 = vector.extract_strided_slice %get3A_143 {offsets = [7], sizes = [1], strides = [1]} : vector<16xf32> to vector<1xf32>
          %squeeze3A_346 = vector.extract %slice3A_345[0] : f32 from vector<1xf32>
          %mul3A_347 = vector.broadcast %squeeze3A_346 : f32 to vector<16xf32>
          %mul3A_348 = arith.mulf %mul3A_347, %get3A_344 : vector<16xf32>
          %swap3A_349 = arith.index_cast %add3A_339 : i32 to index
          %swap3A_350 = arith.constant 0 : index
          %swap3A_351 = tpu.vector_load %arg14[%swap3A_349, %swap3A_350] {strides = array<i32>} : memref<112x16xf32, #tpu.memory_space<vmem>>, vector<1x16xf32>,
          %swap3A_352 = vector.shape_cast %swap3A_351 : vector<1x16xf32> to vector<16xf32>
          %swap3A_353 = vector.shape_cast %mul3A_348 : vector<16xf32> to vector<1x16xf32>
          tpu.vector_store %arg14[%swap3A_349, %swap3A_350], %swap3A_353 {strides = array<i32>} : memref<112x16xf32, #tpu.memory_space<vmem>>, vector<1x16xf32>,
          %slice3A_354 = vector.extract_strided_slice %get3A_149 {offsets = [7], sizes = [1], strides = [1]} : vector<16xf32> to vector<1xf32>
          %squeeze3A_355 = vector.extract %slice3A_354[0] : f32 from vector<1xf32>
          %mul3A_356 = vector.broadcast %squeeze3A_355 : f32 to vector<16xf32>
          %mul3A_357 = arith.mulf %mul3A_356, %get3A_344 : vector<16xf32>
          %swap3A_358 = arith.index_cast %add3A_339 : i32 to index
          %swap3A_359 = arith.constant 0 : index
          %swap3A_360 = tpu.vector_load %arg15[%swap3A_358, %swap3A_359] {strides = array<i32>} : memref<112x16xf32, #tpu.memory_space<vmem>>, vector<1x16xf32>,
          %swap3A_361 = vector.shape_cast %swap3A_360 : vector<1x16xf32> to vector<16xf32>
          %swap3A_362 = vector.shape_cast %mul3A_357 : vector<16xf32> to vector<1x16xf32>
          tpu.vector_store %arg15[%swap3A_358, %swap3A_359], %swap3A_362 {strides = array<i32>} : memref<112x16xf32, #tpu.memory_space<vmem>>, vector<1x16xf32>,
          %mul3A_363 = arith.constant 16 : i32
          %mul3A_364 = arith.muli %add3A_138, %mul3A_363 : i32
          %add3A_365 = arith.constant 8 : i32
          %add3A_366 = arith.addi %mul3A_364, %add3A_365 : i32
          %get3A_367 = arith.index_cast %rem3A_89 : i32 to index
          %get3A_368 = arith.index_cast %add3A_366 : i32 to index
          %get3A_369 = arith.constant 0 : index
          %get3A_370 = tpu.vector_load %arg13[%get3A_367, %get3A_368, %get3A_369] {strides = array<i32>} : memref<2x112x16xf32, #tpu.memory_space<vmem>>, vector<1x1x16xf32>,
          %get3A_371 = vector.shape_cast %get3A_370 : vector<1x1x16xf32> to vector<16xf32>
          %slice3A_372 = vector.extract_strided_slice %get3A_143 {offsets = [8], sizes = [1], strides = [1]} : vector<16xf32> to vector<1xf32>
          %squeeze3A_373 = vector.extract %slice3A_372[0] : f32 from vector<1xf32>
          %mul3A_374 = vector.broadcast %squeeze3A_373 : f32 to vector<16xf32>
          %mul3A_375 = arith.mulf %mul3A_374, %get3A_371 : vector<16xf32>
          %swap3A_376 = arith.index_cast %add3A_366 : i32 to index
          %swap3A_377 = arith.constant 0 : index
          %swap3A_378 = tpu.vector_load %arg14[%swap3A_376, %swap3A_377] {strides = array<i32>} : memref<112x16xf32, #tpu.memory_space<vmem>>, vector<1x16xf32>,
          %swap3A_379 = vector.shape_cast %swap3A_378 : vector<1x16xf32> to vector<16xf32>
          %swap3A_380 = vector.shape_cast %mul3A_375 : vector<16xf32> to vector<1x16xf32>
          tpu.vector_store %arg14[%swap3A_376, %swap3A_377], %swap3A_380 {strides = array<i32>} : memref<112x16xf32, #tpu.memory_space<vmem>>, vector<1x16xf32>,
          %slice3A_381 = vector.extract_strided_slice %get3A_149 {offsets = [8], sizes = [1], strides = [1]} : vector<16xf32> to vector<1xf32>
          %squeeze3A_382 = vector.extract %slice3A_381[0] : f32 from vector<1xf32>
          %mul3A_383 = vector.broadcast %squeeze3A_382 : f32 to vector<16xf32>
          %mul3A_384 = arith.mulf %mul3A_383, %get3A_371 : vector<16xf32>
          %swap3A_385 = arith.index_cast %add3A_366 : i32 to index
          %swap3A_386 = arith.constant 0 : index
          %swap3A_387 = tpu.vector_load %arg15[%swap3A_385, %swap3A_386] {strides = array<i32>} : memref<112x16xf32, #tpu.memory_space<vmem>>, vector<1x16xf32>,
          %swap3A_388 = vector.shape_cast %swap3A_387 : vector<1x16xf32> to vector<16xf32>
          %swap3A_389 = vector.shape_cast %mul3A_384 : vector<16xf32> to vector<1x16xf32>
          tpu.vector_store %arg15[%swap3A_385, %swap3A_386], %swap3A_389 {strides = array<i32>} : memref<112x16xf32, #tpu.memory_space<vmem>>, vector<1x16xf32>,
          %mul3A_390 = arith.constant 16 : i32
          %mul3A_391 = arith.muli %add3A_138, %mul3A_390 : i32
          %add3A_392 = arith.constant 9 : i32
          %add3A_393 = arith.addi %mul3A_391, %add3A_392 : i32
          %get3A_394 = arith.index_cast %rem3A_89 : i32 to index
          %get3A_395 = arith.index_cast %add3A_393 : i32 to index
          %get3A_396 = arith.constant 0 : index
          %get3A_397 = tpu.vector_load %arg13[%get3A_394, %get3A_395, %get3A_396] {strides = array<i32>} : memref<2x112x16xf32, #tpu.memory_space<vmem>>, vector<1x1x16xf32>,
          %get3A_398 = vector.shape_cast %get3A_397 : vector<1x1x16xf32> to vector<16xf32>
          %slice3A_399 = vector.extract_strided_slice %get3A_143 {offsets = [9], sizes = [1], strides = [1]} : vector<16xf32> to vector<1xf32>
          %squeeze3A_400 = vector.extract %slice3A_399[0] : f32 from vector<1xf32>
          %mul3A_401 = vector.broadcast %squeeze3A_400 : f32 to vector<16xf32>
          %mul3A_402 = arith.mulf %mul3A_401, %get3A_398 : vector<16xf32>
          %swap3A_403 = arith.index_cast %add3A_393 : i32 to index
          %swap3A_404 = arith.constant 0 : index
          %swap3A_405 = tpu.vector_load %arg14[%swap3A_403, %swap3A_404] {strides = array<i32>} : memref<112x16xf32, #tpu.memory_space<vmem>>, vector<1x16xf32>,
          %swap3A_406 = vector.shape_cast %swap3A_405 : vector<1x16xf32> to vector<16xf32>
          %swap3A_407 = vector.shape_cast %mul3A_402 : vector<16xf32> to vector<1x16xf32>
          tpu.vector_store %arg14[%swap3A_403, %swap3A_404], %swap3A_407 {strides = array<i32>} : memref<112x16xf32, #tpu.memory_space<vmem>>, vector<1x16xf32>,
          %slice3A_408 = vector.extract_strided_slice %get3A_149 {offsets = [9], sizes = [1], strides = [1]} : vector<16xf32> to vector<1xf32>
          %squeeze3A_409 = vector.extract %slice3A_408[0] : f32 from vector<1xf32>
          %mul3A_410 = vector.broadcast %squeeze3A_409 : f32 to vector<16xf32>
          %mul3A_411 = arith.mulf %mul3A_410, %get3A_398 : vector<16xf32>
          %swap3A_412 = arith.index_cast %add3A_393 : i32 to index
          %swap3A_413 = arith.constant 0 : index
          %swap3A_414 = tpu.vector_load %arg15[%swap3A_412, %swap3A_413] {strides = array<i32>} : memref<112x16xf32, #tpu.memory_space<vmem>>, vector<1x16xf32>,
          %swap3A_415 = vector.shape_cast %swap3A_414 : vector<1x16xf32> to vector<16xf32>
          %swap3A_416 = vector.shape_cast %mul3A_411 : vector<16xf32> to vector<1x16xf32>
          tpu.vector_store %arg15[%swap3A_412, %swap3A_413], %swap3A_416 {strides = array<i32>} : memref<112x16xf32, #tpu.memory_space<vmem>>, vector<1x16xf32>,
          %mul3A_417 = arith.constant 16 : i32
          %mul3A_418 = arith.muli %add3A_138, %mul3A_417 : i32
          %add3A_419 = arith.constant 10 : i32
          %add3A_420 = arith.addi %mul3A_418, %add3A_419 : i32
          %get3A_421 = arith.index_cast %rem3A_89 : i32 to index
          %get3A_422 = arith.index_cast %add3A_420 : i32 to index
          %get3A_423 = arith.constant 0 : index
          %get3A_424 = tpu.vector_load %arg13[%get3A_421, %get3A_422, %get3A_423] {strides = array<i32>} : memref<2x112x16xf32, #tpu.memory_space<vmem>>, vector<1x1x16xf32>,
          %get3A_425 = vector.shape_cast %get3A_424 : vector<1x1x16xf32> to vector<16xf32>
          %slice3A_426 = vector.extract_strided_slice %get3A_143 {offsets = [10], sizes = [1], strides = [1]} : vector<16xf32> to vector<1xf32>
          %squeeze3A_427 = vector.extract %slice3A_426[0] : f32 from vector<1xf32>
          %mul3A_428 = vector.broadcast %squeeze3A_427 : f32 to vector<16xf32>
          %mul3A_429 = arith.mulf %mul3A_428, %get3A_425 : vector<16xf32>
          %swap3A_430 = arith.index_cast %add3A_420 : i32 to index
          %swap3A_431 = arith.constant 0 : index
          %swap3A_432 = tpu.vector_load %arg14[%swap3A_430, %swap3A_431] {strides = array<i32>} : memref<112x16xf32, #tpu.memory_space<vmem>>, vector<1x16xf32>,
          %swap3A_433 = vector.shape_cast %swap3A_432 : vector<1x16xf32> to vector<16xf32>
          %swap3A_434 = vector.shape_cast %mul3A_429 : vector<16xf32> to vector<1x16xf32>
          tpu.vector_store %arg14[%swap3A_430, %swap3A_431], %swap3A_434 {strides = array<i32>} : memref<112x16xf32, #tpu.memory_space<vmem>>, vector<1x16xf32>,
          %slice3A_435 = vector.extract_strided_slice %get3A_149 {offsets = [10], sizes = [1], strides = [1]} : vector<16xf32> to vector<1xf32>
          %squeeze3A_436 = vector.extract %slice3A_435[0] : f32 from vector<1xf32>
          %mul3A_437 = vector.broadcast %squeeze3A_436 : f32 to vector<16xf32>
          %mul3A_438 = arith.mulf %mul3A_437, %get3A_425 : vector<16xf32>
          %swap3A_439 = arith.index_cast %add3A_420 : i32 to index
          %swap3A_440 = arith.constant 0 : index
          %swap3A_441 = tpu.vector_load %arg15[%swap3A_439, %swap3A_440] {strides = array<i32>} : memref<112x16xf32, #tpu.memory_space<vmem>>, vector<1x16xf32>,
          %swap3A_442 = vector.shape_cast %swap3A_441 : vector<1x16xf32> to vector<16xf32>
          %swap3A_443 = vector.shape_cast %mul3A_438 : vector<16xf32> to vector<1x16xf32>
          tpu.vector_store %arg15[%swap3A_439, %swap3A_440], %swap3A_443 {strides = array<i32>} : memref<112x16xf32, #tpu.memory_space<vmem>>, vector<1x16xf32>,
          %mul3A_444 = arith.constant 16 : i32
          %mul3A_445 = arith.muli %add3A_138, %mul3A_444 : i32
          %add3A_446 = arith.constant 11 : i32
          %add3A_447 = arith.addi %mul3A_445, %add3A_446 : i32
          %get3A_448 = arith.index_cast %rem3A_89 : i32 to index
          %get3A_449 = arith.index_cast %add3A_447 : i32 to index
          %get3A_450 = arith.constant 0 : index
          %get3A_451 = tpu.vector_load %arg13[%get3A_448, %get3A_449, %get3A_450] {strides = array<i32>} : memref<2x112x16xf32, #tpu.memory_space<vmem>>, vector<1x1x16xf32>,
          %get3A_452 = vector.shape_cast %get3A_451 : vector<1x1x16xf32> to vector<16xf32>
          %slice3A_453 = vector.extract_strided_slice %get3A_143 {offsets = [11], sizes = [1], strides = [1]} : vector<16xf32> to vector<1xf32>
          %squeeze3A_454 = vector.extract %slice3A_453[0] : f32 from vector<1xf32>
          %mul3A_455 = vector.broadcast %squeeze3A_454 : f32 to vector<16xf32>
          %mul3A_456 = arith.mulf %mul3A_455, %get3A_452 : vector<16xf32>
          %swap3A_457 = arith.index_cast %add3A_447 : i32 to index
          %swap3A_458 = arith.constant 0 : index
          %swap3A_459 = tpu.vector_load %arg14[%swap3A_457, %swap3A_458] {strides = array<i32>} : memref<112x16xf32, #tpu.memory_space<vmem>>, vector<1x16xf32>,
          %swap3A_460 = vector.shape_cast %swap3A_459 : vector<1x16xf32> to vector<16xf32>
          %swap3A_461 = vector.shape_cast %mul3A_456 : vector<16xf32> to vector<1x16xf32>
          tpu.vector_store %arg14[%swap3A_457, %swap3A_458], %swap3A_461 {strides = array<i32>} : memref<112x16xf32, #tpu.memory_space<vmem>>, vector<1x16xf32>,
          %slice3A_462 = vector.extract_strided_slice %get3A_149 {offsets = [11], sizes = [1], strides = [1]} : vector<16xf32> to vector<1xf32>
          %squeeze3A_463 = vector.extract %slice3A_462[0] : f32 from vector<1xf32>
          %mul3A_464 = vector.broadcast %squeeze3A_463 : f32 to vector<16xf32>
          %mul3A_465 = arith.mulf %mul3A_464, %get3A_452 : vector<16xf32>
          %swap3A_466 = arith.index_cast %add3A_447 : i32 to index
          %swap3A_467 = arith.constant 0 : index
          %swap3A_468 = tpu.vector_load %arg15[%swap3A_466, %swap3A_467] {strides = array<i32>} : memref<112x16xf32, #tpu.memory_space<vmem>>, vector<1x16xf32>,
          %swap3A_469 = vector.shape_cast %swap3A_468 : vector<1x16xf32> to vector<16xf32>
          %swap3A_470 = vector.shape_cast %mul3A_465 : vector<16xf32> to vector<1x16xf32>
          tpu.vector_store %arg15[%swap3A_466, %swap3A_467], %swap3A_470 {strides = array<i32>} : memref<112x16xf32, #tpu.memory_space<vmem>>, vector<1x16xf32>,
          %mul3A_471 = arith.constant 16 : i32
          %mul3A_472 = arith.muli %add3A_138, %mul3A_471 : i32
          %add3A_473 = arith.constant 12 : i32
          %add3A_474 = arith.addi %mul3A_472, %add3A_473 : i32
          %get3A_475 = arith.index_cast %rem3A_89 : i32 to index
          %get3A_476 = arith.index_cast %add3A_474 : i32 to index
          %get3A_477 = arith.constant 0 : index
          %get3A_478 = tpu.vector_load %arg13[%get3A_475, %get3A_476, %get3A_477] {strides = array<i32>} : memref<2x112x16xf32, #tpu.memory_space<vmem>>, vector<1x1x16xf32>,
          %get3A_479 = vector.shape_cast %get3A_478 : vector<1x1x16xf32> to vector<16xf32>
          %slice3A_480 = vector.extract_strided_slice %get3A_143 {offsets = [12], sizes = [1], strides = [1]} : vector<16xf32> to vector<1xf32>
          %squeeze3A_481 = vector.extract %slice3A_480[0] : f32 from vector<1xf32>
          %mul3A_482 = vector.broadcast %squeeze3A_481 : f32 to vector<16xf32>
          %mul3A_483 = arith.mulf %mul3A_482, %get3A_479 : vector<16xf32>
          %swap3A_484 = arith.index_cast %add3A_474 : i32 to index
          %swap3A_485 = arith.constant 0 : index
          %swap3A_486 = tpu.vector_load %arg14[%swap3A_484, %swap3A_485] {strides = array<i32>} : memref<112x16xf32, #tpu.memory_space<vmem>>, vector<1x16xf32>,
          %swap3A_487 = vector.shape_cast %swap3A_486 : vector<1x16xf32> to vector<16xf32>
          %swap3A_488 = vector.shape_cast %mul3A_483 : vector<16xf32> to vector<1x16xf32>
          tpu.vector_store %arg14[%swap3A_484, %swap3A_485], %swap3A_488 {strides = array<i32>} : memref<112x16xf32, #tpu.memory_space<vmem>>, vector<1x16xf32>,
          %slice3A_489 = vector.extract_strided_slice %get3A_149 {offsets = [12], sizes = [1], strides = [1]} : vector<16xf32> to vector<1xf32>
          %squeeze3A_490 = vector.extract %slice3A_489[0] : f32 from vector<1xf32>
          %mul3A_491 = vector.broadcast %squeeze3A_490 : f32 to vector<16xf32>
          %mul3A_492 = arith.mulf %mul3A_491, %get3A_479 : vector<16xf32>
          %swap3A_493 = arith.index_cast %add3A_474 : i32 to index
          %swap3A_494 = arith.constant 0 : index
          %swap3A_495 = tpu.vector_load %arg15[%swap3A_493, %swap3A_494] {strides = array<i32>} : memref<112x16xf32, #tpu.memory_space<vmem>>, vector<1x16xf32>,
          %swap3A_496 = vector.shape_cast %swap3A_495 : vector<1x16xf32> to vector<16xf32>
          %swap3A_497 = vector.shape_cast %mul3A_492 : vector<16xf32> to vector<1x16xf32>
          tpu.vector_store %arg15[%swap3A_493, %swap3A_494], %swap3A_497 {strides = array<i32>} : memref<112x16xf32, #tpu.memory_space<vmem>>, vector<1x16xf32>,
          %mul3A_498 = arith.constant 16 : i32
          %mul3A_499 = arith.muli %add3A_138, %mul3A_498 : i32
          %add3A_500 = arith.constant 13 : i32
          %add3A_501 = arith.addi %mul3A_499, %add3A_500 : i32
          %get3A_502 = arith.index_cast %rem3A_89 : i32 to index
          %get3A_503 = arith.index_cast %add3A_501 : i32 to index
          %get3A_504 = arith.constant 0 : index
          %get3A_505 = tpu.vector_load %arg13[%get3A_502, %get3A_503, %get3A_504] {strides = array<i32>} : memref<2x112x16xf32, #tpu.memory_space<vmem>>, vector<1x1x16xf32>,
          %get3A_506 = vector.shape_cast %get3A_505 : vector<1x1x16xf32> to vector<16xf32>
          %slice3A_507 = vector.extract_strided_slice %get3A_143 {offsets = [13], sizes = [1], strides = [1]} : vector<16xf32> to vector<1xf32>
          %squeeze3A_508 = vector.extract %slice3A_507[0] : f32 from vector<1xf32>
          %mul3A_509 = vector.broadcast %squeeze3A_508 : f32 to vector<16xf32>
          %mul3A_510 = arith.mulf %mul3A_509, %get3A_506 : vector<16xf32>
          %swap3A_511 = arith.index_cast %add3A_501 : i32 to index
          %swap3A_512 = arith.constant 0 : index
          %swap3A_513 = tpu.vector_load %arg14[%swap3A_511, %swap3A_512] {strides = array<i32>} : memref<112x16xf32, #tpu.memory_space<vmem>>, vector<1x16xf32>,
          %swap3A_514 = vector.shape_cast %swap3A_513 : vector<1x16xf32> to vector<16xf32>
          %swap3A_515 = vector.shape_cast %mul3A_510 : vector<16xf32> to vector<1x16xf32>
          tpu.vector_store %arg14[%swap3A_511, %swap3A_512], %swap3A_515 {strides = array<i32>} : memref<112x16xf32, #tpu.memory_space<vmem>>, vector<1x16xf32>,
          %slice3A_516 = vector.extract_strided_slice %get3A_149 {offsets = [13], sizes = [1], strides = [1]} : vector<16xf32> to vector<1xf32>
          %squeeze3A_517 = vector.extract %slice3A_516[0] : f32 from vector<1xf32>
          %mul3A_518 = vector.broadcast %squeeze3A_517 : f32 to vector<16xf32>
          %mul3A_519 = arith.mulf %mul3A_518, %get3A_506 : vector<16xf32>
          %swap3A_520 = arith.index_cast %add3A_501 : i32 to index
          %swap3A_521 = arith.constant 0 : index
          %swap3A_522 = tpu.vector_load %arg15[%swap3A_520, %swap3A_521] {strides = array<i32>} : memref<112x16xf32, #tpu.memory_space<vmem>>, vector<1x16xf32>,
          %swap3A_523 = vector.shape_cast %swap3A_522 : vector<1x16xf32> to vector<16xf32>
          %swap3A_524 = vector.shape_cast %mul3A_519 : vector<16xf32> to vector<1x16xf32>
          tpu.vector_store %arg15[%swap3A_520, %swap3A_521], %swap3A_524 {strides = array<i32>} : memref<112x16xf32, #tpu.memory_space<vmem>>, vector<1x16xf32>,
          %mul3A_525 = arith.constant 16 : i32
          %mul3A_526 = arith.muli %add3A_138, %mul3A_525 : i32
          %add3A_527 = arith.constant 14 : i32
          %add3A_528 = arith.addi %mul3A_526, %add3A_527 : i32
          %get3A_529 = arith.index_cast %rem3A_89 : i32 to index
          %get3A_530 = arith.index_cast %add3A_528 : i32 to index
          %get3A_531 = arith.constant 0 : index
          %get3A_532 = tpu.vector_load %arg13[%get3A_529, %get3A_530, %get3A_531] {strides = array<i32>} : memref<2x112x16xf32, #tpu.memory_space<vmem>>, vector<1x1x16xf32>,
          %get3A_533 = vector.shape_cast %get3A_532 : vector<1x1x16xf32> to vector<16xf32>
          %slice3A_534 = vector.extract_strided_slice %get3A_143 {offsets = [14], sizes = [1], strides = [1]} : vector<16xf32> to vector<1xf32>
          %squeeze3A_535 = vector.extract %slice3A_534[0] : f32 from vector<1xf32>
          %mul3A_536 = vector.broadcast %squeeze3A_535 : f32 to vector<16xf32>
          %mul3A_537 = arith.mulf %mul3A_536, %get3A_533 : vector<16xf32>
          %swap3A_538 = arith.index_cast %add3A_528 : i32 to index
          %swap3A_539 = arith.constant 0 : index
          %swap3A_540 = tpu.vector_load %arg14[%swap3A_538, %swap3A_539] {strides = array<i32>} : memref<112x16xf32, #tpu.memory_space<vmem>>, vector<1x16xf32>,
          %swap3A_541 = vector.shape_cast %swap3A_540 : vector<1x16xf32> to vector<16xf32>
          %swap3A_542 = vector.shape_cast %mul3A_537 : vector<16xf32> to vector<1x16xf32>
          tpu.vector_store %arg14[%swap3A_538, %swap3A_539], %swap3A_542 {strides = array<i32>} : memref<112x16xf32, #tpu.memory_space<vmem>>, vector<1x16xf32>,
          %slice3A_543 = vector.extract_strided_slice %get3A_149 {offsets = [14], sizes = [1], strides = [1]} : vector<16xf32> to vector<1xf32>
          %squeeze3A_544 = vector.extract %slice3A_543[0] : f32 from vector<1xf32>
          %mul3A_545 = vector.broadcast %squeeze3A_544 : f32 to vector<16xf32>
          %mul3A_546 = arith.mulf %mul3A_545, %get3A_533 : vector<16xf32>
          %swap3A_547 = arith.index_cast %add3A_528 : i32 to index
          %swap3A_548 = arith.constant 0 : index
          %swap3A_549 = tpu.vector_load %arg15[%swap3A_547, %swap3A_548] {strides = array<i32>} : memref<112x16xf32, #tpu.memory_space<vmem>>, vector<1x16xf32>,
          %swap3A_550 = vector.shape_cast %swap3A_549 : vector<1x16xf32> to vector<16xf32>
          %swap3A_551 = vector.shape_cast %mul3A_546 : vector<16xf32> to vector<1x16xf32>
          tpu.vector_store %arg15[%swap3A_547, %swap3A_548], %swap3A_551 {strides = array<i32>} : memref<112x16xf32, #tpu.memory_space<vmem>>, vector<1x16xf32>,
          %mul3A_552 = arith.constant 16 : i32
          %mul3A_553 = arith.muli %add3A_138, %mul3A_552 : i32
          %add3A_554 = arith.constant 15 : i32
          %add3A_555 = arith.addi %mul3A_553, %add3A_554 : i32
          %get3A_556 = arith.index_cast %rem3A_89 : i32 to index
          %get3A_557 = arith.index_cast %add3A_555 : i32 to index
          %get3A_558 = arith.constant 0 : index
          %get3A_559 = tpu.vector_load %arg13[%get3A_556, %get3A_557, %get3A_558] {strides = array<i32>} : memref<2x112x16xf32, #tpu.memory_space<vmem>>, vector<1x1x16xf32>,
          %get3A_560 = vector.shape_cast %get3A_559 : vector<1x1x16xf32> to vector<16xf32>
          %slice3A_561 = vector.extract_strided_slice %get3A_143 {offsets = [15], sizes = [1], strides = [1]} : vector<16xf32> to vector<1xf32>
          %squeeze3A_562 = vector.extract %slice3A_561[0] : f32 from vector<1xf32>
          %mul3A_563 = vector.broadcast %squeeze3A_562 : f32 to vector<16xf32>
          %mul3A_564 = arith.mulf %mul3A_563, %get3A_560 : vector<16xf32>
          %swap3A_565 = arith.index_cast %add3A_555 : i32 to index
          %swap3A_566 = arith.constant 0 : index
          %swap3A_567 = tpu.vector_load %arg14[%swap3A_565, %swap3A_566] {strides = array<i32>} : memref<112x16xf32, #tpu.memory_space<vmem>>, vector<1x16xf32>,
          %swap3A_568 = vector.shape_cast %swap3A_567 : vector<1x16xf32> to vector<16xf32>
          %swap3A_569 = vector.shape_cast %mul3A_564 : vector<16xf32> to vector<1x16xf32>
          tpu.vector_store %arg14[%swap3A_565, %swap3A_566], %swap3A_569 {strides = array<i32>} : memref<112x16xf32, #tpu.memory_space<vmem>>, vector<1x16xf32>,
          %slice3A_570 = vector.extract_strided_slice %get3A_149 {offsets = [15], sizes = [1], strides = [1]} : vector<16xf32> to vector<1xf32>
          %squeeze3A_571 = vector.extract %slice3A_570[0] : f32 from vector<1xf32>
          %mul3A_572 = vector.broadcast %squeeze3A_571 : f32 to vector<16xf32>
          %mul3A_573 = arith.mulf %mul3A_572, %get3A_560 : vector<16xf32>
          %swap3A_574 = arith.index_cast %add3A_555 : i32 to index
          %swap3A_575 = arith.constant 0 : index
          %swap3A_576 = tpu.vector_load %arg15[%swap3A_574, %swap3A_575] {strides = array<i32>} : memref<112x16xf32, #tpu.memory_space<vmem>>, vector<1x16xf32>,
          %swap3A_577 = vector.shape_cast %swap3A_576 : vector<1x16xf32> to vector<16xf32>
          %swap3A_578 = vector.shape_cast %mul3A_573 : vector<16xf32> to vector<1x16xf32>
          tpu.vector_store %arg15[%swap3A_574, %swap3A_575], %swap3A_578 {strides = array<i32>} : memref<112x16xf32, #tpu.memory_space<vmem>>, vector<1x16xf32>,
        }
        %scan3A_132 = arith.constant 7 : i32
        %add3A_133 = arith.addi %mul3A_0, %add3A_94 : i32
        "tpu.region"() ({
          %run_scoped3A_134 = tpu.sem_alloc : memref<!tpu.dma_semaphore, #tpu.memory_space<semaphore_mem>>
          %dma_start3A_135 = arith.constant 0 : i32
          %dma_start3A_136 = tpu.memref_slice %arg8[%add3A_133, %dma_start3A_135] : memref<200704x16xf32, #tpu.memory_space<hbm>> -> memref<112x16xf32, #tpu.memory_space<hbm>>
          %dma_start3A_137 = arith.constant 0 : i32
          %dma_start3A_138 = tpu.memref_slice %arg8[%add3A_133, %dma_start3A_137] : memref<200704x16xf32, #tpu.memory_space<hbm>> -> memref<112x16xf32, #tpu.memory_space<hbm>>
          tpu.enqueue_dma source(%arg14 : memref<112x16xf32, #tpu.memory_space<vmem>>) target(%dma_start3A_138 : memref<112x16xf32, #tpu.memory_space<hbm>>) target_semaphore(%run_scoped3A_134 : memref<!tpu.dma_semaphore, #tpu.memory_space<semaphore_mem>>)
          %dma_wait3A_139 = arith.constant 0 : i32
          %dma_wait3A_140 = tpu.memref_slice %arg8[%add3A_133, %dma_wait3A_139] : memref<200704x16xf32, #tpu.memory_space<hbm>> -> memref<112x16xf32, #tpu.memory_space<hbm>>
          %dma_wait3A_141 = arith.constant 0 : i32
          %dma_wait3A_142 = tpu.memref_slice %arg8[%add3A_133, %dma_wait3A_141] : memref<200704x16xf32, #tpu.memory_space<hbm>> -> memref<112x16xf32, #tpu.memory_space<hbm>>
          tpu.wait_dma2 semaphore(%run_scoped3A_134 : memref<!tpu.dma_semaphore, #tpu.memory_space<semaphore_mem>>) src(%arg14 : memref<112x16xf32, #tpu.memory_space<vmem>>) dst(%dma_wait3A_142 : memref<112x16xf32, #tpu.memory_space<hbm>>)
          tpu.yield
        }) : () -> ()
        "tpu.region"() ({
          %run_scoped3A_134 = tpu.sem_alloc : memref<!tpu.dma_semaphore, #tpu.memory_space<semaphore_mem>>
          %dma_start3A_135 = arith.constant 0 : i32
          %dma_start3A_136 = tpu.memref_slice %arg7[%add3A_31, %arg0, %add3A_94, %dma_start3A_135] : memref<6x2x100352x16xf32, #tpu.memory_space<hbm>> -> memref<1x1x112x16xf32, #tpu.memory_space<hbm>>
          %dma_start3A_137 = tpu.memref_squeeze %dma_start3A_136 : memref<1x1x112x16xf32, #tpu.memory_space<hbm>> -> memref<112x16xf32, #tpu.memory_space<hbm>>
          %dma_start3A_138 = arith.constant 0 : i32
          %dma_start3A_139 = tpu.memref_slice %arg7[%add3A_31, %arg0, %add3A_94, %dma_start3A_138] : memref<6x2x100352x16xf32, #tpu.memory_space<hbm>> -> memref<1x1x112x16xf32, #tpu.memory_space<hbm>>
          %dma_start3A_140 = tpu.memref_squeeze %dma_start3A_139 : memref<1x1x112x16xf32, #tpu.memory_space<hbm>> -> memref<112x16xf32, #tpu.memory_space<hbm>>
          tpu.enqueue_dma source(%arg15 : memref<112x16xf32, #tpu.memory_space<vmem>>) target(%dma_start3A_140 : memref<112x16xf32, #tpu.memory_space<hbm>>) target_semaphore(%run_scoped3A_134 : memref<!tpu.dma_semaphore, #tpu.memory_space<semaphore_mem>>)
          %dma_wait3A_141 = arith.constant 0 : i32
          %dma_wait3A_142 = tpu.memref_slice %arg7[%add3A_31, %arg0, %add3A_94, %dma_wait3A_141] : memref<6x2x100352x16xf32, #tpu.memory_space<hbm>> -> memref<1x1x112x16xf32, #tpu.memory_space<hbm>>
          %dma_wait3A_143 = tpu.memref_squeeze %dma_wait3A_142 : memref<1x1x112x16xf32, #tpu.memory_space<hbm>> -> memref<112x16xf32, #tpu.memory_space<hbm>>
          %dma_wait3A_144 = arith.constant 0 : i32
          %dma_wait3A_145 = tpu.memref_slice %arg7[%add3A_31, %arg0, %add3A_94, %dma_wait3A_144] : memref<6x2x100352x16xf32, #tpu.memory_space<hbm>> -> memref<1x1x112x16xf32, #tpu.memory_space<hbm>>
          %dma_wait3A_146 = tpu.memref_squeeze %dma_wait3A_145 : memref<1x1x112x16xf32, #tpu.memory_space<hbm>> -> memref<112x16xf32, #tpu.memory_space<hbm>>
          tpu.wait_dma2 semaphore(%run_scoped3A_134 : memref<!tpu.dma_semaphore, #tpu.memory_space<semaphore_mem>>) src(%arg15 : memref<112x16xf32, #tpu.memory_space<vmem>>) dst(%dma_wait3A_146 : memref<112x16xf32, #tpu.memory_space<hbm>>)
          tpu.yield
        }) : () -> ()
      }
      %scan3A_82 = arith.constant 56 : i32
      %barrier3A_83 = arith.constant 0 : index
      tpu.barrier barrier_id(%barrier3A_83)
    }
    %scan3A_27 = arith.constant 6 : i32
    return
  }
}

module attributes {stable_mosaic.version = 14 : i64} {
  func.func @_prep_body(%arg0: i32, %arg1: memref<2x1024xf32, #tpu.memory_space<vmem>>, %arg2: memref<32xi32, #tpu.memory_space<vmem>>, %arg3: memref<1024xf32, #tpu.memory_space<vmem>>, %arg4: memref<1024xf32, #tpu.memory_space<vmem>>, %arg5: memref<1024xf32, #tpu.memory_space<vmem>>, %arg6: memref<1024x32xf32, #tpu.memory_space<vmem>>) attributes {dimension_semantics = [#tpu.dimension_semantics<arbitrary>], iteration_bounds = array<i64: 98>, scalar_prefetch = 0 : i64, scratch_operands = 0 : i64, tpu.core_type = #tpu.core_type<tc>, window_params = [{transform_indices = @transform_0, window_bounds = array<i64: 2, 1024>}, {pipeline_mode = #tpu.pipeline_mode<synchronous>, transform_indices = @transform_1, window_bounds = array<i64: 32>}, {transform_indices = @transform_2, window_bounds = array<i64: 1024>}, {transform_indices = @transform_3, window_bounds = array<i64: 1024>}, {transform_indices = @transform_4, window_bounds = array<i64: 1024>}, {transform_indices = @transform_5, window_bounds = array<i64: 1024, 32>}]} {
    %get3A = arith.constant 0 : index
    %get3A_0 = arith.constant 0 : index
    %get3A_1 = vector.load %arg1[%get3A, %get3A_0] : memref<2x1024xf32, #tpu.memory_space<vmem>>, vector<1x1024xf32>
    %get3A_2 = vector.shape_cast %get3A_1 : vector<1x1024xf32> to vector<1024xf32>
    %get3A_3 = arith.constant 1 : index
    %get3A_4 = arith.constant 0 : index
    %get3A_5 = vector.load %arg1[%get3A_3, %get3A_4] : memref<2x1024xf32, #tpu.memory_space<vmem>>, vector<1x1024xf32>
    %get3A_6 = vector.shape_cast %get3A_5 : vector<1x1024xf32> to vector<1024xf32>
    %gt3A = arith.constant 0.000000e+00 : f32
    %gt3A_7 = vector.broadcast %gt3A : f32 to vector<1024xf32>
    %gt3A_8 = arith.cmpf ogt, %get3A_2, %gt3A_7 : vector<1024xf32>
    %rsqrt3A = math.rsqrt %get3A_2 : vector<1024xf32>
    %jit3A = arith.constant 0.000000e+00 : f32
    %broadcast_in_dim3A = vector.broadcast %jit3A : f32 to vector<1024xf32>
    %select_n3A = arith.select %gt3A_8, %rsqrt3A, %broadcast_in_dim3A : vector<1024xi1>, vector<1024xf32>
    %gt3A_9 = arith.constant 0.000000e+00 : f32
    %gt3A_10 = vector.broadcast %gt3A_9 : f32 to vector<1024xf32>
    %gt3A_11 = arith.cmpf ogt, %get3A_6, %gt3A_10 : vector<1024xf32>
    %rsqrt3A_12 = math.rsqrt %get3A_6 : vector<1024xf32>
    %jit3A_13 = arith.constant 0.000000e+00 : f32
    %broadcast_in_dim3A_14 = vector.broadcast %jit3A_13 : f32 to vector<1024xf32>
    %select_n3A_15 = arith.select %gt3A_11, %rsqrt3A_12, %broadcast_in_dim3A_14 : vector<1024xi1>, vector<1024xf32>
    %mul3A = arith.mulf %select_n3A, %select_n3A_15 : vector<1024xf32>
    %swap3A = arith.constant 0 : index
    %swap3A_16 = vector.load %arg3[%swap3A] : memref<1024xf32, #tpu.memory_space<vmem>>, vector<1024xf32>
    tpu.vector_store %arg3[%swap3A], %mul3A {strides = array<i32>} : memref<1024xf32, #tpu.memory_space<vmem>>, vector<1024xf32>,
    %swap3A_17 = arith.constant 0 : index
    %swap3A_18 = vector.load %arg4[%swap3A_17] : memref<1024xf32, #tpu.memory_space<vmem>>, vector<1024xf32>
    tpu.vector_store %arg4[%swap3A_17], %select_n3A_15 {strides = array<i32>} : memref<1024xf32, #tpu.memory_space<vmem>>, vector<1024xf32>,
    %swap3A_19 = arith.constant 0 : index
    %swap3A_20 = vector.load %arg5[%swap3A_19] : memref<1024xf32, #tpu.memory_space<vmem>>, vector<1024xf32>
    tpu.vector_store %arg5[%swap3A_19], %select_n3A {strides = array<i32>} : memref<1024xf32, #tpu.memory_space<vmem>>, vector<1024xf32>,
    %mul3A_21 = arith.constant 1024 : i32
    %mul3A_22 = arith.muli %arg0, %mul3A_21 : i32
    %iota3A = tpu.iota {dimensions = array<i32: 1>} : vector<1x1024xi32>
    %iota3A_23 = vector.shape_cast %iota3A : vector<1x1024xi32> to vector<1024xi32>
    %add3A = vector.broadcast %mul3A_22 : i32 to vector<1024xi32>
    %add3A_24 = arith.addi %add3A, %iota3A_23 : vector<1024xi32>
    %broadcast_in_dim3A_25 = vector.shape_cast %add3A_24 : vector<1024xi32> to vector<1024x1xi32>
    %get3A_26 = arith.constant 0 : index
    %get3A_27 = vector.load %arg2[%get3A_26] : memref<32xi32, #tpu.memory_space<vmem>>, vector<32xi32>
    %broadcast_in_dim3A_28 = vector.shape_cast %get3A_27 : vector<32xi32> to vector<1x32xi32>
    %eq3A = vector.broadcast %broadcast_in_dim3A_25 : vector<1024x1xi32> to vector<1024x32xi32>
    %eq3A_29 = vector.broadcast %broadcast_in_dim3A_28 : vector<1x32xi32> to vector<1024x32xi32>
    %eq3A_30 = arith.cmpi eq, %eq3A, %eq3A_29 : vector<1024x32xi32>
    %convert_element_type3A = arith.extui %eq3A_30 : vector<1024x32xi1> to vector<1024x32xi32>
    %convert_element_type3A_31 = arith.sitofp %convert_element_type3A : vector<1024x32xi32> to vector<1024x32xf32>
    %swap3A_32 = arith.constant 0 : index
    %swap3A_33 = arith.constant 0 : index
    %swap3A_34 = vector.load %arg6[%swap3A_32, %swap3A_33] : memref<1024x32xf32, #tpu.memory_space<vmem>>, vector<1024x32xf32>
    tpu.vector_store %arg6[%swap3A_32, %swap3A_33], %convert_element_type3A_31 {strides = array<i32>} : memref<1024x32xf32, #tpu.memory_space<vmem>>, vector<1024x32xf32>,
    return
  }
  func.func @transform_0(%arg0: i32) -> (i32, i32) {
    %c0_i32 = arith.constant 0 : i32
    %c0_i32_0 = arith.constant 0 : i32
    return %c0_i32, %arg0 : i32, i32
  }
  func.func @transform_1(%arg0: i32) -> i32 {
    %c0_i32 = arith.constant 0 : i32
    %c0_i32_0 = arith.constant 0 : i32
    return %c0_i32 : i32
  }
  func.func @transform_2(%arg0: i32) -> i32 {
    %c0_i32 = arith.constant 0 : i32
    return %arg0 : i32
  }
  func.func @transform_3(%arg0: i32) -> i32 {
    %c0_i32 = arith.constant 0 : i32
    return %arg0 : i32
  }
  func.func @transform_4(%arg0: i32) -> i32 {
    %c0_i32 = arith.constant 0 : i32
    return %arg0 : i32
  }
  func.func @transform_5(%arg0: i32) -> (i32, i32) {
    %c0_i32 = arith.constant 0 : i32
    %c0_i32_0 = arith.constant 0 : i32
    return %arg0, %c0_i32 : i32, i32
  }
}

module attributes {stable_mosaic.version = 14 : i64} {
  func.func @_tay_body(%arg0: i32, %arg1: memref<6x2x800x16xf32, #tpu.memory_space<vmem>>, %arg2: memref<800x32xf32, #tpu.memory_space<vmem>>, %arg3: memref<4x7xf32, #tpu.memory_space<vmem>>, %arg4: memref<4x800x32xf32, #tpu.memory_space<vmem>>) attributes {dimension_semantics = [#tpu.dimension_semantics<arbitrary>], iteration_bounds = array<i64: 125>, scalar_prefetch = 0 : i64, scratch_operands = 0 : i64, tpu.core_type = #tpu.core_type<tc>, window_params = [{transform_indices = @transform_0, window_bounds = array<i64: 6, 2, 800, 16>}, {transform_indices = @transform_1, window_bounds = array<i64: 800, 32>}, {pipeline_mode = #tpu.pipeline_mode<synchronous>, transform_indices = @transform_2, window_bounds = array<i64: 4, 7>}, {transform_indices = @transform_3, window_bounds = array<i64: 4, 800, 32>}]} {
    %get3A = arith.constant 0 : index
    %get3A_0 = arith.constant 0 : index
    %get3A_1 = vector.load %arg3[%get3A, %get3A_0] : memref<4x7xf32, #tpu.memory_space<vmem>>, vector<4x7xf32>
    %get3A_2 = arith.constant 0 : index
    %get3A_3 = arith.constant 0 : index
    %get3A_4 = vector.load %arg2[%get3A_2, %get3A_3] : memref<800x32xf32, #tpu.memory_space<vmem>>, vector<800x32xf32>
    %get3A_5 = arith.constant 0 : index
    %get3A_6 = arith.constant 0 : index
    %get3A_7 = arith.constant 0 : index
    %get3A_8 = arith.constant 0 : index
    %get3A_9 = vector.load %arg1[%get3A_5, %get3A_6, %get3A_7, %get3A_8] : memref<6x2x800x16xf32, #tpu.memory_space<vmem>>, vector<6x2x800x16xf32>
    %broadcast_in_dim3A = arith.constant 0.000000e+00 : f32
    %broadcast_in_dim3A_10 = vector.broadcast %broadcast_in_dim3A : f32 to vector<800x16xf32>
    %broadcast_in_dim3A_11 = arith.constant 0.000000e+00 : f32
    %broadcast_in_dim3A_12 = vector.broadcast %broadcast_in_dim3A_11 : f32 to vector<800x16xf32>
    %slice3A = vector.extract_strided_slice %get3A_1 {offsets = [0, 1], sizes = [1, 1], strides = [1, 1]} : vector<4x7xf32> to vector<1x1xf32>
    %squeeze3A = vector.extract %slice3A[0, 0] : f32 from vector<1x1xf32>
    %slice3A_13 = vector.extract_strided_slice %get3A_9 {offsets = [0, 0, 0, 0], sizes = [1, 1, 800, 16], strides = [1, 1, 1, 1]} : vector<6x2x800x16xf32> to vector<1x1x800x16xf32>
    %squeeze3A_14 = vector.shape_cast %slice3A_13 : vector<1x1x800x16xf32> to vector<800x16xf32>
    %mul3A = vector.broadcast %squeeze3A : f32 to vector<800x16xf32>
    %mul3A_15 = arith.mulf %mul3A, %squeeze3A_14 : vector<800x16xf32>
    %add3A = arith.addf %broadcast_in_dim3A_10, %mul3A_15 : vector<800x16xf32>
    %slice3A_16 = vector.extract_strided_slice %get3A_1 {offsets = [0, 1], sizes = [1, 1], strides = [1, 1]} : vector<4x7xf32> to vector<1x1xf32>
    %squeeze3A_17 = vector.extract %slice3A_16[0, 0] : f32 from vector<1x1xf32>
    %slice3A_18 = vector.extract_strided_slice %get3A_9 {offsets = [0, 1, 0, 0], sizes = [1, 1, 800, 16], strides = [1, 1, 1, 1]} : vector<6x2x800x16xf32> to vector<1x1x800x16xf32>
    %squeeze3A_19 = vector.shape_cast %slice3A_18 : vector<1x1x800x16xf32> to vector<800x16xf32>
    %mul3A_20 = vector.broadcast %squeeze3A_17 : f32 to vector<800x16xf32>
    %mul3A_21 = arith.mulf %mul3A_20, %squeeze3A_19 : vector<800x16xf32>
    %add3A_22 = arith.addf %broadcast_in_dim3A_12, %mul3A_21 : vector<800x16xf32>
    %slice3A_23 = vector.extract_strided_slice %get3A_1 {offsets = [0, 2], sizes = [1, 1], strides = [1, 1]} : vector<4x7xf32> to vector<1x1xf32>
    %squeeze3A_24 = vector.extract %slice3A_23[0, 0] : f32 from vector<1x1xf32>
    %slice3A_25 = vector.extract_strided_slice %get3A_9 {offsets = [1, 0, 0, 0], sizes = [1, 1, 800, 16], strides = [1, 1, 1, 1]} : vector<6x2x800x16xf32> to vector<1x1x800x16xf32>
    %squeeze3A_26 = vector.shape_cast %slice3A_25 : vector<1x1x800x16xf32> to vector<800x16xf32>
    %mul3A_27 = vector.broadcast %squeeze3A_24 : f32 to vector<800x16xf32>
    %mul3A_28 = arith.mulf %mul3A_27, %squeeze3A_26 : vector<800x16xf32>
    %add3A_29 = arith.addf %add3A, %mul3A_28 : vector<800x16xf32>
    %slice3A_30 = vector.extract_strided_slice %get3A_1 {offsets = [0, 2], sizes = [1, 1], strides = [1, 1]} : vector<4x7xf32> to vector<1x1xf32>
    %squeeze3A_31 = vector.extract %slice3A_30[0, 0] : f32 from vector<1x1xf32>
    %slice3A_32 = vector.extract_strided_slice %get3A_9 {offsets = [1, 1, 0, 0], sizes = [1, 1, 800, 16], strides = [1, 1, 1, 1]} : vector<6x2x800x16xf32> to vector<1x1x800x16xf32>
    %squeeze3A_33 = vector.shape_cast %slice3A_32 : vector<1x1x800x16xf32> to vector<800x16xf32>
    %mul3A_34 = vector.broadcast %squeeze3A_31 : f32 to vector<800x16xf32>
    %mul3A_35 = arith.mulf %mul3A_34, %squeeze3A_33 : vector<800x16xf32>
    %add3A_36 = arith.addf %add3A_22, %mul3A_35 : vector<800x16xf32>
    %slice3A_37 = vector.extract_strided_slice %get3A_1 {offsets = [0, 3], sizes = [1, 1], strides = [1, 1]} : vector<4x7xf32> to vector<1x1xf32>
    %squeeze3A_38 = vector.extract %slice3A_37[0, 0] : f32 from vector<1x1xf32>
    %slice3A_39 = vector.extract_strided_slice %get3A_9 {offsets = [2, 0, 0, 0], sizes = [1, 1, 800, 16], strides = [1, 1, 1, 1]} : vector<6x2x800x16xf32> to vector<1x1x800x16xf32>
    %squeeze3A_40 = vector.shape_cast %slice3A_39 : vector<1x1x800x16xf32> to vector<800x16xf32>
    %mul3A_41 = vector.broadcast %squeeze3A_38 : f32 to vector<800x16xf32>
    %mul3A_42 = arith.mulf %mul3A_41, %squeeze3A_40 : vector<800x16xf32>
    %add3A_43 = arith.addf %add3A_29, %mul3A_42 : vector<800x16xf32>
    %slice3A_44 = vector.extract_strided_slice %get3A_1 {offsets = [0, 3], sizes = [1, 1], strides = [1, 1]} : vector<4x7xf32> to vector<1x1xf32>
    %squeeze3A_45 = vector.extract %slice3A_44[0, 0] : f32 from vector<1x1xf32>
    %slice3A_46 = vector.extract_strided_slice %get3A_9 {offsets = [2, 1, 0, 0], sizes = [1, 1, 800, 16], strides = [1, 1, 1, 1]} : vector<6x2x800x16xf32> to vector<1x1x800x16xf32>
    %squeeze3A_47 = vector.shape_cast %slice3A_46 : vector<1x1x800x16xf32> to vector<800x16xf32>
    %mul3A_48 = vector.broadcast %squeeze3A_45 : f32 to vector<800x16xf32>
    %mul3A_49 = arith.mulf %mul3A_48, %squeeze3A_47 : vector<800x16xf32>
    %add3A_50 = arith.addf %add3A_36, %mul3A_49 : vector<800x16xf32>
    %slice3A_51 = vector.extract_strided_slice %get3A_1 {offsets = [0, 4], sizes = [1, 1], strides = [1, 1]} : vector<4x7xf32> to vector<1x1xf32>
    %squeeze3A_52 = vector.extract %slice3A_51[0, 0] : f32 from vector<1x1xf32>
    %slice3A_53 = vector.extract_strided_slice %get3A_9 {offsets = [3, 0, 0, 0], sizes = [1, 1, 800, 16], strides = [1, 1, 1, 1]} : vector<6x2x800x16xf32> to vector<1x1x800x16xf32>
    %squeeze3A_54 = vector.shape_cast %slice3A_53 : vector<1x1x800x16xf32> to vector<800x16xf32>
    %mul3A_55 = vector.broadcast %squeeze3A_52 : f32 to vector<800x16xf32>
    %mul3A_56 = arith.mulf %mul3A_55, %squeeze3A_54 : vector<800x16xf32>
    %add3A_57 = arith.addf %add3A_43, %mul3A_56 : vector<800x16xf32>
    %slice3A_58 = vector.extract_strided_slice %get3A_1 {offsets = [0, 4], sizes = [1, 1], strides = [1, 1]} : vector<4x7xf32> to vector<1x1xf32>
    %squeeze3A_59 = vector.extract %slice3A_58[0, 0] : f32 from vector<1x1xf32>
    %slice3A_60 = vector.extract_strided_slice %get3A_9 {offsets = [3, 1, 0, 0], sizes = [1, 1, 800, 16], strides = [1, 1, 1, 1]} : vector<6x2x800x16xf32> to vector<1x1x800x16xf32>
    %squeeze3A_61 = vector.shape_cast %slice3A_60 : vector<1x1x800x16xf32> to vector<800x16xf32>
    %mul3A_62 = vector.broadcast %squeeze3A_59 : f32 to vector<800x16xf32>
    %mul3A_63 = arith.mulf %mul3A_62, %squeeze3A_61 : vector<800x16xf32>
    %add3A_64 = arith.addf %add3A_50, %mul3A_63 : vector<800x16xf32>
    %slice3A_65 = vector.extract_strided_slice %get3A_1 {offsets = [0, 5], sizes = [1, 1], strides = [1, 1]} : vector<4x7xf32> to vector<1x1xf32>
    %squeeze3A_66 = vector.extract %slice3A_65[0, 0] : f32 from vector<1x1xf32>
    %slice3A_67 = vector.extract_strided_slice %get3A_9 {offsets = [4, 0, 0, 0], sizes = [1, 1, 800, 16], strides = [1, 1, 1, 1]} : vector<6x2x800x16xf32> to vector<1x1x800x16xf32>
    %squeeze3A_68 = vector.shape_cast %slice3A_67 : vector<1x1x800x16xf32> to vector<800x16xf32>
    %mul3A_69 = vector.broadcast %squeeze3A_66 : f32 to vector<800x16xf32>
    %mul3A_70 = arith.mulf %mul3A_69, %squeeze3A_68 : vector<800x16xf32>
    %add3A_71 = arith.addf %add3A_57, %mul3A_70 : vector<800x16xf32>
    %slice3A_72 = vector.extract_strided_slice %get3A_1 {offsets = [0, 5], sizes = [1, 1], strides = [1, 1]} : vector<4x7xf32> to vector<1x1xf32>
    %squeeze3A_73 = vector.extract %slice3A_72[0, 0] : f32 from vector<1x1xf32>
    %slice3A_74 = vector.extract_strided_slice %get3A_9 {offsets = [4, 1, 0, 0], sizes = [1, 1, 800, 16], strides = [1, 1, 1, 1]} : vector<6x2x800x16xf32> to vector<1x1x800x16xf32>
    %squeeze3A_75 = vector.shape_cast %slice3A_74 : vector<1x1x800x16xf32> to vector<800x16xf32>
    %mul3A_76 = vector.broadcast %squeeze3A_73 : f32 to vector<800x16xf32>
    %mul3A_77 = arith.mulf %mul3A_76, %squeeze3A_75 : vector<800x16xf32>
    %add3A_78 = arith.addf %add3A_64, %mul3A_77 : vector<800x16xf32>
    %slice3A_79 = vector.extract_strided_slice %get3A_1 {offsets = [0, 6], sizes = [1, 1], strides = [1, 1]} : vector<4x7xf32> to vector<1x1xf32>
    %squeeze3A_80 = vector.extract %slice3A_79[0, 0] : f32 from vector<1x1xf32>
    %slice3A_81 = vector.extract_strided_slice %get3A_9 {offsets = [5, 0, 0, 0], sizes = [1, 1, 800, 16], strides = [1, 1, 1, 1]} : vector<6x2x800x16xf32> to vector<1x1x800x16xf32>
    %squeeze3A_82 = vector.shape_cast %slice3A_81 : vector<1x1x800x16xf32> to vector<800x16xf32>
    %mul3A_83 = vector.broadcast %squeeze3A_80 : f32 to vector<800x16xf32>
    %mul3A_84 = arith.mulf %mul3A_83, %squeeze3A_82 : vector<800x16xf32>
    %add3A_85 = arith.addf %add3A_71, %mul3A_84 : vector<800x16xf32>
    %slice3A_86 = vector.extract_strided_slice %get3A_1 {offsets = [0, 6], sizes = [1, 1], strides = [1, 1]} : vector<4x7xf32> to vector<1x1xf32>
    %squeeze3A_87 = vector.extract %slice3A_86[0, 0] : f32 from vector<1x1xf32>
    %slice3A_88 = vector.extract_strided_slice %get3A_9 {offsets = [5, 1, 0, 0], sizes = [1, 1, 800, 16], strides = [1, 1, 1, 1]} : vector<6x2x800x16xf32> to vector<1x1x800x16xf32>
    %squeeze3A_89 = vector.shape_cast %slice3A_88 : vector<1x1x800x16xf32> to vector<800x16xf32>
    %mul3A_90 = vector.broadcast %squeeze3A_87 : f32 to vector<800x16xf32>
    %mul3A_91 = arith.mulf %mul3A_90, %squeeze3A_89 : vector<800x16xf32>
    %add3A_92 = arith.addf %add3A_78, %mul3A_91 : vector<800x16xf32>
    %slice3A_93 = vector.extract_strided_slice %get3A_1 {offsets = [0, 0], sizes = [1, 1], strides = [1, 1]} : vector<4x7xf32> to vector<1x1xf32>
    %squeeze3A_94 = vector.extract %slice3A_93[0, 0] : f32 from vector<1x1xf32>
    %mul3A_95 = vector.broadcast %squeeze3A_94 : f32 to vector<800x32xf32>
    %mul3A_96 = arith.mulf %mul3A_95, %get3A_4 : vector<800x32xf32>
    %concatenate3A = tpu.concatenate %add3A_85, %add3A_92 in 1 : vector<800x16xf32>, vector<800x16xf32> -> vector<800x32xf32>
    %add3A_97 = arith.addf %mul3A_96, %concatenate3A : vector<800x32xf32>
    %swap3A = arith.constant 0 : index
    %swap3A_98 = arith.constant 0 : index
    %swap3A_99 = arith.constant 0 : index
    %swap3A_100 = vector.load %arg4[%swap3A, %swap3A_98, %swap3A_99] : memref<4x800x32xf32, #tpu.memory_space<vmem>>, vector<1x800x32xf32>
    %swap3A_101 = vector.shape_cast %swap3A_100 : vector<1x800x32xf32> to vector<800x32xf32>
    %swap3A_102 = vector.shape_cast %add3A_97 : vector<800x32xf32> to vector<1x800x32xf32>
    tpu.vector_store %arg4[%swap3A, %swap3A_98, %swap3A_99], %swap3A_102 {strides = array<i32>} : memref<4x800x32xf32, #tpu.memory_space<vmem>>, vector<1x800x32xf32>,
    %broadcast_in_dim3A_103 = arith.constant 0.000000e+00 : f32
    %broadcast_in_dim3A_104 = vector.broadcast %broadcast_in_dim3A_103 : f32 to vector<800x16xf32>
    %broadcast_in_dim3A_105 = arith.constant 0.000000e+00 : f32
    %broadcast_in_dim3A_106 = vector.broadcast %broadcast_in_dim3A_105 : f32 to vector<800x16xf32>
    %slice3A_107 = vector.extract_strided_slice %get3A_1 {offsets = [1, 1], sizes = [1, 1], strides = [1, 1]} : vector<4x7xf32> to vector<1x1xf32>
    %squeeze3A_108 = vector.extract %slice3A_107[0, 0] : f32 from vector<1x1xf32>
    %slice3A_109 = vector.extract_strided_slice %get3A_9 {offsets = [0, 0, 0, 0], sizes = [1, 1, 800, 16], strides = [1, 1, 1, 1]} : vector<6x2x800x16xf32> to vector<1x1x800x16xf32>
    %squeeze3A_110 = vector.shape_cast %slice3A_109 : vector<1x1x800x16xf32> to vector<800x16xf32>
    %mul3A_111 = vector.broadcast %squeeze3A_108 : f32 to vector<800x16xf32>
    %mul3A_112 = arith.mulf %mul3A_111, %squeeze3A_110 : vector<800x16xf32>
    %add3A_113 = arith.addf %broadcast_in_dim3A_104, %mul3A_112 : vector<800x16xf32>
    %slice3A_114 = vector.extract_strided_slice %get3A_1 {offsets = [1, 1], sizes = [1, 1], strides = [1, 1]} : vector<4x7xf32> to vector<1x1xf32>
    %squeeze3A_115 = vector.extract %slice3A_114[0, 0] : f32 from vector<1x1xf32>
    %slice3A_116 = vector.extract_strided_slice %get3A_9 {offsets = [0, 1, 0, 0], sizes = [1, 1, 800, 16], strides = [1, 1, 1, 1]} : vector<6x2x800x16xf32> to vector<1x1x800x16xf32>
    %squeeze3A_117 = vector.shape_cast %slice3A_116 : vector<1x1x800x16xf32> to vector<800x16xf32>
    %mul3A_118 = vector.broadcast %squeeze3A_115 : f32 to vector<800x16xf32>
    %mul3A_119 = arith.mulf %mul3A_118, %squeeze3A_117 : vector<800x16xf32>
    %add3A_120 = arith.addf %broadcast_in_dim3A_106, %mul3A_119 : vector<800x16xf32>
    %slice3A_121 = vector.extract_strided_slice %get3A_1 {offsets = [1, 2], sizes = [1, 1], strides = [1, 1]} : vector<4x7xf32> to vector<1x1xf32>
    %squeeze3A_122 = vector.extract %slice3A_121[0, 0] : f32 from vector<1x1xf32>
    %slice3A_123 = vector.extract_strided_slice %get3A_9 {offsets = [1, 0, 0, 0], sizes = [1, 1, 800, 16], strides = [1, 1, 1, 1]} : vector<6x2x800x16xf32> to vector<1x1x800x16xf32>
    %squeeze3A_124 = vector.shape_cast %slice3A_123 : vector<1x1x800x16xf32> to vector<800x16xf32>
    %mul3A_125 = vector.broadcast %squeeze3A_122 : f32 to vector<800x16xf32>
    %mul3A_126 = arith.mulf %mul3A_125, %squeeze3A_124 : vector<800x16xf32>
    %add3A_127 = arith.addf %add3A_113, %mul3A_126 : vector<800x16xf32>
    %slice3A_128 = vector.extract_strided_slice %get3A_1 {offsets = [1, 2], sizes = [1, 1], strides = [1, 1]} : vector<4x7xf32> to vector<1x1xf32>
    %squeeze3A_129 = vector.extract %slice3A_128[0, 0] : f32 from vector<1x1xf32>
    %slice3A_130 = vector.extract_strided_slice %get3A_9 {offsets = [1, 1, 0, 0], sizes = [1, 1, 800, 16], strides = [1, 1, 1, 1]} : vector<6x2x800x16xf32> to vector<1x1x800x16xf32>
    %squeeze3A_131 = vector.shape_cast %slice3A_130 : vector<1x1x800x16xf32> to vector<800x16xf32>
    %mul3A_132 = vector.broadcast %squeeze3A_129 : f32 to vector<800x16xf32>
    %mul3A_133 = arith.mulf %mul3A_132, %squeeze3A_131 : vector<800x16xf32>
    %add3A_134 = arith.addf %add3A_120, %mul3A_133 : vector<800x16xf32>
    %slice3A_135 = vector.extract_strided_slice %get3A_1 {offsets = [1, 3], sizes = [1, 1], strides = [1, 1]} : vector<4x7xf32> to vector<1x1xf32>
    %squeeze3A_136 = vector.extract %slice3A_135[0, 0] : f32 from vector<1x1xf32>
    %slice3A_137 = vector.extract_strided_slice %get3A_9 {offsets = [2, 0, 0, 0], sizes = [1, 1, 800, 16], strides = [1, 1, 1, 1]} : vector<6x2x800x16xf32> to vector<1x1x800x16xf32>
    %squeeze3A_138 = vector.shape_cast %slice3A_137 : vector<1x1x800x16xf32> to vector<800x16xf32>
    %mul3A_139 = vector.broadcast %squeeze3A_136 : f32 to vector<800x16xf32>
    %mul3A_140 = arith.mulf %mul3A_139, %squeeze3A_138 : vector<800x16xf32>
    %add3A_141 = arith.addf %add3A_127, %mul3A_140 : vector<800x16xf32>
    %slice3A_142 = vector.extract_strided_slice %get3A_1 {offsets = [1, 3], sizes = [1, 1], strides = [1, 1]} : vector<4x7xf32> to vector<1x1xf32>
    %squeeze3A_143 = vector.extract %slice3A_142[0, 0] : f32 from vector<1x1xf32>
    %slice3A_144 = vector.extract_strided_slice %get3A_9 {offsets = [2, 1, 0, 0], sizes = [1, 1, 800, 16], strides = [1, 1, 1, 1]} : vector<6x2x800x16xf32> to vector<1x1x800x16xf32>
    %squeeze3A_145 = vector.shape_cast %slice3A_144 : vector<1x1x800x16xf32> to vector<800x16xf32>
    %mul3A_146 = vector.broadcast %squeeze3A_143 : f32 to vector<800x16xf32>
    %mul3A_147 = arith.mulf %mul3A_146, %squeeze3A_145 : vector<800x16xf32>
    %add3A_148 = arith.addf %add3A_134, %mul3A_147 : vector<800x16xf32>
    %slice3A_149 = vector.extract_strided_slice %get3A_1 {offsets = [1, 4], sizes = [1, 1], strides = [1, 1]} : vector<4x7xf32> to vector<1x1xf32>
    %squeeze3A_150 = vector.extract %slice3A_149[0, 0] : f32 from vector<1x1xf32>
    %slice3A_151 = vector.extract_strided_slice %get3A_9 {offsets = [3, 0, 0, 0], sizes = [1, 1, 800, 16], strides = [1, 1, 1, 1]} : vector<6x2x800x16xf32> to vector<1x1x800x16xf32>
    %squeeze3A_152 = vector.shape_cast %slice3A_151 : vector<1x1x800x16xf32> to vector<800x16xf32>
    %mul3A_153 = vector.broadcast %squeeze3A_150 : f32 to vector<800x16xf32>
    %mul3A_154 = arith.mulf %mul3A_153, %squeeze3A_152 : vector<800x16xf32>
    %add3A_155 = arith.addf %add3A_141, %mul3A_154 : vector<800x16xf32>
    %slice3A_156 = vector.extract_strided_slice %get3A_1 {offsets = [1, 4], sizes = [1, 1], strides = [1, 1]} : vector<4x7xf32> to vector<1x1xf32>
    %squeeze3A_157 = vector.extract %slice3A_156[0, 0] : f32 from vector<1x1xf32>
    %slice3A_158 = vector.extract_strided_slice %get3A_9 {offsets = [3, 1, 0, 0], sizes = [1, 1, 800, 16], strides = [1, 1, 1, 1]} : vector<6x2x800x16xf32> to vector<1x1x800x16xf32>
    %squeeze3A_159 = vector.shape_cast %slice3A_158 : vector<1x1x800x16xf32> to vector<800x16xf32>
    %mul3A_160 = vector.broadcast %squeeze3A_157 : f32 to vector<800x16xf32>
    %mul3A_161 = arith.mulf %mul3A_160, %squeeze3A_159 : vector<800x16xf32>
    %add3A_162 = arith.addf %add3A_148, %mul3A_161 : vector<800x16xf32>
    %slice3A_163 = vector.extract_strided_slice %get3A_1 {offsets = [1, 5], sizes = [1, 1], strides = [1, 1]} : vector<4x7xf32> to vector<1x1xf32>
    %squeeze3A_164 = vector.extract %slice3A_163[0, 0] : f32 from vector<1x1xf32>
    %slice3A_165 = vector.extract_strided_slice %get3A_9 {offsets = [4, 0, 0, 0], sizes = [1, 1, 800, 16], strides = [1, 1, 1, 1]} : vector<6x2x800x16xf32> to vector<1x1x800x16xf32>
    %squeeze3A_166 = vector.shape_cast %slice3A_165 : vector<1x1x800x16xf32> to vector<800x16xf32>
    %mul3A_167 = vector.broadcast %squeeze3A_164 : f32 to vector<800x16xf32>
    %mul3A_168 = arith.mulf %mul3A_167, %squeeze3A_166 : vector<800x16xf32>
    %add3A_169 = arith.addf %add3A_155, %mul3A_168 : vector<800x16xf32>
    %slice3A_170 = vector.extract_strided_slice %get3A_1 {offsets = [1, 5], sizes = [1, 1], strides = [1, 1]} : vector<4x7xf32> to vector<1x1xf32>
    %squeeze3A_171 = vector.extract %slice3A_170[0, 0] : f32 from vector<1x1xf32>
    %slice3A_172 = vector.extract_strided_slice %get3A_9 {offsets = [4, 1, 0, 0], sizes = [1, 1, 800, 16], strides = [1, 1, 1, 1]} : vector<6x2x800x16xf32> to vector<1x1x800x16xf32>
    %squeeze3A_173 = vector.shape_cast %slice3A_172 : vector<1x1x800x16xf32> to vector<800x16xf32>
    %mul3A_174 = vector.broadcast %squeeze3A_171 : f32 to vector<800x16xf32>
    %mul3A_175 = arith.mulf %mul3A_174, %squeeze3A_173 : vector<800x16xf32>
    %add3A_176 = arith.addf %add3A_162, %mul3A_175 : vector<800x16xf32>
    %slice3A_177 = vector.extract_strided_slice %get3A_1 {offsets = [1, 6], sizes = [1, 1], strides = [1, 1]} : vector<4x7xf32> to vector<1x1xf32>
    %squeeze3A_178 = vector.extract %slice3A_177[0, 0] : f32 from vector<1x1xf32>
    %slice3A_179 = vector.extract_strided_slice %get3A_9 {offsets = [5, 0, 0, 0], sizes = [1, 1, 800, 16], strides = [1, 1, 1, 1]} : vector<6x2x800x16xf32> to vector<1x1x800x16xf32>
    %squeeze3A_180 = vector.shape_cast %slice3A_179 : vector<1x1x800x16xf32> to vector<800x16xf32>
    %mul3A_181 = vector.broadcast %squeeze3A_178 : f32 to vector<800x16xf32>
    %mul3A_182 = arith.mulf %mul3A_181, %squeeze3A_180 : vector<800x16xf32>
    %add3A_183 = arith.addf %add3A_169, %mul3A_182 : vector<800x16xf32>
    %slice3A_184 = vector.extract_strided_slice %get3A_1 {offsets = [1, 6], sizes = [1, 1], strides = [1, 1]} : vector<4x7xf32> to vector<1x1xf32>
    %squeeze3A_185 = vector.extract %slice3A_184[0, 0] : f32 from vector<1x1xf32>
    %slice3A_186 = vector.extract_strided_slice %get3A_9 {offsets = [5, 1, 0, 0], sizes = [1, 1, 800, 16], strides = [1, 1, 1, 1]} : vector<6x2x800x16xf32> to vector<1x1x800x16xf32>
    %squeeze3A_187 = vector.shape_cast %slice3A_186 : vector<1x1x800x16xf32> to vector<800x16xf32>
    %mul3A_188 = vector.broadcast %squeeze3A_185 : f32 to vector<800x16xf32>
    %mul3A_189 = arith.mulf %mul3A_188, %squeeze3A_187 : vector<800x16xf32>
    %add3A_190 = arith.addf %add3A_176, %mul3A_189 : vector<800x16xf32>
    %slice3A_191 = vector.extract_strided_slice %get3A_1 {offsets = [1, 0], sizes = [1, 1], strides = [1, 1]} : vector<4x7xf32> to vector<1x1xf32>
    %squeeze3A_192 = vector.extract %slice3A_191[0, 0] : f32 from vector<1x1xf32>
    %mul3A_193 = vector.broadcast %squeeze3A_192 : f32 to vector<800x32xf32>
    %mul3A_194 = arith.mulf %mul3A_193, %get3A_4 : vector<800x32xf32>
    %concatenate3A_195 = tpu.concatenate %add3A_183, %add3A_190 in 1 : vector<800x16xf32>, vector<800x16xf32> -> vector<800x32xf32>
    %add3A_196 = arith.addf %mul3A_194, %concatenate3A_195 : vector<800x32xf32>
    %swap3A_197 = arith.constant 1 : index
    %swap3A_198 = arith.constant 0 : index
    %swap3A_199 = arith.constant 0 : index
    %swap3A_200 = vector.load %arg4[%swap3A_197, %swap3A_198, %swap3A_199] : memref<4x800x32xf32, #tpu.memory_space<vmem>>, vector<1x800x32xf32>
    %swap3A_201 = vector.shape_cast %swap3A_200 : vector<1x800x32xf32> to vector<800x32xf32>
    %swap3A_202 = vector.shape_cast %add3A_196 : vector<800x32xf32> to vector<1x800x32xf32>
    tpu.vector_store %arg4[%swap3A_197, %swap3A_198, %swap3A_199], %swap3A_202 {strides = array<i32>} : memref<4x800x32xf32, #tpu.memory_space<vmem>>, vector<1x800x32xf32>,
    %broadcast_in_dim3A_203 = arith.constant 0.000000e+00 : f32
    %broadcast_in_dim3A_204 = vector.broadcast %broadcast_in_dim3A_203 : f32 to vector<800x16xf32>
    %broadcast_in_dim3A_205 = arith.constant 0.000000e+00 : f32
    %broadcast_in_dim3A_206 = vector.broadcast %broadcast_in_dim3A_205 : f32 to vector<800x16xf32>
    %slice3A_207 = vector.extract_strided_slice %get3A_1 {offsets = [2, 1], sizes = [1, 1], strides = [1, 1]} : vector<4x7xf32> to vector<1x1xf32>
    %squeeze3A_208 = vector.extract %slice3A_207[0, 0] : f32 from vector<1x1xf32>
    %slice3A_209 = vector.extract_strided_slice %get3A_9 {offsets = [0, 0, 0, 0], sizes = [1, 1, 800, 16], strides = [1, 1, 1, 1]} : vector<6x2x800x16xf32> to vector<1x1x800x16xf32>
    %squeeze3A_210 = vector.shape_cast %slice3A_209 : vector<1x1x800x16xf32> to vector<800x16xf32>
    %mul3A_211 = vector.broadcast %squeeze3A_208 : f32 to vector<800x16xf32>
    %mul3A_212 = arith.mulf %mul3A_211, %squeeze3A_210 : vector<800x16xf32>
    %add3A_213 = arith.addf %broadcast_in_dim3A_204, %mul3A_212 : vector<800x16xf32>
    %slice3A_214 = vector.extract_strided_slice %get3A_1 {offsets = [2, 1], sizes = [1, 1], strides = [1, 1]} : vector<4x7xf32> to vector<1x1xf32>
    %squeeze3A_215 = vector.extract %slice3A_214[0, 0] : f32 from vector<1x1xf32>
    %slice3A_216 = vector.extract_strided_slice %get3A_9 {offsets = [0, 1, 0, 0], sizes = [1, 1, 800, 16], strides = [1, 1, 1, 1]} : vector<6x2x800x16xf32> to vector<1x1x800x16xf32>
    %squeeze3A_217 = vector.shape_cast %slice3A_216 : vector<1x1x800x16xf32> to vector<800x16xf32>
    %mul3A_218 = vector.broadcast %squeeze3A_215 : f32 to vector<800x16xf32>
    %mul3A_219 = arith.mulf %mul3A_218, %squeeze3A_217 : vector<800x16xf32>
    %add3A_220 = arith.addf %broadcast_in_dim3A_206, %mul3A_219 : vector<800x16xf32>
    %slice3A_221 = vector.extract_strided_slice %get3A_1 {offsets = [2, 2], sizes = [1, 1], strides = [1, 1]} : vector<4x7xf32> to vector<1x1xf32>
    %squeeze3A_222 = vector.extract %slice3A_221[0, 0] : f32 from vector<1x1xf32>
    %slice3A_223 = vector.extract_strided_slice %get3A_9 {offsets = [1, 0, 0, 0], sizes = [1, 1, 800, 16], strides = [1, 1, 1, 1]} : vector<6x2x800x16xf32> to vector<1x1x800x16xf32>
    %squeeze3A_224 = vector.shape_cast %slice3A_223 : vector<1x1x800x16xf32> to vector<800x16xf32>
    %mul3A_225 = vector.broadcast %squeeze3A_222 : f32 to vector<800x16xf32>
    %mul3A_226 = arith.mulf %mul3A_225, %squeeze3A_224 : vector<800x16xf32>
    %add3A_227 = arith.addf %add3A_213, %mul3A_226 : vector<800x16xf32>
    %slice3A_228 = vector.extract_strided_slice %get3A_1 {offsets = [2, 2], sizes = [1, 1], strides = [1, 1]} : vector<4x7xf32> to vector<1x1xf32>
    %squeeze3A_229 = vector.extract %slice3A_228[0, 0] : f32 from vector<1x1xf32>
    %slice3A_230 = vector.extract_strided_slice %get3A_9 {offsets = [1, 1, 0, 0], sizes = [1, 1, 800, 16], strides = [1, 1, 1, 1]} : vector<6x2x800x16xf32> to vector<1x1x800x16xf32>
    %squeeze3A_231 = vector.shape_cast %slice3A_230 : vector<1x1x800x16xf32> to vector<800x16xf32>
    %mul3A_232 = vector.broadcast %squeeze3A_229 : f32 to vector<800x16xf32>
    %mul3A_233 = arith.mulf %mul3A_232, %squeeze3A_231 : vector<800x16xf32>
    %add3A_234 = arith.addf %add3A_220, %mul3A_233 : vector<800x16xf32>
    %slice3A_235 = vector.extract_strided_slice %get3A_1 {offsets = [2, 3], sizes = [1, 1], strides = [1, 1]} : vector<4x7xf32> to vector<1x1xf32>
    %squeeze3A_236 = vector.extract %slice3A_235[0, 0] : f32 from vector<1x1xf32>
    %slice3A_237 = vector.extract_strided_slice %get3A_9 {offsets = [2, 0, 0, 0], sizes = [1, 1, 800, 16], strides = [1, 1, 1, 1]} : vector<6x2x800x16xf32> to vector<1x1x800x16xf32>
    %squeeze3A_238 = vector.shape_cast %slice3A_237 : vector<1x1x800x16xf32> to vector<800x16xf32>
    %mul3A_239 = vector.broadcast %squeeze3A_236 : f32 to vector<800x16xf32>
    %mul3A_240 = arith.mulf %mul3A_239, %squeeze3A_238 : vector<800x16xf32>
    %add3A_241 = arith.addf %add3A_227, %mul3A_240 : vector<800x16xf32>
    %slice3A_242 = vector.extract_strided_slice %get3A_1 {offsets = [2, 3], sizes = [1, 1], strides = [1, 1]} : vector<4x7xf32> to vector<1x1xf32>
    %squeeze3A_243 = vector.extract %slice3A_242[0, 0] : f32 from vector<1x1xf32>
    %slice3A_244 = vector.extract_strided_slice %get3A_9 {offsets = [2, 1, 0, 0], sizes = [1, 1, 800, 16], strides = [1, 1, 1, 1]} : vector<6x2x800x16xf32> to vector<1x1x800x16xf32>
    %squeeze3A_245 = vector.shape_cast %slice3A_244 : vector<1x1x800x16xf32> to vector<800x16xf32>
    %mul3A_246 = vector.broadcast %squeeze3A_243 : f32 to vector<800x16xf32>
    %mul3A_247 = arith.mulf %mul3A_246, %squeeze3A_245 : vector<800x16xf32>
    %add3A_248 = arith.addf %add3A_234, %mul3A_247 : vector<800x16xf32>
    %slice3A_249 = vector.extract_strided_slice %get3A_1 {offsets = [2, 4], sizes = [1, 1], strides = [1, 1]} : vector<4x7xf32> to vector<1x1xf32>
    %squeeze3A_250 = vector.extract %slice3A_249[0, 0] : f32 from vector<1x1xf32>
    %slice3A_251 = vector.extract_strided_slice %get3A_9 {offsets = [3, 0, 0, 0], sizes = [1, 1, 800, 16], strides = [1, 1, 1, 1]} : vector<6x2x800x16xf32> to vector<1x1x800x16xf32>
    %squeeze3A_252 = vector.shape_cast %slice3A_251 : vector<1x1x800x16xf32> to vector<800x16xf32>
    %mul3A_253 = vector.broadcast %squeeze3A_250 : f32 to vector<800x16xf32>
    %mul3A_254 = arith.mulf %mul3A_253, %squeeze3A_252 : vector<800x16xf32>
    %add3A_255 = arith.addf %add3A_241, %mul3A_254 : vector<800x16xf32>
    %slice3A_256 = vector.extract_strided_slice %get3A_1 {offsets = [2, 4], sizes = [1, 1], strides = [1, 1]} : vector<4x7xf32> to vector<1x1xf32>
    %squeeze3A_257 = vector.extract %slice3A_256[0, 0] : f32 from vector<1x1xf32>
    %slice3A_258 = vector.extract_strided_slice %get3A_9 {offsets = [3, 1, 0, 0], sizes = [1, 1, 800, 16], strides = [1, 1, 1, 1]} : vector<6x2x800x16xf32> to vector<1x1x800x16xf32>
    %squeeze3A_259 = vector.shape_cast %slice3A_258 : vector<1x1x800x16xf32> to vector<800x16xf32>
    %mul3A_260 = vector.broadcast %squeeze3A_257 : f32 to vector<800x16xf32>
    %mul3A_261 = arith.mulf %mul3A_260, %squeeze3A_259 : vector<800x16xf32>
    %add3A_262 = arith.addf %add3A_248, %mul3A_261 : vector<800x16xf32>
    %slice3A_263 = vector.extract_strided_slice %get3A_1 {offsets = [2, 5], sizes = [1, 1], strides = [1, 1]} : vector<4x7xf32> to vector<1x1xf32>
    %squeeze3A_264 = vector.extract %slice3A_263[0, 0] : f32 from vector<1x1xf32>
    %slice3A_265 = vector.extract_strided_slice %get3A_9 {offsets = [4, 0, 0, 0], sizes = [1, 1, 800, 16], strides = [1, 1, 1, 1]} : vector<6x2x800x16xf32> to vector<1x1x800x16xf32>
    %squeeze3A_266 = vector.shape_cast %slice3A_265 : vector<1x1x800x16xf32> to vector<800x16xf32>
    %mul3A_267 = vector.broadcast %squeeze3A_264 : f32 to vector<800x16xf32>
    %mul3A_268 = arith.mulf %mul3A_267, %squeeze3A_266 : vector<800x16xf32>
    %add3A_269 = arith.addf %add3A_255, %mul3A_268 : vector<800x16xf32>
    %slice3A_270 = vector.extract_strided_slice %get3A_1 {offsets = [2, 5], sizes = [1, 1], strides = [1, 1]} : vector<4x7xf32> to vector<1x1xf32>
    %squeeze3A_271 = vector.extract %slice3A_270[0, 0] : f32 from vector<1x1xf32>
    %slice3A_272 = vector.extract_strided_slice %get3A_9 {offsets = [4, 1, 0, 0], sizes = [1, 1, 800, 16], strides = [1, 1, 1, 1]} : vector<6x2x800x16xf32> to vector<1x1x800x16xf32>
    %squeeze3A_273 = vector.shape_cast %slice3A_272 : vector<1x1x800x16xf32> to vector<800x16xf32>
    %mul3A_274 = vector.broadcast %squeeze3A_271 : f32 to vector<800x16xf32>
    %mul3A_275 = arith.mulf %mul3A_274, %squeeze3A_273 : vector<800x16xf32>
    %add3A_276 = arith.addf %add3A_262, %mul3A_275 : vector<800x16xf32>
    %slice3A_277 = vector.extract_strided_slice %get3A_1 {offsets = [2, 6], sizes = [1, 1], strides = [1, 1]} : vector<4x7xf32> to vector<1x1xf32>
    %squeeze3A_278 = vector.extract %slice3A_277[0, 0] : f32 from vector<1x1xf32>
    %slice3A_279 = vector.extract_strided_slice %get3A_9 {offsets = [5, 0, 0, 0], sizes = [1, 1, 800, 16], strides = [1, 1, 1, 1]} : vector<6x2x800x16xf32> to vector<1x1x800x16xf32>
    %squeeze3A_280 = vector.shape_cast %slice3A_279 : vector<1x1x800x16xf32> to vector<800x16xf32>
    %mul3A_281 = vector.broadcast %squeeze3A_278 : f32 to vector<800x16xf32>
    %mul3A_282 = arith.mulf %mul3A_281, %squeeze3A_280 : vector<800x16xf32>
    %add3A_283 = arith.addf %add3A_269, %mul3A_282 : vector<800x16xf32>
    %slice3A_284 = vector.extract_strided_slice %get3A_1 {offsets = [2, 6], sizes = [1, 1], strides = [1, 1]} : vector<4x7xf32> to vector<1x1xf32>
    %squeeze3A_285 = vector.extract %slice3A_284[0, 0] : f32 from vector<1x1xf32>
    %slice3A_286 = vector.extract_strided_slice %get3A_9 {offsets = [5, 1, 0, 0], sizes = [1, 1, 800, 16], strides = [1, 1, 1, 1]} : vector<6x2x800x16xf32> to vector<1x1x800x16xf32>
    %squeeze3A_287 = vector.shape_cast %slice3A_286 : vector<1x1x800x16xf32> to vector<800x16xf32>
    %mul3A_288 = vector.broadcast %squeeze3A_285 : f32 to vector<800x16xf32>
    %mul3A_289 = arith.mulf %mul3A_288, %squeeze3A_287 : vector<800x16xf32>
    %add3A_290 = arith.addf %add3A_276, %mul3A_289 : vector<800x16xf32>
    %slice3A_291 = vector.extract_strided_slice %get3A_1 {offsets = [2, 0], sizes = [1, 1], strides = [1, 1]} : vector<4x7xf32> to vector<1x1xf32>
    %squeeze3A_292 = vector.extract %slice3A_291[0, 0] : f32 from vector<1x1xf32>
    %mul3A_293 = vector.broadcast %squeeze3A_292 : f32 to vector<800x32xf32>
    %mul3A_294 = arith.mulf %mul3A_293, %get3A_4 : vector<800x32xf32>
    %concatenate3A_295 = tpu.concatenate %add3A_283, %add3A_290 in 1 : vector<800x16xf32>, vector<800x16xf32> -> vector<800x32xf32>
    %add3A_296 = arith.addf %mul3A_294, %concatenate3A_295 : vector<800x32xf32>
    %swap3A_297 = arith.constant 2 : index
    %swap3A_298 = arith.constant 0 : index
    %swap3A_299 = arith.constant 0 : index
    %swap3A_300 = vector.load %arg4[%swap3A_297, %swap3A_298, %swap3A_299] : memref<4x800x32xf32, #tpu.memory_space<vmem>>, vector<1x800x32xf32>
    %swap3A_301 = vector.shape_cast %swap3A_300 : vector<1x800x32xf32> to vector<800x32xf32>
    %swap3A_302 = vector.shape_cast %add3A_296 : vector<800x32xf32> to vector<1x800x32xf32>
    tpu.vector_store %arg4[%swap3A_297, %swap3A_298, %swap3A_299], %swap3A_302 {strides = array<i32>} : memref<4x800x32xf32, #tpu.memory_space<vmem>>, vector<1x800x32xf32>,
    %broadcast_in_dim3A_303 = arith.constant 0.000000e+00 : f32
    %broadcast_in_dim3A_304 = vector.broadcast %broadcast_in_dim3A_303 : f32 to vector<800x16xf32>
    %broadcast_in_dim3A_305 = arith.constant 0.000000e+00 : f32
    %broadcast_in_dim3A_306 = vector.broadcast %broadcast_in_dim3A_305 : f32 to vector<800x16xf32>
    %slice3A_307 = vector.extract_strided_slice %get3A_1 {offsets = [3, 1], sizes = [1, 1], strides = [1, 1]} : vector<4x7xf32> to vector<1x1xf32>
    %squeeze3A_308 = vector.extract %slice3A_307[0, 0] : f32 from vector<1x1xf32>
    %slice3A_309 = vector.extract_strided_slice %get3A_9 {offsets = [0, 0, 0, 0], sizes = [1, 1, 800, 16], strides = [1, 1, 1, 1]} : vector<6x2x800x16xf32> to vector<1x1x800x16xf32>
    %squeeze3A_310 = vector.shape_cast %slice3A_309 : vector<1x1x800x16xf32> to vector<800x16xf32>
    %mul3A_311 = vector.broadcast %squeeze3A_308 : f32 to vector<800x16xf32>
    %mul3A_312 = arith.mulf %mul3A_311, %squeeze3A_310 : vector<800x16xf32>
    %add3A_313 = arith.addf %broadcast_in_dim3A_304, %mul3A_312 : vector<800x16xf32>
    %slice3A_314 = vector.extract_strided_slice %get3A_1 {offsets = [3, 1], sizes = [1, 1], strides = [1, 1]} : vector<4x7xf32> to vector<1x1xf32>
    %squeeze3A_315 = vector.extract %slice3A_314[0, 0] : f32 from vector<1x1xf32>
    %slice3A_316 = vector.extract_strided_slice %get3A_9 {offsets = [0, 1, 0, 0], sizes = [1, 1, 800, 16], strides = [1, 1, 1, 1]} : vector<6x2x800x16xf32> to vector<1x1x800x16xf32>
    %squeeze3A_317 = vector.shape_cast %slice3A_316 : vector<1x1x800x16xf32> to vector<800x16xf32>
    %mul3A_318 = vector.broadcast %squeeze3A_315 : f32 to vector<800x16xf32>
    %mul3A_319 = arith.mulf %mul3A_318, %squeeze3A_317 : vector<800x16xf32>
    %add3A_320 = arith.addf %broadcast_in_dim3A_306, %mul3A_319 : vector<800x16xf32>
    %slice3A_321 = vector.extract_strided_slice %get3A_1 {offsets = [3, 2], sizes = [1, 1], strides = [1, 1]} : vector<4x7xf32> to vector<1x1xf32>
    %squeeze3A_322 = vector.extract %slice3A_321[0, 0] : f32 from vector<1x1xf32>
    %slice3A_323 = vector.extract_strided_slice %get3A_9 {offsets = [1, 0, 0, 0], sizes = [1, 1, 800, 16], strides = [1, 1, 1, 1]} : vector<6x2x800x16xf32> to vector<1x1x800x16xf32>
    %squeeze3A_324 = vector.shape_cast %slice3A_323 : vector<1x1x800x16xf32> to vector<800x16xf32>
    %mul3A_325 = vector.broadcast %squeeze3A_322 : f32 to vector<800x16xf32>
    %mul3A_326 = arith.mulf %mul3A_325, %squeeze3A_324 : vector<800x16xf32>
    %add3A_327 = arith.addf %add3A_313, %mul3A_326 : vector<800x16xf32>
    %slice3A_328 = vector.extract_strided_slice %get3A_1 {offsets = [3, 2], sizes = [1, 1], strides = [1, 1]} : vector<4x7xf32> to vector<1x1xf32>
    %squeeze3A_329 = vector.extract %slice3A_328[0, 0] : f32 from vector<1x1xf32>
    %slice3A_330 = vector.extract_strided_slice %get3A_9 {offsets = [1, 1, 0, 0], sizes = [1, 1, 800, 16], strides = [1, 1, 1, 1]} : vector<6x2x800x16xf32> to vector<1x1x800x16xf32>
    %squeeze3A_331 = vector.shape_cast %slice3A_330 : vector<1x1x800x16xf32> to vector<800x16xf32>
    %mul3A_332 = vector.broadcast %squeeze3A_329 : f32 to vector<800x16xf32>
    %mul3A_333 = arith.mulf %mul3A_332, %squeeze3A_331 : vector<800x16xf32>
    %add3A_334 = arith.addf %add3A_320, %mul3A_333 : vector<800x16xf32>
    %slice3A_335 = vector.extract_strided_slice %get3A_1 {offsets = [3, 3], sizes = [1, 1], strides = [1, 1]} : vector<4x7xf32> to vector<1x1xf32>
    %squeeze3A_336 = vector.extract %slice3A_335[0, 0] : f32 from vector<1x1xf32>
    %slice3A_337 = vector.extract_strided_slice %get3A_9 {offsets = [2, 0, 0, 0], sizes = [1, 1, 800, 16], strides = [1, 1, 1, 1]} : vector<6x2x800x16xf32> to vector<1x1x800x16xf32>
    %squeeze3A_338 = vector.shape_cast %slice3A_337 : vector<1x1x800x16xf32> to vector<800x16xf32>
    %mul3A_339 = vector.broadcast %squeeze3A_336 : f32 to vector<800x16xf32>
    %mul3A_340 = arith.mulf %mul3A_339, %squeeze3A_338 : vector<800x16xf32>
    %add3A_341 = arith.addf %add3A_327, %mul3A_340 : vector<800x16xf32>
    %slice3A_342 = vector.extract_strided_slice %get3A_1 {offsets = [3, 3], sizes = [1, 1], strides = [1, 1]} : vector<4x7xf32> to vector<1x1xf32>
    %squeeze3A_343 = vector.extract %slice3A_342[0, 0] : f32 from vector<1x1xf32>
    %slice3A_344 = vector.extract_strided_slice %get3A_9 {offsets = [2, 1, 0, 0], sizes = [1, 1, 800, 16], strides = [1, 1, 1, 1]} : vector<6x2x800x16xf32> to vector<1x1x800x16xf32>
    %squeeze3A_345 = vector.shape_cast %slice3A_344 : vector<1x1x800x16xf32> to vector<800x16xf32>
    %mul3A_346 = vector.broadcast %squeeze3A_343 : f32 to vector<800x16xf32>
    %mul3A_347 = arith.mulf %mul3A_346, %squeeze3A_345 : vector<800x16xf32>
    %add3A_348 = arith.addf %add3A_334, %mul3A_347 : vector<800x16xf32>
    %slice3A_349 = vector.extract_strided_slice %get3A_1 {offsets = [3, 4], sizes = [1, 1], strides = [1, 1]} : vector<4x7xf32> to vector<1x1xf32>
    %squeeze3A_350 = vector.extract %slice3A_349[0, 0] : f32 from vector<1x1xf32>
    %slice3A_351 = vector.extract_strided_slice %get3A_9 {offsets = [3, 0, 0, 0], sizes = [1, 1, 800, 16], strides = [1, 1, 1, 1]} : vector<6x2x800x16xf32> to vector<1x1x800x16xf32>
    %squeeze3A_352 = vector.shape_cast %slice3A_351 : vector<1x1x800x16xf32> to vector<800x16xf32>
    %mul3A_353 = vector.broadcast %squeeze3A_350 : f32 to vector<800x16xf32>
    %mul3A_354 = arith.mulf %mul3A_353, %squeeze3A_352 : vector<800x16xf32>
    %add3A_355 = arith.addf %add3A_341, %mul3A_354 : vector<800x16xf32>
    %slice3A_356 = vector.extract_strided_slice %get3A_1 {offsets = [3, 4], sizes = [1, 1], strides = [1, 1]} : vector<4x7xf32> to vector<1x1xf32>
    %squeeze3A_357 = vector.extract %slice3A_356[0, 0] : f32 from vector<1x1xf32>
    %slice3A_358 = vector.extract_strided_slice %get3A_9 {offsets = [3, 1, 0, 0], sizes = [1, 1, 800, 16], strides = [1, 1, 1, 1]} : vector<6x2x800x16xf32> to vector<1x1x800x16xf32>
    %squeeze3A_359 = vector.shape_cast %slice3A_358 : vector<1x1x800x16xf32> to vector<800x16xf32>
    %mul3A_360 = vector.broadcast %squeeze3A_357 : f32 to vector<800x16xf32>
    %mul3A_361 = arith.mulf %mul3A_360, %squeeze3A_359 : vector<800x16xf32>
    %add3A_362 = arith.addf %add3A_348, %mul3A_361 : vector<800x16xf32>
    %slice3A_363 = vector.extract_strided_slice %get3A_1 {offsets = [3, 5], sizes = [1, 1], strides = [1, 1]} : vector<4x7xf32> to vector<1x1xf32>
    %squeeze3A_364 = vector.extract %slice3A_363[0, 0] : f32 from vector<1x1xf32>
    %slice3A_365 = vector.extract_strided_slice %get3A_9 {offsets = [4, 0, 0, 0], sizes = [1, 1, 800, 16], strides = [1, 1, 1, 1]} : vector<6x2x800x16xf32> to vector<1x1x800x16xf32>
    %squeeze3A_366 = vector.shape_cast %slice3A_365 : vector<1x1x800x16xf32> to vector<800x16xf32>
    %mul3A_367 = vector.broadcast %squeeze3A_364 : f32 to vector<800x16xf32>
    %mul3A_368 = arith.mulf %mul3A_367, %squeeze3A_366 : vector<800x16xf32>
    %add3A_369 = arith.addf %add3A_355, %mul3A_368 : vector<800x16xf32>
    %slice3A_370 = vector.extract_strided_slice %get3A_1 {offsets = [3, 5], sizes = [1, 1], strides = [1, 1]} : vector<4x7xf32> to vector<1x1xf32>
    %squeeze3A_371 = vector.extract %slice3A_370[0, 0] : f32 from vector<1x1xf32>
    %slice3A_372 = vector.extract_strided_slice %get3A_9 {offsets = [4, 1, 0, 0], sizes = [1, 1, 800, 16], strides = [1, 1, 1, 1]} : vector<6x2x800x16xf32> to vector<1x1x800x16xf32>
    %squeeze3A_373 = vector.shape_cast %slice3A_372 : vector<1x1x800x16xf32> to vector<800x16xf32>
    %mul3A_374 = vector.broadcast %squeeze3A_371 : f32 to vector<800x16xf32>
    %mul3A_375 = arith.mulf %mul3A_374, %squeeze3A_373 : vector<800x16xf32>
    %add3A_376 = arith.addf %add3A_362, %mul3A_375 : vector<800x16xf32>
    %slice3A_377 = vector.extract_strided_slice %get3A_1 {offsets = [3, 6], sizes = [1, 1], strides = [1, 1]} : vector<4x7xf32> to vector<1x1xf32>
    %squeeze3A_378 = vector.extract %slice3A_377[0, 0] : f32 from vector<1x1xf32>
    %slice3A_379 = vector.extract_strided_slice %get3A_9 {offsets = [5, 0, 0, 0], sizes = [1, 1, 800, 16], strides = [1, 1, 1, 1]} : vector<6x2x800x16xf32> to vector<1x1x800x16xf32>
    %squeeze3A_380 = vector.shape_cast %slice3A_379 : vector<1x1x800x16xf32> to vector<800x16xf32>
    %mul3A_381 = vector.broadcast %squeeze3A_378 : f32 to vector<800x16xf32>
    %mul3A_382 = arith.mulf %mul3A_381, %squeeze3A_380 : vector<800x16xf32>
    %add3A_383 = arith.addf %add3A_369, %mul3A_382 : vector<800x16xf32>
    %slice3A_384 = vector.extract_strided_slice %get3A_1 {offsets = [3, 6], sizes = [1, 1], strides = [1, 1]} : vector<4x7xf32> to vector<1x1xf32>
    %squeeze3A_385 = vector.extract %slice3A_384[0, 0] : f32 from vector<1x1xf32>
    %slice3A_386 = vector.extract_strided_slice %get3A_9 {offsets = [5, 1, 0, 0], sizes = [1, 1, 800, 16], strides = [1, 1, 1, 1]} : vector<6x2x800x16xf32> to vector<1x1x800x16xf32>
    %squeeze3A_387 = vector.shape_cast %slice3A_386 : vector<1x1x800x16xf32> to vector<800x16xf32>
    %mul3A_388 = vector.broadcast %squeeze3A_385 : f32 to vector<800x16xf32>
    %mul3A_389 = arith.mulf %mul3A_388, %squeeze3A_387 : vector<800x16xf32>
    %add3A_390 = arith.addf %add3A_376, %mul3A_389 : vector<800x16xf32>
    %slice3A_391 = vector.extract_strided_slice %get3A_1 {offsets = [3, 0], sizes = [1, 1], strides = [1, 1]} : vector<4x7xf32> to vector<1x1xf32>
    %squeeze3A_392 = vector.extract %slice3A_391[0, 0] : f32 from vector<1x1xf32>
    %mul3A_393 = vector.broadcast %squeeze3A_392 : f32 to vector<800x32xf32>
    %mul3A_394 = arith.mulf %mul3A_393, %get3A_4 : vector<800x32xf32>
    %concatenate3A_395 = tpu.concatenate %add3A_383, %add3A_390 in 1 : vector<800x16xf32>, vector<800x16xf32> -> vector<800x32xf32>
    %add3A_396 = arith.addf %mul3A_394, %concatenate3A_395 : vector<800x32xf32>
    %swap3A_397 = arith.constant 3 : index
    %swap3A_398 = arith.constant 0 : index
    %swap3A_399 = arith.constant 0 : index
    %swap3A_400 = vector.load %arg4[%swap3A_397, %swap3A_398, %swap3A_399] : memref<4x800x32xf32, #tpu.memory_space<vmem>>, vector<1x800x32xf32>
    %swap3A_401 = vector.shape_cast %swap3A_400 : vector<1x800x32xf32> to vector<800x32xf32>
    %swap3A_402 = vector.shape_cast %add3A_396 : vector<800x32xf32> to vector<1x800x32xf32>
    tpu.vector_store %arg4[%swap3A_397, %swap3A_398, %swap3A_399], %swap3A_402 {strides = array<i32>} : memref<4x800x32xf32, #tpu.memory_space<vmem>>, vector<1x800x32xf32>,
    return
  }
  func.func @transform_0(%arg0: i32) -> (i32, i32, i32, i32) {
    %c0_i32 = arith.constant 0 : i32
    %c0_i32_0 = arith.constant 0 : i32
    %c0_i32_1 = arith.constant 0 : i32
    %c0_i32_2 = arith.constant 0 : i32
    return %c0_i32, %c0_i32_0, %arg0, %c0_i32_1 : i32, i32, i32, i32
  }
  func.func @transform_1(%arg0: i32) -> (i32, i32) {
    %c0_i32 = arith.constant 0 : i32
    %c0_i32_0 = arith.constant 0 : i32
    return %arg0, %c0_i32 : i32, i32
  }
  func.func @transform_2(%arg0: i32) -> (i32, i32) {
    %c0_i32 = arith.constant 0 : i32
    %c0_i32_0 = arith.constant 0 : i32
    %c0_i32_1 = arith.constant 0 : i32
    return %c0_i32, %c0_i32_0 : i32, i32
  }
  func.func @transform_3(%arg0: i32) -> (i32, i32, i32) {
    %c0_i32 = arith.constant 0 : i32
    %c0_i32_0 = arith.constant 0 : i32
    %c0_i32_1 = arith.constant 0 : i32
    return %c0_i32, %arg0, %c0_i32_0 : i32, i32, i32
  }
}

</mosaic_0001>

<sc_bundles>
// kernel: kernel.6.cloned.1.call-start
scs
__scs_entry_jumppad:
0x0: {  	(pc) =	sbr.rel $0x88, $3  }
0x1: {  	(tag) =	ssettag $0x0;
	lr =	simm.s32 $0x1  }
0x2: {  	[smem:$0x3F9E] =	sst lr;
	_ =	strace $0xD0000000  }
0x3: {  	_ = 	snop  }
0x4: {  	_ = 	snop  }
0x5: {  	_ = 	snop  }
0x6: {  	_ = 	snop  }
0x7: {  	_ = 	snop  }
__scs_overlays_trampoline_lowered:
0x8: {  	[smem:$0x3FAD] =	sst s0  }
0x9: {  	[smem:$0x3FAE] =	sst s1  }
0xa: {  	[smem:$0x3FAF] =	sst s2  }
0xb: {  	[smem:$0x3FB0] =	sst s3  }
0xc: {  	[smem:$0x3FB1] =	sst s4  }
0xd: {  	[smem:$0x3FB2] =	sst s5  }
0xe: {  	[smem:$0x3FB3] =	sst s6  }
0xf: {  	[smem:$0x3FB4] =	sst s7  }
0x10: {  	[smem:$0x3FB5] =	sst s8  }
0x11: {  	[smem:$0x3FB6] =	sst s9;
	s0 =	simm.s32 @!p0 $0x0  }
0x12: {  	s1 =	sld [smem:$0x3F9C];
	s0 =	simm.s32 @p0 $0x1  }
0x13: {  	[smem:$0x3FB7] =	sst s0;
	s0 =	simm.s32 @!p1 $0x0  }
0x14: {  	s2 =	sld [smem:$0x3F9B];
	s0 =	simm.s32 @p1 $0x1  }
0x15: {  	[smem:$0x3FB8] =	sst s0;
	s0 =	simm.s32 @!p2 $0x0  }
0x16: {  	s3 =	sld [smem:$0x3FDB];
	s0 =	simm.s32 @p2 $0x1  }
0x17: {  	s4 =	simm.s32 $0x1BF5;
	[smem:$0x3FBA] =	sst s0  }
0x18: {  	s0 =	sld [smem:$0x3F9D];
	_ =	swait.ge [sflag:s4], $0x0  }
0x19: {  	s7 =	sld [smem:$0x3F9E]  }
0x1a: {  	s8 =	sadd.s32 $0xFFFFE003, lr  }
0x1b: {  	s9 =	sadd.s32 $0xFFFFFEF7, lr;
	s5 =	simm.s32 $0xFFFFFFFF;
	p2 =	slt.u32 s8, $0xFFFFF086  }
0x1c: {  	p1 =	slt.u32 s9, $0xF7A;
	s5 =	simm.s32 @!p2 $0x0  }
0x1d: {  	s5 =	simm.s32 @p1 $0x1;
	p0 =	seq.s32 s7, s2  }
0x1e: {  	s7 =	smul.u32 @!p0 $0xF7A, s2;
	p2 =	seq.s32 @!p0 s5, $0x0  }
0x1f: {  	s9 =	smul.u32 $0xF7A, s1;
	s8 =	simm.s32 @!p0 $0x1BF5;
	p2 =	por !p2, p0  }
0x20: {  	[sflag:s8] =	ssyncset.s32 @!p0 $0xFFFFF086;
	s6 =	sadd.s32 @!p0 s3, s7;
	s7 =	simm.s32 @!p0 $0x108  }
0x21: {  	s3 =	sadd.s32 s3, s9;
	s6 =	sadd.s32 @!p0 $0x88, s6;
	s7 =	simm.s32 @p2 $0x1082  }
0x22: {  	[simem:s7], [sflag:s8] =	dma.local @!p0 [hbm:s6], $0xF7A  }
0x23: {  	s9 =	sor.u32 $0xD0000000, s2;
	s6 =	simm.s32 $0x108;
	_ =	swait.ge @!p0 [sflag:s8], $0x0  }
0x24: {  	s3 =	sadd.s32 $0x88, s3;
	s6 =	simm.s32 @!p1 $0x1082;
	[sflag:s4] =	ssyncset.s32 $0xFFFFF086  }
0x25: {  	[simem:s6], [sflag:s4] =	dma.local [hbm:s3], $0xF7A  }
0x26: {  	[smem:$0x3F9E] =	sst s1;
	(tag) =	ssettag s2;
	_ =	strace s9  }
0x27: {  	s1 =	sld [smem:$0x3FAE]  }
0x28: {  	s2 =	sld [smem:$0x3FAF]  }
0x29: {  	s4 =	sld [smem:$0x3FB1]  }
0x2a: {  	p0 =	seq.s32 s5, $0x0;
	s5 =	sld [smem:$0x3FB2]  }
0x2b: {  	s6 =	sld [smem:$0x3FB3]  }
0x2c: {  	s7 =	sld [smem:$0x3FB4]  }
0x2d: {  	s3 =	simm.s32 $0x108;
	s8 =	sld [smem:$0x3FB5]  }
0x2e: {  	s3 =	simm.s32 @!p0 $0x1082;
	s9 =	sld [smem:$0x3FB6]  }
0x2f: {  	lr =	sadd.s32 s0, s3;
	s0 =	sld [smem:$0x3FAD]  }
0x30: {  	s3 =	sld [smem:$0x3FB0]  }
0x31: {  	[smem:$0x3FB9] =	sst s10  }
0x32: {  	s10 =	sld [smem:$0x3FB7];
	_ =	sdelay $0x3  }
0x33: {  	p0 =	seq.s32 s10, $0x1;
	s10 =	sld [smem:$0x3FB9];
	_ =	sdelay $0x3  }
0x34: {  	[smem:$0x3FB9] =	sst s10  }
0x35: {  	s10 =	sld [smem:$0x3FB8];
	_ =	sdelay $0x3  }
0x36: {  	p1 =	seq.s32 s10, $0x1;
	s10 =	sld [smem:$0x3FB9];
	_ =	sdelay $0x3  }
0x37: {  	[smem:$0x3FB9] =	sst s10  }
0x38: {  	s10 =	sld [smem:$0x3FBA]  }
0x39: {  	_ = 	snop;
	(pc) =	sbr.ind lr, $3  }
0x3a: {  	_ = 	snop  }
0x3b: {  	_ = 	snop  }
0x3c: {  	p2 =	seq.s32 s10, $0x1;
	s10 =	sld [smem:$0x3FB9]  }
0x3d: {  	_ =	shalt  }
0x3e: {  	_ =	shalt  }
0x3f: {  	_ =	shalt  }
0x40: {  	_ =	shalt  }
0x41: {  	_ =	shalt  }
0x42: {  	_ =	shalt  }
0x43: {  	_ =	shalt  }
0x44: {  	_ =	shalt  }
0x45: {  	_ =	shalt  }
0x46: {  	_ =	shalt  }
0x47: {  	_ =	shalt  }
0x48: {  	_ =	shalt  }
0x49: {  	_ =	shalt  }
0x4a: {  	_ =	shalt  }
0x4b: {  	_ =	shalt  }
0x4c: {  	_ =	shalt  }
0x4d: {  	_ =	shalt  }
0x4e: {  	_ =	shalt  }
0x4f: {  	_ =	shalt  }
0x50: {  	_ =	shalt  }
0x51: {  	_ =	shalt  }
0x52: {  	_ =	shalt  }
0x53: {  	_ =	shalt  }
0x54: {  	_ =	shalt  }
0x55: {  	_ =	shalt  }
0x56: {  	_ =	shalt  }
0x57: {  	_ =	shalt  }
0x58: {  	_ =	shalt  }
0x59: {  	_ =	shalt  }
0x5a: {  	_ =	shalt  }
0x5b: {  	_ =	shalt  }
0x5c: {  	_ =	shalt  }
0x5d: {  	_ =	shalt  }
0x5e: {  	_ =	shalt  }
0x5f: {  	_ =	shalt  }
0x60: {  	_ =	shalt  }
0x61: {  	_ =	shalt  }
0x62: {  	_ =	shalt  }
0x63: {  	_ =	shalt  }
0x64: {  	_ =	shalt  }
0x65: {  	_ =	shalt  }
0x66: {  	_ =	shalt  }
0x67: {  	_ =	shalt  }
0x68: {  	_ =	shalt  }
0x69: {  	_ =	shalt  }
0x6a: {  	_ =	shalt  }
0x6b: {  	_ =	shalt  }
0x6c: {  	_ =	shalt  }
0x6d: {  	_ =	shalt  }
0x6e: {  	_ =	shalt  }
0x6f: {  	_ =	shalt  }
0x70: {  	_ =	shalt  }
0x71: {  	_ =	shalt  }
0x72: {  	_ =	shalt  }
0x73: {  	_ =	shalt  }
0x74: {  	_ =	shalt  }
0x75: {  	_ =	shalt  }
0x76: {  	_ =	shalt  }
0x77: {  	_ =	shalt  }
0x78: {  	_ =	shalt  }
0x79: {  	_ =	shalt  }
0x7a: {  	_ =	shalt  }
0x7b: {  	_ =	shalt  }
0x7c: {  	_ =	shalt  }
0x7d: {  	_ =	shalt  }
0x7e: {  	_ =	shalt  }
0x7f: {  	_ =	shalt  }
0x80: {  	_ =	shalt  }
0x81: {  	_ =	shalt  }
0x82: {  	_ =	shalt  }
0x83: {  	_ =	shalt  }
0x84: {  	_ =	shalt  }
0x85: {  	_ =	shalt  }
0x86: {  	_ =	shalt  }
0x87: {  	_ =	shalt  }
.Lfunc_end0:
.L_simem_size_0:
called_computation_lowered:
.L_overlay_start_0:
0x88: {  	s2 =	sld [smem:$0x3FD9]  }
0x89: {  	s3 =	sld [smem:$0x3FFE];
	_ =	sdelay $0x1  }
0x8a: {  	s1 =	srdreg.scid  }
0x8b: {  	s0 =	sand.u32 $0x1, s1  }
0x8c: {  	s17 =	sshll.u32 s0, $0xA;
	s2 =	sadd.s32 s3, s2  }
0x8d: {  	s2 =	sadd.s32 s2, s17  }
0x8e: {  	[smem:$0x3FC5] =	sst s2  }
0x8f: {  	_ = 	snop  }
0x90: {  	s2 =	sld [smem:$0x3FD0];
	(tm) =	ssettm $0x1  }
0x91: {  	s18 =	sld [smem:$0x3FFB];
	_ =	sdelay $0x3  }
0x92: {  	_ =	strace s18  }
0x93: {  	s3 =	sld [smem:$0x3FFC];
	_ =	sdelay $0x3  }
0x94: {  	_ =	strace s3  }
0x95: {  	s3 =	sld [smem:$0x3FFD];
	_ =	sdelay $0x3  }
0x96: {  	_ =	strace s3  }
0x97: {  	_ =	strace $0x8FFFFFFF  }
0x98: {  	s19 =	sld [smem:$0x3FDB];
	_ =	sdelay $0x1  }
0x99: {  	s4 =	simm.s32 $_scs_section_size  }
0x9a: {  	s5 =	simm.s32 $_size__tile_overlayer_lowered;
	s6 =	simm.s32 $_tile_overlayer_lowered  }
0x9b: {  	s22 =	simm.s32 $0x1BFF;
	s21 =	sshll.u32 s6, $0x1;
	s3 =	sadd.s32 s4, s19  }
0x9c: {  	s7 =	simm.s32 $0x0;
	s20 =	sshll.u32 s5, $0x1;
	s5 =	sadd.s32 s21, s3  }
0x9d: {  	[timem:s7], [sflag:s22] =	dma.local [hbm:s5], s20  }
0x9e: {  	_ =	swait.ge [sflag:s22], s20  }
0x9f: {  	s4 =	ssub.s32 $0x0, s20;
	[sflag:s22] =	ssyncset.done $0x0  }
0xa0: {  	[sflag:s22] =	ssyncadd.s32 s4;
	_ =	sdelay $0x1  }
0xa1: {  	s23 =	simm.s32 $0x1B8B  }
0xa2: {  	_ =	swait.ge [sflag:s23], $0x1  }
0xa3: {  	[sflag:s23] =	ssyncset.done $0x0  }
0xa4: {  	s25 =	simm.s32 $0x1B8E;
	s24 =	sld [smem:$0x3FFE];
	[sflag:s23] =	ssyncadd.s32 $0xFFFFFFFF  }
0xa5: {  	s26 =	simm.s32 $execute0_lowered;
	[smem:$0x3FD2] =	sst s25  }
0xa6: {  	s5 =	sshll.u32 s26, $0x1;
	_ =	strace $0x80000046;
	[dreg:$0x1] =	wrdreg $0xFFFFFFFF  }
0xa7: {  	s28 =	simm.s32 $_size_execute0_lowered;
	s3 =	sadd.s32 s3, s5;
	[dreg:$0x0] =	wrdreg $0x0  }
0xa8: {  	s5 =	sshll.u32 s28, $0x1;
	[dreg:$0x2] =	wrdreg s3  }
0xa9: {  	[dreg:$0x3] =	wrdreg s5  }
0xaa: {  	[dreg:$0x4] =	wrdreg $0xC0  }
0xab: {  	_ =	task [dreg:s7], $0x5FFFF  }
0xac: {  	[dreg:$0x1] =	wrdreg $0xFFFFFFFF  }
0xad: {  	[dreg:$0x0] =	wrdreg $0x60  }
0xae: {  	[dreg:$0x2] =	wrdreg s2  }
0xaf: {  	[dreg:$0x3] =	wrdreg s24  }
0xb0: {  	[dreg:$0x4] =	wrdreg $0x0  }
0xb1: {  	[dreg:$0x5] =	wrdreg $0x9  }
0xb2: {  	_ =	task.clear_ibuf [dreg:s7], $0x6FFFF;
	_ =	strace $0x90000046  }
0xb3: {  	s29 =	simm.s32 $0x9;
	_ =	strace $0x80000048  }
0xb4: {  	_ =	swait.ge [sflag:s29], $0x1  }
0xb5: {  	[sflag:s29] =	ssyncadd.s32 $0xFFFFFFFF  }
0xb6: {  	_ =	strace $0x90000048  }
0xb7: {  	_ =	sfence  }
0xb8: {  	s30 =	sld [smem:$0x0];
	_ =	sdelay $0x2  }
0xb9: {  	s31 =	sshll.u32 s1, $0xD;
	s1 =	sshrl.u32 s1, $0x2  }
0xba: {  	s3 =	sand.u32 $0x4000, s31;
	s1 =	sadd.s32 s1, s30  }
0xbb: {  	s0 =	sor.u32 s3, s0;
	s1 =	sshll.u32 s1, $0x11  }
0xbc: {  	s0 =	sor.u32 s1, s0  }
0xbd: {  	s0 =	sadd.s32 $0x8F2B, s0  }
0xbe: {  	[sflag:s0] =	ssyncadd.remote.s32 $0x1  }
0xbf: {  	_ =	sfence.sel $0xFFFF  }
0xc0: {  	[dreg:$0x0] =	wrdreg $0xFFFFFFFF;
	(pc) =	sbr.abs _section_cstart, $3  }
0xc1: {  	[dreg:$0x1] =	wrdreg $0xFFFFFFFF  }
0xc2: {  	_ =	task.clear_ibuf [dreg:s7], $0x2FFFF;
	_ =	strace $0x9FFFFFFF  }
0xc3: {  	(tm) =	ssettm $0x7FFFFFFF  }
tec
execute0_lowered:
.L_overlay_start_1:
0x0: {  	(tag) =	ssettag $0x1  }
0x1: {  	s1 =	rddreg [dreg:$0x0]  }
0x2: {  	s5 =	rddreg [dreg:$0x1]  }
0x3: {  	s0 =	srdreg.scid;
	s3 =	rddreg [dreg:$0x2]  }
0x4: {  	s2 =	rddreg [dreg:$0x3];
	s4 =	simm.s32 $0x0;
	s12 =	simm.s32 $0x1880  }
0x5: {  	s13 =	simm.s32 $0x2;
	s14 =	simm.s32 $0x80;
	s6 =	sand.u32 $0x1, s0  }
0x6: {  	s15 =	simm.s32 $0x2080;
	s0 =	stileid.u32;
	s7 =	smul.u32 $0x18800, s6  }
0x7: {  	s17 =	simm.s32 $0x1900;
	s18 =	simm.s32 $0x1980;
	s8 =	smul.u32 $0x1880, s0  }
0x8: {  	s19 =	simm.s32 $0x1A00;
	s20 =	simm.s32 $0x1A80;
	s9 =	smul.u32 $0x6200, s0  }
0x9: {  	s21 =	simm.s32 $0x1B00;
	s22 =	simm.s32 $0x1B80;
	s28 =	smul.u32 $0x188000, s6  }
0xa: {  	s23 =	simm.s32 $0x0;
	[smem:$0x7FF] =	sst s4;
	s10 =	smul.u32 $0x18800, s0  }
0xb: {  	_ =	strace $0x80000047;
	s6 =	ssub.s32 $0x2, s6;
	s16 =	sshll.u32 s0, $0x6  }
0xc: {  	s29 =	sshrl.u32 s6, $0x1;
	s16 =	sor.u32 $0x1C03, s16;
	s7 =	sadd.s32 s8, s7  }
0xd: {  	s9 =	sshrl.u32 s9, $0x2;
	s30 =	ssub.s32 s6, s29;
	s7 =	sshrl.u32 s7, $0x3  }
0xe: {  	s6 =	sadd.s32 s9, s3;
	s11 =	sadd.s32 s7, s5;
	s5 =	sadd.s32 s10, s28  }
0xf: {  	s8 =	smax.u32 s30, $0x1;
	s10 =	simm.s32 $0x2100;
	s31 =	sshrl.u32 s5, $0x3  }
0x10: {  	v0 =	vimm.f32 $0.0e+00;
	v1 =	vimm.f32 $1.000000000e+00;
	s9 =	sadd.s32 $0x1800, s11;
	s11 =	simm.s32 $0x3;
	s7 =	sadd.s32 s1, s31  }
.LBB2_1:
0x11: {  	[tilespmem:$0x2100] =	vst v0  }
0x12: {  	[tilespmem:$0x2110] =	vst v0  }
0x13: {  	[tilespmem:$0x2120] =	vst v0  }
0x14: {  	[tilespmem:$0x2130] =	vst v0  }
0x15: {  	[tilespmem:$0x2140] =	vst v0  }
0x16: {  	[tilespmem:$0x2150] =	vst v0  }
0x17: {  	[tilespmem:$0x2160] =	vst v0  }
0x18: {  	[tilespmem:$0x2080] =	vst v1  }
0x19: {  	[tilespmem:$0x2090] =	vst v1  }
0x1a: {  	[tilespmem:$0x20A0] =	vst v1  }
0x1b: {  	[tilespmem:$0x20B0] =	vst v1  }
0x1c: {  	[tilespmem:$0x20C0] =	vst v1  }
0x1d: {  	[tilespmem:$0x20D0] =	vst v1  }
0x1e: {  	[tilespmem:$0x20E0] =	vst v1  }
0x1f: {  	[tilespmem:$0x20F0] =	vst v1;
	s24 =	sadd.s32 $0x0, s6  }
0x20: {  	[spmem:s24] =	stream.linear.scatter [tilespmem:s10], [sflag:$0x3], $0x70, $0x38;
	[tilespmem:$0x2170] =	vst v63  }
0x21: {  	s24 =	simm.s32 $0x1C0;
	_ =	swait.ge [sflag:s11], $0x70  }
.LBB2_2:
0x22: {  	s25 =	sshra.s32 s24, $0x2;
	[sflag:s11] =	ssyncset.done $0x0;
	p0 =	sne.s32 s24, $0x6040  }
.Ltmp0:
0x23: {  	s25 =	sadd.s32 s25, s6;
	[sflag:s11] =	ssyncadd.s32 $0xFFFFFF90;
	(pc) =	sbr.rel @p0 .LBB2_2-.Ltmp0, $3  }
0x24: {  	[spmem:s25] =	stream.linear.scatter [tilespmem:s10], [sflag:$0x3], $0x70, $0x38;
	[tilespmem:$0x2170] =	vst v63  }
0x25: {  	s24 =	sadd.s32 $0x1C0, s24;
	_ =	sdelay $0x1  }
0x26: {  	_ =	swait.ge [sflag:s11], $0x70  }
0x27: {  	[sflag:s11] =	ssyncset.done $0x0  }
0x28: {  	[sflag:s11] =	ssyncadd.s32 $0xFFFFFF90  }
.Ltmp1:
0x29: {  	s25 =	simm.s32 $0x0;
	[bflag:$0x0] =	sbarrier.arrive $0xFFFF;
	(pc) =	sbr.rel .LBB2_4-.Ltmp1, $4  }
0x2a: {  	[tilespmem:s12], [sflag:$0x3] =	stream.linear.gather [hbm4b:s7+s25], $0x400, $0x38;
	[tilespmem:$0x2170] =	vst v63  }
0x2b: {  	_ =	swait.ge [sflag:s11], $0x400  }
0x2c: {  	[sflag:s11] =	ssyncset.done $0x0  }
0x2d: {  	[sflag:s11] =	ssyncadd.s32 $0xFFFFFC00  }
.LBB2_7:
0x2e: {  	_ =	swait.ge [sflag:s13], $0x80  }
0x2f: {  	s26 =	sshll.u32 s26, $0xA;
	[sflag:s13] =	ssyncset.done $0x0  }
0x30: {  	s25 =	sor.u32 $0x1880, s26;
	[sflag:s13] =	ssyncadd.s32 $0xFFFFFF80  }
0x31: {  	[spmem:s3] =	stream.indirect.scatter.add.f32 [tilespmem:s15], [sflag:$0x2], $0x1, s25, s14, $0xb8;
	[tilespmem:$0x2170] =	vst v63  }
0x32: {  	_ =	swait.ge [sflag:s13], $0x80  }
0x33: {  	[sflag:s13] =	ssyncset.done $0x0  }
0x34: {  	s28 =	sor.u32 $0x1900, s26;
	[sflag:s13] =	ssyncadd.s32 $0xFFFFFF80  }
0x35: {  	[spmem:s3] =	stream.indirect.scatter.add.f32 [tilespmem:s15], [sflag:$0x2], $0x1, s28, s14, $0xb8;
	[tilespmem:$0x2170] =	vst v63  }
0x36: {  	_ =	swait.ge [sflag:s13], $0x80  }
0x37: {  	[sflag:s13] =	ssyncset.done $0x0  }
0x38: {  	s31 =	sor.u32 $0x1980, s26;
	[sflag:s13] =	ssyncadd.s32 $0xFFFFFF80  }
0x39: {  	[spmem:s3] =	stream.indirect.scatter.add.f32 [tilespmem:s15], [sflag:$0x2], $0x1, s31, s14, $0xb8;
	[tilespmem:$0x2170] =	vst v63  }
0x3a: {  	_ =	swait.ge [sflag:s13], $0x80  }
0x3b: {  	[sflag:s13] =	ssyncset.done $0x0  }
0x3c: {  	s29 =	sor.u32 $0x1A00, s26;
	[sflag:s13] =	ssyncadd.s32 $0xFFFFFF80  }
0x3d: {  	[spmem:s3] =	stream.indirect.scatter.add.f32 [tilespmem:s15], [sflag:$0x2], $0x1, s29, s14, $0xb8;
	[tilespmem:$0x2170] =	vst v63  }
0x3e: {  	_ =	swait.ge [sflag:s13], $0x80  }
0x3f: {  	[sflag:s13] =	ssyncset.done $0x0  }
0x40: {  	s30 =	sor.u32 $0x1A80, s26;
	[sflag:s13] =	ssyncadd.s32 $0xFFFFFF80  }
0x41: {  	[spmem:s3] =	stream.indirect.scatter.add.f32 [tilespmem:s15], [sflag:$0x2], $0x1, s30, s14, $0xb8;
	[tilespmem:$0x2170] =	vst v63  }
0x42: {  	_ =	swait.ge [sflag:s13], $0x80  }
0x43: {  	[sflag:s13] =	ssyncset.done $0x0  }
0x44: {  	s31 =	sor.u32 $0x1B00, s26;
	[sflag:s13] =	ssyncadd.s32 $0xFFFFFF80  }
0x45: {  	[spmem:s3] =	stream.indirect.scatter.add.f32 [tilespmem:s15], [sflag:$0x2], $0x1, s31, s14, $0xb8;
	[tilespmem:$0x2170] =	vst v63  }
0x46: {  	_ =	swait.ge [sflag:s13], $0x80  }
0x47: {  	[sflag:s13] =	ssyncset.done $0x0  }
0x48: {  	s26 =	sor.u32 $0x1B80, s26;
	[sflag:s13] =	ssyncadd.s32 $0xFFFFFF80  }
0x49: {  	[spmem:s3] =	stream.indirect.scatter.add.f32 [tilespmem:s15], [sflag:$0x2], $0x1, s26, s14, $0xb8;
	[tilespmem:$0x2170] =	vst v63  }
0x4a: {  	_ =	swait.ge [sflag:s13], $0x80  }
0x4b: {  	[sflag:s13] =	ssyncset.done $0x0  }
0x4c: {  	[sflag:s13] =	ssyncadd.s32 $0xFFFFFF80  }
.LBB2_8:
0x4d: {  	p0 =	slt.u32 s24, $0x62  }
.Ltmp2:
0x4e: {  	_ = 	snop;
	(pc) =	sbr.rel @!p0 .LBB2_9-.Ltmp2, $4  }
0x4f: {  	_ = 	snop  }
0x50: {  	s25 =	sadd.s32 $0x380, s25  }
0x51: {  	[spmem:s3] =	stream.indirect.scatter.add.f32 [tilespmem:s15], [sflag:$0x2], $0x1, s25, s14, $0xb8;
	[tilespmem:$0x2170] =	vst v63  }
0x52: {  	s25 =	smov.u32 s24  }
.LBB2_4:
0x53: {  	p0 =	seq.s32 s25, $0x0  }
0x54: {  	p1 =	seq.s32 @!p0 s25, $0x61  }
0x55: {  	p1 =	por p0, !p1  }
.Ltmp3:
0x56: {  	_ = 	snop;
	(pc) =	sbr.rel @!p1 .LBB2_7-.Ltmp3, $4  }
0x57: {  	s24 =	simm.s32 @!p0 $0x1  }
0x58: {  	_ =	swait.ge @!p0 [sflag:s24], $0x400  }
0x59: {  	[sflag:s24] =	ssyncset.done @!p0 $0x0  }
0x5a: {  	s26 =	sand.u32 $0x1, s25;
	[sflag:s24] =	ssyncadd.s32 @!p0 $0xFFFFFC00;
	s24 =	simm.s32 @!p0 $0x62  }
0x5b: {  	s24 =	sadd.s32 @!p0 $0x1, s25  }
0x5c: {  	s24 =	simm.s32 @p0 $0x1;
	p0 =	sne.s32 s25, $0x0  }
.Ltmp4:
0x5d: {  	s28 =	sshll.u32 s24, $0xA;
	(pc) =	sbr.rel @p0 .LBB2_7-.Ltmp4, $4  }
0x5e: {  	s28 =	sadd.s32 s28, s5  }
0x5f: {  	s29 =	sshll.u32 s26, $0xA;
	s28 =	sshrl.u32 s28, $0x3  }
0x60: {  	s29 =	sxor.u32 $0x1C80, s29;
	s28 =	sadd.s32 s1, s28  }
0x61: {  	[tilespmem:s29], [sflag:$0x1] =	stream.linear.gather [hbm4b:s28+s4], $0x400, $0x38;
	[tilespmem:$0x2170] =	vst v63  }
0x62: {  	s25 =	simm.s32 $0x1880  }
0x63: {  	[spmem:s3] =	stream.indirect.scatter.add.f32 [tilespmem:s15], [sflag:$0x2], $0x1, s25, s14, $0xb8;
	[tilespmem:$0x2170] =	vst v63  }
0x64: {  	_ = 	snop  }
0x65: {  	[spmem:s3] =	stream.indirect.scatter.add.f32 [tilespmem:s15], [sflag:$0x2], $0x1, s17, s14, $0xb8;
	[tilespmem:$0x2170] =	vst v63  }
0x66: {  	_ = 	snop  }
0x67: {  	[spmem:s3] =	stream.indirect.scatter.add.f32 [tilespmem:s15], [sflag:$0x2], $0x1, s18, s14, $0xb8;
	[tilespmem:$0x2170] =	vst v63  }
0x68: {  	_ = 	snop  }
0x69: {  	[spmem:s3] =	stream.indirect.scatter.add.f32 [tilespmem:s15], [sflag:$0x2], $0x1, s19, s14, $0xb8;
	[tilespmem:$0x2170] =	vst v63  }
0x6a: {  	_ = 	snop  }
0x6b: {  	[spmem:s3] =	stream.indirect.scatter.add.f32 [tilespmem:s15], [sflag:$0x2], $0x1, s20, s14, $0xb8;
	[tilespmem:$0x2170] =	vst v63  }
.Ltmp5:
0x6c: {  	_ = 	snop;
	(pc) =	sbr.rel .LBB2_8-.Ltmp5, $4  }
0x6d: {  	_ = 	snop  }
0x6e: {  	[spmem:s3] =	stream.indirect.scatter.add.f32 [tilespmem:s15], [sflag:$0x2], $0x1, s21, s14, $0xb8;
	[tilespmem:$0x2170] =	vst v63  }
0x6f: {  	_ = 	snop  }
0x70: {  	[spmem:s3] =	stream.indirect.scatter.add.f32 [tilespmem:s15], [sflag:$0x2], $0x1, s22, s14, $0xb8;
	[tilespmem:$0x2170] =	vst v63  }
.LBB2_9:
0x71: {  	_ =	swait.ge [sflag:s13], $0x80  }
0x72: {  	[sflag:s13] =	ssyncset.done $0x0  }
0x73: {  	[sflag:s13] =	ssyncadd.s32 $0xFFFFFF80  }
0x74: {  	_ =	swait.ge [sflag:s13], $0x80  }
0x75: {  	[sflag:s13] =	ssyncset.done $0x0  }
0x76: {  	[sflag:s13] =	ssyncadd.s32 $0xFFFFFF80  }
0x77: {  	_ =	swait.ge [sflag:s13], $0x80  }
0x78: {  	[sflag:s13] =	ssyncset.done $0x0  }
0x79: {  	[sflag:s13] =	ssyncadd.s32 $0xFFFFFF80  }
0x7a: {  	_ =	swait.ge [sflag:s13], $0x80  }
0x7b: {  	[sflag:s13] =	ssyncset.done $0x0  }
0x7c: {  	[sflag:s13] =	ssyncadd.s32 $0xFFFFFF80  }
0x7d: {  	_ =	swait.ge [sflag:s13], $0x80  }
0x7e: {  	[sflag:s13] =	ssyncset.done $0x0  }
0x7f: {  	[sflag:s13] =	ssyncadd.s32 $0xFFFFFF80  }
0x80: {  	_ =	swait.ge [sflag:s13], $0x80  }
0x81: {  	[sflag:s13] =	ssyncset.done $0x0  }
0x82: {  	[sflag:s13] =	ssyncadd.s32 $0xFFFFFF80  }
0x83: {  	_ =	swait.ge [sflag:s13], $0x80  }
0x84: {  	[sflag:s13] =	ssyncset.done $0x0  }
0x85: {  	[sflag:s13] =	ssyncadd.s32 $0xFFFFFF80  }
0x86: {  	_ =	swait.ge [sflag:s13], $0x80  }
0x87: {  	[sflag:s13] =	ssyncset.done $0x0  }
0x88: {  	[sflag:s13] =	ssyncadd.s32 $0xFFFFFF80  }
0x89: {  	s24 =	sadd.s32 $0x0, s9;
	s25 =	sshrl.u32 s6, $0x3;
	[bflag:$0x0] =	sbarrier.arrive $0xFFFF  }
0x8a: {  	[hbm:s24], [sflag:s16] =	dma.local [spmem:s25], $0xE  }
0x8b: {  	_ =	swait.ge [sflag:s11], $0xE  }
0x8c: {  	s24 =	simm.s32 $0xE;
	s25 =	sadd.s32 $0x70, s6;
	[sflag:s11] =	ssyncset.done $0x0  }
.LBB2_10:
0x8d: {  	s26 =	sadd.s32 s24, s9  }
0x8e: {  	s28 =	sshrl.u32 s25, $0x3;
	[sflag:s11] =	ssyncadd.s32 $0xFFFFFFF2;
	p0 =	sne.s32 s24, $0x302  }
0x8f: {  	[hbm:s26], [sflag:s16] =	dma.local [spmem:s28], $0xE  }
.Ltmp6:
0x90: {  	_ = 	snop;
	(pc) =	sbr.rel @p0 .LBB2_10-.Ltmp6, $4  }
0x91: {  	_ = 	snop  }
0x92: {  	s24 =	sadd.s32 $0xE, s24  }
0x93: {  	_ =	swait.ge [sflag:s11], $0xE  }
0x94: {  	s25 =	sadd.s32 $0x70, s25;
	[sflag:s11] =	ssyncset.done $0x0  }
0x95: {  	s23 =	sadd.s32 $0x1, s23  }
0x96: {  	p0 =	sne.s32 s23, s8  }
.Ltmp7:
0x97: {  	_ = 	snop;
	(pc) =	sbr.rel @p0 .LBB2_1-.Ltmp7, $2  }
0x98: {  	_ =	sdelay $0x2  }
0x99: {  	[sflag:s11] =	ssyncadd.s32 $0xFFFFFFF2  }
0x9a: {  	_ =	sfence.sel $0x180000  }
0x9b: {  	[bflag:$0x0] =	sbarrier.arrive $0xFFFF  }
0x9c: {  	p0 =	sne.s32 s0, $0x0;
	_ =	strace $0x90000047  }
0x9d: {  	s0 =	sadd.s32 @!p0 $0x100000, s2;
	[bflag:$0x2] =	sbarrier.arrive $0xFFFF  }
0x9e: {  	[sflag:s0] =	ssyncadd.tile.s32 @!p0 $0x1;
	_ =	shalt  }
.Lfunc_end2:
_tile_overlayer_lowered:
.L_overlay_start_2:
0x9f: {  	(tag) =	ssettag $0x2  }
0xa0: {  	s0 =	rddreg [dreg:$0x0];
	s2 =	stileid.u32  }
0xa1: {  	s1 =	rddreg [dreg:$0x1];
	p0 =	sne.s32 s2, $0x0  }
0xa2: {  	s3 =	rddreg [dreg:$0x2];
	[bflag:$0x3] =	sbarrier.arrive $0xFFFF;
	s2 =	simm.s32 @!p0 $0x1C03  }
0xa3: {  	[timem:s3], [sflag:s2] =	dma.local @!p0 [hbm:s0], s1  }
0xa4: {  	s0 =	simm.s32 @!p0 $0x3  }
0xa5: {  	_ =	swait.ge @!p0 [sflag:s0], s1  }
0xa6: {  	s1 =	ssub.s32 @!p0 $0x0, s1;
	[sflag:s0] =	ssyncset.done @!p0 $0x0  }
0xa7: {  	[sflag:s0] =	ssyncadd.s32 @!p0 s1  }
0xa8: {  	[bflag:$0x3] =	sbarrier.arrive $0xFFFF  }
0xa9: {  	_ =	shalt  }

// kernel: kernel.9.cloned.1.call-start
scs
__scs_entry_jumppad:
0x0: {  	(pc) =	sbr.rel $0x88, $3  }
0x1: {  	(tag) =	ssettag $0x0;
	lr =	simm.s32 $0x1  }
0x2: {  	[smem:$0x3F9E] =	sst lr;
	_ =	strace $0xD0000000  }
0x3: {  	_ = 	snop  }
0x4: {  	_ = 	snop  }
0x5: {  	_ = 	snop  }
0x6: {  	_ = 	snop  }
0x7: {  	_ = 	snop  }
__scs_overlays_trampoline_lowered:
0x8: {  	[smem:$0x3FAD] =	sst s0  }
0x9: {  	[smem:$0x3FAE] =	sst s1  }
0xa: {  	[smem:$0x3FAF] =	sst s2  }
0xb: {  	[smem:$0x3FB0] =	sst s3  }
0xc: {  	[smem:$0x3FB1] =	sst s4  }
0xd: {  	[smem:$0x3FB2] =	sst s5  }
0xe: {  	[smem:$0x3FB3] =	sst s6  }
0xf: {  	[smem:$0x3FB4] =	sst s7  }
0x10: {  	[smem:$0x3FB5] =	sst s8  }
0x11: {  	[smem:$0x3FB6] =	sst s9;
	s0 =	simm.s32 @!p0 $0x0  }
0x12: {  	s1 =	sld [smem:$0x3F9C];
	s0 =	simm.s32 @p0 $0x1  }
0x13: {  	[smem:$0x3FB7] =	sst s0;
	s0 =	simm.s32 @!p1 $0x0  }
0x14: {  	s2 =	sld [smem:$0x3F9B];
	s0 =	simm.s32 @p1 $0x1  }
0x15: {  	[smem:$0x3FB8] =	sst s0;
	s0 =	simm.s32 @!p2 $0x0  }
0x16: {  	s3 =	sld [smem:$0x3FDB];
	s0 =	simm.s32 @p2 $0x1  }
0x17: {  	s4 =	simm.s32 $0x1BF5;
	[smem:$0x3FBA] =	sst s0  }
0x18: {  	s0 =	sld [smem:$0x3F9D];
	_ =	swait.ge [sflag:s4], $0x0  }
0x19: {  	s7 =	sld [smem:$0x3F9E]  }
0x1a: {  	s8 =	sadd.s32 $0xFFFFE003, lr  }
0x1b: {  	s9 =	sadd.s32 $0xFFFFFEF7, lr;
	s5 =	simm.s32 $0xFFFFFFFF;
	p2 =	slt.u32 s8, $0xFFFFF086  }
0x1c: {  	p1 =	slt.u32 s9, $0xF7A;
	s5 =	simm.s32 @!p2 $0x0  }
0x1d: {  	s5 =	simm.s32 @p1 $0x1;
	p0 =	seq.s32 s7, s2  }
0x1e: {  	s7 =	smul.u32 @!p0 $0xF7A, s2;
	p2 =	seq.s32 @!p0 s5, $0x0  }
0x1f: {  	s9 =	smul.u32 $0xF7A, s1;
	s8 =	simm.s32 @!p0 $0x1BF5;
	p2 =	por !p2, p0  }
0x20: {  	[sflag:s8] =	ssyncset.s32 @!p0 $0xFFFFF086;
	s6 =	sadd.s32 @!p0 s3, s7;
	s7 =	simm.s32 @!p0 $0x108  }
0x21: {  	s3 =	sadd.s32 s3, s9;
	s6 =	sadd.s32 @!p0 $0x88, s6;
	s7 =	simm.s32 @p2 $0x1082  }
0x22: {  	[simem:s7], [sflag:s8] =	dma.local @!p0 [hbm:s6], $0xF7A  }
0x23: {  	s9 =	sor.u32 $0xD0000000, s2;
	s6 =	simm.s32 $0x108;
	_ =	swait.ge @!p0 [sflag:s8], $0x0  }
0x24: {  	s3 =	sadd.s32 $0x88, s3;
	s6 =	simm.s32 @!p1 $0x1082;
	[sflag:s4] =	ssyncset.s32 $0xFFFFF086  }
0x25: {  	[simem:s6], [sflag:s4] =	dma.local [hbm:s3], $0xF7A  }
0x26: {  	[smem:$0x3F9E] =	sst s1;
	(tag) =	ssettag s2;
	_ =	strace s9  }
0x27: {  	s1 =	sld [smem:$0x3FAE]  }
0x28: {  	s2 =	sld [smem:$0x3FAF]  }
0x29: {  	s4 =	sld [smem:$0x3FB1]  }
0x2a: {  	p0 =	seq.s32 s5, $0x0;
	s5 =	sld [smem:$0x3FB2]  }
0x2b: {  	s6 =	sld [smem:$0x3FB3]  }
0x2c: {  	s7 =	sld [smem:$0x3FB4]  }
0x2d: {  	s3 =	simm.s32 $0x108;
	s8 =	sld [smem:$0x3FB5]  }
0x2e: {  	s3 =	simm.s32 @!p0 $0x1082;
	s9 =	sld [smem:$0x3FB6]  }
0x2f: {  	lr =	sadd.s32 s0, s3;
	s0 =	sld [smem:$0x3FAD]  }
0x30: {  	s3 =	sld [smem:$0x3FB0]  }
0x31: {  	[smem:$0x3FB9] =	sst s10  }
0x32: {  	s10 =	sld [smem:$0x3FB7];
	_ =	sdelay $0x3  }
0x33: {  	p0 =	seq.s32 s10, $0x1;
	s10 =	sld [smem:$0x3FB9];
	_ =	sdelay $0x3  }
0x34: {  	[smem:$0x3FB9] =	sst s10  }
0x35: {  	s10 =	sld [smem:$0x3FB8];
	_ =	sdelay $0x3  }
0x36: {  	p1 =	seq.s32 s10, $0x1;
	s10 =	sld [smem:$0x3FB9];
	_ =	sdelay $0x3  }
0x37: {  	[smem:$0x3FB9] =	sst s10  }
0x38: {  	s10 =	sld [smem:$0x3FBA]  }
0x39: {  	_ = 	snop;
	(pc) =	sbr.ind lr, $3  }
0x3a: {  	_ = 	snop  }
0x3b: {  	_ = 	snop  }
0x3c: {  	p2 =	seq.s32 s10, $0x1;
	s10 =	sld [smem:$0x3FB9]  }
0x3d: {  	_ =	shalt  }
0x3e: {  	_ =	shalt  }
0x3f: {  	_ =	shalt  }
0x40: {  	_ =	shalt  }
0x41: {  	_ =	shalt  }
0x42: {  	_ =	shalt  }
0x43: {  	_ =	shalt  }
0x44: {  	_ =	shalt  }
0x45: {  	_ =	shalt  }
0x46: {  	_ =	shalt  }
0x47: {  	_ =	shalt  }
0x48: {  	_ =	shalt  }
0x49: {  	_ =	shalt  }
0x4a: {  	_ =	shalt  }
0x4b: {  	_ =	shalt  }
0x4c: {  	_ =	shalt  }
0x4d: {  	_ =	shalt  }
0x4e: {  	_ =	shalt  }
0x4f: {  	_ =	shalt  }
0x50: {  	_ =	shalt  }
0x51: {  	_ =	shalt  }
0x52: {  	_ =	shalt  }
0x53: {  	_ =	shalt  }
0x54: {  	_ =	shalt  }
0x55: {  	_ =	shalt  }
0x56: {  	_ =	shalt  }
0x57: {  	_ =	shalt  }
0x58: {  	_ =	shalt  }
0x59: {  	_ =	shalt  }
0x5a: {  	_ =	shalt  }
0x5b: {  	_ =	shalt  }
0x5c: {  	_ =	shalt  }
0x5d: {  	_ =	shalt  }
0x5e: {  	_ =	shalt  }
0x5f: {  	_ =	shalt  }
0x60: {  	_ =	shalt  }
0x61: {  	_ =	shalt  }
0x62: {  	_ =	shalt  }
0x63: {  	_ =	shalt  }
0x64: {  	_ =	shalt  }
0x65: {  	_ =	shalt  }
0x66: {  	_ =	shalt  }
0x67: {  	_ =	shalt  }
0x68: {  	_ =	shalt  }
0x69: {  	_ =	shalt  }
0x6a: {  	_ =	shalt  }
0x6b: {  	_ =	shalt  }
0x6c: {  	_ =	shalt  }
0x6d: {  	_ =	shalt  }
0x6e: {  	_ =	shalt  }
0x6f: {  	_ =	shalt  }
0x70: {  	_ =	shalt  }
0x71: {  	_ =	shalt  }
0x72: {  	_ =	shalt  }
0x73: {  	_ =	shalt  }
0x74: {  	_ =	shalt  }
0x75: {  	_ =	shalt  }
0x76: {  	_ =	shalt  }
0x77: {  	_ =	shalt  }
0x78: {  	_ =	shalt  }
0x79: {  	_ =	shalt  }
0x7a: {  	_ =	shalt  }
0x7b: {  	_ =	shalt  }
0x7c: {  	_ =	shalt  }
0x7d: {  	_ =	shalt  }
0x7e: {  	_ =	shalt  }
0x7f: {  	_ =	shalt  }
0x80: {  	_ =	shalt  }
0x81: {  	_ =	shalt  }
0x82: {  	_ =	shalt  }
0x83: {  	_ =	shalt  }
0x84: {  	_ =	shalt  }
0x85: {  	_ =	shalt  }
0x86: {  	_ =	shalt  }
0x87: {  	_ =	shalt  }
.Lfunc_end0:
.L_simem_size_0:
called_computation.1_lowered:
.L_overlay_start_0:
0x88: {  	s2 =	sld [smem:$0x3FD9]  }
0x89: {  	s3 =	sld [smem:$0x3FFE];
	_ =	sdelay $0x1  }
0x8a: {  	s1 =	srdreg.scid  }
0x8b: {  	s0 =	sand.u32 $0x1, s1  }
0x8c: {  	s17 =	sshll.u32 s0, $0xA;
	s2 =	sadd.s32 s3, s2  }
0x8d: {  	s2 =	sadd.s32 s2, s17  }
0x8e: {  	[smem:$0x3FC5] =	sst s2  }
0x8f: {  	_ = 	snop  }
0x90: {  	s2 =	sld [smem:$0x3FC8]  }
0x91: {  	s18 =	sld [smem:$0x3FD0];
	(tm) =	ssettm $0x1  }
0x92: {  	s4 =	sld [smem:$0x3FFB];
	_ =	sdelay $0x3  }
0x93: {  	_ =	strace s4  }
0x94: {  	s4 =	sld [smem:$0x3FFC];
	_ =	sdelay $0x3  }
0x95: {  	_ =	strace s4  }
0x96: {  	s4 =	sld [smem:$0x3FFD];
	_ =	sdelay $0x3  }
0x97: {  	_ =	strace s4  }
0x98: {  	_ =	strace $0x8FFFFFFF  }
0x99: {  	s19 =	sld [smem:$0x3FDB];
	_ =	sdelay $0x1  }
0x9a: {  	s5 =	simm.s32 $_scs_section_size  }
0x9b: {  	s6 =	simm.s32 $_size__tile_overlayer_lowered;
	s7 =	simm.s32 $_tile_overlayer_lowered  }
0x9c: {  	s22 =	simm.s32 $0x1BFF;
	s21 =	sshll.u32 s7, $0x1;
	s4 =	sadd.s32 s5, s19  }
0x9d: {  	s8 =	simm.s32 $0x0;
	s20 =	sshll.u32 s6, $0x1;
	s6 =	sadd.s32 s21, s4  }
0x9e: {  	[timem:s8], [sflag:s22] =	dma.local [hbm:s6], s20  }
0x9f: {  	_ =	swait.ge [sflag:s22], s20  }
0xa0: {  	s5 =	ssub.s32 $0x0, s20;
	[sflag:s22] =	ssyncset.done $0x0  }
0xa1: {  	[sflag:s22] =	ssyncadd.s32 s5;
	_ =	sdelay $0x1  }
0xa2: {  	s23 =	simm.s32 $0x1B8B  }
0xa3: {  	_ =	swait.ge [sflag:s23], $0x1  }
0xa4: {  	[sflag:s23] =	ssyncset.done $0x0  }
0xa5: {  	s25 =	simm.s32 $0x1B8E;
	s24 =	sld [smem:$0x3FFE];
	[sflag:s23] =	ssyncadd.s32 $0xFFFFFFFF  }
0xa6: {  	s26 =	simm.s32 $execute0_lowered;
	[smem:$0x3FD2] =	sst s25  }
0xa7: {  	s6 =	sshll.u32 s26, $0x1;
	_ =	strace $0x80000049;
	[dreg:$0x1] =	wrdreg $0xFFFFFFFF  }
0xa8: {  	s28 =	simm.s32 $_size_execute0_lowered;
	s4 =	sadd.s32 s4, s6;
	[dreg:$0x0] =	wrdreg $0x0  }
0xa9: {  	s6 =	sshll.u32 s28, $0x1;
	[dreg:$0x2] =	wrdreg s4  }
0xaa: {  	[dreg:$0x3] =	wrdreg s6  }
0xab: {  	[dreg:$0x4] =	wrdreg $0xC0  }
0xac: {  	_ =	task [dreg:s8], $0x5FFFF  }
0xad: {  	[dreg:$0x1] =	wrdreg $0xFFFFFFFF  }
0xae: {  	[dreg:$0x0] =	wrdreg $0x60  }
0xaf: {  	[dreg:$0x2] =	wrdreg s18  }
0xb0: {  	[dreg:$0x3] =	wrdreg s24  }
0xb1: {  	[dreg:$0x4] =	wrdreg s2  }
0xb2: {  	[dreg:$0x5] =	wrdreg $0x0  }
0xb3: {  	[dreg:$0x6] =	wrdreg $0x9  }
0xb4: {  	_ =	task.clear_ibuf [dreg:s8], $0x7FFFF;
	_ =	strace $0x90000049  }
0xb5: {  	s29 =	simm.s32 $0x9;
	_ =	strace $0x8000004B  }
0xb6: {  	_ =	swait.ge [sflag:s29], $0x1  }
0xb7: {  	[sflag:s29] =	ssyncadd.s32 $0xFFFFFFFF  }
0xb8: {  	_ =	strace $0x9000004B  }
0xb9: {  	_ =	sfence  }
0xba: {  	s30 =	sld [smem:$0x0];
	_ =	sdelay $0x2  }
0xbb: {  	s31 =	sshll.u32 s1, $0xD;
	s1 =	sshrl.u32 s1, $0x2  }
0xbc: {  	s3 =	sand.u32 $0x4000, s31;
	s1 =	sadd.s32 s1, s30  }
0xbd: {  	s0 =	sor.u32 s3, s0;
	s1 =	sshll.u32 s1, $0x11  }
0xbe: {  	s0 =	sor.u32 s1, s0  }
0xbf: {  	s0 =	sadd.s32 $0x8F2B, s0  }
0xc0: {  	[sflag:s0] =	ssyncadd.remote.s32 $0x1  }
0xc1: {  	_ =	sfence.sel $0xFFFF  }
0xc2: {  	[dreg:$0x0] =	wrdreg $0xFFFFFFFF;
	(pc) =	sbr.abs _section_cstart, $3  }
0xc3: {  	[dreg:$0x1] =	wrdreg $0xFFFFFFFF  }
0xc4: {  	_ =	task.clear_ibuf [dreg:s8], $0x2FFFF;
	_ =	strace $0x9FFFFFFF  }
0xc5: {  	(tm) =	ssettm $0x7FFFFFFF  }
tec
execute0_lowered:
.L_overlay_start_1:
0x0: {  	(tag) =	ssettag $0x1  }
0x1: {  	s8 =	rddreg [dreg:$0x0]  }
0x2: {  	s0 =	rddreg [dreg:$0x1]  }
0x3: {  	s1 =	rddreg [dreg:$0x2]  }
0x4: {  	s2 =	rddreg [dreg:$0x3];
	s3 =	simm.s32 $0x0;
	s4 =	srdreg.scid  }
0x5: {  	s12 =	stileid.u32;
	s30 =	simm.s32 $0x1C000;
	s9 =	sadd.s32 $0x189800, s0  }
0x6: {  	s28 =	simm.s32 $0x3;
	s11 =	sadd.s32 $0x18CA00, s0;
	s7 =	smul.u32 $0x18800, s12  }
0x7: {  	[smem:$0x7FF] =	sst s3;
	s5 =	sadd.s32 $0x18FC00, s0;
	s20 =	smul.u32 $0x62000, s12  }
0x8: {  	s4 =	sand.u32 $0x1, s4;
	s6 =	sadd.s32 $0x1F4E00, s0;
	s13 =	smul.u32 $0x1880, s12  }
0x9: {  	s10 =	sadd.s32 $0x192E00, s0;
	s25 =	smul.u32 $0x3100, s12;
	p0 =	sne.s32 s12, $0x0  }
0xa: {  	s12 =	simm.s32 $0x19800;
	_ =	strace $0x8000004A;
	[dreg:$0x7] =	wrdreg s5  }
0xb: {  	s15 =	ssub.s32 $0x2, s4;
	[dreg:$0x8] =	wrdreg s6;
	s14 =	smul.u32 $0x18800, s4  }
0xc: {  	s18 =	sshll.u32 s4, $0x1;
	s23 =	smul.u32 $0x31000, s4;
	[dreg:$0x5] =	wrdreg s9  }
0xd: {  	[dreg:$0x6] =	wrdreg s11;
	s4 =	smul.u32 $0x188000, s4;
	s6 =	simm.s32 $0x4  }
0xe: {  	s16 =	sshrl.u32 s15, $0x1;
	[dreg:$0x9] =	wrdreg s7;
	s19 =	sshrl.u32 s7, $0x3  }
0xf: {  	s1 =	sadd.s32 s1, s18;
	s22 =	sshrl.u32 s20, $0x2;
	[dreg:$0xa] =	wrdreg s13  }
0x10: {  	s24 =	sshrl.u32 s13, $0x3;
	s13 =	simm.s32 $0x1B000;
	s18 =	simm.s32 $0x1D000  }
0x11: {  	s7 =	simm.s32 $0x5;
	s20 =	simm.s32 $0x6;
	s17 =	ssub.s32 s15, s16  }
0x12: {  	[dreg:$0xb] =	wrdreg s1;
	s21 =	sadd.s32 s8, s19;
	s26 =	sadd.s32 s9, s24  }
0x13: {  	s29 =	sadd.s32 s23, s10;
	[dreg:$0x11] =	wrdreg s4;
	s23 =	simm.s32 $0x7  }
0x14: {  	s31 =	smov.u32 s14;
	v0 =	vmov s14;
	s14 =	simm.s32 $0x1C800;
	[dreg:$0xc] =	wrdreg s21  }
0x15: {  	v1 =	vimm.f32 $0.0e+00;
	vm0 =	vmmov $0x1;
	s19 =	simm.s32 $0x2;
	s1 =	sadd.s32 $0x31000, s21;
	[dreg:$0xf] =	wrdreg s26  }
0x16: {  	vm1 =	vcmask $0x308;
	vm2 =	vcmask $0x70C;
	vm3 =	vcmask $0xB10;
	s4 =	simm.s32 $0x0;
	s0 =	smax.u32 s17, $0x1;
	[dreg:$0xd] =	wrdreg s1  }
0x17: {  	vm4 =	vcmask $0xF14;
	vm5 =	vcmask $0x1318;
	vm6 =	vcmask $0x171C;
	s16 =	sadd.s32 s25, s29;
	s26 =	simm.s32 $0x1A000;
	[dreg:$0x12] =	wrdreg s0  }
0x18: {  	vm7 =	vcmask $0x1B20;
	vm8 =	vcmask $0x1F24;
	vm9 =	vcmask $0x2328;
	s25 =	simm.s32 $0x1A800;
	s1 =	sadd.s32 s22, s2;
	[dreg:$0x13] =	wrdreg s16  }
0x19: {  	vm10 =	vcmask $0x272C;
	vm11 =	vcmask $0x2B30;
	vm12 =	vcmask $0x2F34;
	s22 =	simm.s32 $0x1F5C0;
	[dreg:$0xe] =	wrdreg s1;
	s1 =	sadd.s32 s11, s24  }
0x1a: {  	vm13 =	vcmask $0x3338;
	vm14 =	vcmask $0x373C;
	vm15 =	vmmov $0x7fff;
	s0 =	simm.s32 $0x80;
	s24 =	simm.s32 $0x1B800;
	[dreg:$0x10] =	wrdreg s1  }
.LBB2_1:
0x1b: {  	[dreg:$0x14] =	wrdreg s4;
	s1 =	simm.s32 $0x0  }
.LBB2_2:
0x1c: {  	p1 =	sne.s32 s1, $0x1BC0  }
.Ltmp0:
0x1d: {  	_ = 	snop;
	(pc) =	sbr.rel @p1 .LBB2_2-.Ltmp0, $3  }
0x1e: {  	_ =	sdelay $0x1  }
0x1f: {  	s4 =	sshra.s32 s1, $0x2  }
0x20: {  	s1 =	sadd.s32 $0x40, s1;
	[tilespmem:s4+$0x1F5C0] =	vst v1  }
0x21: {  	s9 =	rddreg [dreg:$0xe]  }
0x22: {  	s1 =	sadd.s32 $0x0, s9  }
0x23: {  	[spmem:s1] =	stream.linear.scatter [tilespmem:s22], [sflag:$0x7], $0x700, $0x38;
	[tilespmem:$0x1FDE0] =	vst v63  }
0x24: {  	s1 =	simm.s32 $0x1C00;
	_ =	swait.ge [sflag:s23], $0x700  }
.LBB2_4:
0x25: {  	s4 =	sshra.s32 s1, $0x2;
	[sflag:s23] =	ssyncset.done $0x0;
	p1 =	sne.s32 s1, $0x60400  }
.Ltmp1:
0x26: {  	s4 =	sadd.s32 s4, s9;
	[sflag:s23] =	ssyncadd.s32 $0xFFFFF900;
	(pc) =	sbr.rel @p1 .LBB2_4-.Ltmp1, $3  }
0x27: {  	[spmem:s4] =	stream.linear.scatter [tilespmem:s22], [sflag:$0x7], $0x700, $0x38;
	[tilespmem:$0x1FDE0] =	vst v63  }
0x28: {  	s1 =	sadd.s32 $0x1C00, s1;
	_ =	sdelay $0x1  }
0x29: {  	_ =	swait.ge [sflag:s23], $0x700  }
0x2a: {  	[sflag:s23] =	ssyncset.done $0x0  }
0x2b: {  	[sflag:s23] =	ssyncadd.s32 $0xFFFFF900  }
0x2c: {  	[bflag:$0x0] =	sbarrier.arrive $0xFFFF  }
0x2d: {  	s4 =	simm.s32 @!p0 $0x1FCC0;
	s1 =	rddreg @!p0 [dreg:$0xb]  }
0x2e: {  	[tilespmem:s4], [sflag:$0x7] =	stream.linear.gather @!p0 [hbm4b:s1+s3], $0x10, $0x38;
	[tilespmem:$0x1FDE0] =	vst v63  }
0x2f: {  	_ =	swait.ge @!p0 [sflag:s23], $0x10  }
0x30: {  	s5 =	simm.s32 @!p0 $0x10;
	[sflag:s23] =	ssyncset.done @!p0 $0x0  }
0x31: {  	s8 =	simm.s32 @!p0 $0x1FCD0;
	s1 =	rddreg @!p0 [dreg:$0x7];
	[sflag:s23] =	ssyncadd.s32 @!p0 $0xFFFFFFF0  }
0x32: {  	[tilespmem:s8], [sflag:$0x7] =	stream.indirect.gather @!p0 [hbm4b:s1+s5], $0x1, s4, s5, $0xb8;
	[tilespmem:$0x1FDE0] =	vst v63  }
0x33: {  	_ =	swait.ge @!p0 [sflag:s23], $0x10  }
0x34: {  	[sflag:s23] =	ssyncset.done @!p0 $0x0  }
0x35: {  	[sflag:s23] =	ssyncadd.s32 @!p0 $0xFFFFFFF0  }
0x36: {  	v2 =	vld @!p0 [tilespmem:$0x1FCD0];
	_ =	sdelay $0x4  }
0x37: {  	v3 =	vnsel @!p0 vm0, $0x0, v2  }
0x38: {  	[tilespmem:$0x1FCE0] =	vst @!p0 v3;
	v3 =	vsel @!p0 vm1, $0x0, v2  }
0x39: {  	[tilespmem:$0x1FCF0] =	vst @!p0 v3;
	v3 =	vsel @!p0 vm2, $0x0, v2  }
0x3a: {  	[tilespmem:$0x1FD00] =	vst @!p0 v3;
	v3 =	vsel @!p0 vm3, $0x0, v2  }
0x3b: {  	[tilespmem:$0x1FD10] =	vst @!p0 v3;
	v3 =	vsel @!p0 vm4, $0x0, v2  }
0x3c: {  	[tilespmem:$0x1FD20] =	vst @!p0 v3;
	v3 =	vsel @!p0 vm5, $0x0, v2  }
0x3d: {  	[tilespmem:$0x1FD30] =	vst @!p0 v3;
	v3 =	vsel @!p0 vm6, $0x0, v2  }
0x3e: {  	[tilespmem:$0x1FD40] =	vst @!p0 v3;
	v3 =	vsel @!p0 vm7, $0x0, v2  }
0x3f: {  	[tilespmem:$0x1FD50] =	vst @!p0 v3;
	v3 =	vsel @!p0 vm8, $0x0, v2  }
0x40: {  	[tilespmem:$0x1FD60] =	vst @!p0 v3;
	v3 =	vsel @!p0 vm9, $0x0, v2  }
0x41: {  	[tilespmem:$0x1FD70] =	vst @!p0 v3;
	v3 =	vsel @!p0 vm10, $0x0, v2  }
0x42: {  	[tilespmem:$0x1FD80] =	vst @!p0 v3;
	v3 =	vsel @!p0 vm11, $0x0, v2  }
0x43: {  	[tilespmem:$0x1FD90] =	vst @!p0 v3;
	v3 =	vsel @!p0 vm12, $0x0, v2  }
0x44: {  	[tilespmem:$0x1FDA0] =	vst @!p0 v3;
	v3 =	vsel @!p0 vm13, $0x0, v2  }
0x45: {  	[tilespmem:$0x1FDB0] =	vst @!p0 v3;
	v3 =	vsel @!p0 vm14, $0x0, v2  }
0x46: {  	v2 =	vsel @!p0 vm15, $0x0, v2;
	[tilespmem:$0x1FDC0] =	vst @!p0 v3  }
0x47: {  	s1 =	simm.s32 @!p0 $0x1FCE0;
	[tilespmem:$0x1FDD0] =	vst @!p0 v2  }
0x48: {  	[spmem:s2] =	stream.indirect.scatter.add.f32 @!p0 [tilespmem:s1], [sflag:$0x7], $0x10, s4, s5, $0xb8;
	[tilespmem:$0x1FDE0] =	vst v63  }
0x49: {  	_ =	swait.ge @!p0 [sflag:s23], $0x100  }
0x4a: {  	s17 =	stileid.u32;
	[sflag:s23] =	ssyncset.done @!p0 $0x0  }
0x4b: {  	s21 =	sshrl.u32 s9, $0x3;
	s1 =	sshll.u32 s17, $0x6;
	[sflag:s23] =	ssyncadd.s32 @!p0 $0xFFFFFF00  }
0x4c: {  	s29 =	sadd.s32 $0x0, s16;
	s4 =	sor.u32 $0x1C07, s1;
	[bflag:$0x0] =	sbarrier.arrive $0xFFFF  }
0x4d: {  	[hbm:s29], [sflag:s4] =	dma.local [spmem:s21], $0xE0  }
0x4e: {  	_ =	swait.ge [sflag:s23], $0xE0  }
0x4f: {  	[sflag:s23] =	ssyncset.done $0x0  }
0x50: {  	s15 =	simm.s32 $0x1C0;
	[sflag:s23] =	ssyncadd.s32 $0xFFFFFF20  }
0x51: {  	[spmem:s9] =	stream.linear.scatter [tilespmem:s22], [sflag:$0x7], $0x700, $0x38;
	[tilespmem:$0x1FDE0] =	vst v63  }
0x52: {  	s8 =	sadd.s32 $0xE0, s16;
	s5 =	sadd.s32 $0x700, s9;
	_ =	swait.ge [sflag:s23], $0x700  }
0x53: {  	s11 =	sshrl.u32 s5, $0x3;
	s9 =	sadd.s32 $0x700, s5;
	[sflag:s23] =	ssyncset.done $0x0  }
.LBB2_6:
0x54: {  	s17 =	sshrl.u32 s9, $0x3;
	s21 =	sor.u32 $0x1C07, s1  }
0x55: {  	[sflag:s23] =	ssyncadd.s32 $0xFFFFF900;
	s29 =	smov.u32 s15;
	p1 =	sne.s32 s15, $0x3020  }
0x56: {  	[hbm:s8], [sflag:s21] =	dma.local [spmem:s11], $0xE0  }
0x57: {  	s8 =	sadd.s32 s29, s16;
	s21 =	sadd.s32 $0xE0, s15;
	_ =	swait.ge [sflag:s23], $0xE0  }
.Ltmp2:
0x58: {  	[sflag:s23] =	ssyncset.done $0x0;
	(pc) =	sbr.rel @p1 .LBB2_6-.Ltmp2, $4  }
0x59: {  	s11 =	smov.u32 s17;
	[sflag:s23] =	ssyncadd.s32 $0xFFFFFF20  }
0x5a: {  	[spmem:s5] =	stream.linear.scatter [tilespmem:s22], [sflag:$0x7], $0x700, $0x38;
	[tilespmem:$0x1FDE0] =	vst v63  }
0x5b: {  	s5 =	smov.u32 s9;
	_ =	swait.ge [sflag:s23], $0x700  }
0x5c: {  	s15 =	smov.u32 s21;
	s9 =	sadd.s32 $0x700, s9;
	[sflag:s23] =	ssyncset.done $0x0  }
0x5d: {  	[sflag:s23] =	ssyncadd.s32 $0xFFFFF900  }
0x5e: {  	[hbm:s8], [sflag:s4] =	dma.local [spmem:s11], $0xE0  }
0x5f: {  	_ =	swait.ge [sflag:s23], $0xE0  }
0x60: {  	[sflag:s23] =	ssyncset.done $0x0  }
0x61: {  	[sflag:s23] =	ssyncadd.s32 $0xFFFFFF20  }
0x62: {  	[spmem:s5] =	stream.linear.scatter [tilespmem:s22], [sflag:$0x7], $0x700, $0x38;
	[tilespmem:$0x1FDE0] =	vst v63  }
0x63: {  	_ =	swait.ge [sflag:s23], $0x700  }
0x64: {  	[sflag:s23] =	ssyncset.done $0x0  }
0x65: {  	[sflag:s23] =	ssyncadd.s32 $0xFFFFF900  }
0x66: {  	s1 =	simm.s32 $0x0;
	[bflag:$0x0] =	sbarrier.arrive $0xFFFF  }
0x67: {  	[dreg:$0x15] =	wrdreg s1  }
.LBB2_8:
0x68: {  	s1 =	rddreg [dreg:$0xc];
	s4 =	simm.s32 $0x18800;
	s5 =	simm.s32 $0x0  }
0x69: {  	[tilespmem:s4], [sflag:$0x7] =	stream.linear.gather [hbm4b:s1+s5], $0x400, $0x38;
	[tilespmem:$0x1FDE0] =	vst v63  }
0x6a: {  	_ =	swait.ge [sflag:s23], $0x400  }
0x6b: {  	s29 =	simm.s32 $0x19000;
	[sflag:s23] =	ssyncset.done $0x0  }
.Ltmp3:
0x6c: {  	s21 =	rddreg [dreg:$0xd];
	[sflag:s23] =	ssyncadd.s32 $0xFFFFFC00;
	(pc) =	sbr.rel .LBB2_9-.Ltmp3, $4  }
0x6d: {  	[tilespmem:s29], [sflag:$0x7] =	stream.linear.gather [hbm4b:s21+s5], $0x400, $0x38;
	[tilespmem:$0x1FDE0] =	vst v63  }
0x6e: {  	_ =	swait.ge [sflag:s23], $0x400  }
0x6f: {  	[sflag:s23] =	ssyncset.done $0x0  }
0x70: {  	s4 =	simm.s32 $0x0;
	[sflag:s23] =	ssyncadd.s32 $0xFFFFFC00  }
.LBB2_12:
0x71: {  	s15 =	simm.s32 $0x80;
	s1 =	simm.s32 $0x18800  }
0x72: {  	[tilespmem:s12], [sflag:$0x2] =	stream.indirect.gather [hbm4b:s10+s15], $0x10, s1, s15, $0xb8;
	[tilespmem:$0x1FDE0] =	vst v63  }
0x73: {  	s8 =	simm.s32 $0x18880  }
0x74: {  	[tilespmem:s26], [sflag:$0x2] =	stream.indirect.gather [hbm4b:s10+s15], $0x10, s8, s15, $0xb8;
	[tilespmem:$0x1FDE0] =	vst v63  }
0x75: {  	s9 =	simm.s32 $0x18900  }
0x76: {  	[tilespmem:s25], [sflag:$0x2] =	stream.indirect.gather [hbm4b:s10+s15], $0x10, s9, s15, $0xb8;
	[tilespmem:$0x1FDE0] =	vst v63  }
0x77: {  	s11 =	simm.s32 $0x18980  }
0x78: {  	[tilespmem:s13], [sflag:$0x2] =	stream.indirect.gather [hbm4b:s10+s15], $0x10, s11, s15, $0xb8;
	[tilespmem:$0x1FDE0] =	vst v63  }
0x79: {  	s12 =	simm.s32 $0x18A00  }
0x7a: {  	[tilespmem:s24], [sflag:$0x2] =	stream.indirect.gather [hbm4b:s10+s15], $0x10, s12, s15, $0xb8;
	[tilespmem:$0x1FDE0] =	vst v63  }
0x7b: {  	s16 =	simm.s32 $0x18A80;
	s17 =	simm.s32 $0x18B00  }
0x7c: {  	[tilespmem:s30], [sflag:$0x2] =	stream.indirect.gather [hbm4b:s10+s15], $0x10, s16, s15, $0xb8;
	[tilespmem:$0x1FDE0] =	vst v63  }
0x7d: {  	s21 =	simm.s32 $0x18B80;
	s5 =	simm.s32 $0x300;
	s29 =	simm.s32 $0x200  }
0x7e: {  	[tilespmem:s14], [sflag:$0x2] =	stream.indirect.gather [hbm4b:s10+s15], $0x10, s17, s15, $0xb8;
	[tilespmem:$0x1FDE0] =	vst v63  }
0x7f: {  	s1 =	simm.s32 $0x0;
	s8 =	simm.s32 $0x380;
	s9 =	simm.s32 $0x1  }
0x80: {  	[tilespmem:s18], [sflag:$0x2] =	stream.indirect.gather [hbm4b:s10+s15], $0x10, s21, s15, $0xb8;
	[tilespmem:$0x1FDE0] =	vst v63  }
0x81: {  	s11 =	simm.s32 $0x100;
	s17 =	simm.s32 $0x280;
	s21 =	simm.s32 $0x180  }
.LBB2_15:
0x82: {  	s4 =	sshll.u32 s9, $0xA;
	s12 =	rddreg [dreg:$0x9]  }
0x83: {  	s4 =	sadd.s32 s12, s4  }
0x84: {  	s16 =	rddreg [dreg:$0x0];
	s4 =	sshrl.u32 s4, $0x3  }
0x85: {  	s12 =	ssub.s32 $0x18C00, s1;
	s4 =	sadd.s32 s16, s4  }
0x86: {  	[tilespmem:s12], [sflag:$0x1] =	stream.linear.gather [hbm4b:s4+s3], $0x400, $0x38;
	[tilespmem:$0x1FDE0] =	vst v63  }
0x87: {  	s16 =	ssub.s32 $0x19400, s1;
	s4 =	sadd.s32 $0x31000, s4;
	s12 =	simm.s32 $0x19800  }
0x88: {  	[tilespmem:s16], [sflag:$0x1] =	stream.linear.gather [hbm4b:s4+s3], $0x400, $0x38;
	[tilespmem:$0x1FDE0] =	vst v63  }
.LBB2_16:
0x89: {  	_ =	swait.ge [sflag:s19], $0x800  }
0x8a: {  	[sflag:s19] =	ssyncset.done $0x0  }
0x8b: {  	s1 =	sor.u32 $0x19000, s1;
	[sflag:s19] =	ssyncadd.s32 $0xFFFFF800  }
0x8c: {  	[spmem:s2] =	stream.indirect.scatter.add.f32 [tilespmem:s12], [sflag:$0x3], $0x10, s1, s0, $0xb8;
	[tilespmem:$0x1FDE0] =	vst v63  }
0x8d: {  	_ =	swait.ge [sflag:s19], $0x800  }
0x8e: {  	[sflag:s19] =	ssyncset.done $0x0  }
0x8f: {  	s4 =	sor.u32 $0x19000, s15;
	[sflag:s19] =	ssyncadd.s32 $0xFFFFF800  }
0x90: {  	[spmem:s2] =	stream.indirect.scatter.add.f32 [tilespmem:s26], [sflag:$0x3], $0x10, s4, s0, $0xb8;
	[tilespmem:$0x1FDE0] =	vst v63  }
0x91: {  	_ =	swait.ge [sflag:s19], $0x800  }
0x92: {  	[sflag:s19] =	ssyncset.done $0x0  }
0x93: {  	s11 =	sor.u32 $0x19000, s11;
	[sflag:s19] =	ssyncadd.s32 $0xFFFFF800  }
0x94: {  	[spmem:s2] =	stream.indirect.scatter.add.f32 [tilespmem:s25], [sflag:$0x3], $0x10, s11, s0, $0xb8;
	[tilespmem:$0x1FDE0] =	vst v63  }
0x95: {  	_ =	swait.ge [sflag:s19], $0x800  }
0x96: {  	[sflag:s19] =	ssyncset.done $0x0  }
0x97: {  	s15 =	sor.u32 $0x19000, s21;
	[sflag:s19] =	ssyncadd.s32 $0xFFFFF800  }
0x98: {  	[spmem:s2] =	stream.indirect.scatter.add.f32 [tilespmem:s13], [sflag:$0x3], $0x10, s15, s0, $0xb8;
	[tilespmem:$0x1FDE0] =	vst v63  }
0x99: {  	_ =	swait.ge [sflag:s19], $0x800  }
0x9a: {  	[sflag:s19] =	ssyncset.done $0x0  }
0x9b: {  	s16 =	sor.u32 $0x19000, s29;
	[sflag:s19] =	ssyncadd.s32 $0xFFFFF800  }
0x9c: {  	[spmem:s2] =	stream.indirect.scatter.add.f32 [tilespmem:s24], [sflag:$0x3], $0x10, s16, s0, $0xb8;
	[tilespmem:$0x1FDE0] =	vst v63  }
0x9d: {  	_ =	swait.ge [sflag:s19], $0x800  }
0x9e: {  	[sflag:s19] =	ssyncset.done $0x0  }
0x9f: {  	s17 =	sor.u32 $0x19000, s17;
	[sflag:s19] =	ssyncadd.s32 $0xFFFFF800  }
0xa0: {  	[spmem:s2] =	stream.indirect.scatter.add.f32 [tilespmem:s30], [sflag:$0x3], $0x10, s17, s0, $0xb8;
	[tilespmem:$0x1FDE0] =	vst v63  }
0xa1: {  	_ =	swait.ge [sflag:s19], $0x800  }
0xa2: {  	[sflag:s19] =	ssyncset.done $0x0  }
0xa3: {  	s21 =	sor.u32 $0x19000, s5;
	p1 =	slt.u32 s9, $0x62;
	[sflag:s19] =	ssyncadd.s32 $0xFFFFF800  }
0xa4: {  	[spmem:s2] =	stream.indirect.scatter.add.f32 [tilespmem:s14], [sflag:$0x3], $0x10, s21, s0, $0xb8;
	[tilespmem:$0x1FDE0] =	vst v63  }
.Ltmp4:
0xa5: {  	_ = 	snop;
	(pc) =	sbr.rel @!p1 .LBB2_17-.Ltmp4, $4  }
0xa6: {  	_ =	swait.ge [sflag:s19], $0x800  }
0xa7: {  	[sflag:s19] =	ssyncset.done $0x0  }
0xa8: {  	s29 =	sor.u32 $0x19000, s8;
	s4 =	smov.u32 s9;
	[sflag:s19] =	ssyncadd.s32 $0xFFFFF800  }
0xa9: {  	[spmem:s2] =	stream.indirect.scatter.add.f32 [tilespmem:s18], [sflag:$0x3], $0x10, s29, s0, $0xb8;
	[tilespmem:$0x1FDE0] =	vst v63  }
.LBB2_9:
0xaa: {  	s1 =	sand.u32 $0x1, s4;
	p1 =	seq.s32 s4, $0x0  }
0xab: {  	s5 =	simm.s32 @!p1 $0x1;
	s1 =	sshll.u32 s1, $0xA  }
0xac: {  	_ =	swait.ge @!p1 [sflag:s5], $0x400;
	s8 =	sor.u32 $0x18840, s1  }
0xad: {  	[sflag:s5] =	ssyncset.done @!p1 $0x0;
	v2 =	vmov s8  }
0xae: {  	[sflag:s5] =	ssyncadd.s32 @!p1 $0xFFFFFC00  }
0xaf: {  	_ =	swait.ge @!p1 [sflag:s5], $0x400  }
0xb0: {  	[sflag:s5] =	ssyncset.done @!p1 $0x0  }
0xb1: {  	[sflag:s5] =	ssyncadd.s32 @!p1 $0xFFFFFC00;
	s5 =	simm.s32 $0x0  }
0xb2: {  	v3 =	vld.idx.msk [tilespmem:v2+s5+$0xFFFFFFC0 ss:$0x1], $0xffff;
	_ =	sdelay $0x4  }
0xb3: {  	v3 =	vadd.s32 v0, v3  }
0xb4: {  	[tilespmem:v2+s5+$0xFFFFFFC0 ss:$0x1] =	vst.idx.msk $0xffff, v3  }
0xb5: {  	v3 =	vld.idx.msk [tilespmem:v2+s5+$0xFFFFFFD0 ss:$0x1], $0xffff;
	_ =	sdelay $0x4  }
0xb6: {  	v3 =	vadd.s32 v0, v3  }
0xb7: {  	[tilespmem:v2+s5+$0xFFFFFFD0 ss:$0x1] =	vst.idx.msk $0xffff, v3  }
0xb8: {  	v3 =	vld.idx.msk [tilespmem:v2+s5+$0xFFFFFFE0 ss:$0x1], $0xffff;
	_ =	sdelay $0x4  }
0xb9: {  	v3 =	vadd.s32 v0, v3  }
0xba: {  	[tilespmem:v2+s5+$0xFFFFFFE0 ss:$0x1] =	vst.idx.msk $0xffff, v3  }
0xbb: {  	v3 =	vld.idx.msk [tilespmem:v2+s5+$0xFFFFFFF0 ss:$0x1], $0xffff;
	_ =	sdelay $0x4  }
0xbc: {  	v3 =	vadd.s32 v0, v3  }
0xbd: {  	[tilespmem:v2+s5+$0xFFFFFFF0 ss:$0x1] =	vst.idx.msk $0xffff, v3  }
0xbe: {  	v3 =	vld.idx.msk [tilespmem:v2+s5+$0x0 ss:$0x1], $0xffff;
	_ =	sdelay $0x4  }
0xbf: {  	v3 =	vadd.s32 v0, v3  }
0xc0: {  	[tilespmem:v2+s5+$0x0 ss:$0x1] =	vst.idx.msk $0xffff, v3  }
0xc1: {  	v3 =	vld.idx.msk [tilespmem:v2+s5+$0x10 ss:$0x1], $0xffff;
	_ =	sdelay $0x4  }
0xc2: {  	v3 =	vadd.s32 v0, v3  }
0xc3: {  	[tilespmem:v2+s5+$0x10 ss:$0x1] =	vst.idx.msk $0xffff, v3  }
0xc4: {  	v3 =	vld.idx.msk [tilespmem:v2+s5+$0x20 ss:$0x1], $0xffff;
	_ =	sdelay $0x4  }
0xc5: {  	v3 =	vadd.s32 v0, v3  }
0xc6: {  	[tilespmem:v2+s5+$0x20 ss:$0x1] =	vst.idx.msk $0xffff, v3  }
0xc7: {  	v3 =	vld.idx.msk [tilespmem:v2+s5+$0x30 ss:$0x1], $0xffff;
	_ =	sdelay $0x4  }
0xc8: {  	s9 =	simm.s32 $0x400;
	s8 =	simm.s32 $0x200;
	v3 =	vadd.s32 v0, v3  }
.LBB2_10:
0xc9: {  	p1 =	sne.s32 s9, $0xE00  }
0xca: {  	[tilespmem:v2+s5+$0x30 ss:$0x1] =	vst.idx.msk $0xffff, v3;
	s5 =	sshra.s32 s8, $0x2;
	s8 =	smov.u32 s9;
	s9 =	sadd.s32 $0x200, s9  }
0xcb: {  	v3 =	vld.idx.msk [tilespmem:v2+s5+$0xFFFFFFC0 ss:$0x1], $0xffff;
	_ =	sdelay $0x5  }
0xcc: {  	v3 =	vadd.s32 v0, v3  }
0xcd: {  	[tilespmem:v2+s5+$0xFFFFFFC0 ss:$0x1] =	vst.idx.msk $0xffff, v3  }
0xce: {  	v3 =	vld.idx.msk [tilespmem:v2+s5+$0xFFFFFFD0 ss:$0x1], $0xffff;
	_ =	sdelay $0x5  }
0xcf: {  	v3 =	vadd.s32 v0, v3  }
0xd0: {  	[tilespmem:v2+s5+$0xFFFFFFD0 ss:$0x1] =	vst.idx.msk $0xffff, v3  }
0xd1: {  	v3 =	vld.idx.msk [tilespmem:v2+s5+$0xFFFFFFE0 ss:$0x1], $0xffff;
	_ =	sdelay $0x5  }
0xd2: {  	v3 =	vadd.s32 v0, v3  }
0xd3: {  	[tilespmem:v2+s5+$0xFFFFFFE0 ss:$0x1] =	vst.idx.msk $0xffff, v3  }
0xd4: {  	v3 =	vld.idx.msk [tilespmem:v2+s5+$0xFFFFFFF0 ss:$0x1], $0xffff;
	_ =	sdelay $0x5  }
0xd5: {  	v3 =	vadd.s32 v0, v3  }
0xd6: {  	[tilespmem:v2+s5+$0xFFFFFFF0 ss:$0x1] =	vst.idx.msk $0xffff, v3  }
0xd7: {  	v3 =	vld.idx.msk [tilespmem:v2+s5+$0x0 ss:$0x1], $0xffff;
	_ =	sdelay $0x5  }
0xd8: {  	v3 =	vadd.s32 v0, v3  }
0xd9: {  	[tilespmem:v2+s5+$0x0 ss:$0x1] =	vst.idx.msk $0xffff, v3  }
0xda: {  	v3 =	vld.idx.msk [tilespmem:v2+s5+$0x10 ss:$0x1], $0xffff;
	_ =	sdelay $0x5  }
0xdb: {  	v3 =	vadd.s32 v0, v3  }
0xdc: {  	[tilespmem:v2+s5+$0x10 ss:$0x1] =	vst.idx.msk $0xffff, v3  }
0xdd: {  	v3 =	vld.idx.msk [tilespmem:v2+s5+$0x20 ss:$0x1], $0xffff;
	_ =	sdelay $0x5  }
0xde: {  	v3 =	vadd.s32 v0, v3  }
0xdf: {  	[tilespmem:v2+s5+$0x20 ss:$0x1] =	vst.idx.msk $0xffff, v3  }
0xe0: {  	v3 =	vld.idx.msk [tilespmem:v2+s5+$0x30 ss:$0x1], $0xffff;
	_ =	sdelay $0x1  }
.Ltmp5:
0xe1: {  	(pc) =	sbr.rel @p1 .LBB2_10-.Ltmp5, $2  }
0xe2: {  	_ =	sdelay $0x2  }
0xe3: {  	v3 =	vadd.s32 v0, v3  }
0xe4: {  	_ =	sdelay $0x3  }
0xe5: {  	s8 =	sshra.s32 s8, $0x2;
	[tilespmem:v2+s5+$0x30 ss:$0x1] =	vst.idx.msk $0xffff, v3  }
0xe6: {  	v3 =	vld.idx.msk [tilespmem:v2+s8+$0xFFFFFFC0 ss:$0x1], $0xffff;
	_ =	sdelay $0x4  }
0xe7: {  	v3 =	vadd.s32 v0, v3  }
0xe8: {  	[tilespmem:v2+s8+$0xFFFFFFC0 ss:$0x1] =	vst.idx.msk $0xffff, v3  }
0xe9: {  	v3 =	vld.idx.msk [tilespmem:v2+s8+$0xFFFFFFD0 ss:$0x1], $0xffff;
	_ =	sdelay $0x4  }
0xea: {  	v3 =	vadd.s32 v0, v3  }
0xeb: {  	[tilespmem:v2+s8+$0xFFFFFFD0 ss:$0x1] =	vst.idx.msk $0xffff, v3  }
0xec: {  	v3 =	vld.idx.msk [tilespmem:v2+s8+$0xFFFFFFE0 ss:$0x1], $0xffff;
	_ =	sdelay $0x4  }
0xed: {  	v3 =	vadd.s32 v0, v3  }
0xee: {  	[tilespmem:v2+s8+$0xFFFFFFE0 ss:$0x1] =	vst.idx.msk $0xffff, v3  }
0xef: {  	v3 =	vld.idx.msk [tilespmem:v2+s8+$0xFFFFFFF0 ss:$0x1], $0xffff;
	_ =	sdelay $0x4  }
0xf0: {  	v3 =	vadd.s32 v0, v3  }
0xf1: {  	[tilespmem:v2+s8+$0xFFFFFFF0 ss:$0x1] =	vst.idx.msk $0xffff, v3  }
0xf2: {  	v3 =	vld.idx.msk [tilespmem:v2+s8+$0x0 ss:$0x1], $0xffff;
	_ =	sdelay $0x4  }
0xf3: {  	v3 =	vadd.s32 v0, v3  }
0xf4: {  	[tilespmem:v2+s8+$0x0 ss:$0x1] =	vst.idx.msk $0xffff, v3  }
0xf5: {  	v3 =	vld.idx.msk [tilespmem:v2+s8+$0x10 ss:$0x1], $0xffff;
	_ =	sdelay $0x4  }
0xf6: {  	v3 =	vadd.s32 v0, v3  }
0xf7: {  	[tilespmem:v2+s8+$0x10 ss:$0x1] =	vst.idx.msk $0xffff, v3  }
0xf8: {  	v3 =	vld.idx.msk [tilespmem:v2+s8+$0x20 ss:$0x1], $0xffff;
	_ =	sdelay $0x4  }
0xf9: {  	v3 =	vadd.s32 v0, v3  }
0xfa: {  	[tilespmem:v2+s8+$0x20 ss:$0x1] =	vst.idx.msk $0xffff, v3  }
0xfb: {  	v3 =	vld.idx.msk [tilespmem:v2+s8+$0x30 ss:$0x1], $0xffff  }
0xfc: {  	p1 =	sne.s32 s4, $0x0  }
.Ltmp6:
0xfd: {  	_ = 	snop;
	(pc) =	sbr.rel @!p1 .LBB2_12-.Ltmp6, $3  }
0xfe: {  	_ =	sdelay $0x1  }
0xff: {  	v3 =	vadd.s32 v0, v3  }
0x100: {  	[tilespmem:v2+s8+$0x30 ss:$0x1] =	vst.idx.msk $0xffff, v3  }
0x101: {  	_ =	swait.ge [sflag:s28], $0x800  }
0x102: {  	[sflag:s28] =	ssyncset.done $0x0  }
0x103: {  	s5 =	sor.u32 $0x18800, s1;
	[sflag:s28] =	ssyncadd.s32 $0xFFFFF800  }
0x104: {  	[tilespmem:s12], [sflag:$0x2] =	stream.indirect.gather [hbm4b:s10+s0], $0x10, s5, s0, $0xb8;
	[tilespmem:$0x1FDE0] =	vst v63  }
0x105: {  	_ =	swait.ge [sflag:s28], $0x800  }
0x106: {  	[sflag:s28] =	ssyncset.done $0x0  }
0x107: {  	s21 =	sor.u32 $0x18880, s1;
	[sflag:s28] =	ssyncadd.s32 $0xFFFFF800  }
0x108: {  	[tilespmem:s26], [sflag:$0x2] =	stream.indirect.gather [hbm4b:s10+s0], $0x10, s21, s0, $0xb8;
	[tilespmem:$0x1FDE0] =	vst v63  }
0x109: {  	_ =	swait.ge [sflag:s28], $0x800  }
0x10a: {  	[sflag:s28] =	ssyncset.done $0x0  }
0x10b: {  	s8 =	sor.u32 $0x18900, s1;
	[sflag:s28] =	ssyncadd.s32 $0xFFFFF800  }
0x10c: {  	[tilespmem:s25], [sflag:$0x2] =	stream.indirect.gather [hbm4b:s10+s0], $0x10, s8, s0, $0xb8;
	[tilespmem:$0x1FDE0] =	vst v63  }
0x10d: {  	_ =	swait.ge [sflag:s28], $0x800  }
0x10e: {  	[sflag:s28] =	ssyncset.done $0x0  }
0x10f: {  	s9 =	sor.u32 $0x18980, s1;
	[sflag:s28] =	ssyncadd.s32 $0xFFFFF800  }
0x110: {  	[tilespmem:s13], [sflag:$0x2] =	stream.indirect.gather [hbm4b:s10+s0], $0x10, s9, s0, $0xb8;
	[tilespmem:$0x1FDE0] =	vst v63  }
0x111: {  	_ =	swait.ge [sflag:s28], $0x800  }
0x112: {  	[sflag:s28] =	ssyncset.done $0x0  }
0x113: {  	s11 =	sor.u32 $0x18A00, s1;
	[sflag:s28] =	ssyncadd.s32 $0xFFFFF800  }
0x114: {  	[tilespmem:s24], [sflag:$0x2] =	stream.indirect.gather [hbm4b:s10+s0], $0x10, s11, s0, $0xb8;
	[tilespmem:$0x1FDE0] =	vst v63  }
0x115: {  	_ =	swait.ge [sflag:s28], $0x800  }
0x116: {  	[sflag:s28] =	ssyncset.done $0x0  }
0x117: {  	s15 =	sor.u32 $0x18A80, s1;
	[sflag:s28] =	ssyncadd.s32 $0xFFFFF800  }
0x118: {  	[tilespmem:s30], [sflag:$0x2] =	stream.indirect.gather [hbm4b:s10+s0], $0x10, s15, s0, $0xb8;
	[tilespmem:$0x1FDE0] =	vst v63  }
0x119: {  	_ =	swait.ge [sflag:s28], $0x800  }
0x11a: {  	s16 =	sor.u32 $0x18B00, s1;
	[sflag:s28] =	ssyncset.done $0x0  }
0x11b: {  	s17 =	sor.u32 $0x18B80, s1;
	p1 =	seq.s32 s4, $0x61;
	[sflag:s28] =	ssyncadd.s32 $0xFFFFF800  }
0x11c: {  	[tilespmem:s14], [sflag:$0x2] =	stream.indirect.gather [hbm4b:s10+s0], $0x10, s16, s0, $0xb8;
	[tilespmem:$0x1FDE0] =	vst v63  }
.Ltmp7:
0x11d: {  	s29 =	sor.u32 $0x200, s1;
	_ =	swait.ge [sflag:s28], $0x800;
	(pc) =	sbr.rel @p1 .LBB2_16-.Ltmp7, $4  }
0x11e: {  	s5 =	sor.u32 $0x300, s1;
	s21 =	sor.u32 $0x180, s1;
	[sflag:s28] =	ssyncset.done $0x0  }
0x11f: {  	s8 =	sor.u32 $0x380, s1;
	s9 =	simm.s32 $0x62;
	[sflag:s28] =	ssyncadd.s32 $0xFFFFF800  }
0x120: {  	[tilespmem:s18], [sflag:$0x2] =	stream.indirect.gather [hbm4b:s10+s0], $0x10, s17, s0, $0xb8;
	[tilespmem:$0x1FDE0] =	vst v63  }
0x121: {  	s11 =	sor.u32 $0x100, s1;
	s15 =	sor.u32 $0x80, s1;
	s17 =	sor.u32 $0x280, s1  }
.Ltmp8:
0x122: {  	(pc) =	sbr.rel .LBB2_15-.Ltmp8, $2  }
0x123: {  	_ =	sdelay $0x2  }
0x124: {  	s9 =	sadd.s32 $0x1, s4  }
.LBB2_17:
0x125: {  	_ =	swait.ge [sflag:s28], $0x800  }
0x126: {  	[sflag:s28] =	ssyncset.done $0x0  }
0x127: {  	[sflag:s28] =	ssyncadd.s32 $0xFFFFF800  }
0x128: {  	_ =	swait.ge [sflag:s28], $0x800  }
0x129: {  	[sflag:s28] =	ssyncset.done $0x0  }
0x12a: {  	[sflag:s28] =	ssyncadd.s32 $0xFFFFF800  }
0x12b: {  	_ =	swait.ge [sflag:s28], $0x800  }
0x12c: {  	[sflag:s28] =	ssyncset.done $0x0  }
0x12d: {  	[sflag:s28] =	ssyncadd.s32 $0xFFFFF800  }
0x12e: {  	_ =	swait.ge [sflag:s28], $0x800  }
0x12f: {  	[sflag:s28] =	ssyncset.done $0x0  }
0x130: {  	[sflag:s28] =	ssyncadd.s32 $0xFFFFF800  }
0x131: {  	_ =	swait.ge [sflag:s28], $0x800  }
0x132: {  	[sflag:s28] =	ssyncset.done $0x0  }
0x133: {  	[sflag:s28] =	ssyncadd.s32 $0xFFFFF800  }
0x134: {  	_ =	swait.ge [sflag:s28], $0x800  }
0x135: {  	[sflag:s28] =	ssyncset.done $0x0  }
0x136: {  	[sflag:s28] =	ssyncadd.s32 $0xFFFFF800  }
0x137: {  	_ =	swait.ge [sflag:s28], $0x800  }
0x138: {  	[sflag:s28] =	ssyncset.done $0x0  }
0x139: {  	[sflag:s28] =	ssyncadd.s32 $0xFFFFF800  }
0x13a: {  	_ =	swait.ge [sflag:s28], $0x800  }
0x13b: {  	[sflag:s28] =	ssyncset.done $0x0  }
0x13c: {  	[sflag:s28] =	ssyncadd.s32 $0xFFFFF800  }
0x13d: {  	[bflag:$0x0] =	sbarrier.arrive $0xFFFF  }
0x13e: {  	s1 =	rddreg [dreg:$0xe]  }
0x13f: {  	s4 =	simm.s32 $0x1D800;
	s11 =	rddreg [dreg:$0xf]  }
0x140: {  	s5 =	simm.s32 $0x0;
	s12 =	simm.s32 $0x1F400;
	s17 =	rddreg [dreg:$0x15]  }
0x141: {  	[tilespmem:s4], [sflag:$0x4] =	stream.linear.gather [spmem:s1], $0x700, $0x38;
	[tilespmem:$0x1FDE0] =	vst v63  }
0x142: {  	s16 =	simm.s32 $0x1F4E0;
	s21 =	rddreg [dreg:$0x11];
	s1 =	smul.u32 $0x310000, s17  }
0x143: {  	[tilespmem:s12], [sflag:$0x5] =	stream.linear.gather [hbm4b:s11+s5], $0x70, $0x38;
	[tilespmem:$0x1FDE0] =	vst v63  }
0x144: {  	p1 =	por $0x0, $0x0;
	s15 =	rddreg [dreg:$0x10];
	s29 =	sadd.s32 s21, s1  }
0x145: {  	[tilespmem:s16], [sflag:$0x6] =	stream.linear.gather [hbm4b:s15+s5], $0x70, $0x38;
	[tilespmem:$0x1FDE0] =	vst v63  }
.LBB2_18:
0x146: {  	_ =	swait.ge [sflag:s6], $0x700  }
0x147: {  	[sflag:s6] =	ssyncset.done $0x0  }
0x148: {  	[sflag:s6] =	ssyncadd.s32 $0xFFFFF900  }
0x149: {  	_ =	swait.ge [sflag:s7], $0x70  }
0x14a: {  	s1 =	smul.u32 $0x70, s5;
	[sflag:s7] =	ssyncset.done $0x0  }
0x14b: {  	p2 =	seq.s32 s5, $0x37;
	s4 =	rddreg [dreg:$0xa];
	[sflag:s7] =	ssyncadd.s32 $0xFFFFFF90  }
0x14c: {  	s21 =	simm.s32 @!p2 $0x0;
	s15 =	sadd.s32 s4, s1;
	_ =	swait.ge [sflag:s20], $0x70  }
0x14d: {  	s4 =	simm.s32 $0x1;
	s1 =	sshll.u32 s15, $0x4;
	[sflag:s20] =	ssyncset.done $0x0  }
0x14e: {  	s4 =	simm.s32 @!p1 $0x0;
	s8 =	sadd.s32 s1, s2;
	[sflag:s20] =	ssyncadd.s32 $0xFFFFFF90  }
0x14f: {  	[spmem:s8] =	stream.linear.scatter [tilespmem:s22], [sflag:$0x7], $0x700, $0x38;
	[tilespmem:$0x1FDE0] =	vst v63  }
0x150: {  	s11 =	sadd.s32 @!p2 $0x70, s15;
	s9 =	smul.u32 $0x1C0, s4;
	s8 =	sand.u32 $0x1, s5  }
0x151: {  	s4 =	smul.u32 $0x1C00, s4;
	s17 =	sshll.u32 @!p2 s11, $0x4;
	s8 =	sxor.u32 @!p2 $0x1, s8  }
0x152: {  	s11 =	sshrl.u32 @!p2 s11, $0x3;
	s17 =	sand.u32 @!p2 $0x3FFFFFF0, s17;
	s12 =	smul.u32 @!p2 $0x1C00, s8  }
0x153: {  	s17 =	sadd.s32 @!p2 s17, s2;
	s4 =	sshrl.u32 s4, $0x2;
	_ =	swait.ge [sflag:s23], $0x700  }
0x154: {  	s4 =	sor.u32 $0x1D880, s4;
	[sflag:s23] =	ssyncset.done $0x0;
	s12 =	sshrl.u32 @!p2 s12, $0x2  }
0x155: {  	s8 =	smul.u32 @!p2 $0x70, s8;
	[sflag:s23] =	ssyncadd.s32 $0xFFFFF900;
	s12 =	sor.u32 @!p2 $0x1D800, s12  }
0x156: {  	[tilespmem:s12], [sflag:$0x4] =	stream.linear.gather @!p2 [spmem:s17], $0x700, $0x38;
	[tilespmem:$0x1FDE0] =	vst v63  }
0x157: {  	s16 =	rddreg [dreg:$0x5];
	v2 =	vmov s4;
	s4 =	sadd.s32 @!p2 $0x1F4E0, s8;
	s12 =	sshrl.u32 s9, $0x2  }
0x158: {  	s9 =	sor.u32 @!p2 $0x1F400, s8;
	s17 =	sadd.s32 @!p2 s16, s11;
	s8 =	rddreg [dreg:$0x6]  }
0x159: {  	[tilespmem:s9], [sflag:$0x5] =	stream.linear.gather @!p2 [hbm4b:s17+s21], $0x70, $0x38;
	[tilespmem:$0x1FDE0] =	vst v63  }
0x15a: {  	s8 =	sadd.s32 @!p2 s8, s11;
	s9 =	sor.u32 $0x1F400, s12  }
0x15b: {  	[tilespmem:s4], [sflag:$0x6] =	stream.linear.gather @!p2 [hbm4b:s8+s21], $0x70, $0x38;
	[tilespmem:$0x1FDE0] =	vst v63  }
0x15c: {  	s4 =	sadd.s32 $0x1F4E0, s12;
	v3 =	vld [tilespmem:s9+$0x0]  }
0x15d: {  	s17 =	simm.s32 $0x0;
	v4 =	vld [tilespmem:s4+$0x0]  }
0x15e: {  	v5 =	vld.idx.msk [tilespmem:v2+s17+$0xFFFFFF80 ss:$0x1], $0xffff;
	_ =	sdelay $0x2  }
0x15f: {  	v6 =	vbroadcast v3, $0x0  }
0x160: {  	v7 =	vbroadcast v4, $0x0  }
0x161: {  	v6 =	vmul.f32 v5, v6  }
0x162: {  	v5 =	vmul.f32 v5, v7  }
0x163: {  	[tilespmem:s17+$0x1E600] =	vst v6  }
0x164: {  	[tilespmem:s17+$0x1ED00] =	vst v5  }
0x165: {  	v5 =	vld.idx.msk [tilespmem:v2+s17+$0xFFFFFF90 ss:$0x1], $0xffff;
	_ =	sdelay $0x2  }
0x166: {  	v6 =	vbroadcast v3, $0x1  }
0x167: {  	v7 =	vbroadcast v4, $0x1  }
0x168: {  	v6 =	vmul.f32 v5, v6  }
0x169: {  	v5 =	vmul.f32 v5, v7  }
0x16a: {  	[tilespmem:s17+$0x1E610] =	vst v6  }
0x16b: {  	[tilespmem:s17+$0x1ED10] =	vst v5  }
0x16c: {  	v5 =	vld.idx.msk [tilespmem:v2+s17+$0xFFFFFFA0 ss:$0x1], $0xffff;
	_ =	sdelay $0x2  }
0x16d: {  	v6 =	vbroadcast v3, $0x2  }
0x16e: {  	v7 =	vbroadcast v4, $0x2  }
0x16f: {  	v6 =	vmul.f32 v5, v6  }
0x170: {  	v5 =	vmul.f32 v5, v7  }
0x171: {  	[tilespmem:s17+$0x1E620] =	vst v6  }
0x172: {  	[tilespmem:s17+$0x1ED20] =	vst v5  }
0x173: {  	v5 =	vld.idx.msk [tilespmem:v2+s17+$0xFFFFFFB0 ss:$0x1], $0xffff;
	_ =	sdelay $0x2  }
0x174: {  	v6 =	vbroadcast v3, $0x3  }
0x175: {  	v7 =	vbroadcast v4, $0x3  }
0x176: {  	v6 =	vmul.f32 v5, v6  }
0x177: {  	v5 =	vmul.f32 v5, v7  }
0x178: {  	[tilespmem:s17+$0x1E630] =	vst v6  }
0x179: {  	[tilespmem:s17+$0x1ED30] =	vst v5  }
0x17a: {  	v5 =	vld.idx.msk [tilespmem:v2+s17+$0xFFFFFFC0 ss:$0x1], $0xffff;
	_ =	sdelay $0x2  }
0x17b: {  	v6 =	vbroadcast v3, $0x4  }
0x17c: {  	v7 =	vbroadcast v4, $0x4  }
0x17d: {  	v6 =	vmul.f32 v5, v6  }
0x17e: {  	v5 =	vmul.f32 v5, v7  }
0x17f: {  	[tilespmem:s17+$0x1E640] =	vst v6  }
0x180: {  	[tilespmem:s17+$0x1ED40] =	vst v5  }
0x181: {  	v5 =	vld.idx.msk [tilespmem:v2+s17+$0xFFFFFFD0 ss:$0x1], $0xffff;
	_ =	sdelay $0x2  }
0x182: {  	v6 =	vbroadcast v3, $0x5  }
0x183: {  	v7 =	vbroadcast v4, $0x5  }
0x184: {  	v6 =	vmul.f32 v5, v6  }
0x185: {  	v5 =	vmul.f32 v5, v7  }
0x186: {  	[tilespmem:s17+$0x1E650] =	vst v6  }
0x187: {  	[tilespmem:s17+$0x1ED50] =	vst v5  }
0x188: {  	v5 =	vld.idx.msk [tilespmem:v2+s17+$0xFFFFFFE0 ss:$0x1], $0xffff;
	_ =	sdelay $0x2  }
0x189: {  	v6 =	vbroadcast v3, $0x6  }
0x18a: {  	v7 =	vbroadcast v4, $0x6  }
0x18b: {  	v6 =	vmul.f32 v5, v6  }
0x18c: {  	v5 =	vmul.f32 v5, v7  }
0x18d: {  	[tilespmem:s17+$0x1E660] =	vst v6  }
0x18e: {  	[tilespmem:s17+$0x1ED60] =	vst v5  }
0x18f: {  	v5 =	vld.idx.msk [tilespmem:v2+s17+$0xFFFFFFF0 ss:$0x1], $0xffff;
	_ =	sdelay $0x2  }
0x190: {  	v6 =	vbroadcast v3, $0x7  }
0x191: {  	v7 =	vbroadcast v4, $0x7  }
0x192: {  	v6 =	vmul.f32 v5, v6  }
0x193: {  	v5 =	vmul.f32 v5, v7  }
0x194: {  	[tilespmem:s17+$0x1E670] =	vst v6  }
0x195: {  	[tilespmem:s17+$0x1ED70] =	vst v5  }
0x196: {  	v5 =	vld.idx.msk [tilespmem:v2+s17+$0x0 ss:$0x1], $0xffff;
	_ =	sdelay $0x2  }
0x197: {  	v6 =	vbroadcast v3, $0x8  }
0x198: {  	v7 =	vbroadcast v4, $0x8  }
0x199: {  	v6 =	vmul.f32 v5, v6  }
0x19a: {  	v5 =	vmul.f32 v5, v7  }
0x19b: {  	[tilespmem:s17+$0x1E680] =	vst v6  }
0x19c: {  	[tilespmem:s17+$0x1ED80] =	vst v5  }
0x19d: {  	v5 =	vld.idx.msk [tilespmem:v2+s17+$0x10 ss:$0x1], $0xffff;
	_ =	sdelay $0x2  }
0x19e: {  	v6 =	vbroadcast v3, $0x9  }
0x19f: {  	v7 =	vbroadcast v4, $0x9  }
0x1a0: {  	v6 =	vmul.f32 v5, v6  }
0x1a1: {  	v5 =	vmul.f32 v5, v7  }
0x1a2: {  	[tilespmem:s17+$0x1E690] =	vst v6  }
0x1a3: {  	[tilespmem:s17+$0x1ED90] =	vst v5  }
0x1a4: {  	v5 =	vld.idx.msk [tilespmem:v2+s17+$0x20 ss:$0x1], $0xffff;
	_ =	sdelay $0x2  }
0x1a5: {  	v6 =	vbroadcast v3, $0xA  }
0x1a6: {  	v7 =	vbroadcast v4, $0xA  }
0x1a7: {  	v6 =	vmul.f32 v5, v6  }
0x1a8: {  	v5 =	vmul.f32 v5, v7  }
0x1a9: {  	[tilespmem:s17+$0x1E6A0] =	vst v6  }
0x1aa: {  	[tilespmem:s17+$0x1EDA0] =	vst v5  }
0x1ab: {  	v5 =	vld.idx.msk [tilespmem:v2+s17+$0x30 ss:$0x1], $0xffff;
	_ =	sdelay $0x2  }
0x1ac: {  	v6 =	vbroadcast v3, $0xB  }
0x1ad: {  	v7 =	vbroadcast v4, $0xB  }
0x1ae: {  	v6 =	vmul.f32 v5, v6  }
0x1af: {  	v5 =	vmul.f32 v5, v7  }
0x1b0: {  	[tilespmem:s17+$0x1E6B0] =	vst v6  }
0x1b1: {  	[tilespmem:s17+$0x1EDB0] =	vst v5  }
0x1b2: {  	v5 =	vld.idx.msk [tilespmem:v2+s17+$0x40 ss:$0x1], $0xffff;
	_ =	sdelay $0x2  }
0x1b3: {  	v6 =	vbroadcast v3, $0xC  }
0x1b4: {  	v7 =	vbroadcast v4, $0xC  }
0x1b5: {  	v6 =	vmul.f32 v5, v6  }
0x1b6: {  	v5 =	vmul.f32 v5, v7  }
0x1b7: {  	[tilespmem:s17+$0x1E6C0] =	vst v6  }
0x1b8: {  	[tilespmem:s17+$0x1EDC0] =	vst v5  }
0x1b9: {  	v5 =	vld.idx.msk [tilespmem:v2+s17+$0x50 ss:$0x1], $0xffff;
	_ =	sdelay $0x2  }
0x1ba: {  	v6 =	vbroadcast v3, $0xD  }
0x1bb: {  	v7 =	vbroadcast v4, $0xD  }
0x1bc: {  	v6 =	vmul.f32 v5, v6  }
0x1bd: {  	v7 =	vmul.f32 v5, v7  }
0x1be: {  	[tilespmem:s17+$0x1E6D0] =	vst v6  }
0x1bf: {  	v5 =	vbroadcast v3, $0xE;
	v3 =	vbroadcast v3, $0xF;
	[tilespmem:s17+$0x1EDD0] =	vst v7  }
0x1c0: {  	s5 =	sadd.s32 $0x1, s5;
	s8 =	simm.s32 $0x400;
	v6 =	vbroadcast v4, $0xE;
	v4 =	vbroadcast v4, $0xF;
	v7 =	vld.idx.msk [tilespmem:v2+s17+$0x60 ss:$0x1], $0xffff  }
.LBB2_19:
0x1c1: {  	_ =	sdelay $0x1  }
0x1c2: {  	p2 =	sne.s32 s8, $0x1800;
	s4 =	sadd.s32 $0x10, s4;
	s9 =	sadd.s32 $0x10, s9  }
0x1c3: {  	s11 =	smov.u32 s8;
	s8 =	sadd.s32 $0x400, s8  }
0x1c4: {  	v5 =	vmul.f32 v7, v5;
	v6 =	vmul.f32 v7, v6;
	_ =	sdelay $0x1  }
0x1c5: {  	[tilespmem:s17+$0x1E6E0] =	vst v5  }
0x1c6: {  	[tilespmem:s17+$0x1EDE0] =	vst v6  }
0x1c7: {  	v5 =	vld.idx.msk [tilespmem:v2+s17+$0x70 ss:$0x1], $0xffff;
	_ =	sdelay $0x5  }
0x1c8: {  	v3 =	vmul.f32 v5, v3;
	v4 =	vmul.f32 v5, v4;
	_ =	sdelay $0x1  }
0x1c9: {  	[tilespmem:s17+$0x1E6F0] =	vst v3  }
0x1ca: {  	[tilespmem:s17+$0x1EDF0] =	vst v4;
	s17 =	sshra.s32 s11, $0x2  }
0x1cb: {  	v5 =	vld.idx.msk [tilespmem:v2+s17+$0xFFFFFF80 ss:$0x1], $0xffff  }
0x1cc: {  	v3 =	vld [tilespmem:s9+$0x0]  }
0x1cd: {  	v4 =	vld [tilespmem:s4+$0x0];
	_ =	sdelay $0x3  }
0x1ce: {  	v6 =	vbroadcast v3, $0x0  }
0x1cf: {  	v7 =	vbroadcast v4, $0x0  }
0x1d0: {  	v6 =	vmul.f32 v5, v6  }
0x1d1: {  	v5 =	vmul.f32 v5, v7  }
0x1d2: {  	[tilespmem:s17+$0x1E600] =	vst v6  }
0x1d3: {  	[tilespmem:s17+$0x1ED00] =	vst v5  }
0x1d4: {  	v5 =	vld.idx.msk [tilespmem:v2+s17+$0xFFFFFF90 ss:$0x1], $0xffff;
	_ =	sdelay $0x3  }
0x1d5: {  	v7 =	vbroadcast v4, $0x1;
	v6 =	vbroadcast v3, $0x1;
	_ =	sdelay $0x1  }
0x1d6: {  	v6 =	vmul.f32 v5, v6;
	v5 =	vmul.f32 v5, v7;
	_ =	sdelay $0x1  }
0x1d7: {  	[tilespmem:s17+$0x1E610] =	vst v6  }
0x1d8: {  	[tilespmem:s17+$0x1ED10] =	vst v5  }
0x1d9: {  	v5 =	vld.idx.msk [tilespmem:v2+s17+$0xFFFFFFA0 ss:$0x1], $0xffff;
	_ =	sdelay $0x2  }
0x1da: {  	v7 =	vbroadcast v4, $0x2;
	v6 =	vbroadcast v3, $0x2;
	_ =	sdelay $0x2  }
0x1db: {  	v6 =	vmul.f32 v5, v6;
	v5 =	vmul.f32 v5, v7;
	_ =	sdelay $0x1  }
0x1dc: {  	[tilespmem:s17+$0x1E620] =	vst v6  }
0x1dd: {  	[tilespmem:s17+$0x1ED20] =	vst v5  }
0x1de: {  	v5 =	vld.idx.msk [tilespmem:v2+s17+$0xFFFFFFB0 ss:$0x1], $0xffff;
	_ =	sdelay $0x1  }
0x1df: {  	v7 =	vbroadcast v4, $0x3;
	v6 =	vbroadcast v3, $0x3;
	_ =	sdelay $0x3  }
0x1e0: {  	v6 =	vmul.f32 v5, v6;
	v5 =	vmul.f32 v5, v7;
	_ =	sdelay $0x1  }
0x1e1: {  	[tilespmem:s17+$0x1E630] =	vst v6  }
0x1e2: {  	[tilespmem:s17+$0x1ED30] =	vst v5  }
0x1e3: {  	v5 =	vld.idx.msk [tilespmem:v2+s17+$0xFFFFFFC0 ss:$0x1], $0xffff  }
0x1e4: {  	v7 =	vbroadcast v4, $0x4;
	v6 =	vbroadcast v3, $0x4;
	_ =	sdelay $0x4  }
0x1e5: {  	v6 =	vmul.f32 v5, v6;
	v5 =	vmul.f32 v5, v7;
	_ =	sdelay $0x1  }
0x1e6: {  	[tilespmem:s17+$0x1E640] =	vst v6  }
0x1e7: {  	[tilespmem:s17+$0x1ED40] =	vst v5  }
0x1e8: {  	v7 =	vbroadcast v4, $0x5;
	v6 =	vbroadcast v3, $0x5;
	v5 =	vld.idx.msk [tilespmem:v2+s17+$0xFFFFFFD0 ss:$0x1], $0xffff;
	_ =	sdelay $0x5  }
0x1e9: {  	v6 =	vmul.f32 v5, v6;
	v5 =	vmul.f32 v5, v7;
	_ =	sdelay $0x1  }
0x1ea: {  	[tilespmem:s17+$0x1E650] =	vst v6  }
0x1eb: {  	v6 =	vbroadcast v4, $0x6;
	[tilespmem:s17+$0x1ED50] =	vst v5;
	v5 =	vbroadcast v3, $0x6  }
0x1ec: {  	v7 =	vld.idx.msk [tilespmem:v2+s17+$0xFFFFFFE0 ss:$0x1], $0xffff;
	_ =	sdelay $0x5  }
0x1ed: {  	v5 =	vmul.f32 v7, v5;
	v6 =	vmul.f32 v7, v6;
	_ =	sdelay $0x1  }
0x1ee: {  	v7 =	vbroadcast v4, $0x7;
	[tilespmem:s17+$0x1E660] =	vst v5;
	v5 =	vbroadcast v3, $0x7  }
0x1ef: {  	[tilespmem:s17+$0x1ED60] =	vst v6  }
0x1f0: {  	v6 =	vld.idx.msk [tilespmem:v2+s17+$0xFFFFFFF0 ss:$0x1], $0xffff;
	_ =	sdelay $0x5  }
0x1f1: {  	v5 =	vmul.f32 v6, v5;
	v6 =	vmul.f32 v6, v7  }
0x1f2: {  	v8 =	vbroadcast v4, $0x8;
	v7 =	vbroadcast v3, $0x8  }
0x1f3: {  	[tilespmem:s17+$0x1E670] =	vst v5  }
0x1f4: {  	[tilespmem:s17+$0x1ED70] =	vst v6  }
0x1f5: {  	v5 =	vld.idx.msk [tilespmem:v2+s17+$0x0 ss:$0x1], $0xffff;
	_ =	sdelay $0x4  }
0x1f6: {  	v9 =	vbroadcast v4, $0x9;
	v6 =	vbroadcast v3, $0x9  }
0x1f7: {  	v7 =	vmul.f32 v5, v7;
	v5 =	vmul.f32 v5, v8;
	_ =	sdelay $0x1  }
0x1f8: {  	[tilespmem:s17+$0x1E680] =	vst v7  }
0x1f9: {  	[tilespmem:s17+$0x1ED80] =	vst v5  }
0x1fa: {  	v5 =	vld.idx.msk [tilespmem:v2+s17+$0x10 ss:$0x1], $0xffff;
	_ =	sdelay $0x4  }
0x1fb: {  	v8 =	vbroadcast v4, $0xA;
	v7 =	vbroadcast v3, $0xA  }
0x1fc: {  	v6 =	vmul.f32 v5, v6;
	v5 =	vmul.f32 v5, v9;
	_ =	sdelay $0x1  }
0x1fd: {  	[tilespmem:s17+$0x1E690] =	vst v6  }
0x1fe: {  	[tilespmem:s17+$0x1ED90] =	vst v5  }
0x1ff: {  	v5 =	vld.idx.msk [tilespmem:v2+s17+$0x20 ss:$0x1], $0xffff;
	_ =	sdelay $0x3  }
0x200: {  	v9 =	vbroadcast v4, $0xB;
	v6 =	vbroadcast v3, $0xB;
	_ =	sdelay $0x1  }
0x201: {  	v7 =	vmul.f32 v5, v7;
	v5 =	vmul.f32 v5, v8;
	_ =	sdelay $0x1  }
0x202: {  	[tilespmem:s17+$0x1E6A0] =	vst v7  }
0x203: {  	[tilespmem:s17+$0x1EDA0] =	vst v5  }
0x204: {  	v5 =	vld.idx.msk [tilespmem:v2+s17+$0x30 ss:$0x1], $0xffff;
	_ =	sdelay $0x2  }
0x205: {  	v8 =	vbroadcast v4, $0xC;
	v7 =	vbroadcast v3, $0xC;
	_ =	sdelay $0x2  }
0x206: {  	v6 =	vmul.f32 v5, v6;
	v5 =	vmul.f32 v5, v9;
	_ =	sdelay $0x1  }
0x207: {  	[tilespmem:s17+$0x1E6B0] =	vst v6  }
0x208: {  	[tilespmem:s17+$0x1EDB0] =	vst v5  }
0x209: {  	v5 =	vld.idx.msk [tilespmem:v2+s17+$0x40 ss:$0x1], $0xffff;
	_ =	sdelay $0x1  }
0x20a: {  	v10 =	vbroadcast v4, $0xD;
	v9 =	vbroadcast v3, $0xD;
	_ =	sdelay $0x3  }
0x20b: {  	v6 =	vmul.f32 v5, v7;
	v5 =	vmul.f32 v5, v8;
	_ =	sdelay $0x1  }
0x20c: {  	[tilespmem:s17+$0x1E6C0] =	vst v6  }
0x20d: {  	[tilespmem:s17+$0x1EDC0] =	vst v5  }
0x20e: {  	v7 =	vld.idx.msk [tilespmem:v2+s17+$0x50 ss:$0x1], $0xffff  }
0x20f: {  	v6 =	vbroadcast v4, $0xE;
	v5 =	vbroadcast v3, $0xE;
	_ =	sdelay $0x4  }
.Ltmp9:
0x210: {  	v8 =	vmul.f32 v7, v9;
	v7 =	vmul.f32 v7, v10;
	(pc) =	sbr.rel @p2 .LBB2_19-.Ltmp9, $4  }
0x211: {  	_ = 	snop  }
0x212: {  	[tilespmem:s17+$0x1E6D0] =	vst v8  }
0x213: {  	[tilespmem:s17+$0x1EDD0] =	vst v7  }
0x214: {  	v4 =	vbroadcast v4, $0xF;
	v3 =	vbroadcast v3, $0xF;
	v7 =	vld.idx.msk [tilespmem:v2+s17+$0x60 ss:$0x1], $0xffff  }
0x215: {  	_ =	sdelay $0x3  }
0x216: {  	v5 =	vmul.f32 v7, v5  }
0x217: {  	v6 =	vmul.f32 v7, v6  }
0x218: {  	[tilespmem:s17+$0x1E6E0] =	vst v5  }
0x219: {  	[tilespmem:s17+$0x1EDE0] =	vst v6  }
0x21a: {  	v2 =	vld.idx.msk [tilespmem:v2+s17+$0x70 ss:$0x1], $0xffff;
	_ =	sdelay $0x4  }
0x21b: {  	v3 =	vmul.f32 v2, v3  }
0x21c: {  	s4 =	sadd.s32 s31, s15;
	v2 =	vmul.f32 v2, v4  }
0x21d: {  	s4 =	sshll.u32 s4, $0x1;
	[tilespmem:s17+$0x1E6F0] =	vst v3  }
0x21e: {  	s8 =	simm.s32 $0x1E600;
	s1 =	sadd.s32 s1, s29;
	s4 =	sadd.s32 s10, s4;
	[tilespmem:s17+$0x1EDF0] =	vst v2  }
0x21f: {  	[hbm4b:s4+s3] =	stream.linear.scatter [tilespmem:s8], [sflag:$0x7], $0x700, $0x38;
	[tilespmem:$0x1FDE0] =	vst v63  }
0x220: {  	s21 =	simm.s32 $0x1ED00;
	p2 =	sne.s32 s5, $0x38;
	_ =	swait.ge [sflag:s23], $0x700  }
0x221: {  	s1 =	sshrl.u32 s1, $0x3;
	[sflag:s23] =	ssyncset.done $0x0;
	s17 =	rddreg [dreg:$0x8]  }
.Ltmp10:
0x222: {  	[sflag:s23] =	ssyncadd.s32 $0xFFFFF900;
	s1 =	sadd.s32 s17, s1;
	(pc) =	sbr.rel @p2 .LBB2_18-.Ltmp10, $4  }
0x223: {  	[hbm4b:s1+s3] =	stream.linear.scatter [tilespmem:s21], [sflag:$0x7], $0x700, $0x38;
	[tilespmem:$0x1FDE0] =	vst v63  }
0x224: {  	_ =	swait.ge [sflag:s23], $0x700  }
0x225: {  	[sflag:s23] =	ssyncset.done $0x0  }
0x226: {  	p1 =	por !p1, !p1;
	[sflag:s23] =	ssyncadd.s32 $0xFFFFF900  }
0x227: {  	s1 =	rddreg [dreg:$0x15]  }
0x228: {  	s1 =	sadd.s32 $0x1, s1  }
0x229: {  	p1 =	sne.s32 s1, $0x6  }
.Ltmp11:
0x22a: {  	_ = 	snop;
	(pc) =	sbr.rel @p1 .LBB2_8-.Ltmp11, $4  }
0x22b: {  	_ = 	snop  }
0x22c: {  	[dreg:$0x15] =	wrdreg s1  }
0x22d: {  	[bflag:$0x0] =	sbarrier.arrive $0xFFFF  }
0x22e: {  	s12 =	simm.s32 $0x19800;
	s16 =	rddreg [dreg:$0x13]  }
0x22f: {  	s4 =	rddreg [dreg:$0x14]  }
0x230: {  	s1 =	rddreg [dreg:$0x12];
	s4 =	sadd.s32 $0x1, s4  }
0x231: {  	p1 =	sne.s32 s4, s1  }
.Ltmp12:
0x232: {  	_ = 	snop;
	(pc) =	sbr.rel @p1 .LBB2_1-.Ltmp12, $1  }
0x233: {  	_ =	sdelay $0x3  }
0x234: {  	_ =	sfence.sel $0x180000  }
0x235: {  	[bflag:$0x0] =	sbarrier.arrive $0xFFFF  }
0x236: {  	_ =	strace $0x9000004A  }
0x237: {  	[bflag:$0x2] =	sbarrier.arrive $0xFFFF  }
0x238: {  	s0 =	rddreg [dreg:$0x4]  }
0x239: {  	s0 =	sadd.s32 @!p0 $0x100000, s0  }
0x23a: {  	[sflag:s0] =	ssyncadd.tile.s32 @!p0 $0x1;
	_ =	shalt  }
.Lfunc_end2:
_tile_overlayer_lowered:
.L_overlay_start_2:
0x23b: {  	(tag) =	ssettag $0x2  }
0x23c: {  	s0 =	rddreg [dreg:$0x0];
	s2 =	stileid.u32  }
0x23d: {  	s1 =	rddreg [dreg:$0x1];
	p0 =	sne.s32 s2, $0x0  }
0x23e: {  	s3 =	rddreg [dreg:$0x2];
	[bflag:$0x3] =	sbarrier.arrive $0xFFFF;
	s2 =	simm.s32 @!p0 $0x1C07  }
0x23f: {  	[timem:s3], [sflag:s2] =	dma.local @!p0 [hbm:s0], s1  }
0x240: {  	s0 =	simm.s32 @!p0 $0x7  }
0x241: {  	_ =	swait.ge @!p0 [sflag:s0], s1  }
0x242: {  	s1 =	ssub.s32 @!p0 $0x0, s1;
	[sflag:s0] =	ssyncset.done @!p0 $0x0  }
0x243: {  	[sflag:s0] =	ssyncadd.s32 @!p0 s1  }
0x244: {  	[bflag:$0x3] =	sbarrier.arrive $0xFFFF  }
0x245: {  	_ =	shalt  }

</sc_bundles>
